<compile_context>
chip_gen: v7x
topology: tpu7x:2x2x1
jax: 0.10.2.dev20260603
libtpu: 0.0.44.dev20260713+nightly
codegen_flags: <defaults>
</compile_context>

<pallas_src>
import functools

import jax
import jax.numpy as jnp
from jax import lax
from jax.experimental import pallas as pl
from jax.experimental.pallas import tpu as pltpu
from jax.experimental.pallas import tpu_sc as plsc

_B = 16384
_D = 64
_D3 = 192
_MARGIN = 1.0
_NC, _NS, _L = 2, 16, 16
_NW = _NC * _NS
_PER_W = _B // _NW
_CHUNK = 128
_HALF = 50000
_NCHUNK = _PER_W // _CHUNK
_NGRP = _CHUNK // _L


def _body(pos_hbm, neg_hbm, idx_hbm, w_hbm, wt_hbm, out_hbm,
          idx_v, idxb_v, off_v, rows_v, tail_v, pos_v, neg_v,
          out_v, tp_v, tn_v, sem, sem2):
    wid = lax.axis_index("s") * _NC + lax.axis_index("c")
    base = wid * _PER_W
    pltpu.sync_copy(idx_hbm.at[pl.ds(base, _PER_W)], idx_v)

    def pre_body(t, c):
        tb = pl.ds(t * _L, _L)
        v = idx_v[tb]
        m = v >= _HALF
        idxb_v[tb] = jnp.where(m, v - _HALF, v)
        off_v[tb] = jnp.where(m, _D, 0)
        return c

    lax.fori_loop(0, _PER_W // _L, pre_body, 0)

    def chunk_body(ci, carry):
        cbase = ci * _CHUNK
        rows = idx_v.at[pl.ds(cbase, _CHUNK)]
        brow = pl.ds(base + cbase, _CHUNK)
        cp0 = pltpu.async_copy(w_hbm.at[rows, pl.ds(0, 128)], rows_v, sem)
        cp1 = pltpu.async_copy(wt_hbm.at[idxb_v.at[pl.ds(cbase, _CHUNK)]],
                               tail_v, sem2)
        pltpu.sync_copy(pos_hbm.at[brow], pos_v)
        pltpu.sync_copy(neg_hbm.at[brow], neg_v)
        cp0.wait()
        cp1.wait()

        def grp_body(g, gcarry):
            e0 = g * _L
            zvec = jnp.zeros((_L,), jnp.int32)
            lidx = lax.iota(jnp.int32, _L)
            for e in range(_L):
                row = e0 + e
                offv = plsc.load_gather(off_v, [zvec + (cbase + row)])
                rowv = zvec + row
                sp = [None] * 4
                sn = [None] * 4
                for j in range(4):
                    w0 = rows_v[row, pl.ds(j * _L, _L)]
                    w1 = rows_v[row, pl.ds(_D + j * _L, _L)]
                    w2 = plsc.load_gather(tail_v, [rowv, lidx + j * _L + offv])
                    p0 = pos_v[row, pl.ds(j * _L, _L)]
                    p1 = pos_v[row, pl.ds(_D + j * _L, _L)]
                    p2 = pos_v[row, pl.ds(2 * _D + j * _L, _L)]
                    n0 = neg_v[row, pl.ds(j * _L, _L)]
                    n1 = neg_v[row, pl.ds(_D + j * _L, _L)]
                    n2 = neg_v[row, pl.ds(2 * _D + j * _L, _L)]
                    sp[j] = jnp.abs(w0 * p0 + w1 * p1 + w2 * p2)
                    sn[j] = jnp.abs(n0 + n1 + n2)
                tp_v[pl.ds(e * _L, _L)] = (sp[0] + sp[1]) + (sp[2] + sp[3])
                tn_v[pl.ds(e * _L, _L)] = (sn[0] + sn[1]) + (sn[2] + sn[3])
            zero = jnp.zeros((_L,), jnp.float32)
            dp = zero
            dn = zero
            lane = lax.iota(jnp.int32, _L) * _L
            for c in range(_L):
                col = lane + c
                dp = dp + plsc.load_gather(tp_v, [col])
                dn = dn + plsc.load_gather(tn_v, [col])
            loss = jnp.maximum(dp - dn + _MARGIN, 0.0)
            out_v[pl.ds(cbase + e0, _L)] = loss
            return gcarry

        lax.fori_loop(0, _NGRP, grp_body, 0)
        return carry

    lax.fori_loop(0, _NCHUNK, chunk_body, 0)
    pltpu.sync_copy(out_v, out_hbm.at[pl.ds(base, _PER_W)])


_sc_call = functools.partial(
    pl.kernel,
    mesh=plsc.VectorSubcoreMesh(core_axis_name="c", subcore_axis_name="s"),
    out_type=jax.ShapeDtypeStruct((_B,), jnp.float32),
    compiler_params=pltpu.CompilerParams(
        use_tc_tiling_on_sc=True, needs_layout_passes=False),
    scratch_types=[
        pltpu.VMEM((_PER_W,), jnp.int32),
        pltpu.VMEM((_PER_W,), jnp.int32),
        pltpu.VMEM((_PER_W,), jnp.int32),
        pltpu.VMEM((_CHUNK, 128), jnp.float32),
        pltpu.VMEM((_CHUNK, 128), jnp.float32),
        pltpu.VMEM((_CHUNK, _D3), jnp.float32),
        pltpu.VMEM((_CHUNK, _D3), jnp.float32),
        pltpu.VMEM((_PER_W,), jnp.float32),
        pltpu.VMEM((_L * _L,), jnp.float32),
        pltpu.VMEM((_L * _L,), jnp.float32),
        pltpu.SemaphoreType.DMA,
        pltpu.SemaphoreType.DMA,
    ],
)(_body)


_NROWS = 100000
_TAIL_BLK = 1000
_NBLK_HALF = _HALF // _TAIL_BLK


def _tail_body(a_ref, b_ref, o_ref):
    o_ref[:, :_D] = a_ref[:, :_D]
    o_ref[:, _D:] = b_ref[:, :_D]


_w_tail = pl.pallas_call(
    _tail_body,
    grid=(_NBLK_HALF,),
    in_specs=[pl.BlockSpec((_TAIL_BLK, 128), lambda i: (i, 1)),
              pl.BlockSpec((_TAIL_BLK, 128), lambda i: (i + _NBLK_HALF, 1))],
    out_specs=pl.BlockSpec((_TAIL_BLK, 128), lambda i: (i, 0)),
    out_shape=jax.ShapeDtypeStruct((_HALF, 128), jnp.float32),
)


def kernel(pos_triples, neg_triples, order_hrt, W):
    pos2 = pos_triples.reshape(_B, _D3)
    neg2 = neg_triples.reshape(_B, _D3)
    return _sc_call(pos2, neg2, order_hrt, W, _w_tail(W, W))

# --- scband reference (transcript-rebuilt; emitter-appended) ---
"""Pipeline reference for scband-noi-aware-kge-16466904613652 (READ-ONLY COPY).

The authoritative reference and input builder live on the scoring server;
editing this copy changes nothing except your own understanding.
"""

import jax, jax.numpy as jnp
import numpy as np

B = 16384
EMB = 64
N_SAMPLES = 100000
MARGIN = 1.0


def setup_inputs(seed: int = 0) -> dict:
    key = jax.random.key(seed)
    k1, k2, k3, k4 = jax.random.split(key, 4)
    pos_triples = jax.random.normal(k1, (B, 3, EMB), dtype=jnp.float32)
    neg_triples = jax.random.normal(k2, (B, 3, EMB), dtype=jnp.float32)
    order_hrt = jax.random.randint(k3, (B,), 0, N_SAMPLES, dtype=jnp.int32)
    uniform_range = 6.0 / np.sqrt(EMB * 3)
    W = jax.random.uniform(k4, (N_SAMPLES, EMB * 3), minval=-uniform_range, maxval=uniform_range, dtype=jnp.float32)
    return {"pos_triples": pos_triples, "neg_triples": neg_triples, "order_hrt": order_hrt, "W": W}


def reference(pos_triples, neg_triples, order_hrt, W):
    b = pos_triples.shape[0]
    emb_dim = pos_triples.shape[2]
    # reshape pos triples to concat form
    pos_concat = jnp.reshape(pos_triples, (b, emb_dim * 3))
    # embedding lookup (gather) then elementwise scale
    w_rows = jnp.take(W, order_hrt, axis=0)
    new_pos_concat = w_rows * pos_concat
    new_pos_triples = jnp.reshape(new_pos_concat, (b, 3, emb_dim))
    # distance: sum over triple entities, then L1 norm over embedding dim
    distance_pos = jnp.sum(jnp.abs(jnp.sum(new_pos_triples, axis=1)), axis=1)
    distance_neg = jnp.sum(jnp.abs(jnp.sum(neg_triples, axis=1)), axis=1)
    # MarginRankingLoss with target = -1, reduction='none':
    # loss = max(0, -y*(x1-x2) + margin) with y = -1
    loss = jnp.maximum(0.0, (distance_pos - distance_neg) + MARGIN)
    return loss

if __name__ == "__main__":
    import jax
    _d = setup_inputs()
    print(jax.jit(kernel)(*tuple(_d.values())))

</pallas_src>

<mosaic_0001>
#map = affine_map<(d0, d1) -> (0, 0)>
#map1 = affine_map<(d0, d1) -> (0)>
module attributes {stable_mosaic.version = 14 : i64} {
  func.func @_body(%arg0: i32, %arg1: i32, %arg2: memref<16384x192xf32, #tpu.memory_space<hbm>>, %arg3: memref<16384x192xf32, #tpu.memory_space<hbm>>, %arg4: memref<16384xi32, #tpu.memory_space<hbm>>, %arg5: memref<100000x192xf32, #tpu.memory_space<hbm>>, %arg6: memref<50000x128xf32, #tpu.memory_space<hbm>>, %arg7: memref<16384xf32, #tpu.memory_space<hbm>>, %arg8: memref<512xi32, #tpu.memory_space<vmem>>, %arg9: memref<512xi32, #tpu.memory_space<vmem>>, %arg10: memref<512xi32, #tpu.memory_space<vmem>>, %arg11: memref<128x128xf32, #tpu.memory_space<vmem>>, %arg12: memref<128x128xf32, #tpu.memory_space<vmem>>, %arg13: memref<128x192xf32, #tpu.memory_space<vmem>>, %arg14: memref<128x192xf32, #tpu.memory_space<vmem>>, %arg15: memref<512xf32, #tpu.memory_space<vmem>>, %arg16: memref<256xf32, #tpu.memory_space<vmem>>, %arg17: memref<256xf32, #tpu.memory_space<vmem>>, %arg18: memref<!tpu.dma_semaphore, #tpu.memory_space<semaphore_mem>>, %arg19: memref<!tpu.dma_semaphore, #tpu.memory_space<semaphore_mem>>) attributes {dimension_semantics = [#tpu.dimension_semantics<core_parallel>, #tpu.dimension_semantics<subcore_parallel>], iteration_bounds = array<i64: 2, 16>, scalar_prefetch = 0 : i64, scratch_operands = 12 : i64, tpu.core_type = #tpu.core_type<sc_vector_subcore>, window_params = [{transform_indices = #map}, {transform_indices = #map}, {transform_indices = #map1}, {transform_indices = #map}, {transform_indices = #map}, {transform_indices = #map1}]} {
    %mul3A = arith.constant 2 : i32
    %mul3A_0 = arith.muli %arg1, %mul3A : i32
    %add3A = arith.addi %mul3A_0, %arg0 : i32
    %mul3A_1 = arith.constant 512 : i32
    %mul3A_2 = arith.muli %add3A, %mul3A_1 : i32
    "tpu.region"() ({
      %run_scoped3A = tpu.sem_alloc : memref<!tpu.dma_semaphore, #tpu.memory_space<semaphore_mem>>
      %dma_start3A = tpu.memref_slice %arg4[%mul3A_2] : memref<16384xi32, #tpu.memory_space<hbm>> -> memref<512xi32, #tpu.memory_space<hbm>>
      %dma_start3A_14 = tpu.memref_slice %arg4[%mul3A_2] : memref<16384xi32, #tpu.memory_space<hbm>> -> memref<512xi32, #tpu.memory_space<hbm>>
      tpu.enqueue_dma source(%dma_start3A_14 : memref<512xi32, #tpu.memory_space<hbm>>) target(%arg8 : memref<512xi32, #tpu.memory_space<vmem>>) target_semaphore(%run_scoped3A : memref<!tpu.dma_semaphore, #tpu.memory_space<semaphore_mem>>)
      %dma_wait3A = tpu.memref_slice %arg4[%mul3A_2] : memref<16384xi32, #tpu.memory_space<hbm>> -> memref<512xi32, #tpu.memory_space<hbm>>
      %dma_wait3A_15 = tpu.memref_slice %arg4[%mul3A_2] : memref<16384xi32, #tpu.memory_space<hbm>> -> memref<512xi32, #tpu.memory_space<hbm>>
      tpu.wait_dma2 semaphore(%run_scoped3A : memref<!tpu.dma_semaphore, #tpu.memory_space<semaphore_mem>>) src(%dma_wait3A_15 : memref<512xi32, #tpu.memory_space<hbm>>) dst(%arg8 : memref<512xi32, #tpu.memory_space<vmem>>)
      tpu.yield
    }) : () -> ()
    %scan3A = arith.constant 0 : i32
    %scan3A_3 = arith.constant 0 : i32
    %scan3A_4 = arith.constant 32 : i32
    %scan3A_5 = arith.addi %scan3A_3, %scan3A_4 : i32
    %scan3A_6 = arith.constant 1 : i32
    scf.for %scan3A_14 = %scan3A_3 to %scan3A_5 step %scan3A_6  : i32 {
      %mul3A_15 = arith.constant 16 : i32
      %mul3A_16 = arith.muli %scan3A_14, %mul3A_15 : i32
      %get3A = arith.index_cast %mul3A_16 : i32 to index
      %get3A_17 = tpu.vector_load %arg8[%get3A] {strides = array<i32>} : memref<512xi32, #tpu.memory_space<vmem>>, vector<16xi32>,
      %ge3A = arith.constant 50000 : i32
      %ge3A_18 = vector.broadcast %ge3A : i32 to vector<16xi32>
      %ge3A_19 = arith.cmpi sge, %get3A_17, %ge3A_18 : vector<16xi32>
      %sub3A = arith.constant 50000 : i32
      %sub3A_20 = vector.broadcast %sub3A : i32 to vector<16xi32>
      %sub3A_21 = arith.subi %get3A_17, %sub3A_20 : vector<16xi32>
      %select_n3A = arith.select %ge3A_19, %sub3A_21, %get3A_17 : vector<16xi1>, vector<16xi32>
      %swap3A = arith.index_cast %mul3A_16 : i32 to index
      %swap3A_22 = tpu.vector_load %arg9[%swap3A] {strides = array<i32>} : memref<512xi32, #tpu.memory_space<vmem>>, vector<16xi32>,
      tpu.vector_store %arg9[%swap3A], %select_n3A {strides = array<i32>} : memref<512xi32, #tpu.memory_space<vmem>>, vector<16xi32>,
      %jit3A = arith.constant 64 : i32
      %jit3A_23 = arith.constant 0 : i32
      %broadcast_in_dim3A = vector.broadcast %jit3A : i32 to vector<16xi32>
      %broadcast_in_dim3A_24 = vector.broadcast %jit3A_23 : i32 to vector<16xi32>
      %select_n3A_25 = arith.select %ge3A_19, %broadcast_in_dim3A, %broadcast_in_dim3A_24 : vector<16xi1>, vector<16xi32>
      %swap3A_26 = arith.index_cast %mul3A_16 : i32 to index
      %swap3A_27 = tpu.vector_load %arg10[%swap3A_26] {strides = array<i32>} : memref<512xi32, #tpu.memory_space<vmem>>, vector<16xi32>,
      tpu.vector_store %arg10[%swap3A_26], %select_n3A_25 {strides = array<i32>} : memref<512xi32, #tpu.memory_space<vmem>>, vector<16xi32>,
    }
    %scan3A_7 = arith.constant 32 : i32
    %scan3A_8 = arith.constant 0 : i32
    %scan3A_9 = arith.constant 0 : i32
    %scan3A_10 = arith.constant 4 : i32
    %scan3A_11 = arith.addi %scan3A_9, %scan3A_10 : i32
    %scan3A_12 = arith.constant 1 : i32
    scf.for %scan3A_14 = %scan3A_9 to %scan3A_11 step %scan3A_12  : i32 {
      %mul3A_15 = arith.constant 128 : i32
      %mul3A_16 = arith.muli %scan3A_14, %mul3A_15 : i32
      %add3A_17 = arith.addi %mul3A_2, %mul3A_16 : i32
      %dma_start3A = tpu.memref_slice %arg8[%mul3A_16] : memref<512xi32, #tpu.memory_space<vmem>> -> memref<128xi32, #tpu.memory_space<vmem>>
      %dma_start3A_18 = arith.constant 0 : i32
      %dma_start3A_19 = arith.constant 0 : i32
      %dma_start3A_20 = tpu.memref_slice %arg5[%dma_start3A_18, %dma_start3A_19] : memref<100000x192xf32, #tpu.memory_space<hbm>> -> memref<100000x128xf32, #tpu.memory_space<hbm>>
      tpu.enqueue_indirect_dma source(%dma_start3A_20 : memref<100000x128xf32, #tpu.memory_space<hbm>>) target(%arg11 : memref<128x128xf32, #tpu.memory_space<vmem>>) offsets(%dma_start3A : memref<128xi32, #tpu.memory_space<vmem>>) semaphore(%arg18 : memref<!tpu.dma_semaphore, #tpu.memory_space<semaphore_mem>>)
      %dma_start3A_21 = tpu.memref_slice %arg9[%mul3A_16] : memref<512xi32, #tpu.memory_space<vmem>> -> memref<128xi32, #tpu.memory_space<vmem>>
      %dma_start3A_22 = arith.constant 0 : i32
      %dma_start3A_23 = arith.constant 0 : i32
      %dma_start3A_24 = tpu.memref_slice %arg6[%dma_start3A_22, %dma_start3A_23] : memref<50000x128xf32, #tpu.memory_space<hbm>> -> memref<50000x128xf32, #tpu.memory_space<hbm>>
      tpu.enqueue_indirect_dma source(%dma_start3A_24 : memref<50000x128xf32, #tpu.memory_space<hbm>>) target(%arg12 : memref<128x128xf32, #tpu.memory_space<vmem>>) offsets(%dma_start3A_21 : memref<128xi32, #tpu.memory_space<vmem>>) semaphore(%arg19 : memref<!tpu.dma_semaphore, #tpu.memory_space<semaphore_mem>>)
      "tpu.region"() ({
        %run_scoped3A = tpu.sem_alloc : memref<!tpu.dma_semaphore, #tpu.memory_space<semaphore_mem>>
        %dma_start3A_38 = arith.constant 0 : i32
        %dma_start3A_39 = tpu.memref_slice %arg2[%add3A_17, %dma_start3A_38] : memref<16384x192xf32, #tpu.memory_space<hbm>> -> memref<128x192xf32, #tpu.memory_space<hbm>>
        %dma_start3A_40 = arith.constant 0 : i32
        %dma_start3A_41 = tpu.memref_slice %arg2[%add3A_17, %dma_start3A_40] : memref<16384x192xf32, #tpu.memory_space<hbm>> -> memref<128x192xf32, #tpu.memory_space<hbm>>
        tpu.enqueue_dma source(%dma_start3A_41 : memref<128x192xf32, #tpu.memory_space<hbm>>) target(%arg13 : memref<128x192xf32, #tpu.memory_space<vmem>>) target_semaphore(%run_scoped3A : memref<!tpu.dma_semaphore, #tpu.memory_space<semaphore_mem>>)
        %dma_wait3A_42 = arith.constant 0 : i32
        %dma_wait3A_43 = tpu.memref_slice %arg2[%add3A_17, %dma_wait3A_42] : memref<16384x192xf32, #tpu.memory_space<hbm>> -> memref<128x192xf32, #tpu.memory_space<hbm>>
        %dma_wait3A_44 = arith.constant 0 : i32
        %dma_wait3A_45 = tpu.memref_slice %arg2[%add3A_17, %dma_wait3A_44] : memref<16384x192xf32, #tpu.memory_space<hbm>> -> memref<128x192xf32, #tpu.memory_space<hbm>>
        tpu.wait_dma2 semaphore(%run_scoped3A : memref<!tpu.dma_semaphore, #tpu.memory_space<semaphore_mem>>) src(%dma_wait3A_45 : memref<128x192xf32, #tpu.memory_space<hbm>>) dst(%arg13 : memref<128x192xf32, #tpu.memory_space<vmem>>)
        tpu.yield
      }) : () -> ()
      "tpu.region"() ({
        %run_scoped3A = tpu.sem_alloc : memref<!tpu.dma_semaphore, #tpu.memory_space<semaphore_mem>>
        %dma_start3A_38 = arith.constant 0 : i32
        %dma_start3A_39 = tpu.memref_slice %arg3[%add3A_17, %dma_start3A_38] : memref<16384x192xf32, #tpu.memory_space<hbm>> -> memref<128x192xf32, #tpu.memory_space<hbm>>
        %dma_start3A_40 = arith.constant 0 : i32
        %dma_start3A_41 = tpu.memref_slice %arg3[%add3A_17, %dma_start3A_40] : memref<16384x192xf32, #tpu.memory_space<hbm>> -> memref<128x192xf32, #tpu.memory_space<hbm>>
        tpu.enqueue_dma source(%dma_start3A_41 : memref<128x192xf32, #tpu.memory_space<hbm>>) target(%arg14 : memref<128x192xf32, #tpu.memory_space<vmem>>) target_semaphore(%run_scoped3A : memref<!tpu.dma_semaphore, #tpu.memory_space<semaphore_mem>>)
        %dma_wait3A_42 = arith.constant 0 : i32
        %dma_wait3A_43 = tpu.memref_slice %arg3[%add3A_17, %dma_wait3A_42] : memref<16384x192xf32, #tpu.memory_space<hbm>> -> memref<128x192xf32, #tpu.memory_space<hbm>>
        %dma_wait3A_44 = arith.constant 0 : i32
        %dma_wait3A_45 = tpu.memref_slice %arg3[%add3A_17, %dma_wait3A_44] : memref<16384x192xf32, #tpu.memory_space<hbm>> -> memref<128x192xf32, #tpu.memory_space<hbm>>
        tpu.wait_dma2 semaphore(%run_scoped3A : memref<!tpu.dma_semaphore, #tpu.memory_space<semaphore_mem>>) src(%dma_wait3A_45 : memref<128x192xf32, #tpu.memory_space<hbm>>) dst(%arg14 : memref<128x192xf32, #tpu.memory_space<vmem>>)
        tpu.yield
      }) : () -> ()
      %dma_wait3A = tpu.memref_slice %arg8[%mul3A_16] : memref<512xi32, #tpu.memory_space<vmem>> -> memref<128xi32, #tpu.memory_space<vmem>>
      %dma_wait3A_25 = arith.constant 0 : i32
      %dma_wait3A_26 = arith.constant 0 : i32
      %dma_wait3A_27 = tpu.memref_slice %arg5[%dma_wait3A_25, %dma_wait3A_26] : memref<100000x192xf32, #tpu.memory_space<hbm>> -> memref<100000x128xf32, #tpu.memory_space<hbm>>
      tpu.wait_indirect_dma semaphore(%arg18 : memref<!tpu.dma_semaphore, #tpu.memory_space<semaphore_mem>>) src(%dma_wait3A_27 : memref<100000x128xf32, #tpu.memory_space<hbm>>) dst(%arg11 : memref<128x128xf32, #tpu.memory_space<vmem>>)
      %dma_wait3A_28 = tpu.memref_slice %arg9[%mul3A_16] : memref<512xi32, #tpu.memory_space<vmem>> -> memref<128xi32, #tpu.memory_space<vmem>>
      %dma_wait3A_29 = arith.constant 0 : i32
      %dma_wait3A_30 = arith.constant 0 : i32
      %dma_wait3A_31 = tpu.memref_slice %arg6[%dma_wait3A_29, %dma_wait3A_30] : memref<50000x128xf32, #tpu.memory_space<hbm>> -> memref<50000x128xf32, #tpu.memory_space<hbm>>
      tpu.wait_indirect_dma semaphore(%arg19 : memref<!tpu.dma_semaphore, #tpu.memory_space<semaphore_mem>>) src(%dma_wait3A_31 : memref<50000x128xf32, #tpu.memory_space<hbm>>) dst(%arg12 : memref<128x128xf32, #tpu.memory_space<vmem>>)
      %scan3A_32 = arith.constant 0 : i32
      %scan3A_33 = arith.constant 0 : i32
      %scan3A_34 = arith.constant 8 : i32
      %scan3A_35 = arith.addi %scan3A_33, %scan3A_34 : i32
      %scan3A_36 = arith.constant 1 : i32
      scf.for %scan3A_38 = %scan3A_33 to %scan3A_35 step %scan3A_36  : i32 {
        %mul3A_39 = arith.constant 16 : i32
        %mul3A_40 = arith.muli %scan3A_38, %mul3A_39 : i32
        %broadcast_in_dim3A = arith.constant 0 : i32
        %broadcast_in_dim3A_41 = vector.broadcast %broadcast_in_dim3A : i32 to vector<16xi32>
        %iota3A = tpu.iota {dimensions = array<i32: 0>} : vector<16xi32>
        %add3A_42 = arith.constant 0 : i32
        %add3A_43 = arith.addi %mul3A_40, %add3A_42 : i32
        %add3A_44 = arith.addi %mul3A_16, %add3A_43 : i32
        %add3A_45 = vector.broadcast %add3A_44 : i32 to vector<16xi32>
        %add3A_46 = arith.addi %broadcast_in_dim3A_41, %add3A_45 : vector<16xi32>
        %gather3A = tpu.vector_load_idx %arg10[%add3A_46] : memref<512xi32, #tpu.memory_space<vmem>>[vector<16xi32>], vector<16xi32>,
        %add3A_47 = vector.broadcast %add3A_43 : i32 to vector<16xi32>
        %add3A_48 = arith.addi %broadcast_in_dim3A_41, %add3A_47 : vector<16xi32>
        %get3A = arith.index_cast %add3A_43 : i32 to index
        %get3A_49 = arith.constant 0 : index
        %get3A_50 = tpu.vector_load %arg11[%get3A, %get3A_49] {strides = array<i32>} : memref<128x128xf32, #tpu.memory_space<vmem>>, vector<16xf32>,
        %get3A_51 = arith.index_cast %add3A_43 : i32 to index
        %get3A_52 = arith.constant 64 : index
        %get3A_53 = tpu.vector_load %arg11[%get3A_51, %get3A_52] {strides = array<i32>} : memref<128x128xf32, #tpu.memory_space<vmem>>, vector<16xf32>,
        %add3A_54 = arith.constant 0 : i32
        %add3A_55 = vector.broadcast %add3A_54 : i32 to vector<16xi32>
        %add3A_56 = arith.addi %iota3A, %add3A_55 : vector<16xi32>
        %add3A_57 = arith.addi %add3A_56, %gather3A : vector<16xi32>
        %gather3A_58 = tpu.vector_load_idx %arg12[%add3A_48, %add3A_57] : memref<128x128xf32, #tpu.memory_space<vmem>>[vector<16xi32>, vector<16xi32>], vector<16xf32>,
        %get3A_59 = arith.index_cast %add3A_43 : i32 to index
        %get3A_60 = arith.constant 0 : index
        %get3A_61 = tpu.vector_load %arg13[%get3A_59, %get3A_60] {strides = array<i32>} : memref<128x192xf32, #tpu.memory_space<vmem>>, vector<16xf32>,
        %get3A_62 = arith.index_cast %add3A_43 : i32 to index
        %get3A_63 = arith.constant 64 : index
        %get3A_64 = tpu.vector_load %arg13[%get3A_62, %get3A_63] {strides = array<i32>} : memref<128x192xf32, #tpu.memory_space<vmem>>, vector<16xf32>,
        %get3A_65 = arith.index_cast %add3A_43 : i32 to index
        %get3A_66 = arith.constant 128 : index
        %get3A_67 = tpu.vector_load %arg13[%get3A_65, %get3A_66] {strides = array<i32>} : memref<128x192xf32, #tpu.memory_space<vmem>>, vector<16xf32>,
        %get3A_68 = arith.index_cast %add3A_43 : i32 to index
        %get3A_69 = arith.constant 0 : index
        %get3A_70 = tpu.vector_load %arg14[%get3A_68, %get3A_69] {strides = array<i32>} : memref<128x192xf32, #tpu.memory_space<vmem>>, vector<16xf32>,
        %get3A_71 = arith.index_cast %add3A_43 : i32 to index
        %get3A_72 = arith.constant 64 : index
        %get3A_73 = tpu.vector_load %arg14[%get3A_71, %get3A_72] {strides = array<i32>} : memref<128x192xf32, #tpu.memory_space<vmem>>, vector<16xf32>,
        %get3A_74 = arith.index_cast %add3A_43 : i32 to index
        %get3A_75 = arith.constant 128 : index
        %get3A_76 = tpu.vector_load %arg14[%get3A_74, %get3A_75] {strides = array<i32>} : memref<128x192xf32, #tpu.memory_space<vmem>>, vector<16xf32>,
        %mul3A_77 = arith.mulf %get3A_50, %get3A_61 : vector<16xf32>
        %mul3A_78 = arith.mulf %get3A_53, %get3A_64 : vector<16xf32>
        %add3A_79 = arith.addf %mul3A_77, %mul3A_78 : vector<16xf32>
        %mul3A_80 = arith.mulf %gather3A_58, %get3A_67 : vector<16xf32>
        %add3A_81 = arith.addf %add3A_79, %mul3A_80 : vector<16xf32>
        %abs3A = math.absf %add3A_81 : vector<16xf32>
        %add3A_82 = arith.addf %get3A_70, %get3A_73 : vector<16xf32>
        %add3A_83 = arith.addf %add3A_82, %get3A_76 : vector<16xf32>
        %abs3A_84 = math.absf %add3A_83 : vector<16xf32>
        %get3A_85 = arith.index_cast %add3A_43 : i32 to index
        %get3A_86 = arith.constant 16 : index
        %get3A_87 = tpu.vector_load %arg11[%get3A_85, %get3A_86] {strides = array<i32>} : memref<128x128xf32, #tpu.memory_space<vmem>>, vector<16xf32>,
        %get3A_88 = arith.index_cast %add3A_43 : i32 to index
        %get3A_89 = arith.constant 80 : index
        %get3A_90 = tpu.vector_load %arg11[%get3A_88, %get3A_89] {strides = array<i32>} : memref<128x128xf32, #tpu.memory_space<vmem>>, vector<16xf32>,
        %add3A_91 = arith.constant 16 : i32
        %add3A_92 = vector.broadcast %add3A_91 : i32 to vector<16xi32>
        %add3A_93 = arith.addi %iota3A, %add3A_92 : vector<16xi32>
        %add3A_94 = arith.addi %add3A_93, %gather3A : vector<16xi32>
        %gather3A_95 = tpu.vector_load_idx %arg12[%add3A_48, %add3A_94] : memref<128x128xf32, #tpu.memory_space<vmem>>[vector<16xi32>, vector<16xi32>], vector<16xf32>,
        %get3A_96 = arith.index_cast %add3A_43 : i32 to index
        %get3A_97 = arith.constant 16 : index
        %get3A_98 = tpu.vector_load %arg13[%get3A_96, %get3A_97] {strides = array<i32>} : memref<128x192xf32, #tpu.memory_space<vmem>>, vector<16xf32>,
        %get3A_99 = arith.index_cast %add3A_43 : i32 to index
        %get3A_100 = arith.constant 80 : index
        %get3A_101 = tpu.vector_load %arg13[%get3A_99, %get3A_100] {strides = array<i32>} : memref<128x192xf32, #tpu.memory_space<vmem>>, vector<16xf32>,
        %get3A_102 = arith.index_cast %add3A_43 : i32 to index
        %get3A_103 = arith.constant 144 : index
        %get3A_104 = tpu.vector_load %arg13[%get3A_102, %get3A_103] {strides = array<i32>} : memref<128x192xf32, #tpu.memory_space<vmem>>, vector<16xf32>,
        %get3A_105 = arith.index_cast %add3A_43 : i32 to index
        %get3A_106 = arith.constant 16 : index
        %get3A_107 = tpu.vector_load %arg14[%get3A_105, %get3A_106] {strides = array<i32>} : memref<128x192xf32, #tpu.memory_space<vmem>>, vector<16xf32>,
        %get3A_108 = arith.index_cast %add3A_43 : i32 to index
        %get3A_109 = arith.constant 80 : index
        %get3A_110 = tpu.vector_load %arg14[%get3A_108, %get3A_109] {strides = array<i32>} : memref<128x192xf32, #tpu.memory_space<vmem>>, vector<16xf32>,
        %get3A_111 = arith.index_cast %add3A_43 : i32 to index
        %get3A_112 = arith.constant 144 : index
        %get3A_113 = tpu.vector_load %arg14[%get3A_111, %get3A_112] {strides = array<i32>} : memref<128x192xf32, #tpu.memory_space<vmem>>, vector<16xf32>,
        %mul3A_114 = arith.mulf %get3A_87, %get3A_98 : vector<16xf32>
        %mul3A_115 = arith.mulf %get3A_90, %get3A_101 : vector<16xf32>
        %add3A_116 = arith.addf %mul3A_114, %mul3A_115 : vector<16xf32>
        %mul3A_117 = arith.mulf %gather3A_95, %get3A_104 : vector<16xf32>
        %add3A_118 = arith.addf %add3A_116, %mul3A_117 : vector<16xf32>
        %abs3A_119 = math.absf %add3A_118 : vector<16xf32>
        %add3A_120 = arith.addf %get3A_107, %get3A_110 : vector<16xf32>
        %add3A_121 = arith.addf %add3A_120, %get3A_113 : vector<16xf32>
        %abs3A_122 = math.absf %add3A_121 : vector<16xf32>
        %get3A_123 = arith.index_cast %add3A_43 : i32 to index
        %get3A_124 = arith.constant 32 : index
        %get3A_125 = tpu.vector_load %arg11[%get3A_123, %get3A_124] {strides = array<i32>} : memref<128x128xf32, #tpu.memory_space<vmem>>, vector<16xf32>,
        %get3A_126 = arith.index_cast %add3A_43 : i32 to index
        %get3A_127 = arith.constant 96 : index
        %get3A_128 = tpu.vector_load %arg11[%get3A_126, %get3A_127] {strides = array<i32>} : memref<128x128xf32, #tpu.memory_space<vmem>>, vector<16xf32>,
        %add3A_129 = arith.constant 32 : i32
        %add3A_130 = vector.broadcast %add3A_129 : i32 to vector<16xi32>
        %add3A_131 = arith.addi %iota3A, %add3A_130 : vector<16xi32>
        %add3A_132 = arith.addi %add3A_131, %gather3A : vector<16xi32>
        %gather3A_133 = tpu.vector_load_idx %arg12[%add3A_48, %add3A_132] : memref<128x128xf32, #tpu.memory_space<vmem>>[vector<16xi32>, vector<16xi32>], vector<16xf32>,
        %get3A_134 = arith.index_cast %add3A_43 : i32 to index
        %get3A_135 = arith.constant 32 : index
        %get3A_136 = tpu.vector_load %arg13[%get3A_134, %get3A_135] {strides = array<i32>} : memref<128x192xf32, #tpu.memory_space<vmem>>, vector<16xf32>,
        %get3A_137 = arith.index_cast %add3A_43 : i32 to index
        %get3A_138 = arith.constant 96 : index
        %get3A_139 = tpu.vector_load %arg13[%get3A_137, %get3A_138] {strides = array<i32>} : memref<128x192xf32, #tpu.memory_space<vmem>>, vector<16xf32>,
        %get3A_140 = arith.index_cast %add3A_43 : i32 to index
        %get3A_141 = arith.constant 160 : index
        %get3A_142 = tpu.vector_load %arg13[%get3A_140, %get3A_141] {strides = array<i32>} : memref<128x192xf32, #tpu.memory_space<vmem>>, vector<16xf32>,
        %get3A_143 = arith.index_cast %add3A_43 : i32 to index
        %get3A_144 = arith.constant 32 : index
        %get3A_145 = tpu.vector_load %arg14[%get3A_143, %get3A_144] {strides = array<i32>} : memref<128x192xf32, #tpu.memory_space<vmem>>, vector<16xf32>,
        %get3A_146 = arith.index_cast %add3A_43 : i32 to index
        %get3A_147 = arith.constant 96 : index
        %get3A_148 = tpu.vector_load %arg14[%get3A_146, %get3A_147] {strides = array<i32>} : memref<128x192xf32, #tpu.memory_space<vmem>>, vector<16xf32>,
        %get3A_149 = arith.index_cast %add3A_43 : i32 to index
        %get3A_150 = arith.constant 160 : index
        %get3A_151 = tpu.vector_load %arg14[%get3A_149, %get3A_150] {strides = array<i32>} : memref<128x192xf32, #tpu.memory_space<vmem>>, vector<16xf32>,
        %mul3A_152 = arith.mulf %get3A_125, %get3A_136 : vector<16xf32>
        %mul3A_153 = arith.mulf %get3A_128, %get3A_139 : vector<16xf32>
        %add3A_154 = arith.addf %mul3A_152, %mul3A_153 : vector<16xf32>
        %mul3A_155 = arith.mulf %gather3A_133, %get3A_142 : vector<16xf32>
        %add3A_156 = arith.addf %add3A_154, %mul3A_155 : vector<16xf32>
        %abs3A_157 = math.absf %add3A_156 : vector<16xf32>
        %add3A_158 = arith.addf %get3A_145, %get3A_148 : vector<16xf32>
        %add3A_159 = arith.addf %add3A_158, %get3A_151 : vector<16xf32>
        %abs3A_160 = math.absf %add3A_159 : vector<16xf32>
        %get3A_161 = arith.index_cast %add3A_43 : i32 to index
        %get3A_162 = arith.constant 48 : index
        %get3A_163 = tpu.vector_load %arg11[%get3A_161, %get3A_162] {strides = array<i32>} : memref<128x128xf32, #tpu.memory_space<vmem>>, vector<16xf32>,
        %get3A_164 = arith.index_cast %add3A_43 : i32 to index
        %get3A_165 = arith.constant 112 : index
        %get3A_166 = tpu.vector_load %arg11[%get3A_164, %get3A_165] {strides = array<i32>} : memref<128x128xf32, #tpu.memory_space<vmem>>, vector<16xf32>,
        %add3A_167 = arith.constant 48 : i32
        %add3A_168 = vector.broadcast %add3A_167 : i32 to vector<16xi32>
        %add3A_169 = arith.addi %iota3A, %add3A_168 : vector<16xi32>
        %add3A_170 = arith.addi %add3A_169, %gather3A : vector<16xi32>
        %gather3A_171 = tpu.vector_load_idx %arg12[%add3A_48, %add3A_170] : memref<128x128xf32, #tpu.memory_space<vmem>>[vector<16xi32>, vector<16xi32>], vector<16xf32>,
        %get3A_172 = arith.index_cast %add3A_43 : i32 to index
        %get3A_173 = arith.constant 48 : index
        %get3A_174 = tpu.vector_load %arg13[%get3A_172, %get3A_173] {strides = array<i32>} : memref<128x192xf32, #tpu.memory_space<vmem>>, vector<16xf32>,
        %get3A_175 = arith.index_cast %add3A_43 : i32 to index
        %get3A_176 = arith.constant 112 : index
        %get3A_177 = tpu.vector_load %arg13[%get3A_175, %get3A_176] {strides = array<i32>} : memref<128x192xf32, #tpu.memory_space<vmem>>, vector<16xf32>,
        %get3A_178 = arith.index_cast %add3A_43 : i32 to index
        %get3A_179 = arith.constant 176 : index
        %get3A_180 = tpu.vector_load %arg13[%get3A_178, %get3A_179] {strides = array<i32>} : memref<128x192xf32, #tpu.memory_space<vmem>>, vector<16xf32>,
        %get3A_181 = arith.index_cast %add3A_43 : i32 to index
        %get3A_182 = arith.constant 48 : index
        %get3A_183 = tpu.vector_load %arg14[%get3A_181, %get3A_182] {strides = array<i32>} : memref<128x192xf32, #tpu.memory_space<vmem>>, vector<16xf32>,
        %get3A_184 = arith.index_cast %add3A_43 : i32 to index
        %get3A_185 = arith.constant 112 : index
        %get3A_186 = tpu.vector_load %arg14[%get3A_184, %get3A_185] {strides = array<i32>} : memref<128x192xf32, #tpu.memory_space<vmem>>, vector<16xf32>,
        %get3A_187 = arith.index_cast %add3A_43 : i32 to index
        %get3A_188 = arith.constant 176 : index
        %get3A_189 = tpu.vector_load %arg14[%get3A_187, %get3A_188] {strides = array<i32>} : memref<128x192xf32, #tpu.memory_space<vmem>>, vector<16xf32>,
        %mul3A_190 = arith.mulf %get3A_163, %get3A_174 : vector<16xf32>
        %mul3A_191 = arith.mulf %get3A_166, %get3A_177 : vector<16xf32>
        %add3A_192 = arith.addf %mul3A_190, %mul3A_191 : vector<16xf32>
        %mul3A_193 = arith.mulf %gather3A_171, %get3A_180 : vector<16xf32>
        %add3A_194 = arith.addf %add3A_192, %mul3A_193 : vector<16xf32>
        %abs3A_195 = math.absf %add3A_194 : vector<16xf32>
        %add3A_196 = arith.addf %get3A_183, %get3A_186 : vector<16xf32>
        %add3A_197 = arith.addf %add3A_196, %get3A_189 : vector<16xf32>
        %abs3A_198 = math.absf %add3A_197 : vector<16xf32>
        %add3A_199 = arith.addf %abs3A, %abs3A_119 : vector<16xf32>
        %add3A_200 = arith.addf %abs3A_157, %abs3A_195 : vector<16xf32>
        %add3A_201 = arith.addf %add3A_199, %add3A_200 : vector<16xf32>
        %swap3A = arith.constant 0 : index
        %swap3A_202 = tpu.vector_load %arg16[%swap3A] {strides = array<i32>} : memref<256xf32, #tpu.memory_space<vmem>>, vector<16xf32>,
        tpu.vector_store %arg16[%swap3A], %add3A_201 {strides = array<i32>} : memref<256xf32, #tpu.memory_space<vmem>>, vector<16xf32>,
        %add3A_203 = arith.addf %abs3A_84, %abs3A_122 : vector<16xf32>
        %add3A_204 = arith.addf %abs3A_160, %abs3A_198 : vector<16xf32>
        %add3A_205 = arith.addf %add3A_203, %add3A_204 : vector<16xf32>
        %swap3A_206 = arith.constant 0 : index
        %swap3A_207 = tpu.vector_load %arg17[%swap3A_206] {strides = array<i32>} : memref<256xf32, #tpu.memory_space<vmem>>, vector<16xf32>,
        tpu.vector_store %arg17[%swap3A_206], %add3A_205 {strides = array<i32>} : memref<256xf32, #tpu.memory_space<vmem>>, vector<16xf32>,
        %add3A_208 = arith.constant 1 : i32
        %add3A_209 = arith.addi %mul3A_40, %add3A_208 : i32
        %add3A_210 = arith.addi %mul3A_16, %add3A_209 : i32
        %add3A_211 = vector.broadcast %add3A_210 : i32 to vector<16xi32>
        %add3A_212 = arith.addi %broadcast_in_dim3A_41, %add3A_211 : vector<16xi32>
        %gather3A_213 = tpu.vector_load_idx %arg10[%add3A_212] : memref<512xi32, #tpu.memory_space<vmem>>[vector<16xi32>], vector<16xi32>,
        %add3A_214 = vector.broadcast %add3A_209 : i32 to vector<16xi32>
        %add3A_215 = arith.addi %broadcast_in_dim3A_41, %add3A_214 : vector<16xi32>
        %get3A_216 = arith.index_cast %add3A_209 : i32 to index
        %get3A_217 = arith.constant 0 : index
        %get3A_218 = tpu.vector_load %arg11[%get3A_216, %get3A_217] {strides = array<i32>} : memref<128x128xf32, #tpu.memory_space<vmem>>, vector<16xf32>,
        %get3A_219 = arith.index_cast %add3A_209 : i32 to index
        %get3A_220 = arith.constant 64 : index
        %get3A_221 = tpu.vector_load %arg11[%get3A_219, %get3A_220] {strides = array<i32>} : memref<128x128xf32, #tpu.memory_space<vmem>>, vector<16xf32>,
        %add3A_222 = arith.constant 0 : i32
        %add3A_223 = vector.broadcast %add3A_222 : i32 to vector<16xi32>
        %add3A_224 = arith.addi %iota3A, %add3A_223 : vector<16xi32>
        %add3A_225 = arith.addi %add3A_224, %gather3A_213 : vector<16xi32>
        %gather3A_226 = tpu.vector_load_idx %arg12[%add3A_215, %add3A_225] : memref<128x128xf32, #tpu.memory_space<vmem>>[vector<16xi32>, vector<16xi32>], vector<16xf32>,
        %get3A_227 = arith.index_cast %add3A_209 : i32 to index
        %get3A_228 = arith.constant 0 : index
        %get3A_229 = tpu.vector_load %arg13[%get3A_227, %get3A_228] {strides = array<i32>} : memref<128x192xf32, #tpu.memory_space<vmem>>, vector<16xf32>,
        %get3A_230 = arith.index_cast %add3A_209 : i32 to index
        %get3A_231 = arith.constant 64 : index
        %get3A_232 = tpu.vector_load %arg13[%get3A_230, %get3A_231] {strides = array<i32>} : memref<128x192xf32, #tpu.memory_space<vmem>>, vector<16xf32>,
        %get3A_233 = arith.index_cast %add3A_209 : i32 to index
        %get3A_234 = arith.constant 128 : index
        %get3A_235 = tpu.vector_load %arg13[%get3A_233, %get3A_234] {strides = array<i32>} : memref<128x192xf32, #tpu.memory_space<vmem>>, vector<16xf32>,
        %get3A_236 = arith.index_cast %add3A_209 : i32 to index
        %get3A_237 = arith.constant 0 : index
        %get3A_238 = tpu.vector_load %arg14[%get3A_236, %get3A_237] {strides = array<i32>} : memref<128x192xf32, #tpu.memory_space<vmem>>, vector<16xf32>,
        %get3A_239 = arith.index_cast %add3A_209 : i32 to index
        %get3A_240 = arith.constant 64 : index
        %get3A_241 = tpu.vector_load %arg14[%get3A_239, %get3A_240] {strides = array<i32>} : memref<128x192xf32, #tpu.memory_space<vmem>>, vector<16xf32>,
        %get3A_242 = arith.index_cast %add3A_209 : i32 to index
        %get3A_243 = arith.constant 128 : index
        %get3A_244 = tpu.vector_load %arg14[%get3A_242, %get3A_243] {strides = array<i32>} : memref<128x192xf32, #tpu.memory_space<vmem>>, vector<16xf32>,
        %mul3A_245 = arith.mulf %get3A_218, %get3A_229 : vector<16xf32>
        %mul3A_246 = arith.mulf %get3A_221, %get3A_232 : vector<16xf32>
        %add3A_247 = arith.addf %mul3A_245, %mul3A_246 : vector<16xf32>
        %mul3A_248 = arith.mulf %gather3A_226, %get3A_235 : vector<16xf32>
        %add3A_249 = arith.addf %add3A_247, %mul3A_248 : vector<16xf32>
        %abs3A_250 = math.absf %add3A_249 : vector<16xf32>
        %add3A_251 = arith.addf %get3A_238, %get3A_241 : vector<16xf32>
        %add3A_252 = arith.addf %add3A_251, %get3A_244 : vector<16xf32>
        %abs3A_253 = math.absf %add3A_252 : vector<16xf32>
        %get3A_254 = arith.index_cast %add3A_209 : i32 to index
        %get3A_255 = arith.constant 16 : index
        %get3A_256 = tpu.vector_load %arg11[%get3A_254, %get3A_255] {strides = array<i32>} : memref<128x128xf32, #tpu.memory_space<vmem>>, vector<16xf32>,
        %get3A_257 = arith.index_cast %add3A_209 : i32 to index
        %get3A_258 = arith.constant 80 : index
        %get3A_259 = tpu.vector_load %arg11[%get3A_257, %get3A_258] {strides = array<i32>} : memref<128x128xf32, #tpu.memory_space<vmem>>, vector<16xf32>,
        %add3A_260 = arith.constant 16 : i32
        %add3A_261 = vector.broadcast %add3A_260 : i32 to vector<16xi32>
        %add3A_262 = arith.addi %iota3A, %add3A_261 : vector<16xi32>
        %add3A_263 = arith.addi %add3A_262, %gather3A_213 : vector<16xi32>
        %gather3A_264 = tpu.vector_load_idx %arg12[%add3A_215, %add3A_263] : memref<128x128xf32, #tpu.memory_space<vmem>>[vector<16xi32>, vector<16xi32>], vector<16xf32>,
        %get3A_265 = arith.index_cast %add3A_209 : i32 to index
        %get3A_266 = arith.constant 16 : index
        %get3A_267 = tpu.vector_load %arg13[%get3A_265, %get3A_266] {strides = array<i32>} : memref<128x192xf32, #tpu.memory_space<vmem>>, vector<16xf32>,
        %get3A_268 = arith.index_cast %add3A_209 : i32 to index
        %get3A_269 = arith.constant 80 : index
        %get3A_270 = tpu.vector_load %arg13[%get3A_268, %get3A_269] {strides = array<i32>} : memref<128x192xf32, #tpu.memory_space<vmem>>, vector<16xf32>,
        %get3A_271 = arith.index_cast %add3A_209 : i32 to index
        %get3A_272 = arith.constant 144 : index
        %get3A_273 = tpu.vector_load %arg13[%get3A_271, %get3A_272] {strides = array<i32>} : memref<128x192xf32, #tpu.memory_space<vmem>>, vector<16xf32>,
        %get3A_274 = arith.index_cast %add3A_209 : i32 to index
        %get3A_275 = arith.constant 16 : index
        %get3A_276 = tpu.vector_load %arg14[%get3A_274, %get3A_275] {strides = array<i32>} : memref<128x192xf32, #tpu.memory_space<vmem>>, vector<16xf32>,
        %get3A_277 = arith.index_cast %add3A_209 : i32 to index
        %get3A_278 = arith.constant 80 : index
        %get3A_279 = tpu.vector_load %arg14[%get3A_277, %get3A_278] {strides = array<i32>} : memref<128x192xf32, #tpu.memory_space<vmem>>, vector<16xf32>,
        %get3A_280 = arith.index_cast %add3A_209 : i32 to index
        %get3A_281 = arith.constant 144 : index
        %get3A_282 = tpu.vector_load %arg14[%get3A_280, %get3A_281] {strides = array<i32>} : memref<128x192xf32, #tpu.memory_space<vmem>>, vector<16xf32>,
        %mul3A_283 = arith.mulf %get3A_256, %get3A_267 : vector<16xf32>
        %mul3A_284 = arith.mulf %get3A_259, %get3A_270 : vector<16xf32>
        %add3A_285 = arith.addf %mul3A_283, %mul3A_284 : vector<16xf32>
        %mul3A_286 = arith.mulf %gather3A_264, %get3A_273 : vector<16xf32>
        %add3A_287 = arith.addf %add3A_285, %mul3A_286 : vector<16xf32>
        %abs3A_288 = math.absf %add3A_287 : vector<16xf32>
        %add3A_289 = arith.addf %get3A_276, %get3A_279 : vector<16xf32>
        %add3A_290 = arith.addf %add3A_289, %get3A_282 : vector<16xf32>
        %abs3A_291 = math.absf %add3A_290 : vector<16xf32>
        %get3A_292 = arith.index_cast %add3A_209 : i32 to index
        %get3A_293 = arith.constant 32 : index
        %get3A_294 = tpu.vector_load %arg11[%get3A_292, %get3A_293] {strides = array<i32>} : memref<128x128xf32, #tpu.memory_space<vmem>>, vector<16xf32>,
        %get3A_295 = arith.index_cast %add3A_209 : i32 to index
        %get3A_296 = arith.constant 96 : index
        %get3A_297 = tpu.vector_load %arg11[%get3A_295, %get3A_296] {strides = array<i32>} : memref<128x128xf32, #tpu.memory_space<vmem>>, vector<16xf32>,
        %add3A_298 = arith.constant 32 : i32
        %add3A_299 = vector.broadcast %add3A_298 : i32 to vector<16xi32>
        %add3A_300 = arith.addi %iota3A, %add3A_299 : vector<16xi32>
        %add3A_301 = arith.addi %add3A_300, %gather3A_213 : vector<16xi32>
        %gather3A_302 = tpu.vector_load_idx %arg12[%add3A_215, %add3A_301] : memref<128x128xf32, #tpu.memory_space<vmem>>[vector<16xi32>, vector<16xi32>], vector<16xf32>,
        %get3A_303 = arith.index_cast %add3A_209 : i32 to index
        %get3A_304 = arith.constant 32 : index
        %get3A_305 = tpu.vector_load %arg13[%get3A_303, %get3A_304] {strides = array<i32>} : memref<128x192xf32, #tpu.memory_space<vmem>>, vector<16xf32>,
        %get3A_306 = arith.index_cast %add3A_209 : i32 to index
        %get3A_307 = arith.constant 96 : index
        %get3A_308 = tpu.vector_load %arg13[%get3A_306, %get3A_307] {strides = array<i32>} : memref<128x192xf32, #tpu.memory_space<vmem>>, vector<16xf32>,
        %get3A_309 = arith.index_cast %add3A_209 : i32 to index
        %get3A_310 = arith.constant 160 : index
        %get3A_311 = tpu.vector_load %arg13[%get3A_309, %get3A_310] {strides = array<i32>} : memref<128x192xf32, #tpu.memory_space<vmem>>, vector<16xf32>,
        %get3A_312 = arith.index_cast %add3A_209 : i32 to index
        %get3A_313 = arith.constant 32 : index
        %get3A_314 = tpu.vector_load %arg14[%get3A_312, %get3A_313] {strides = array<i32>} : memref<128x192xf32, #tpu.memory_space<vmem>>, vector<16xf32>,
        %get3A_315 = arith.index_cast %add3A_209 : i32 to index
        %get3A_316 = arith.constant 96 : index
        %get3A_317 = tpu.vector_load %arg14[%get3A_315, %get3A_316] {strides = array<i32>} : memref<128x192xf32, #tpu.memory_space<vmem>>, vector<16xf32>,
        %get3A_318 = arith.index_cast %add3A_209 : i32 to index
        %get3A_319 = arith.constant 160 : index
        %get3A_320 = tpu.vector_load %arg14[%get3A_318, %get3A_319] {strides = array<i32>} : memref<128x192xf32, #tpu.memory_space<vmem>>, vector<16xf32>,
        %mul3A_321 = arith.mulf %get3A_294, %get3A_305 : vector<16xf32>
        %mul3A_322 = arith.mulf %get3A_297, %get3A_308 : vector<16xf32>
        %add3A_323 = arith.addf %mul3A_321, %mul3A_322 : vector<16xf32>
        %mul3A_324 = arith.mulf %gather3A_302, %get3A_311 : vector<16xf32>
        %add3A_325 = arith.addf %add3A_323, %mul3A_324 : vector<16xf32>
        %abs3A_326 = math.absf %add3A_325 : vector<16xf32>
        %add3A_327 = arith.addf %get3A_314, %get3A_317 : vector<16xf32>
        %add3A_328 = arith.addf %add3A_327, %get3A_320 : vector<16xf32>
        %abs3A_329 = math.absf %add3A_328 : vector<16xf32>
        %get3A_330 = arith.index_cast %add3A_209 : i32 to index
        %get3A_331 = arith.constant 48 : index
        %get3A_332 = tpu.vector_load %arg11[%get3A_330, %get3A_331] {strides = array<i32>} : memref<128x128xf32, #tpu.memory_space<vmem>>, vector<16xf32>,
        %get3A_333 = arith.index_cast %add3A_209 : i32 to index
        %get3A_334 = arith.constant 112 : index
        %get3A_335 = tpu.vector_load %arg11[%get3A_333, %get3A_334] {strides = array<i32>} : memref<128x128xf32, #tpu.memory_space<vmem>>, vector<16xf32>,
        %add3A_336 = arith.constant 48 : i32
        %add3A_337 = vector.broadcast %add3A_336 : i32 to vector<16xi32>
        %add3A_338 = arith.addi %iota3A, %add3A_337 : vector<16xi32>
        %add3A_339 = arith.addi %add3A_338, %gather3A_213 : vector<16xi32>
        %gather3A_340 = tpu.vector_load_idx %arg12[%add3A_215, %add3A_339] : memref<128x128xf32, #tpu.memory_space<vmem>>[vector<16xi32>, vector<16xi32>], vector<16xf32>,
        %get3A_341 = arith.index_cast %add3A_209 : i32 to index
        %get3A_342 = arith.constant 48 : index
        %get3A_343 = tpu.vector_load %arg13[%get3A_341, %get3A_342] {strides = array<i32>} : memref<128x192xf32, #tpu.memory_space<vmem>>, vector<16xf32>,
        %get3A_344 = arith.index_cast %add3A_209 : i32 to index
        %get3A_345 = arith.constant 112 : index
        %get3A_346 = tpu.vector_load %arg13[%get3A_344, %get3A_345] {strides = array<i32>} : memref<128x192xf32, #tpu.memory_space<vmem>>, vector<16xf32>,
        %get3A_347 = arith.index_cast %add3A_209 : i32 to index
        %get3A_348 = arith.constant 176 : index
        %get3A_349 = tpu.vector_load %arg13[%get3A_347, %get3A_348] {strides = array<i32>} : memref<128x192xf32, #tpu.memory_space<vmem>>, vector<16xf32>,
        %get3A_350 = arith.index_cast %add3A_209 : i32 to index
        %get3A_351 = arith.constant 48 : index
        %get3A_352 = tpu.vector_load %arg14[%get3A_350, %get3A_351] {strides = array<i32>} : memref<128x192xf32, #tpu.memory_space<vmem>>, vector<16xf32>,
        %get3A_353 = arith.index_cast %add3A_209 : i32 to index
        %get3A_354 = arith.constant 112 : index
        %get3A_355 = tpu.vector_load %arg14[%get3A_353, %get3A_354] {strides = array<i32>} : memref<128x192xf32, #tpu.memory_space<vmem>>, vector<16xf32>,
        %get3A_356 = arith.index_cast %add3A_209 : i32 to index
        %get3A_357 = arith.constant 176 : index
        %get3A_358 = tpu.vector_load %arg14[%get3A_356, %get3A_357] {strides = array<i32>} : memref<128x192xf32, #tpu.memory_space<vmem>>, vector<16xf32>,
        %mul3A_359 = arith.mulf %get3A_332, %get3A_343 : vector<16xf32>
        %mul3A_360 = arith.mulf %get3A_335, %get3A_346 : vector<16xf32>
        %add3A_361 = arith.addf %mul3A_359, %mul3A_360 : vector<16xf32>
        %mul3A_362 = arith.mulf %gather3A_340, %get3A_349 : vector<16xf32>
        %add3A_363 = arith.addf %add3A_361, %mul3A_362 : vector<16xf32>
        %abs3A_364 = math.absf %add3A_363 : vector<16xf32>
        %add3A_365 = arith.addf %get3A_352, %get3A_355 : vector<16xf32>
        %add3A_366 = arith.addf %add3A_365, %get3A_358 : vector<16xf32>
        %abs3A_367 = math.absf %add3A_366 : vector<16xf32>
        %add3A_368 = arith.addf %abs3A_250, %abs3A_288 : vector<16xf32>
        %add3A_369 = arith.addf %abs3A_326, %abs3A_364 : vector<16xf32>
        %add3A_370 = arith.addf %add3A_368, %add3A_369 : vector<16xf32>
        %swap3A_371 = arith.constant 16 : index
        %swap3A_372 = tpu.vector_load %arg16[%swap3A_371] {strides = array<i32>} : memref<256xf32, #tpu.memory_space<vmem>>, vector<16xf32>,
        tpu.vector_store %arg16[%swap3A_371], %add3A_370 {strides = array<i32>} : memref<256xf32, #tpu.memory_space<vmem>>, vector<16xf32>,
        %add3A_373 = arith.addf %abs3A_253, %abs3A_291 : vector<16xf32>
        %add3A_374 = arith.addf %abs3A_329, %abs3A_367 : vector<16xf32>
        %add3A_375 = arith.addf %add3A_373, %add3A_374 : vector<16xf32>
        %swap3A_376 = arith.constant 16 : index
        %swap3A_377 = tpu.vector_load %arg17[%swap3A_376] {strides = array<i32>} : memref<256xf32, #tpu.memory_space<vmem>>, vector<16xf32>,
        tpu.vector_store %arg17[%swap3A_376], %add3A_375 {strides = array<i32>} : memref<256xf32, #tpu.memory_space<vmem>>, vector<16xf32>,
        %add3A_378 = arith.constant 2 : i32
        %add3A_379 = arith.addi %mul3A_40, %add3A_378 : i32
        %add3A_380 = arith.addi %mul3A_16, %add3A_379 : i32
        %add3A_381 = vector.broadcast %add3A_380 : i32 to vector<16xi32>
        %add3A_382 = arith.addi %broadcast_in_dim3A_41, %add3A_381 : vector<16xi32>
        %gather3A_383 = tpu.vector_load_idx %arg10[%add3A_382] : memref<512xi32, #tpu.memory_space<vmem>>[vector<16xi32>], vector<16xi32>,
        %add3A_384 = vector.broadcast %add3A_379 : i32 to vector<16xi32>
        %add3A_385 = arith.addi %broadcast_in_dim3A_41, %add3A_384 : vector<16xi32>
        %get3A_386 = arith.index_cast %add3A_379 : i32 to index
        %get3A_387 = arith.constant 0 : index
        %get3A_388 = tpu.vector_load %arg11[%get3A_386, %get3A_387] {strides = array<i32>} : memref<128x128xf32, #tpu.memory_space<vmem>>, vector<16xf32>,
        %get3A_389 = arith.index_cast %add3A_379 : i32 to index
        %get3A_390 = arith.constant 64 : index
        %get3A_391 = tpu.vector_load %arg11[%get3A_389, %get3A_390] {strides = array<i32>} : memref<128x128xf32, #tpu.memory_space<vmem>>, vector<16xf32>,
        %add3A_392 = arith.constant 0 : i32
        %add3A_393 = vector.broadcast %add3A_392 : i32 to vector<16xi32>
        %add3A_394 = arith.addi %iota3A, %add3A_393 : vector<16xi32>
        %add3A_395 = arith.addi %add3A_394, %gather3A_383 : vector<16xi32>
        %gather3A_396 = tpu.vector_load_idx %arg12[%add3A_385, %add3A_395] : memref<128x128xf32, #tpu.memory_space<vmem>>[vector<16xi32>, vector<16xi32>], vector<16xf32>,
        %get3A_397 = arith.index_cast %add3A_379 : i32 to index
        %get3A_398 = arith.constant 0 : index
        %get3A_399 = tpu.vector_load %arg13[%get3A_397, %get3A_398] {strides = array<i32>} : memref<128x192xf32, #tpu.memory_space<vmem>>, vector<16xf32>,
        %get3A_400 = arith.index_cast %add3A_379 : i32 to index
        %get3A_401 = arith.constant 64 : index
        %get3A_402 = tpu.vector_load %arg13[%get3A_400, %get3A_401] {strides = array<i32>} : memref<128x192xf32, #tpu.memory_space<vmem>>, vector<16xf32>,
        %get3A_403 = arith.index_cast %add3A_379 : i32 to index
        %get3A_404 = arith.constant 128 : index
        %get3A_405 = tpu.vector_load %arg13[%get3A_403, %get3A_404] {strides = array<i32>} : memref<128x192xf32, #tpu.memory_space<vmem>>, vector<16xf32>,
        %get3A_406 = arith.index_cast %add3A_379 : i32 to index
        %get3A_407 = arith.constant 0 : index
        %get3A_408 = tpu.vector_load %arg14[%get3A_406, %get3A_407] {strides = array<i32>} : memref<128x192xf32, #tpu.memory_space<vmem>>, vector<16xf32>,
        %get3A_409 = arith.index_cast %add3A_379 : i32 to index
        %get3A_410 = arith.constant 64 : index
        %get3A_411 = tpu.vector_load %arg14[%get3A_409, %get3A_410] {strides = array<i32>} : memref<128x192xf32, #tpu.memory_space<vmem>>, vector<16xf32>,
        %get3A_412 = arith.index_cast %add3A_379 : i32 to index
        %get3A_413 = arith.constant 128 : index
        %get3A_414 = tpu.vector_load %arg14[%get3A_412, %get3A_413] {strides = array<i32>} : memref<128x192xf32, #tpu.memory_space<vmem>>, vector<16xf32>,
        %mul3A_415 = arith.mulf %get3A_388, %get3A_399 : vector<16xf32>
        %mul3A_416 = arith.mulf %get3A_391, %get3A_402 : vector<16xf32>
        %add3A_417 = arith.addf %mul3A_415, %mul3A_416 : vector<16xf32>
        %mul3A_418 = arith.mulf %gather3A_396, %get3A_405 : vector<16xf32>
        %add3A_419 = arith.addf %add3A_417, %mul3A_418 : vector<16xf32>
        %abs3A_420 = math.absf %add3A_419 : vector<16xf32>
        %add3A_421 = arith.addf %get3A_408, %get3A_411 : vector<16xf32>
        %add3A_422 = arith.addf %add3A_421, %get3A_414 : vector<16xf32>
        %abs3A_423 = math.absf %add3A_422 : vector<16xf32>
        %get3A_424 = arith.index_cast %add3A_379 : i32 to index
        %get3A_425 = arith.constant 16 : index
        %get3A_426 = tpu.vector_load %arg11[%get3A_424, %get3A_425] {strides = array<i32>} : memref<128x128xf32, #tpu.memory_space<vmem>>, vector<16xf32>,
        %get3A_427 = arith.index_cast %add3A_379 : i32 to index
        %get3A_428 = arith.constant 80 : index
        %get3A_429 = tpu.vector_load %arg11[%get3A_427, %get3A_428] {strides = array<i32>} : memref<128x128xf32, #tpu.memory_space<vmem>>, vector<16xf32>,
        %add3A_430 = arith.constant 16 : i32
        %add3A_431 = vector.broadcast %add3A_430 : i32 to vector<16xi32>
        %add3A_432 = arith.addi %iota3A, %add3A_431 : vector<16xi32>
        %add3A_433 = arith.addi %add3A_432, %gather3A_383 : vector<16xi32>
        %gather3A_434 = tpu.vector_load_idx %arg12[%add3A_385, %add3A_433] : memref<128x128xf32, #tpu.memory_space<vmem>>[vector<16xi32>, vector<16xi32>], vector<16xf32>,
        %get3A_435 = arith.index_cast %add3A_379 : i32 to index
        %get3A_436 = arith.constant 16 : index
        %get3A_437 = tpu.vector_load %arg13[%get3A_435, %get3A_436] {strides = array<i32>} : memref<128x192xf32, #tpu.memory_space<vmem>>, vector<16xf32>,
        %get3A_438 = arith.index_cast %add3A_379 : i32 to index
        %get3A_439 = arith.constant 80 : index
        %get3A_440 = tpu.vector_load %arg13[%get3A_438, %get3A_439] {strides = array<i32>} : memref<128x192xf32, #tpu.memory_space<vmem>>, vector<16xf32>,
        %get3A_441 = arith.index_cast %add3A_379 : i32 to index
        %get3A_442 = arith.constant 144 : index
        %get3A_443 = tpu.vector_load %arg13[%get3A_441, %get3A_442] {strides = array<i32>} : memref<128x192xf32, #tpu.memory_space<vmem>>, vector<16xf32>,
        %get3A_444 = arith.index_cast %add3A_379 : i32 to index
        %get3A_445 = arith.constant 16 : index
        %get3A_446 = tpu.vector_load %arg14[%get3A_444, %get3A_445] {strides = array<i32>} : memref<128x192xf32, #tpu.memory_space<vmem>>, vector<16xf32>,
        %get3A_447 = arith.index_cast %add3A_379 : i32 to index
        %get3A_448 = arith.constant 80 : index
        %get3A_449 = tpu.vector_load %arg14[%get3A_447, %get3A_448] {strides = array<i32>} : memref<128x192xf32, #tpu.memory_space<vmem>>, vector<16xf32>,
        %get3A_450 = arith.index_cast %add3A_379 : i32 to index
        %get3A_451 = arith.constant 144 : index
        %get3A_452 = tpu.vector_load %arg14[%get3A_450, %get3A_451] {strides = array<i32>} : memref<128x192xf32, #tpu.memory_space<vmem>>, vector<16xf32>,
        %mul3A_453 = arith.mulf %get3A_426, %get3A_437 : vector<16xf32>
        %mul3A_454 = arith.mulf %get3A_429, %get3A_440 : vector<16xf32>
        %add3A_455 = arith.addf %mul3A_453, %mul3A_454 : vector<16xf32>
        %mul3A_456 = arith.mulf %gather3A_434, %get3A_443 : vector<16xf32>
        %add3A_457 = arith.addf %add3A_455, %mul3A_456 : vector<16xf32>
        %abs3A_458 = math.absf %add3A_457 : vector<16xf32>
        %add3A_459 = arith.addf %get3A_446, %get3A_449 : vector<16xf32>
        %add3A_460 = arith.addf %add3A_459, %get3A_452 : vector<16xf32>
        %abs3A_461 = math.absf %add3A_460 : vector<16xf32>
        %get3A_462 = arith.index_cast %add3A_379 : i32 to index
        %get3A_463 = arith.constant 32 : index
        %get3A_464 = tpu.vector_load %arg11[%get3A_462, %get3A_463] {strides = array<i32>} : memref<128x128xf32, #tpu.memory_space<vmem>>, vector<16xf32>,
        %get3A_465 = arith.index_cast %add3A_379 : i32 to index
        %get3A_466 = arith.constant 96 : index
        %get3A_467 = tpu.vector_load %arg11[%get3A_465, %get3A_466] {strides = array<i32>} : memref<128x128xf32, #tpu.memory_space<vmem>>, vector<16xf32>,
        %add3A_468 = arith.constant 32 : i32
        %add3A_469 = vector.broadcast %add3A_468 : i32 to vector<16xi32>
        %add3A_470 = arith.addi %iota3A, %add3A_469 : vector<16xi32>
        %add3A_471 = arith.addi %add3A_470, %gather3A_383 : vector<16xi32>
        %gather3A_472 = tpu.vector_load_idx %arg12[%add3A_385, %add3A_471] : memref<128x128xf32, #tpu.memory_space<vmem>>[vector<16xi32>, vector<16xi32>], vector<16xf32>,
        %get3A_473 = arith.index_cast %add3A_379 : i32 to index
        %get3A_474 = arith.constant 32 : index
        %get3A_475 = tpu.vector_load %arg13[%get3A_473, %get3A_474] {strides = array<i32>} : memref<128x192xf32, #tpu.memory_space<vmem>>, vector<16xf32>,
        %get3A_476 = arith.index_cast %add3A_379 : i32 to index
        %get3A_477 = arith.constant 96 : index
        %get3A_478 = tpu.vector_load %arg13[%get3A_476, %get3A_477] {strides = array<i32>} : memref<128x192xf32, #tpu.memory_space<vmem>>, vector<16xf32>,
        %get3A_479 = arith.index_cast %add3A_379 : i32 to index
        %get3A_480 = arith.constant 160 : index
        %get3A_481 = tpu.vector_load %arg13[%get3A_479, %get3A_480] {strides = array<i32>} : memref<128x192xf32, #tpu.memory_space<vmem>>, vector<16xf32>,
        %get3A_482 = arith.index_cast %add3A_379 : i32 to index
        %get3A_483 = arith.constant 32 : index
        %get3A_484 = tpu.vector_load %arg14[%get3A_482, %get3A_483] {strides = array<i32>} : memref<128x192xf32, #tpu.memory_space<vmem>>, vector<16xf32>,
        %get3A_485 = arith.index_cast %add3A_379 : i32 to index
        %get3A_486 = arith.constant 96 : index
        %get3A_487 = tpu.vector_load %arg14[%get3A_485, %get3A_486] {strides = array<i32>} : memref<128x192xf32, #tpu.memory_space<vmem>>, vector<16xf32>,
        %get3A_488 = arith.index_cast %add3A_379 : i32 to index
        %get3A_489 = arith.constant 160 : index
        %get3A_490 = tpu.vector_load %arg14[%get3A_488, %get3A_489] {strides = array<i32>} : memref<128x192xf32, #tpu.memory_space<vmem>>, vector<16xf32>,
        %mul3A_491 = arith.mulf %get3A_464, %get3A_475 : vector<16xf32>
        %mul3A_492 = arith.mulf %get3A_467, %get3A_478 : vector<16xf32>
        %add3A_493 = arith.addf %mul3A_491, %mul3A_492 : vector<16xf32>
        %mul3A_494 = arith.mulf %gather3A_472, %get3A_481 : vector<16xf32>
        %add3A_495 = arith.addf %add3A_493, %mul3A_494 : vector<16xf32>
        %abs3A_496 = math.absf %add3A_495 : vector<16xf32>
        %add3A_497 = arith.addf %get3A_484, %get3A_487 : vector<16xf32>
        %add3A_498 = arith.addf %add3A_497, %get3A_490 : vector<16xf32>
        %abs3A_499 = math.absf %add3A_498 : vector<16xf32>
        %get3A_500 = arith.index_cast %add3A_379 : i32 to index
        %get3A_501 = arith.constant 48 : index
        %get3A_502 = tpu.vector_load %arg11[%get3A_500, %get3A_501] {strides = array<i32>} : memref<128x128xf32, #tpu.memory_space<vmem>>, vector<16xf32>,
        %get3A_503 = arith.index_cast %add3A_379 : i32 to index
        %get3A_504 = arith.constant 112 : index
        %get3A_505 = tpu.vector_load %arg11[%get3A_503, %get3A_504] {strides = array<i32>} : memref<128x128xf32, #tpu.memory_space<vmem>>, vector<16xf32>,
        %add3A_506 = arith.constant 48 : i32
        %add3A_507 = vector.broadcast %add3A_506 : i32 to vector<16xi32>
        %add3A_508 = arith.addi %iota3A, %add3A_507 : vector<16xi32>
        %add3A_509 = arith.addi %add3A_508, %gather3A_383 : vector<16xi32>
        %gather3A_510 = tpu.vector_load_idx %arg12[%add3A_385, %add3A_509] : memref<128x128xf32, #tpu.memory_space<vmem>>[vector<16xi32>, vector<16xi32>], vector<16xf32>,
        %get3A_511 = arith.index_cast %add3A_379 : i32 to index
        %get3A_512 = arith.constant 48 : index
        %get3A_513 = tpu.vector_load %arg13[%get3A_511, %get3A_512] {strides = array<i32>} : memref<128x192xf32, #tpu.memory_space<vmem>>, vector<16xf32>,
        %get3A_514 = arith.index_cast %add3A_379 : i32 to index
        %get3A_515 = arith.constant 112 : index
        %get3A_516 = tpu.vector_load %arg13[%get3A_514, %get3A_515] {strides = array<i32>} : memref<128x192xf32, #tpu.memory_space<vmem>>, vector<16xf32>,
        %get3A_517 = arith.index_cast %add3A_379 : i32 to index
        %get3A_518 = arith.constant 176 : index
        %get3A_519 = tpu.vector_load %arg13[%get3A_517, %get3A_518] {strides = array<i32>} : memref<128x192xf32, #tpu.memory_space<vmem>>, vector<16xf32>,
        %get3A_520 = arith.index_cast %add3A_379 : i32 to index
        %get3A_521 = arith.constant 48 : index
        %get3A_522 = tpu.vector_load %arg14[%get3A_520, %get3A_521] {strides = array<i32>} : memref<128x192xf32, #tpu.memory_space<vmem>>, vector<16xf32>,
        %get3A_523 = arith.index_cast %add3A_379 : i32 to index
        %get3A_524 = arith.constant 112 : index
        %get3A_525 = tpu.vector_load %arg14[%get3A_523, %get3A_524] {strides = array<i32>} : memref<128x192xf32, #tpu.memory_space<vmem>>, vector<16xf32>,
        %get3A_526 = arith.index_cast %add3A_379 : i32 to index
        %get3A_527 = arith.constant 176 : index
        %get3A_528 = tpu.vector_load %arg14[%get3A_526, %get3A_527] {strides = array<i32>} : memref<128x192xf32, #tpu.memory_space<vmem>>, vector<16xf32>,
        %mul3A_529 = arith.mulf %get3A_502, %get3A_513 : vector<16xf32>
        %mul3A_530 = arith.mulf %get3A_505, %get3A_516 : vector<16xf32>
        %add3A_531 = arith.addf %mul3A_529, %mul3A_530 : vector<16xf32>
        %mul3A_532 = arith.mulf %gather3A_510, %get3A_519 : vector<16xf32>
        %add3A_533 = arith.addf %add3A_531, %mul3A_532 : vector<16xf32>
        %abs3A_534 = math.absf %add3A_533 : vector<16xf32>
        %add3A_535 = arith.addf %get3A_522, %get3A_525 : vector<16xf32>
        %add3A_536 = arith.addf %add3A_535, %get3A_528 : vector<16xf32>
        %abs3A_537 = math.absf %add3A_536 : vector<16xf32>
        %add3A_538 = arith.addf %abs3A_420, %abs3A_458 : vector<16xf32>
        %add3A_539 = arith.addf %abs3A_496, %abs3A_534 : vector<16xf32>
        %add3A_540 = arith.addf %add3A_538, %add3A_539 : vector<16xf32>
        %swap3A_541 = arith.constant 32 : index
        %swap3A_542 = tpu.vector_load %arg16[%swap3A_541] {strides = array<i32>} : memref<256xf32, #tpu.memory_space<vmem>>, vector<16xf32>,
        tpu.vector_store %arg16[%swap3A_541], %add3A_540 {strides = array<i32>} : memref<256xf32, #tpu.memory_space<vmem>>, vector<16xf32>,
        %add3A_543 = arith.addf %abs3A_423, %abs3A_461 : vector<16xf32>
        %add3A_544 = arith.addf %abs3A_499, %abs3A_537 : vector<16xf32>
        %add3A_545 = arith.addf %add3A_543, %add3A_544 : vector<16xf32>
        %swap3A_546 = arith.constant 32 : index
        %swap3A_547 = tpu.vector_load %arg17[%swap3A_546] {strides = array<i32>} : memref<256xf32, #tpu.memory_space<vmem>>, vector<16xf32>,
        tpu.vector_store %arg17[%swap3A_546], %add3A_545 {strides = array<i32>} : memref<256xf32, #tpu.memory_space<vmem>>, vector<16xf32>,
        %add3A_548 = arith.constant 3 : i32
        %add3A_549 = arith.addi %mul3A_40, %add3A_548 : i32
        %add3A_550 = arith.addi %mul3A_16, %add3A_549 : i32
        %add3A_551 = vector.broadcast %add3A_550 : i32 to vector<16xi32>
        %add3A_552 = arith.addi %broadcast_in_dim3A_41, %add3A_551 : vector<16xi32>
        %gather3A_553 = tpu.vector_load_idx %arg10[%add3A_552] : memref<512xi32, #tpu.memory_space<vmem>>[vector<16xi32>], vector<16xi32>,
        %add3A_554 = vector.broadcast %add3A_549 : i32 to vector<16xi32>
        %add3A_555 = arith.addi %broadcast_in_dim3A_41, %add3A_554 : vector<16xi32>
        %get3A_556 = arith.index_cast %add3A_549 : i32 to index
        %get3A_557 = arith.constant 0 : index
        %get3A_558 = tpu.vector_load %arg11[%get3A_556, %get3A_557] {strides = array<i32>} : memref<128x128xf32, #tpu.memory_space<vmem>>, vector<16xf32>,
        %get3A_559 = arith.index_cast %add3A_549 : i32 to index
        %get3A_560 = arith.constant 64 : index
        %get3A_561 = tpu.vector_load %arg11[%get3A_559, %get3A_560] {strides = array<i32>} : memref<128x128xf32, #tpu.memory_space<vmem>>, vector<16xf32>,
        %add3A_562 = arith.constant 0 : i32
        %add3A_563 = vector.broadcast %add3A_562 : i32 to vector<16xi32>
        %add3A_564 = arith.addi %iota3A, %add3A_563 : vector<16xi32>
        %add3A_565 = arith.addi %add3A_564, %gather3A_553 : vector<16xi32>
        %gather3A_566 = tpu.vector_load_idx %arg12[%add3A_555, %add3A_565] : memref<128x128xf32, #tpu.memory_space<vmem>>[vector<16xi32>, vector<16xi32>], vector<16xf32>,
        %get3A_567 = arith.index_cast %add3A_549 : i32 to index
        %get3A_568 = arith.constant 0 : index
        %get3A_569 = tpu.vector_load %arg13[%get3A_567, %get3A_568] {strides = array<i32>} : memref<128x192xf32, #tpu.memory_space<vmem>>, vector<16xf32>,
        %get3A_570 = arith.index_cast %add3A_549 : i32 to index
        %get3A_571 = arith.constant 64 : index
        %get3A_572 = tpu.vector_load %arg13[%get3A_570, %get3A_571] {strides = array<i32>} : memref<128x192xf32, #tpu.memory_space<vmem>>, vector<16xf32>,
        %get3A_573 = arith.index_cast %add3A_549 : i32 to index
        %get3A_574 = arith.constant 128 : index
        %get3A_575 = tpu.vector_load %arg13[%get3A_573, %get3A_574] {strides = array<i32>} : memref<128x192xf32, #tpu.memory_space<vmem>>, vector<16xf32>,
        %get3A_576 = arith.index_cast %add3A_549 : i32 to index
        %get3A_577 = arith.constant 0 : index
        %get3A_578 = tpu.vector_load %arg14[%get3A_576, %get3A_577] {strides = array<i32>} : memref<128x192xf32, #tpu.memory_space<vmem>>, vector<16xf32>,
        %get3A_579 = arith.index_cast %add3A_549 : i32 to index
        %get3A_580 = arith.constant 64 : index
        %get3A_581 = tpu.vector_load %arg14[%get3A_579, %get3A_580] {strides = array<i32>} : memref<128x192xf32, #tpu.memory_space<vmem>>, vector<16xf32>,
        %get3A_582 = arith.index_cast %add3A_549 : i32 to index
        %get3A_583 = arith.constant 128 : index
        %get3A_584 = tpu.vector_load %arg14[%get3A_582, %get3A_583] {strides = array<i32>} : memref<128x192xf32, #tpu.memory_space<vmem>>, vector<16xf32>,
        %mul3A_585 = arith.mulf %get3A_558, %get3A_569 : vector<16xf32>
        %mul3A_586 = arith.mulf %get3A_561, %get3A_572 : vector<16xf32>
        %add3A_587 = arith.addf %mul3A_585, %mul3A_586 : vector<16xf32>
        %mul3A_588 = arith.mulf %gather3A_566, %get3A_575 : vector<16xf32>
        %add3A_589 = arith.addf %add3A_587, %mul3A_588 : vector<16xf32>
        %abs3A_590 = math.absf %add3A_589 : vector<16xf32>
        %add3A_591 = arith.addf %get3A_578, %get3A_581 : vector<16xf32>
        %add3A_592 = arith.addf %add3A_591, %get3A_584 : vector<16xf32>
        %abs3A_593 = math.absf %add3A_592 : vector<16xf32>
        %get3A_594 = arith.index_cast %add3A_549 : i32 to index
        %get3A_595 = arith.constant 16 : index
        %get3A_596 = tpu.vector_load %arg11[%get3A_594, %get3A_595] {strides = array<i32>} : memref<128x128xf32, #tpu.memory_space<vmem>>, vector<16xf32>,
        %get3A_597 = arith.index_cast %add3A_549 : i32 to index
        %get3A_598 = arith.constant 80 : index
        %get3A_599 = tpu.vector_load %arg11[%get3A_597, %get3A_598] {strides = array<i32>} : memref<128x128xf32, #tpu.memory_space<vmem>>, vector<16xf32>,
        %add3A_600 = arith.constant 16 : i32
        %add3A_601 = vector.broadcast %add3A_600 : i32 to vector<16xi32>
        %add3A_602 = arith.addi %iota3A, %add3A_601 : vector<16xi32>
        %add3A_603 = arith.addi %add3A_602, %gather3A_553 : vector<16xi32>
        %gather3A_604 = tpu.vector_load_idx %arg12[%add3A_555, %add3A_603] : memref<128x128xf32, #tpu.memory_space<vmem>>[vector<16xi32>, vector<16xi32>], vector<16xf32>,
        %get3A_605 = arith.index_cast %add3A_549 : i32 to index
        %get3A_606 = arith.constant 16 : index
        %get3A_607 = tpu.vector_load %arg13[%get3A_605, %get3A_606] {strides = array<i32>} : memref<128x192xf32, #tpu.memory_space<vmem>>, vector<16xf32>,
        %get3A_608 = arith.index_cast %add3A_549 : i32 to index
        %get3A_609 = arith.constant 80 : index
        %get3A_610 = tpu.vector_load %arg13[%get3A_608, %get3A_609] {strides = array<i32>} : memref<128x192xf32, #tpu.memory_space<vmem>>, vector<16xf32>,
        %get3A_611 = arith.index_cast %add3A_549 : i32 to index
        %get3A_612 = arith.constant 144 : index
        %get3A_613 = tpu.vector_load %arg13[%get3A_611, %get3A_612] {strides = array<i32>} : memref<128x192xf32, #tpu.memory_space<vmem>>, vector<16xf32>,
        %get3A_614 = arith.index_cast %add3A_549 : i32 to index
        %get3A_615 = arith.constant 16 : index
        %get3A_616 = tpu.vector_load %arg14[%get3A_614, %get3A_615] {strides = array<i32>} : memref<128x192xf32, #tpu.memory_space<vmem>>, vector<16xf32>,
        %get3A_617 = arith.index_cast %add3A_549 : i32 to index
        %get3A_618 = arith.constant 80 : index
        %get3A_619 = tpu.vector_load %arg14[%get3A_617, %get3A_618] {strides = array<i32>} : memref<128x192xf32, #tpu.memory_space<vmem>>, vector<16xf32>,
        %get3A_620 = arith.index_cast %add3A_549 : i32 to index
        %get3A_621 = arith.constant 144 : index
        %get3A_622 = tpu.vector_load %arg14[%get3A_620, %get3A_621] {strides = array<i32>} : memref<128x192xf32, #tpu.memory_space<vmem>>, vector<16xf32>,
        %mul3A_623 = arith.mulf %get3A_596, %get3A_607 : vector<16xf32>
        %mul3A_624 = arith.mulf %get3A_599, %get3A_610 : vector<16xf32>
        %add3A_625 = arith.addf %mul3A_623, %mul3A_624 : vector<16xf32>
        %mul3A_626 = arith.mulf %gather3A_604, %get3A_613 : vector<16xf32>
        %add3A_627 = arith.addf %add3A_625, %mul3A_626 : vector<16xf32>
        %abs3A_628 = math.absf %add3A_627 : vector<16xf32>
        %add3A_629 = arith.addf %get3A_616, %get3A_619 : vector<16xf32>
        %add3A_630 = arith.addf %add3A_629, %get3A_622 : vector<16xf32>
        %abs3A_631 = math.absf %add3A_630 : vector<16xf32>
        %get3A_632 = arith.index_cast %add3A_549 : i32 to index
        %get3A_633 = arith.constant 32 : index
        %get3A_634 = tpu.vector_load %arg11[%get3A_632, %get3A_633] {strides = array<i32>} : memref<128x128xf32, #tpu.memory_space<vmem>>, vector<16xf32>,
        %get3A_635 = arith.index_cast %add3A_549 : i32 to index
        %get3A_636 = arith.constant 96 : index
        %get3A_637 = tpu.vector_load %arg11[%get3A_635, %get3A_636] {strides = array<i32>} : memref<128x128xf32, #tpu.memory_space<vmem>>, vector<16xf32>,
        %add3A_638 = arith.constant 32 : i32
        %add3A_639 = vector.broadcast %add3A_638 : i32 to vector<16xi32>
        %add3A_640 = arith.addi %iota3A, %add3A_639 : vector<16xi32>
        %add3A_641 = arith.addi %add3A_640, %gather3A_553 : vector<16xi32>
        %gather3A_642 = tpu.vector_load_idx %arg12[%add3A_555, %add3A_641] : memref<128x128xf32, #tpu.memory_space<vmem>>[vector<16xi32>, vector<16xi32>], vector<16xf32>,
        %get3A_643 = arith.index_cast %add3A_549 : i32 to index
        %get3A_644 = arith.constant 32 : index
        %get3A_645 = tpu.vector_load %arg13[%get3A_643, %get3A_644] {strides = array<i32>} : memref<128x192xf32, #tpu.memory_space<vmem>>, vector<16xf32>,
        %get3A_646 = arith.index_cast %add3A_549 : i32 to index
        %get3A_647 = arith.constant 96 : index
        %get3A_648 = tpu.vector_load %arg13[%get3A_646, %get3A_647] {strides = array<i32>} : memref<128x192xf32, #tpu.memory_space<vmem>>, vector<16xf32>,
        %get3A_649 = arith.index_cast %add3A_549 : i32 to index
        %get3A_650 = arith.constant 160 : index
        %get3A_651 = tpu.vector_load %arg13[%get3A_649, %get3A_650] {strides = array<i32>} : memref<128x192xf32, #tpu.memory_space<vmem>>, vector<16xf32>,
        %get3A_652 = arith.index_cast %add3A_549 : i32 to index
        %get3A_653 = arith.constant 32 : index
        %get3A_654 = tpu.vector_load %arg14[%get3A_652, %get3A_653] {strides = array<i32>} : memref<128x192xf32, #tpu.memory_space<vmem>>, vector<16xf32>,
        %get3A_655 = arith.index_cast %add3A_549 : i32 to index
        %get3A_656 = arith.constant 96 : index
        %get3A_657 = tpu.vector_load %arg14[%get3A_655, %get3A_656] {strides = array<i32>} : memref<128x192xf32, #tpu.memory_space<vmem>>, vector<16xf32>,
        %get3A_658 = arith.index_cast %add3A_549 : i32 to index
        %get3A_659 = arith.constant 160 : index
        %get3A_660 = tpu.vector_load %arg14[%get3A_658, %get3A_659] {strides = array<i32>} : memref<128x192xf32, #tpu.memory_space<vmem>>, vector<16xf32>,
        %mul3A_661 = arith.mulf %get3A_634, %get3A_645 : vector<16xf32>
        %mul3A_662 = arith.mulf %get3A_637, %get3A_648 : vector<16xf32>
        %add3A_663 = arith.addf %mul3A_661, %mul3A_662 : vector<16xf32>
        %mul3A_664 = arith.mulf %gather3A_642, %get3A_651 : vector<16xf32>
        %add3A_665 = arith.addf %add3A_663, %mul3A_664 : vector<16xf32>
        %abs3A_666 = math.absf %add3A_665 : vector<16xf32>
        %add3A_667 = arith.addf %get3A_654, %get3A_657 : vector<16xf32>
        %add3A_668 = arith.addf %add3A_667, %get3A_660 : vector<16xf32>
        %abs3A_669 = math.absf %add3A_668 : vector<16xf32>
        %get3A_670 = arith.index_cast %add3A_549 : i32 to index
        %get3A_671 = arith.constant 48 : index
        %get3A_672 = tpu.vector_load %arg11[%get3A_670, %get3A_671] {strides = array<i32>} : memref<128x128xf32, #tpu.memory_space<vmem>>, vector<16xf32>,
        %get3A_673 = arith.index_cast %add3A_549 : i32 to index
        %get3A_674 = arith.constant 112 : index
        %get3A_675 = tpu.vector_load %arg11[%get3A_673, %get3A_674] {strides = array<i32>} : memref<128x128xf32, #tpu.memory_space<vmem>>, vector<16xf32>,
        %add3A_676 = arith.constant 48 : i32
        %add3A_677 = vector.broadcast %add3A_676 : i32 to vector<16xi32>
        %add3A_678 = arith.addi %iota3A, %add3A_677 : vector<16xi32>
        %add3A_679 = arith.addi %add3A_678, %gather3A_553 : vector<16xi32>
        %gather3A_680 = tpu.vector_load_idx %arg12[%add3A_555, %add3A_679] : memref<128x128xf32, #tpu.memory_space<vmem>>[vector<16xi32>, vector<16xi32>], vector<16xf32>,
        %get3A_681 = arith.index_cast %add3A_549 : i32 to index
        %get3A_682 = arith.constant 48 : index
        %get3A_683 = tpu.vector_load %arg13[%get3A_681, %get3A_682] {strides = array<i32>} : memref<128x192xf32, #tpu.memory_space<vmem>>, vector<16xf32>,
        %get3A_684 = arith.index_cast %add3A_549 : i32 to index
        %get3A_685 = arith.constant 112 : index
        %get3A_686 = tpu.vector_load %arg13[%get3A_684, %get3A_685] {strides = array<i32>} : memref<128x192xf32, #tpu.memory_space<vmem>>, vector<16xf32>,
        %get3A_687 = arith.index_cast %add3A_549 : i32 to index
        %get3A_688 = arith.constant 176 : index
        %get3A_689 = tpu.vector_load %arg13[%get3A_687, %get3A_688] {strides = array<i32>} : memref<128x192xf32, #tpu.memory_space<vmem>>, vector<16xf32>,
        %get3A_690 = arith.index_cast %add3A_549 : i32 to index
        %get3A_691 = arith.constant 48 : index
        %get3A_692 = tpu.vector_load %arg14[%get3A_690, %get3A_691] {strides = array<i32>} : memref<128x192xf32, #tpu.memory_space<vmem>>, vector<16xf32>,
        %get3A_693 = arith.index_cast %add3A_549 : i32 to index
        %get3A_694 = arith.constant 112 : index
        %get3A_695 = tpu.vector_load %arg14[%get3A_693, %get3A_694] {strides = array<i32>} : memref<128x192xf32, #tpu.memory_space<vmem>>, vector<16xf32>,
        %get3A_696 = arith.index_cast %add3A_549 : i32 to index
        %get3A_697 = arith.constant 176 : index
        %get3A_698 = tpu.vector_load %arg14[%get3A_696, %get3A_697] {strides = array<i32>} : memref<128x192xf32, #tpu.memory_space<vmem>>, vector<16xf32>,
        %mul3A_699 = arith.mulf %get3A_672, %get3A_683 : vector<16xf32>
        %mul3A_700 = arith.mulf %get3A_675, %get3A_686 : vector<16xf32>
        %add3A_701 = arith.addf %mul3A_699, %mul3A_700 : vector<16xf32>
        %mul3A_702 = arith.mulf %gather3A_680, %get3A_689 : vector<16xf32>
        %add3A_703 = arith.addf %add3A_701, %mul3A_702 : vector<16xf32>
        %abs3A_704 = math.absf %add3A_703 : vector<16xf32>
        %add3A_705 = arith.addf %get3A_692, %get3A_695 : vector<16xf32>
        %add3A_706 = arith.addf %add3A_705, %get3A_698 : vector<16xf32>
        %abs3A_707 = math.absf %add3A_706 : vector<16xf32>
        %add3A_708 = arith.addf %abs3A_590, %abs3A_628 : vector<16xf32>
        %add3A_709 = arith.addf %abs3A_666, %abs3A_704 : vector<16xf32>
        %add3A_710 = arith.addf %add3A_708, %add3A_709 : vector<16xf32>
        %swap3A_711 = arith.constant 48 : index
        %swap3A_712 = tpu.vector_load %arg16[%swap3A_711] {strides = array<i32>} : memref<256xf32, #tpu.memory_space<vmem>>, vector<16xf32>,
        tpu.vector_store %arg16[%swap3A_711], %add3A_710 {strides = array<i32>} : memref<256xf32, #tpu.memory_space<vmem>>, vector<16xf32>,
        %add3A_713 = arith.addf %abs3A_593, %abs3A_631 : vector<16xf32>
        %add3A_714 = arith.addf %abs3A_669, %abs3A_707 : vector<16xf32>
        %add3A_715 = arith.addf %add3A_713, %add3A_714 : vector<16xf32>
        %swap3A_716 = arith.constant 48 : index
        %swap3A_717 = tpu.vector_load %arg17[%swap3A_716] {strides = array<i32>} : memref<256xf32, #tpu.memory_space<vmem>>, vector<16xf32>,
        tpu.vector_store %arg17[%swap3A_716], %add3A_715 {strides = array<i32>} : memref<256xf32, #tpu.memory_space<vmem>>, vector<16xf32>,
        %add3A_718 = arith.constant 4 : i32
        %add3A_719 = arith.addi %mul3A_40, %add3A_718 : i32
        %add3A_720 = arith.addi %mul3A_16, %add3A_719 : i32
        %add3A_721 = vector.broadcast %add3A_720 : i32 to vector<16xi32>
        %add3A_722 = arith.addi %broadcast_in_dim3A_41, %add3A_721 : vector<16xi32>
        %gather3A_723 = tpu.vector_load_idx %arg10[%add3A_722] : memref<512xi32, #tpu.memory_space<vmem>>[vector<16xi32>], vector<16xi32>,
        %add3A_724 = vector.broadcast %add3A_719 : i32 to vector<16xi32>
        %add3A_725 = arith.addi %broadcast_in_dim3A_41, %add3A_724 : vector<16xi32>
        %get3A_726 = arith.index_cast %add3A_719 : i32 to index
        %get3A_727 = arith.constant 0 : index
        %get3A_728 = tpu.vector_load %arg11[%get3A_726, %get3A_727] {strides = array<i32>} : memref<128x128xf32, #tpu.memory_space<vmem>>, vector<16xf32>,
        %get3A_729 = arith.index_cast %add3A_719 : i32 to index
        %get3A_730 = arith.constant 64 : index
        %get3A_731 = tpu.vector_load %arg11[%get3A_729, %get3A_730] {strides = array<i32>} : memref<128x128xf32, #tpu.memory_space<vmem>>, vector<16xf32>,
        %add3A_732 = arith.constant 0 : i32
        %add3A_733 = vector.broadcast %add3A_732 : i32 to vector<16xi32>
        %add3A_734 = arith.addi %iota3A, %add3A_733 : vector<16xi32>
        %add3A_735 = arith.addi %add3A_734, %gather3A_723 : vector<16xi32>
        %gather3A_736 = tpu.vector_load_idx %arg12[%add3A_725, %add3A_735] : memref<128x128xf32, #tpu.memory_space<vmem>>[vector<16xi32>, vector<16xi32>], vector<16xf32>,
        %get3A_737 = arith.index_cast %add3A_719 : i32 to index
        %get3A_738 = arith.constant 0 : index
        %get3A_739 = tpu.vector_load %arg13[%get3A_737, %get3A_738] {strides = array<i32>} : memref<128x192xf32, #tpu.memory_space<vmem>>, vector<16xf32>,
        %get3A_740 = arith.index_cast %add3A_719 : i32 to index
        %get3A_741 = arith.constant 64 : index
        %get3A_742 = tpu.vector_load %arg13[%get3A_740, %get3A_741] {strides = array<i32>} : memref<128x192xf32, #tpu.memory_space<vmem>>, vector<16xf32>,
        %get3A_743 = arith.index_cast %add3A_719 : i32 to index
        %get3A_744 = arith.constant 128 : index
        %get3A_745 = tpu.vector_load %arg13[%get3A_743, %get3A_744] {strides = array<i32>} : memref<128x192xf32, #tpu.memory_space<vmem>>, vector<16xf32>,
        %get3A_746 = arith.index_cast %add3A_719 : i32 to index
        %get3A_747 = arith.constant 0 : index
        %get3A_748 = tpu.vector_load %arg14[%get3A_746, %get3A_747] {strides = array<i32>} : memref<128x192xf32, #tpu.memory_space<vmem>>, vector<16xf32>,
        %get3A_749 = arith.index_cast %add3A_719 : i32 to index
        %get3A_750 = arith.constant 64 : index
        %get3A_751 = tpu.vector_load %arg14[%get3A_749, %get3A_750] {strides = array<i32>} : memref<128x192xf32, #tpu.memory_space<vmem>>, vector<16xf32>,
        %get3A_752 = arith.index_cast %add3A_719 : i32 to index
        %get3A_753 = arith.constant 128 : index
        %get3A_754 = tpu.vector_load %arg14[%get3A_752, %get3A_753] {strides = array<i32>} : memref<128x192xf32, #tpu.memory_space<vmem>>, vector<16xf32>,
        %mul3A_755 = arith.mulf %get3A_728, %get3A_739 : vector<16xf32>
        %mul3A_756 = arith.mulf %get3A_731, %get3A_742 : vector<16xf32>
        %add3A_757 = arith.addf %mul3A_755, %mul3A_756 : vector<16xf32>
        %mul3A_758 = arith.mulf %gather3A_736, %get3A_745 : vector<16xf32>
        %add3A_759 = arith.addf %add3A_757, %mul3A_758 : vector<16xf32>
        %abs3A_760 = math.absf %add3A_759 : vector<16xf32>
        %add3A_761 = arith.addf %get3A_748, %get3A_751 : vector<16xf32>
        %add3A_762 = arith.addf %add3A_761, %get3A_754 : vector<16xf32>
        %abs3A_763 = math.absf %add3A_762 : vector<16xf32>
        %get3A_764 = arith.index_cast %add3A_719 : i32 to index
        %get3A_765 = arith.constant 16 : index
        %get3A_766 = tpu.vector_load %arg11[%get3A_764, %get3A_765] {strides = array<i32>} : memref<128x128xf32, #tpu.memory_space<vmem>>, vector<16xf32>,
        %get3A_767 = arith.index_cast %add3A_719 : i32 to index
        %get3A_768 = arith.constant 80 : index
        %get3A_769 = tpu.vector_load %arg11[%get3A_767, %get3A_768] {strides = array<i32>} : memref<128x128xf32, #tpu.memory_space<vmem>>, vector<16xf32>,
        %add3A_770 = arith.constant 16 : i32
        %add3A_771 = vector.broadcast %add3A_770 : i32 to vector<16xi32>
        %add3A_772 = arith.addi %iota3A, %add3A_771 : vector<16xi32>
        %add3A_773 = arith.addi %add3A_772, %gather3A_723 : vector<16xi32>
        %gather3A_774 = tpu.vector_load_idx %arg12[%add3A_725, %add3A_773] : memref<128x128xf32, #tpu.memory_space<vmem>>[vector<16xi32>, vector<16xi32>], vector<16xf32>,
        %get3A_775 = arith.index_cast %add3A_719 : i32 to index
        %get3A_776 = arith.constant 16 : index
        %get3A_777 = tpu.vector_load %arg13[%get3A_775, %get3A_776] {strides = array<i32>} : memref<128x192xf32, #tpu.memory_space<vmem>>, vector<16xf32>,
        %get3A_778 = arith.index_cast %add3A_719 : i32 to index
        %get3A_779 = arith.constant 80 : index
        %get3A_780 = tpu.vector_load %arg13[%get3A_778, %get3A_779] {strides = array<i32>} : memref<128x192xf32, #tpu.memory_space<vmem>>, vector<16xf32>,
        %get3A_781 = arith.index_cast %add3A_719 : i32 to index
        %get3A_782 = arith.constant 144 : index
        %get3A_783 = tpu.vector_load %arg13[%get3A_781, %get3A_782] {strides = array<i32>} : memref<128x192xf32, #tpu.memory_space<vmem>>, vector<16xf32>,
        %get3A_784 = arith.index_cast %add3A_719 : i32 to index
        %get3A_785 = arith.constant 16 : index
        %get3A_786 = tpu.vector_load %arg14[%get3A_784, %get3A_785] {strides = array<i32>} : memref<128x192xf32, #tpu.memory_space<vmem>>, vector<16xf32>,
        %get3A_787 = arith.index_cast %add3A_719 : i32 to index
        %get3A_788 = arith.constant 80 : index
        %get3A_789 = tpu.vector_load %arg14[%get3A_787, %get3A_788] {strides = array<i32>} : memref<128x192xf32, #tpu.memory_space<vmem>>, vector<16xf32>,
        %get3A_790 = arith.index_cast %add3A_719 : i32 to index
        %get3A_791 = arith.constant 144 : index
        %get3A_792 = tpu.vector_load %arg14[%get3A_790, %get3A_791] {strides = array<i32>} : memref<128x192xf32, #tpu.memory_space<vmem>>, vector<16xf32>,
        %mul3A_793 = arith.mulf %get3A_766, %get3A_777 : vector<16xf32>
        %mul3A_794 = arith.mulf %get3A_769, %get3A_780 : vector<16xf32>
        %add3A_795 = arith.addf %mul3A_793, %mul3A_794 : vector<16xf32>
        %mul3A_796 = arith.mulf %gather3A_774, %get3A_783 : vector<16xf32>
        %add3A_797 = arith.addf %add3A_795, %mul3A_796 : vector<16xf32>
        %abs3A_798 = math.absf %add3A_797 : vector<16xf32>
        %add3A_799 = arith.addf %get3A_786, %get3A_789 : vector<16xf32>
        %add3A_800 = arith.addf %add3A_799, %get3A_792 : vector<16xf32>
        %abs3A_801 = math.absf %add3A_800 : vector<16xf32>
        %get3A_802 = arith.index_cast %add3A_719 : i32 to index
        %get3A_803 = arith.constant 32 : index
        %get3A_804 = tpu.vector_load %arg11[%get3A_802, %get3A_803] {strides = array<i32>} : memref<128x128xf32, #tpu.memory_space<vmem>>, vector<16xf32>,
        %get3A_805 = arith.index_cast %add3A_719 : i32 to index
        %get3A_806 = arith.constant 96 : index
        %get3A_807 = tpu.vector_load %arg11[%get3A_805, %get3A_806] {strides = array<i32>} : memref<128x128xf32, #tpu.memory_space<vmem>>, vector<16xf32>,
        %add3A_808 = arith.constant 32 : i32
        %add3A_809 = vector.broadcast %add3A_808 : i32 to vector<16xi32>
        %add3A_810 = arith.addi %iota3A, %add3A_809 : vector<16xi32>
        %add3A_811 = arith.addi %add3A_810, %gather3A_723 : vector<16xi32>
        %gather3A_812 = tpu.vector_load_idx %arg12[%add3A_725, %add3A_811] : memref<128x128xf32, #tpu.memory_space<vmem>>[vector<16xi32>, vector<16xi32>], vector<16xf32>,
        %get3A_813 = arith.index_cast %add3A_719 : i32 to index
        %get3A_814 = arith.constant 32 : index
        %get3A_815 = tpu.vector_load %arg13[%get3A_813, %get3A_814] {strides = array<i32>} : memref<128x192xf32, #tpu.memory_space<vmem>>, vector<16xf32>,
        %get3A_816 = arith.index_cast %add3A_719 : i32 to index
        %get3A_817 = arith.constant 96 : index
        %get3A_818 = tpu.vector_load %arg13[%get3A_816, %get3A_817] {strides = array<i32>} : memref<128x192xf32, #tpu.memory_space<vmem>>, vector<16xf32>,
        %get3A_819 = arith.index_cast %add3A_719 : i32 to index
        %get3A_820 = arith.constant 160 : index
        %get3A_821 = tpu.vector_load %arg13[%get3A_819, %get3A_820] {strides = array<i32>} : memref<128x192xf32, #tpu.memory_space<vmem>>, vector<16xf32>,
        %get3A_822 = arith.index_cast %add3A_719 : i32 to index
        %get3A_823 = arith.constant 32 : index
        %get3A_824 = tpu.vector_load %arg14[%get3A_822, %get3A_823] {strides = array<i32>} : memref<128x192xf32, #tpu.memory_space<vmem>>, vector<16xf32>,
        %get3A_825 = arith.index_cast %add3A_719 : i32 to index
        %get3A_826 = arith.constant 96 : index
        %get3A_827 = tpu.vector_load %arg14[%get3A_825, %get3A_826] {strides = array<i32>} : memref<128x192xf32, #tpu.memory_space<vmem>>, vector<16xf32>,
        %get3A_828 = arith.index_cast %add3A_719 : i32 to index
        %get3A_829 = arith.constant 160 : index
        %get3A_830 = tpu.vector_load %arg14[%get3A_828, %get3A_829] {strides = array<i32>} : memref<128x192xf32, #tpu.memory_space<vmem>>, vector<16xf32>,
        %mul3A_831 = arith.mulf %get3A_804, %get3A_815 : vector<16xf32>
        %mul3A_832 = arith.mulf %get3A_807, %get3A_818 : vector<16xf32>
        %add3A_833 = arith.addf %mul3A_831, %mul3A_832 : vector<16xf32>
        %mul3A_834 = arith.mulf %gather3A_812, %get3A_821 : vector<16xf32>
        %add3A_835 = arith.addf %add3A_833, %mul3A_834 : vector<16xf32>
        %abs3A_836 = math.absf %add3A_835 : vector<16xf32>
        %add3A_837 = arith.addf %get3A_824, %get3A_827 : vector<16xf32>
        %add3A_838 = arith.addf %add3A_837, %get3A_830 : vector<16xf32>
        %abs3A_839 = math.absf %add3A_838 : vector<16xf32>
        %get3A_840 = arith.index_cast %add3A_719 : i32 to index
        %get3A_841 = arith.constant 48 : index
        %get3A_842 = tpu.vector_load %arg11[%get3A_840, %get3A_841] {strides = array<i32>} : memref<128x128xf32, #tpu.memory_space<vmem>>, vector<16xf32>,
        %get3A_843 = arith.index_cast %add3A_719 : i32 to index
        %get3A_844 = arith.constant 112 : index
        %get3A_845 = tpu.vector_load %arg11[%get3A_843, %get3A_844] {strides = array<i32>} : memref<128x128xf32, #tpu.memory_space<vmem>>, vector<16xf32>,
        %add3A_846 = arith.constant 48 : i32
        %add3A_847 = vector.broadcast %add3A_846 : i32 to vector<16xi32>
        %add3A_848 = arith.addi %iota3A, %add3A_847 : vector<16xi32>
        %add3A_849 = arith.addi %add3A_848, %gather3A_723 : vector<16xi32>
        %gather3A_850 = tpu.vector_load_idx %arg12[%add3A_725, %add3A_849] : memref<128x128xf32, #tpu.memory_space<vmem>>[vector<16xi32>, vector<16xi32>], vector<16xf32>,
        %get3A_851 = arith.index_cast %add3A_719 : i32 to index
        %get3A_852 = arith.constant 48 : index
        %get3A_853 = tpu.vector_load %arg13[%get3A_851, %get3A_852] {strides = array<i32>} : memref<128x192xf32, #tpu.memory_space<vmem>>, vector<16xf32>,
        %get3A_854 = arith.index_cast %add3A_719 : i32 to index
        %get3A_855 = arith.constant 112 : index
        %get3A_856 = tpu.vector_load %arg13[%get3A_854, %get3A_855] {strides = array<i32>} : memref<128x192xf32, #tpu.memory_space<vmem>>, vector<16xf32>,
        %get3A_857 = arith.index_cast %add3A_719 : i32 to index
        %get3A_858 = arith.constant 176 : index
        %get3A_859 = tpu.vector_load %arg13[%get3A_857, %get3A_858] {strides = array<i32>} : memref<128x192xf32, #tpu.memory_space<vmem>>, vector<16xf32>,
        %get3A_860 = arith.index_cast %add3A_719 : i32 to index
        %get3A_861 = arith.constant 48 : index
        %get3A_862 = tpu.vector_load %arg14[%get3A_860, %get3A_861] {strides = array<i32>} : memref<128x192xf32, #tpu.memory_space<vmem>>, vector<16xf32>,
        %get3A_863 = arith.index_cast %add3A_719 : i32 to index
        %get3A_864 = arith.constant 112 : index
        %get3A_865 = tpu.vector_load %arg14[%get3A_863, %get3A_864] {strides = array<i32>} : memref<128x192xf32, #tpu.memory_space<vmem>>, vector<16xf32>,
        %get3A_866 = arith.index_cast %add3A_719 : i32 to index
        %get3A_867 = arith.constant 176 : index
        %get3A_868 = tpu.vector_load %arg14[%get3A_866, %get3A_867] {strides = array<i32>} : memref<128x192xf32, #tpu.memory_space<vmem>>, vector<16xf32>,
        %mul3A_869 = arith.mulf %get3A_842, %get3A_853 : vector<16xf32>
        %mul3A_870 = arith.mulf %get3A_845, %get3A_856 : vector<16xf32>
        %add3A_871 = arith.addf %mul3A_869, %mul3A_870 : vector<16xf32>
        %mul3A_872 = arith.mulf %gather3A_850, %get3A_859 : vector<16xf32>
        %add3A_873 = arith.addf %add3A_871, %mul3A_872 : vector<16xf32>
        %abs3A_874 = math.absf %add3A_873 : vector<16xf32>
        %add3A_875 = arith.addf %get3A_862, %get3A_865 : vector<16xf32>
        %add3A_876 = arith.addf %add3A_875, %get3A_868 : vector<16xf32>
        %abs3A_877 = math.absf %add3A_876 : vector<16xf32>
        %add3A_878 = arith.addf %abs3A_760, %abs3A_798 : vector<16xf32>
        %add3A_879 = arith.addf %abs3A_836, %abs3A_874 : vector<16xf32>
        %add3A_880 = arith.addf %add3A_878, %add3A_879 : vector<16xf32>
        %swap3A_881 = arith.constant 64 : index
        %swap3A_882 = tpu.vector_load %arg16[%swap3A_881] {strides = array<i32>} : memref<256xf32, #tpu.memory_space<vmem>>, vector<16xf32>,
        tpu.vector_store %arg16[%swap3A_881], %add3A_880 {strides = array<i32>} : memref<256xf32, #tpu.memory_space<vmem>>, vector<16xf32>,
        %add3A_883 = arith.addf %abs3A_763, %abs3A_801 : vector<16xf32>
        %add3A_884 = arith.addf %abs3A_839, %abs3A_877 : vector<16xf32>
        %add3A_885 = arith.addf %add3A_883, %add3A_884 : vector<16xf32>
        %swap3A_886 = arith.constant 64 : index
        %swap3A_887 = tpu.vector_load %arg17[%swap3A_886] {strides = array<i32>} : memref<256xf32, #tpu.memory_space<vmem>>, vector<16xf32>,
        tpu.vector_store %arg17[%swap3A_886], %add3A_885 {strides = array<i32>} : memref<256xf32, #tpu.memory_space<vmem>>, vector<16xf32>,
        %add3A_888 = arith.constant 5 : i32
        %add3A_889 = arith.addi %mul3A_40, %add3A_888 : i32
        %add3A_890 = arith.addi %mul3A_16, %add3A_889 : i32
        %add3A_891 = vector.broadcast %add3A_890 : i32 to vector<16xi32>
        %add3A_892 = arith.addi %broadcast_in_dim3A_41, %add3A_891 : vector<16xi32>
        %gather3A_893 = tpu.vector_load_idx %arg10[%add3A_892] : memref<512xi32, #tpu.memory_space<vmem>>[vector<16xi32>], vector<16xi32>,
        %add3A_894 = vector.broadcast %add3A_889 : i32 to vector<16xi32>
        %add3A_895 = arith.addi %broadcast_in_dim3A_41, %add3A_894 : vector<16xi32>
        %get3A_896 = arith.index_cast %add3A_889 : i32 to index
        %get3A_897 = arith.constant 0 : index
        %get3A_898 = tpu.vector_load %arg11[%get3A_896, %get3A_897] {strides = array<i32>} : memref<128x128xf32, #tpu.memory_space<vmem>>, vector<16xf32>,
        %get3A_899 = arith.index_cast %add3A_889 : i32 to index
        %get3A_900 = arith.constant 64 : index
        %get3A_901 = tpu.vector_load %arg11[%get3A_899, %get3A_900] {strides = array<i32>} : memref<128x128xf32, #tpu.memory_space<vmem>>, vector<16xf32>,
        %add3A_902 = arith.constant 0 : i32
        %add3A_903 = vector.broadcast %add3A_902 : i32 to vector<16xi32>
        %add3A_904 = arith.addi %iota3A, %add3A_903 : vector<16xi32>
        %add3A_905 = arith.addi %add3A_904, %gather3A_893 : vector<16xi32>
        %gather3A_906 = tpu.vector_load_idx %arg12[%add3A_895, %add3A_905] : memref<128x128xf32, #tpu.memory_space<vmem>>[vector<16xi32>, vector<16xi32>], vector<16xf32>,
        %get3A_907 = arith.index_cast %add3A_889 : i32 to index
        %get3A_908 = arith.constant 0 : index
        %get3A_909 = tpu.vector_load %arg13[%get3A_907, %get3A_908] {strides = array<i32>} : memref<128x192xf32, #tpu.memory_space<vmem>>, vector<16xf32>,
        %get3A_910 = arith.index_cast %add3A_889 : i32 to index
        %get3A_911 = arith.constant 64 : index
        %get3A_912 = tpu.vector_load %arg13[%get3A_910, %get3A_911] {strides = array<i32>} : memref<128x192xf32, #tpu.memory_space<vmem>>, vector<16xf32>,
        %get3A_913 = arith.index_cast %add3A_889 : i32 to index
        %get3A_914 = arith.constant 128 : index
        %get3A_915 = tpu.vector_load %arg13[%get3A_913, %get3A_914] {strides = array<i32>} : memref<128x192xf32, #tpu.memory_space<vmem>>, vector<16xf32>,
        %get3A_916 = arith.index_cast %add3A_889 : i32 to index
        %get3A_917 = arith.constant 0 : index
        %get3A_918 = tpu.vector_load %arg14[%get3A_916, %get3A_917] {strides = array<i32>} : memref<128x192xf32, #tpu.memory_space<vmem>>, vector<16xf32>,
        %get3A_919 = arith.index_cast %add3A_889 : i32 to index
        %get3A_920 = arith.constant 64 : index
        %get3A_921 = tpu.vector_load %arg14[%get3A_919, %get3A_920] {strides = array<i32>} : memref<128x192xf32, #tpu.memory_space<vmem>>, vector<16xf32>,
        %get3A_922 = arith.index_cast %add3A_889 : i32 to index
        %get3A_923 = arith.constant 128 : index
        %get3A_924 = tpu.vector_load %arg14[%get3A_922, %get3A_923] {strides = array<i32>} : memref<128x192xf32, #tpu.memory_space<vmem>>, vector<16xf32>,
        %mul3A_925 = arith.mulf %get3A_898, %get3A_909 : vector<16xf32>
        %mul3A_926 = arith.mulf %get3A_901, %get3A_912 : vector<16xf32>
        %add3A_927 = arith.addf %mul3A_925, %mul3A_926 : vector<16xf32>
        %mul3A_928 = arith.mulf %gather3A_906, %get3A_915 : vector<16xf32>
        %add3A_929 = arith.addf %add3A_927, %mul3A_928 : vector<16xf32>
        %abs3A_930 = math.absf %add3A_929 : vector<16xf32>
        %add3A_931 = arith.addf %get3A_918, %get3A_921 : vector<16xf32>
        %add3A_932 = arith.addf %add3A_931, %get3A_924 : vector<16xf32>
        %abs3A_933 = math.absf %add3A_932 : vector<16xf32>
        %get3A_934 = arith.index_cast %add3A_889 : i32 to index
        %get3A_935 = arith.constant 16 : index
        %get3A_936 = tpu.vector_load %arg11[%get3A_934, %get3A_935] {strides = array<i32>} : memref<128x128xf32, #tpu.memory_space<vmem>>, vector<16xf32>,
        %get3A_937 = arith.index_cast %add3A_889 : i32 to index
        %get3A_938 = arith.constant 80 : index
        %get3A_939 = tpu.vector_load %arg11[%get3A_937, %get3A_938] {strides = array<i32>} : memref<128x128xf32, #tpu.memory_space<vmem>>, vector<16xf32>,
        %add3A_940 = arith.constant 16 : i32
        %add3A_941 = vector.broadcast %add3A_940 : i32 to vector<16xi32>
        %add3A_942 = arith.addi %iota3A, %add3A_941 : vector<16xi32>
        %add3A_943 = arith.addi %add3A_942, %gather3A_893 : vector<16xi32>
        %gather3A_944 = tpu.vector_load_idx %arg12[%add3A_895, %add3A_943] : memref<128x128xf32, #tpu.memory_space<vmem>>[vector<16xi32>, vector<16xi32>], vector<16xf32>,
        %get3A_945 = arith.index_cast %add3A_889 : i32 to index
        %get3A_946 = arith.constant 16 : index
        %get3A_947 = tpu.vector_load %arg13[%get3A_945, %get3A_946] {strides = array<i32>} : memref<128x192xf32, #tpu.memory_space<vmem>>, vector<16xf32>,
        %get3A_948 = arith.index_cast %add3A_889 : i32 to index
        %get3A_949 = arith.constant 80 : index
        %get3A_950 = tpu.vector_load %arg13[%get3A_948, %get3A_949] {strides = array<i32>} : memref<128x192xf32, #tpu.memory_space<vmem>>, vector<16xf32>,
        %get3A_951 = arith.index_cast %add3A_889 : i32 to index
        %get3A_952 = arith.constant 144 : index
        %get3A_953 = tpu.vector_load %arg13[%get3A_951, %get3A_952] {strides = array<i32>} : memref<128x192xf32, #tpu.memory_space<vmem>>, vector<16xf32>,
        %get3A_954 = arith.index_cast %add3A_889 : i32 to index
        %get3A_955 = arith.constant 16 : index
        %get3A_956 = tpu.vector_load %arg14[%get3A_954, %get3A_955] {strides = array<i32>} : memref<128x192xf32, #tpu.memory_space<vmem>>, vector<16xf32>,
        %get3A_957 = arith.index_cast %add3A_889 : i32 to index
        %get3A_958 = arith.constant 80 : index
        %get3A_959 = tpu.vector_load %arg14[%get3A_957, %get3A_958] {strides = array<i32>} : memref<128x192xf32, #tpu.memory_space<vmem>>, vector<16xf32>,
        %get3A_960 = arith.index_cast %add3A_889 : i32 to index
        %get3A_961 = arith.constant 144 : index
        %get3A_962 = tpu.vector_load %arg14[%get3A_960, %get3A_961] {strides = array<i32>} : memref<128x192xf32, #tpu.memory_space<vmem>>, vector<16xf32>,
        %mul3A_963 = arith.mulf %get3A_936, %get3A_947 : vector<16xf32>
        %mul3A_964 = arith.mulf %get3A_939, %get3A_950 : vector<16xf32>
        %add3A_965 = arith.addf %mul3A_963, %mul3A_964 : vector<16xf32>
        %mul3A_966 = arith.mulf %gather3A_944, %get3A_953 : vector<16xf32>
        %add3A_967 = arith.addf %add3A_965, %mul3A_966 : vector<16xf32>
        %abs3A_968 = math.absf %add3A_967 : vector<16xf32>
        %add3A_969 = arith.addf %get3A_956, %get3A_959 : vector<16xf32>
        %add3A_970 = arith.addf %add3A_969, %get3A_962 : vector<16xf32>
        %abs3A_971 = math.absf %add3A_970 : vector<16xf32>
        %get3A_972 = arith.index_cast %add3A_889 : i32 to index
        %get3A_973 = arith.constant 32 : index
        %get3A_974 = tpu.vector_load %arg11[%get3A_972, %get3A_973] {strides = array<i32>} : memref<128x128xf32, #tpu.memory_space<vmem>>, vector<16xf32>,
        %get3A_975 = arith.index_cast %add3A_889 : i32 to index
        %get3A_976 = arith.constant 96 : index
        %get3A_977 = tpu.vector_load %arg11[%get3A_975, %get3A_976] {strides = array<i32>} : memref<128x128xf32, #tpu.memory_space<vmem>>, vector<16xf32>,
        %add3A_978 = arith.constant 32 : i32
        %add3A_979 = vector.broadcast %add3A_978 : i32 to vector<16xi32>
        %add3A_980 = arith.addi %iota3A, %add3A_979 : vector<16xi32>
        %add3A_981 = arith.addi %add3A_980, %gather3A_893 : vector<16xi32>
        %gather3A_982 = tpu.vector_load_idx %arg12[%add3A_895, %add3A_981] : memref<128x128xf32, #tpu.memory_space<vmem>>[vector<16xi32>, vector<16xi32>], vector<16xf32>,
        %get3A_983 = arith.index_cast %add3A_889 : i32 to index
        %get3A_984 = arith.constant 32 : index
        %get3A_985 = tpu.vector_load %arg13[%get3A_983, %get3A_984] {strides = array<i32>} : memref<128x192xf32, #tpu.memory_space<vmem>>, vector<16xf32>,
        %get3A_986 = arith.index_cast %add3A_889 : i32 to index
        %get3A_987 = arith.constant 96 : index
        %get3A_988 = tpu.vector_load %arg13[%get3A_986, %get3A_987] {strides = array<i32>} : memref<128x192xf32, #tpu.memory_space<vmem>>, vector<16xf32>,
        %get3A_989 = arith.index_cast %add3A_889 : i32 to index
        %get3A_990 = arith.constant 160 : index
        %get3A_991 = tpu.vector_load %arg13[%get3A_989, %get3A_990] {strides = array<i32>} : memref<128x192xf32, #tpu.memory_space<vmem>>, vector<16xf32>,
        %get3A_992 = arith.index_cast %add3A_889 : i32 to index
        %get3A_993 = arith.constant 32 : index
        %get3A_994 = tpu.vector_load %arg14[%get3A_992, %get3A_993] {strides = array<i32>} : memref<128x192xf32, #tpu.memory_space<vmem>>, vector<16xf32>,
        %get3A_995 = arith.index_cast %add3A_889 : i32 to index
        %get3A_996 = arith.constant 96 : index
        %get3A_997 = tpu.vector_load %arg14[%get3A_995, %get3A_996] {strides = array<i32>} : memref<128x192xf32, #tpu.memory_space<vmem>>, vector<16xf32>,
        %get3A_998 = arith.index_cast %add3A_889 : i32 to index
        %get3A_999 = arith.constant 160 : index
        %get3A_1000 = tpu.vector_load %arg14[%get3A_998, %get3A_999] {strides = array<i32>} : memref<128x192xf32, #tpu.memory_space<vmem>>, vector<16xf32>,
        %mul3A_1001 = arith.mulf %get3A_974, %get3A_985 : vector<16xf32>
        %mul3A_1002 = arith.mulf %get3A_977, %get3A_988 : vector<16xf32>
        %add3A_1003 = arith.addf %mul3A_1001, %mul3A_1002 : vector<16xf32>
        %mul3A_1004 = arith.mulf %gather3A_982, %get3A_991 : vector<16xf32>
        %add3A_1005 = arith.addf %add3A_1003, %mul3A_1004 : vector<16xf32>
        %abs3A_1006 = math.absf %add3A_1005 : vector<16xf32>
        %add3A_1007 = arith.addf %get3A_994, %get3A_997 : vector<16xf32>
        %add3A_1008 = arith.addf %add3A_1007, %get3A_1000 : vector<16xf32>
        %abs3A_1009 = math.absf %add3A_1008 : vector<16xf32>
        %get3A_1010 = arith.index_cast %add3A_889 : i32 to index
        %get3A_1011 = arith.constant 48 : index
        %get3A_1012 = tpu.vector_load %arg11[%get3A_1010, %get3A_1011] {strides = array<i32>} : memref<128x128xf32, #tpu.memory_space<vmem>>, vector<16xf32>,
        %get3A_1013 = arith.index_cast %add3A_889 : i32 to index
        %get3A_1014 = arith.constant 112 : index
        %get3A_1015 = tpu.vector_load %arg11[%get3A_1013, %get3A_1014] {strides = array<i32>} : memref<128x128xf32, #tpu.memory_space<vmem>>, vector<16xf32>,
        %add3A_1016 = arith.constant 48 : i32
        %add3A_1017 = vector.broadcast %add3A_1016 : i32 to vector<16xi32>
        %add3A_1018 = arith.addi %iota3A, %add3A_1017 : vector<16xi32>
        %add3A_1019 = arith.addi %add3A_1018, %gather3A_893 : vector<16xi32>
        %gather3A_1020 = tpu.vector_load_idx %arg12[%add3A_895, %add3A_1019] : memref<128x128xf32, #tpu.memory_space<vmem>>[vector<16xi32>, vector<16xi32>], vector<16xf32>,
        %get3A_1021 = arith.index_cast %add3A_889 : i32 to index
        %get3A_1022 = arith.constant 48 : index
        %get3A_1023 = tpu.vector_load %arg13[%get3A_1021, %get3A_1022] {strides = array<i32>} : memref<128x192xf32, #tpu.memory_space<vmem>>, vector<16xf32>,
        %get3A_1024 = arith.index_cast %add3A_889 : i32 to index
        %get3A_1025 = arith.constant 112 : index
        %get3A_1026 = tpu.vector_load %arg13[%get3A_1024, %get3A_1025] {strides = array<i32>} : memref<128x192xf32, #tpu.memory_space<vmem>>, vector<16xf32>,
        %get3A_1027 = arith.index_cast %add3A_889 : i32 to index
        %get3A_1028 = arith.constant 176 : index
        %get3A_1029 = tpu.vector_load %arg13[%get3A_1027, %get3A_1028] {strides = array<i32>} : memref<128x192xf32, #tpu.memory_space<vmem>>, vector<16xf32>,
        %get3A_1030 = arith.index_cast %add3A_889 : i32 to index
        %get3A_1031 = arith.constant 48 : index
        %get3A_1032 = tpu.vector_load %arg14[%get3A_1030, %get3A_1031] {strides = array<i32>} : memref<128x192xf32, #tpu.memory_space<vmem>>, vector<16xf32>,
        %get3A_1033 = arith.index_cast %add3A_889 : i32 to index
        %get3A_1034 = arith.constant 112 : index
        %get3A_1035 = tpu.vector_load %arg14[%get3A_1033, %get3A_1034] {strides = array<i32>} : memref<128x192xf32, #tpu.memory_space<vmem>>, vector<16xf32>,
        %get3A_1036 = arith.index_cast %add3A_889 : i32 to index
        %get3A_1037 = arith.constant 176 : index
        %get3A_1038 = tpu.vector_load %arg14[%get3A_1036, %get3A_1037] {strides = array<i32>} : memref<128x192xf32, #tpu.memory_space<vmem>>, vector<16xf32>,
        %mul3A_1039 = arith.mulf %get3A_1012, %get3A_1023 : vector<16xf32>
        %mul3A_1040 = arith.mulf %get3A_1015, %get3A_1026 : vector<16xf32>
        %add3A_1041 = arith.addf %mul3A_1039, %mul3A_1040 : vector<16xf32>
        %mul3A_1042 = arith.mulf %gather3A_1020, %get3A_1029 : vector<16xf32>
        %add3A_1043 = arith.addf %add3A_1041, %mul3A_1042 : vector<16xf32>
        %abs3A_1044 = math.absf %add3A_1043 : vector<16xf32>
        %add3A_1045 = arith.addf %get3A_1032, %get3A_1035 : vector<16xf32>
        %add3A_1046 = arith.addf %add3A_1045, %get3A_1038 : vector<16xf32>
        %abs3A_1047 = math.absf %add3A_1046 : vector<16xf32>
        %add3A_1048 = arith.addf %abs3A_930, %abs3A_968 : vector<16xf32>
        %add3A_1049 = arith.addf %abs3A_1006, %abs3A_1044 : vector<16xf32>
        %add3A_1050 = arith.addf %add3A_1048, %add3A_1049 : vector<16xf32>
        %swap3A_1051 = arith.constant 80 : index
        %swap3A_1052 = tpu.vector_load %arg16[%swap3A_1051] {strides = array<i32>} : memref<256xf32, #tpu.memory_space<vmem>>, vector<16xf32>,
        tpu.vector_store %arg16[%swap3A_1051], %add3A_1050 {strides = array<i32>} : memref<256xf32, #tpu.memory_space<vmem>>, vector<16xf32>,
        %add3A_1053 = arith.addf %abs3A_933, %abs3A_971 : vector<16xf32>
        %add3A_1054 = arith.addf %abs3A_1009, %abs3A_1047 : vector<16xf32>
        %add3A_1055 = arith.addf %add3A_1053, %add3A_1054 : vector<16xf32>
        %swap3A_1056 = arith.constant 80 : index
        %swap3A_1057 = tpu.vector_load %arg17[%swap3A_1056] {strides = array<i32>} : memref<256xf32, #tpu.memory_space<vmem>>, vector<16xf32>,
        tpu.vector_store %arg17[%swap3A_1056], %add3A_1055 {strides = array<i32>} : memref<256xf32, #tpu.memory_space<vmem>>, vector<16xf32>,
        %add3A_1058 = arith.constant 6 : i32
        %add3A_1059 = arith.addi %mul3A_40, %add3A_1058 : i32
        %add3A_1060 = arith.addi %mul3A_16, %add3A_1059 : i32
        %add3A_1061 = vector.broadcast %add3A_1060 : i32 to vector<16xi32>
        %add3A_1062 = arith.addi %broadcast_in_dim3A_41, %add3A_1061 : vector<16xi32>
        %gather3A_1063 = tpu.vector_load_idx %arg10[%add3A_1062] : memref<512xi32, #tpu.memory_space<vmem>>[vector<16xi32>], vector<16xi32>,
        %add3A_1064 = vector.broadcast %add3A_1059 : i32 to vector<16xi32>
        %add3A_1065 = arith.addi %broadcast_in_dim3A_41, %add3A_1064 : vector<16xi32>
        %get3A_1066 = arith.index_cast %add3A_1059 : i32 to index
        %get3A_1067 = arith.constant 0 : index
        %get3A_1068 = tpu.vector_load %arg11[%get3A_1066, %get3A_1067] {strides = array<i32>} : memref<128x128xf32, #tpu.memory_space<vmem>>, vector<16xf32>,
        %get3A_1069 = arith.index_cast %add3A_1059 : i32 to index
        %get3A_1070 = arith.constant 64 : index
        %get3A_1071 = tpu.vector_load %arg11[%get3A_1069, %get3A_1070] {strides = array<i32>} : memref<128x128xf32, #tpu.memory_space<vmem>>, vector<16xf32>,
        %add3A_1072 = arith.constant 0 : i32
        %add3A_1073 = vector.broadcast %add3A_1072 : i32 to vector<16xi32>
        %add3A_1074 = arith.addi %iota3A, %add3A_1073 : vector<16xi32>
        %add3A_1075 = arith.addi %add3A_1074, %gather3A_1063 : vector<16xi32>
        %gather3A_1076 = tpu.vector_load_idx %arg12[%add3A_1065, %add3A_1075] : memref<128x128xf32, #tpu.memory_space<vmem>>[vector<16xi32>, vector<16xi32>], vector<16xf32>,
        %get3A_1077 = arith.index_cast %add3A_1059 : i32 to index
        %get3A_1078 = arith.constant 0 : index
        %get3A_1079 = tpu.vector_load %arg13[%get3A_1077, %get3A_1078] {strides = array<i32>} : memref<128x192xf32, #tpu.memory_space<vmem>>, vector<16xf32>,
        %get3A_1080 = arith.index_cast %add3A_1059 : i32 to index
        %get3A_1081 = arith.constant 64 : index
        %get3A_1082 = tpu.vector_load %arg13[%get3A_1080, %get3A_1081] {strides = array<i32>} : memref<128x192xf32, #tpu.memory_space<vmem>>, vector<16xf32>,
        %get3A_1083 = arith.index_cast %add3A_1059 : i32 to index
        %get3A_1084 = arith.constant 128 : index
        %get3A_1085 = tpu.vector_load %arg13[%get3A_1083, %get3A_1084] {strides = array<i32>} : memref<128x192xf32, #tpu.memory_space<vmem>>, vector<16xf32>,
        %get3A_1086 = arith.index_cast %add3A_1059 : i32 to index
        %get3A_1087 = arith.constant 0 : index
        %get3A_1088 = tpu.vector_load %arg14[%get3A_1086, %get3A_1087] {strides = array<i32>} : memref<128x192xf32, #tpu.memory_space<vmem>>, vector<16xf32>,
        %get3A_1089 = arith.index_cast %add3A_1059 : i32 to index
        %get3A_1090 = arith.constant 64 : index
        %get3A_1091 = tpu.vector_load %arg14[%get3A_1089, %get3A_1090] {strides = array<i32>} : memref<128x192xf32, #tpu.memory_space<vmem>>, vector<16xf32>,
        %get3A_1092 = arith.index_cast %add3A_1059 : i32 to index
        %get3A_1093 = arith.constant 128 : index
        %get3A_1094 = tpu.vector_load %arg14[%get3A_1092, %get3A_1093] {strides = array<i32>} : memref<128x192xf32, #tpu.memory_space<vmem>>, vector<16xf32>,
        %mul3A_1095 = arith.mulf %get3A_1068, %get3A_1079 : vector<16xf32>
        %mul3A_1096 = arith.mulf %get3A_1071, %get3A_1082 : vector<16xf32>
        %add3A_1097 = arith.addf %mul3A_1095, %mul3A_1096 : vector<16xf32>
        %mul3A_1098 = arith.mulf %gather3A_1076, %get3A_1085 : vector<16xf32>
        %add3A_1099 = arith.addf %add3A_1097, %mul3A_1098 : vector<16xf32>
        %abs3A_1100 = math.absf %add3A_1099 : vector<16xf32>
        %add3A_1101 = arith.addf %get3A_1088, %get3A_1091 : vector<16xf32>
        %add3A_1102 = arith.addf %add3A_1101, %get3A_1094 : vector<16xf32>
        %abs3A_1103 = math.absf %add3A_1102 : vector<16xf32>
        %get3A_1104 = arith.index_cast %add3A_1059 : i32 to index
        %get3A_1105 = arith.constant 16 : index
        %get3A_1106 = tpu.vector_load %arg11[%get3A_1104, %get3A_1105] {strides = array<i32>} : memref<128x128xf32, #tpu.memory_space<vmem>>, vector<16xf32>,
        %get3A_1107 = arith.index_cast %add3A_1059 : i32 to index
        %get3A_1108 = arith.constant 80 : index
        %get3A_1109 = tpu.vector_load %arg11[%get3A_1107, %get3A_1108] {strides = array<i32>} : memref<128x128xf32, #tpu.memory_space<vmem>>, vector<16xf32>,
        %add3A_1110 = arith.constant 16 : i32
        %add3A_1111 = vector.broadcast %add3A_1110 : i32 to vector<16xi32>
        %add3A_1112 = arith.addi %iota3A, %add3A_1111 : vector<16xi32>
        %add3A_1113 = arith.addi %add3A_1112, %gather3A_1063 : vector<16xi32>
        %gather3A_1114 = tpu.vector_load_idx %arg12[%add3A_1065, %add3A_1113] : memref<128x128xf32, #tpu.memory_space<vmem>>[vector<16xi32>, vector<16xi32>], vector<16xf32>,
        %get3A_1115 = arith.index_cast %add3A_1059 : i32 to index
        %get3A_1116 = arith.constant 16 : index
        %get3A_1117 = tpu.vector_load %arg13[%get3A_1115, %get3A_1116] {strides = array<i32>} : memref<128x192xf32, #tpu.memory_space<vmem>>, vector<16xf32>,
        %get3A_1118 = arith.index_cast %add3A_1059 : i32 to index
        %get3A_1119 = arith.constant 80 : index
        %get3A_1120 = tpu.vector_load %arg13[%get3A_1118, %get3A_1119] {strides = array<i32>} : memref<128x192xf32, #tpu.memory_space<vmem>>, vector<16xf32>,
        %get3A_1121 = arith.index_cast %add3A_1059 : i32 to index
        %get3A_1122 = arith.constant 144 : index
        %get3A_1123 = tpu.vector_load %arg13[%get3A_1121, %get3A_1122] {strides = array<i32>} : memref<128x192xf32, #tpu.memory_space<vmem>>, vector<16xf32>,
        %get3A_1124 = arith.index_cast %add3A_1059 : i32 to index
        %get3A_1125 = arith.constant 16 : index
        %get3A_1126 = tpu.vector_load %arg14[%get3A_1124, %get3A_1125] {strides = array<i32>} : memref<128x192xf32, #tpu.memory_space<vmem>>, vector<16xf32>,
        %get3A_1127 = arith.index_cast %add3A_1059 : i32 to index
        %get3A_1128 = arith.constant 80 : index
        %get3A_1129 = tpu.vector_load %arg14[%get3A_1127, %get3A_1128] {strides = array<i32>} : memref<128x192xf32, #tpu.memory_space<vmem>>, vector<16xf32>,
        %get3A_1130 = arith.index_cast %add3A_1059 : i32 to index
        %get3A_1131 = arith.constant 144 : index
        %get3A_1132 = tpu.vector_load %arg14[%get3A_1130, %get3A_1131] {strides = array<i32>} : memref<128x192xf32, #tpu.memory_space<vmem>>, vector<16xf32>,
        %mul3A_1133 = arith.mulf %get3A_1106, %get3A_1117 : vector<16xf32>
        %mul3A_1134 = arith.mulf %get3A_1109, %get3A_1120 : vector<16xf32>
        %add3A_1135 = arith.addf %mul3A_1133, %mul3A_1134 : vector<16xf32>
        %mul3A_1136 = arith.mulf %gather3A_1114, %get3A_1123 : vector<16xf32>
        %add3A_1137 = arith.addf %add3A_1135, %mul3A_1136 : vector<16xf32>
        %abs3A_1138 = math.absf %add3A_1137 : vector<16xf32>
        %add3A_1139 = arith.addf %get3A_1126, %get3A_1129 : vector<16xf32>
        %add3A_1140 = arith.addf %add3A_1139, %get3A_1132 : vector<16xf32>
        %abs3A_1141 = math.absf %add3A_1140 : vector<16xf32>
        %get3A_1142 = arith.index_cast %add3A_1059 : i32 to index
        %get3A_1143 = arith.constant 32 : index
        %get3A_1144 = tpu.vector_load %arg11[%get3A_1142, %get3A_1143] {strides = array<i32>} : memref<128x128xf32, #tpu.memory_space<vmem>>, vector<16xf32>,
        %get3A_1145 = arith.index_cast %add3A_1059 : i32 to index
        %get3A_1146 = arith.constant 96 : index
        %get3A_1147 = tpu.vector_load %arg11[%get3A_1145, %get3A_1146] {strides = array<i32>} : memref<128x128xf32, #tpu.memory_space<vmem>>, vector<16xf32>,
        %add3A_1148 = arith.constant 32 : i32
        %add3A_1149 = vector.broadcast %add3A_1148 : i32 to vector<16xi32>
        %add3A_1150 = arith.addi %iota3A, %add3A_1149 : vector<16xi32>
        %add3A_1151 = arith.addi %add3A_1150, %gather3A_1063 : vector<16xi32>
        %gather3A_1152 = tpu.vector_load_idx %arg12[%add3A_1065, %add3A_1151] : memref<128x128xf32, #tpu.memory_space<vmem>>[vector<16xi32>, vector<16xi32>], vector<16xf32>,
        %get3A_1153 = arith.index_cast %add3A_1059 : i32 to index
        %get3A_1154 = arith.constant 32 : index
        %get3A_1155 = tpu.vector_load %arg13[%get3A_1153, %get3A_1154] {strides = array<i32>} : memref<128x192xf32, #tpu.memory_space<vmem>>, vector<16xf32>,
        %get3A_1156 = arith.index_cast %add3A_1059 : i32 to index
        %get3A_1157 = arith.constant 96 : index
        %get3A_1158 = tpu.vector_load %arg13[%get3A_1156, %get3A_1157] {strides = array<i32>} : memref<128x192xf32, #tpu.memory_space<vmem>>, vector<16xf32>,
        %get3A_1159 = arith.index_cast %add3A_1059 : i32 to index
        %get3A_1160 = arith.constant 160 : index
        %get3A_1161 = tpu.vector_load %arg13[%get3A_1159, %get3A_1160] {strides = array<i32>} : memref<128x192xf32, #tpu.memory_space<vmem>>, vector<16xf32>,
        %get3A_1162 = arith.index_cast %add3A_1059 : i32 to index
        %get3A_1163 = arith.constant 32 : index
        %get3A_1164 = tpu.vector_load %arg14[%get3A_1162, %get3A_1163] {strides = array<i32>} : memref<128x192xf32, #tpu.memory_space<vmem>>, vector<16xf32>,
        %get3A_1165 = arith.index_cast %add3A_1059 : i32 to index
        %get3A_1166 = arith.constant 96 : index
        %get3A_1167 = tpu.vector_load %arg14[%get3A_1165, %get3A_1166] {strides = array<i32>} : memref<128x192xf32, #tpu.memory_space<vmem>>, vector<16xf32>,
        %get3A_1168 = arith.index_cast %add3A_1059 : i32 to index
        %get3A_1169 = arith.constant 160 : index
        %get3A_1170 = tpu.vector_load %arg14[%get3A_1168, %get3A_1169] {strides = array<i32>} : memref<128x192xf32, #tpu.memory_space<vmem>>, vector<16xf32>,
        %mul3A_1171 = arith.mulf %get3A_1144, %get3A_1155 : vector<16xf32>
        %mul3A_1172 = arith.mulf %get3A_1147, %get3A_1158 : vector<16xf32>
        %add3A_1173 = arith.addf %mul3A_1171, %mul3A_1172 : vector<16xf32>
        %mul3A_1174 = arith.mulf %gather3A_1152, %get3A_1161 : vector<16xf32>
        %add3A_1175 = arith.addf %add3A_1173, %mul3A_1174 : vector<16xf32>
        %abs3A_1176 = math.absf %add3A_1175 : vector<16xf32>
        %add3A_1177 = arith.addf %get3A_1164, %get3A_1167 : vector<16xf32>
        %add3A_1178 = arith.addf %add3A_1177, %get3A_1170 : vector<16xf32>
        %abs3A_1179 = math.absf %add3A_1178 : vector<16xf32>
        %get3A_1180 = arith.index_cast %add3A_1059 : i32 to index
        %get3A_1181 = arith.constant 48 : index
        %get3A_1182 = tpu.vector_load %arg11[%get3A_1180, %get3A_1181] {strides = array<i32>} : memref<128x128xf32, #tpu.memory_space<vmem>>, vector<16xf32>,
        %get3A_1183 = arith.index_cast %add3A_1059 : i32 to index
        %get3A_1184 = arith.constant 112 : index
        %get3A_1185 = tpu.vector_load %arg11[%get3A_1183, %get3A_1184] {strides = array<i32>} : memref<128x128xf32, #tpu.memory_space<vmem>>, vector<16xf32>,
        %add3A_1186 = arith.constant 48 : i32
        %add3A_1187 = vector.broadcast %add3A_1186 : i32 to vector<16xi32>
        %add3A_1188 = arith.addi %iota3A, %add3A_1187 : vector<16xi32>
        %add3A_1189 = arith.addi %add3A_1188, %gather3A_1063 : vector<16xi32>
        %gather3A_1190 = tpu.vector_load_idx %arg12[%add3A_1065, %add3A_1189] : memref<128x128xf32, #tpu.memory_space<vmem>>[vector<16xi32>, vector<16xi32>], vector<16xf32>,
        %get3A_1191 = arith.index_cast %add3A_1059 : i32 to index
        %get3A_1192 = arith.constant 48 : index
        %get3A_1193 = tpu.vector_load %arg13[%get3A_1191, %get3A_1192] {strides = array<i32>} : memref<128x192xf32, #tpu.memory_space<vmem>>, vector<16xf32>,
        %get3A_1194 = arith.index_cast %add3A_1059 : i32 to index
        %get3A_1195 = arith.constant 112 : index
        %get3A_1196 = tpu.vector_load %arg13[%get3A_1194, %get3A_1195] {strides = array<i32>} : memref<128x192xf32, #tpu.memory_space<vmem>>, vector<16xf32>,
        %get3A_1197 = arith.index_cast %add3A_1059 : i32 to index
        %get3A_1198 = arith.constant 176 : index
        %get3A_1199 = tpu.vector_load %arg13[%get3A_1197, %get3A_1198] {strides = array<i32>} : memref<128x192xf32, #tpu.memory_space<vmem>>, vector<16xf32>,
        %get3A_1200 = arith.index_cast %add3A_1059 : i32 to index
        %get3A_1201 = arith.constant 48 : index
        %get3A_1202 = tpu.vector_load %arg14[%get3A_1200, %get3A_1201] {strides = array<i32>} : memref<128x192xf32, #tpu.memory_space<vmem>>, vector<16xf32>,
        %get3A_1203 = arith.index_cast %add3A_1059 : i32 to index
        %get3A_1204 = arith.constant 112 : index
        %get3A_1205 = tpu.vector_load %arg14[%get3A_1203, %get3A_1204] {strides = array<i32>} : memref<128x192xf32, #tpu.memory_space<vmem>>, vector<16xf32>,
        %get3A_1206 = arith.index_cast %add3A_1059 : i32 to index
        %get3A_1207 = arith.constant 176 : index
        %get3A_1208 = tpu.vector_load %arg14[%get3A_1206, %get3A_1207] {strides = array<i32>} : memref<128x192xf32, #tpu.memory_space<vmem>>, vector<16xf32>,
        %mul3A_1209 = arith.mulf %get3A_1182, %get3A_1193 : vector<16xf32>
        %mul3A_1210 = arith.mulf %get3A_1185, %get3A_1196 : vector<16xf32>
        %add3A_1211 = arith.addf %mul3A_1209, %mul3A_1210 : vector<16xf32>
        %mul3A_1212 = arith.mulf %gather3A_1190, %get3A_1199 : vector<16xf32>
        %add3A_1213 = arith.addf %add3A_1211, %mul3A_1212 : vector<16xf32>
        %abs3A_1214 = math.absf %add3A_1213 : vector<16xf32>
        %add3A_1215 = arith.addf %get3A_1202, %get3A_1205 : vector<16xf32>
        %add3A_1216 = arith.addf %add3A_1215, %get3A_1208 : vector<16xf32>
        %abs3A_1217 = math.absf %add3A_1216 : vector<16xf32>
        %add3A_1218 = arith.addf %abs3A_1100, %abs3A_1138 : vector<16xf32>
        %add3A_1219 = arith.addf %abs3A_1176, %abs3A_1214 : vector<16xf32>
        %add3A_1220 = arith.addf %add3A_1218, %add3A_1219 : vector<16xf32>
        %swap3A_1221 = arith.constant 96 : index
        %swap3A_1222 = tpu.vector_load %arg16[%swap3A_1221] {strides = array<i32>} : memref<256xf32, #tpu.memory_space<vmem>>, vector<16xf32>,
        tpu.vector_store %arg16[%swap3A_1221], %add3A_1220 {strides = array<i32>} : memref<256xf32, #tpu.memory_space<vmem>>, vector<16xf32>,
        %add3A_1223 = arith.addf %abs3A_1103, %abs3A_1141 : vector<16xf32>
        %add3A_1224 = arith.addf %abs3A_1179, %abs3A_1217 : vector<16xf32>
        %add3A_1225 = arith.addf %add3A_1223, %add3A_1224 : vector<16xf32>
        %swap3A_1226 = arith.constant 96 : index
        %swap3A_1227 = tpu.vector_load %arg17[%swap3A_1226] {strides = array<i32>} : memref<256xf32, #tpu.memory_space<vmem>>, vector<16xf32>,
        tpu.vector_store %arg17[%swap3A_1226], %add3A_1225 {strides = array<i32>} : memref<256xf32, #tpu.memory_space<vmem>>, vector<16xf32>,
        %add3A_1228 = arith.constant 7 : i32
        %add3A_1229 = arith.addi %mul3A_40, %add3A_1228 : i32
        %add3A_1230 = arith.addi %mul3A_16, %add3A_1229 : i32
        %add3A_1231 = vector.broadcast %add3A_1230 : i32 to vector<16xi32>
        %add3A_1232 = arith.addi %broadcast_in_dim3A_41, %add3A_1231 : vector<16xi32>
        %gather3A_1233 = tpu.vector_load_idx %arg10[%add3A_1232] : memref<512xi32, #tpu.memory_space<vmem>>[vector<16xi32>], vector<16xi32>,
        %add3A_1234 = vector.broadcast %add3A_1229 : i32 to vector<16xi32>
        %add3A_1235 = arith.addi %broadcast_in_dim3A_41, %add3A_1234 : vector<16xi32>
        %get3A_1236 = arith.index_cast %add3A_1229 : i32 to index
        %get3A_1237 = arith.constant 0 : index
        %get3A_1238 = tpu.vector_load %arg11[%get3A_1236, %get3A_1237] {strides = array<i32>} : memref<128x128xf32, #tpu.memory_space<vmem>>, vector<16xf32>,
        %get3A_1239 = arith.index_cast %add3A_1229 : i32 to index
        %get3A_1240 = arith.constant 64 : index
        %get3A_1241 = tpu.vector_load %arg11[%get3A_1239, %get3A_1240] {strides = array<i32>} : memref<128x128xf32, #tpu.memory_space<vmem>>, vector<16xf32>,
        %add3A_1242 = arith.constant 0 : i32
        %add3A_1243 = vector.broadcast %add3A_1242 : i32 to vector<16xi32>
        %add3A_1244 = arith.addi %iota3A, %add3A_1243 : vector<16xi32>
        %add3A_1245 = arith.addi %add3A_1244, %gather3A_1233 : vector<16xi32>
        %gather3A_1246 = tpu.vector_load_idx %arg12[%add3A_1235, %add3A_1245] : memref<128x128xf32, #tpu.memory_space<vmem>>[vector<16xi32>, vector<16xi32>], vector<16xf32>,
        %get3A_1247 = arith.index_cast %add3A_1229 : i32 to index
        %get3A_1248 = arith.constant 0 : index
        %get3A_1249 = tpu.vector_load %arg13[%get3A_1247, %get3A_1248] {strides = array<i32>} : memref<128x192xf32, #tpu.memory_space<vmem>>, vector<16xf32>,
        %get3A_1250 = arith.index_cast %add3A_1229 : i32 to index
        %get3A_1251 = arith.constant 64 : index
        %get3A_1252 = tpu.vector_load %arg13[%get3A_1250, %get3A_1251] {strides = array<i32>} : memref<128x192xf32, #tpu.memory_space<vmem>>, vector<16xf32>,
        %get3A_1253 = arith.index_cast %add3A_1229 : i32 to index
        %get3A_1254 = arith.constant 128 : index
        %get3A_1255 = tpu.vector_load %arg13[%get3A_1253, %get3A_1254] {strides = array<i32>} : memref<128x192xf32, #tpu.memory_space<vmem>>, vector<16xf32>,
        %get3A_1256 = arith.index_cast %add3A_1229 : i32 to index
        %get3A_1257 = arith.constant 0 : index
        %get3A_1258 = tpu.vector_load %arg14[%get3A_1256, %get3A_1257] {strides = array<i32>} : memref<128x192xf32, #tpu.memory_space<vmem>>, vector<16xf32>,
        %get3A_1259 = arith.index_cast %add3A_1229 : i32 to index
        %get3A_1260 = arith.constant 64 : index
        %get3A_1261 = tpu.vector_load %arg14[%get3A_1259, %get3A_1260] {strides = array<i32>} : memref<128x192xf32, #tpu.memory_space<vmem>>, vector<16xf32>,
        %get3A_1262 = arith.index_cast %add3A_1229 : i32 to index
        %get3A_1263 = arith.constant 128 : index
        %get3A_1264 = tpu.vector_load %arg14[%get3A_1262, %get3A_1263] {strides = array<i32>} : memref<128x192xf32, #tpu.memory_space<vmem>>, vector<16xf32>,
        %mul3A_1265 = arith.mulf %get3A_1238, %get3A_1249 : vector<16xf32>
        %mul3A_1266 = arith.mulf %get3A_1241, %get3A_1252 : vector<16xf32>
        %add3A_1267 = arith.addf %mul3A_1265, %mul3A_1266 : vector<16xf32>
        %mul3A_1268 = arith.mulf %gather3A_1246, %get3A_1255 : vector<16xf32>
        %add3A_1269 = arith.addf %add3A_1267, %mul3A_1268 : vector<16xf32>
        %abs3A_1270 = math.absf %add3A_1269 : vector<16xf32>
        %add3A_1271 = arith.addf %get3A_1258, %get3A_1261 : vector<16xf32>
        %add3A_1272 = arith.addf %add3A_1271, %get3A_1264 : vector<16xf32>
        %abs3A_1273 = math.absf %add3A_1272 : vector<16xf32>
        %get3A_1274 = arith.index_cast %add3A_1229 : i32 to index
        %get3A_1275 = arith.constant 16 : index
        %get3A_1276 = tpu.vector_load %arg11[%get3A_1274, %get3A_1275] {strides = array<i32>} : memref<128x128xf32, #tpu.memory_space<vmem>>, vector<16xf32>,
        %get3A_1277 = arith.index_cast %add3A_1229 : i32 to index
        %get3A_1278 = arith.constant 80 : index
        %get3A_1279 = tpu.vector_load %arg11[%get3A_1277, %get3A_1278] {strides = array<i32>} : memref<128x128xf32, #tpu.memory_space<vmem>>, vector<16xf32>,
        %add3A_1280 = arith.constant 16 : i32
        %add3A_1281 = vector.broadcast %add3A_1280 : i32 to vector<16xi32>
        %add3A_1282 = arith.addi %iota3A, %add3A_1281 : vector<16xi32>
        %add3A_1283 = arith.addi %add3A_1282, %gather3A_1233 : vector<16xi32>
        %gather3A_1284 = tpu.vector_load_idx %arg12[%add3A_1235, %add3A_1283] : memref<128x128xf32, #tpu.memory_space<vmem>>[vector<16xi32>, vector<16xi32>], vector<16xf32>,
        %get3A_1285 = arith.index_cast %add3A_1229 : i32 to index
        %get3A_1286 = arith.constant 16 : index
        %get3A_1287 = tpu.vector_load %arg13[%get3A_1285, %get3A_1286] {strides = array<i32>} : memref<128x192xf32, #tpu.memory_space<vmem>>, vector<16xf32>,
        %get3A_1288 = arith.index_cast %add3A_1229 : i32 to index
        %get3A_1289 = arith.constant 80 : index
        %get3A_1290 = tpu.vector_load %arg13[%get3A_1288, %get3A_1289] {strides = array<i32>} : memref<128x192xf32, #tpu.memory_space<vmem>>, vector<16xf32>,
        %get3A_1291 = arith.index_cast %add3A_1229 : i32 to index
        %get3A_1292 = arith.constant 144 : index
        %get3A_1293 = tpu.vector_load %arg13[%get3A_1291, %get3A_1292] {strides = array<i32>} : memref<128x192xf32, #tpu.memory_space<vmem>>, vector<16xf32>,
        %get3A_1294 = arith.index_cast %add3A_1229 : i32 to index
        %get3A_1295 = arith.constant 16 : index
        %get3A_1296 = tpu.vector_load %arg14[%get3A_1294, %get3A_1295] {strides = array<i32>} : memref<128x192xf32, #tpu.memory_space<vmem>>, vector<16xf32>,
        %get3A_1297 = arith.index_cast %add3A_1229 : i32 to index
        %get3A_1298 = arith.constant 80 : index
        %get3A_1299 = tpu.vector_load %arg14[%get3A_1297, %get3A_1298] {strides = array<i32>} : memref<128x192xf32, #tpu.memory_space<vmem>>, vector<16xf32>,
        %get3A_1300 = arith.index_cast %add3A_1229 : i32 to index
        %get3A_1301 = arith.constant 144 : index
        %get3A_1302 = tpu.vector_load %arg14[%get3A_1300, %get3A_1301] {strides = array<i32>} : memref<128x192xf32, #tpu.memory_space<vmem>>, vector<16xf32>,
        %mul3A_1303 = arith.mulf %get3A_1276, %get3A_1287 : vector<16xf32>
        %mul3A_1304 = arith.mulf %get3A_1279, %get3A_1290 : vector<16xf32>
        %add3A_1305 = arith.addf %mul3A_1303, %mul3A_1304 : vector<16xf32>
        %mul3A_1306 = arith.mulf %gather3A_1284, %get3A_1293 : vector<16xf32>
        %add3A_1307 = arith.addf %add3A_1305, %mul3A_1306 : vector<16xf32>
        %abs3A_1308 = math.absf %add3A_1307 : vector<16xf32>
        %add3A_1309 = arith.addf %get3A_1296, %get3A_1299 : vector<16xf32>
        %add3A_1310 = arith.addf %add3A_1309, %get3A_1302 : vector<16xf32>
        %abs3A_1311 = math.absf %add3A_1310 : vector<16xf32>
        %get3A_1312 = arith.index_cast %add3A_1229 : i32 to index
        %get3A_1313 = arith.constant 32 : index
        %get3A_1314 = tpu.vector_load %arg11[%get3A_1312, %get3A_1313] {strides = array<i32>} : memref<128x128xf32, #tpu.memory_space<vmem>>, vector<16xf32>,
        %get3A_1315 = arith.index_cast %add3A_1229 : i32 to index
        %get3A_1316 = arith.constant 96 : index
        %get3A_1317 = tpu.vector_load %arg11[%get3A_1315, %get3A_1316] {strides = array<i32>} : memref<128x128xf32, #tpu.memory_space<vmem>>, vector<16xf32>,
        %add3A_1318 = arith.constant 32 : i32
        %add3A_1319 = vector.broadcast %add3A_1318 : i32 to vector<16xi32>
        %add3A_1320 = arith.addi %iota3A, %add3A_1319 : vector<16xi32>
        %add3A_1321 = arith.addi %add3A_1320, %gather3A_1233 : vector<16xi32>
        %gather3A_1322 = tpu.vector_load_idx %arg12[%add3A_1235, %add3A_1321] : memref<128x128xf32, #tpu.memory_space<vmem>>[vector<16xi32>, vector<16xi32>], vector<16xf32>,
        %get3A_1323 = arith.index_cast %add3A_1229 : i32 to index
        %get3A_1324 = arith.constant 32 : index
        %get3A_1325 = tpu.vector_load %arg13[%get3A_1323, %get3A_1324] {strides = array<i32>} : memref<128x192xf32, #tpu.memory_space<vmem>>, vector<16xf32>,
        %get3A_1326 = arith.index_cast %add3A_1229 : i32 to index
        %get3A_1327 = arith.constant 96 : index
        %get3A_1328 = tpu.vector_load %arg13[%get3A_1326, %get3A_1327] {strides = array<i32>} : memref<128x192xf32, #tpu.memory_space<vmem>>, vector<16xf32>,
        %get3A_1329 = arith.index_cast %add3A_1229 : i32 to index
        %get3A_1330 = arith.constant 160 : index
        %get3A_1331 = tpu.vector_load %arg13[%get3A_1329, %get3A_1330] {strides = array<i32>} : memref<128x192xf32, #tpu.memory_space<vmem>>, vector<16xf32>,
        %get3A_1332 = arith.index_cast %add3A_1229 : i32 to index
        %get3A_1333 = arith.constant 32 : index
        %get3A_1334 = tpu.vector_load %arg14[%get3A_1332, %get3A_1333] {strides = array<i32>} : memref<128x192xf32, #tpu.memory_space<vmem>>, vector<16xf32>,
        %get3A_1335 = arith.index_cast %add3A_1229 : i32 to index
        %get3A_1336 = arith.constant 96 : index
        %get3A_1337 = tpu.vector_load %arg14[%get3A_1335, %get3A_1336] {strides = array<i32>} : memref<128x192xf32, #tpu.memory_space<vmem>>, vector<16xf32>,
        %get3A_1338 = arith.index_cast %add3A_1229 : i32 to index
        %get3A_1339 = arith.constant 160 : index
        %get3A_1340 = tpu.vector_load %arg14[%get3A_1338, %get3A_1339] {strides = array<i32>} : memref<128x192xf32, #tpu.memory_space<vmem>>, vector<16xf32>,
        %mul3A_1341 = arith.mulf %get3A_1314, %get3A_1325 : vector<16xf32>
        %mul3A_1342 = arith.mulf %get3A_1317, %get3A_1328 : vector<16xf32>
        %add3A_1343 = arith.addf %mul3A_1341, %mul3A_1342 : vector<16xf32>
        %mul3A_1344 = arith.mulf %gather3A_1322, %get3A_1331 : vector<16xf32>
        %add3A_1345 = arith.addf %add3A_1343, %mul3A_1344 : vector<16xf32>
        %abs3A_1346 = math.absf %add3A_1345 : vector<16xf32>
        %add3A_1347 = arith.addf %get3A_1334, %get3A_1337 : vector<16xf32>
        %add3A_1348 = arith.addf %add3A_1347, %get3A_1340 : vector<16xf32>
        %abs3A_1349 = math.absf %add3A_1348 : vector<16xf32>
        %get3A_1350 = arith.index_cast %add3A_1229 : i32 to index
        %get3A_1351 = arith.constant 48 : index
        %get3A_1352 = tpu.vector_load %arg11[%get3A_1350, %get3A_1351] {strides = array<i32>} : memref<128x128xf32, #tpu.memory_space<vmem>>, vector<16xf32>,
        %get3A_1353 = arith.index_cast %add3A_1229 : i32 to index
        %get3A_1354 = arith.constant 112 : index
        %get3A_1355 = tpu.vector_load %arg11[%get3A_1353, %get3A_1354] {strides = array<i32>} : memref<128x128xf32, #tpu.memory_space<vmem>>, vector<16xf32>,
        %add3A_1356 = arith.constant 48 : i32
        %add3A_1357 = vector.broadcast %add3A_1356 : i32 to vector<16xi32>
        %add3A_1358 = arith.addi %iota3A, %add3A_1357 : vector<16xi32>
        %add3A_1359 = arith.addi %add3A_1358, %gather3A_1233 : vector<16xi32>
        %gather3A_1360 = tpu.vector_load_idx %arg12[%add3A_1235, %add3A_1359] : memref<128x128xf32, #tpu.memory_space<vmem>>[vector<16xi32>, vector<16xi32>], vector<16xf32>,
        %get3A_1361 = arith.index_cast %add3A_1229 : i32 to index
        %get3A_1362 = arith.constant 48 : index
        %get3A_1363 = tpu.vector_load %arg13[%get3A_1361, %get3A_1362] {strides = array<i32>} : memref<128x192xf32, #tpu.memory_space<vmem>>, vector<16xf32>,
        %get3A_1364 = arith.index_cast %add3A_1229 : i32 to index
        %get3A_1365 = arith.constant 112 : index
        %get3A_1366 = tpu.vector_load %arg13[%get3A_1364, %get3A_1365] {strides = array<i32>} : memref<128x192xf32, #tpu.memory_space<vmem>>, vector<16xf32>,
        %get3A_1367 = arith.index_cast %add3A_1229 : i32 to index
        %get3A_1368 = arith.constant 176 : index
        %get3A_1369 = tpu.vector_load %arg13[%get3A_1367, %get3A_1368] {strides = array<i32>} : memref<128x192xf32, #tpu.memory_space<vmem>>, vector<16xf32>,
        %get3A_1370 = arith.index_cast %add3A_1229 : i32 to index
        %get3A_1371 = arith.constant 48 : index
        %get3A_1372 = tpu.vector_load %arg14[%get3A_1370, %get3A_1371] {strides = array<i32>} : memref<128x192xf32, #tpu.memory_space<vmem>>, vector<16xf32>,
        %get3A_1373 = arith.index_cast %add3A_1229 : i32 to index
        %get3A_1374 = arith.constant 112 : index
        %get3A_1375 = tpu.vector_load %arg14[%get3A_1373, %get3A_1374] {strides = array<i32>} : memref<128x192xf32, #tpu.memory_space<vmem>>, vector<16xf32>,
        %get3A_1376 = arith.index_cast %add3A_1229 : i32 to index
        %get3A_1377 = arith.constant 176 : index
        %get3A_1378 = tpu.vector_load %arg14[%get3A_1376, %get3A_1377] {strides = array<i32>} : memref<128x192xf32, #tpu.memory_space<vmem>>, vector<16xf32>,
        %mul3A_1379 = arith.mulf %get3A_1352, %get3A_1363 : vector<16xf32>
        %mul3A_1380 = arith.mulf %get3A_1355, %get3A_1366 : vector<16xf32>
        %add3A_1381 = arith.addf %mul3A_1379, %mul3A_1380 : vector<16xf32>
        %mul3A_1382 = arith.mulf %gather3A_1360, %get3A_1369 : vector<16xf32>
        %add3A_1383 = arith.addf %add3A_1381, %mul3A_1382 : vector<16xf32>
        %abs3A_1384 = math.absf %add3A_1383 : vector<16xf32>
        %add3A_1385 = arith.addf %get3A_1372, %get3A_1375 : vector<16xf32>
        %add3A_1386 = arith.addf %add3A_1385, %get3A_1378 : vector<16xf32>
        %abs3A_1387 = math.absf %add3A_1386 : vector<16xf32>
        %add3A_1388 = arith.addf %abs3A_1270, %abs3A_1308 : vector<16xf32>
        %add3A_1389 = arith.addf %abs3A_1346, %abs3A_1384 : vector<16xf32>
        %add3A_1390 = arith.addf %add3A_1388, %add3A_1389 : vector<16xf32>
        %swap3A_1391 = arith.constant 112 : index
        %swap3A_1392 = tpu.vector_load %arg16[%swap3A_1391] {strides = array<i32>} : memref<256xf32, #tpu.memory_space<vmem>>, vector<16xf32>,
        tpu.vector_store %arg16[%swap3A_1391], %add3A_1390 {strides = array<i32>} : memref<256xf32, #tpu.memory_space<vmem>>, vector<16xf32>,
        %add3A_1393 = arith.addf %abs3A_1273, %abs3A_1311 : vector<16xf32>
        %add3A_1394 = arith.addf %abs3A_1349, %abs3A_1387 : vector<16xf32>
        %add3A_1395 = arith.addf %add3A_1393, %add3A_1394 : vector<16xf32>
        %swap3A_1396 = arith.constant 112 : index
        %swap3A_1397 = tpu.vector_load %arg17[%swap3A_1396] {strides = array<i32>} : memref<256xf32, #tpu.memory_space<vmem>>, vector<16xf32>,
        tpu.vector_store %arg17[%swap3A_1396], %add3A_1395 {strides = array<i32>} : memref<256xf32, #tpu.memory_space<vmem>>, vector<16xf32>,
        %add3A_1398 = arith.constant 8 : i32
        %add3A_1399 = arith.addi %mul3A_40, %add3A_1398 : i32
        %add3A_1400 = arith.addi %mul3A_16, %add3A_1399 : i32
        %add3A_1401 = vector.broadcast %add3A_1400 : i32 to vector<16xi32>
        %add3A_1402 = arith.addi %broadcast_in_dim3A_41, %add3A_1401 : vector<16xi32>
        %gather3A_1403 = tpu.vector_load_idx %arg10[%add3A_1402] : memref<512xi32, #tpu.memory_space<vmem>>[vector<16xi32>], vector<16xi32>,
        %add3A_1404 = vector.broadcast %add3A_1399 : i32 to vector<16xi32>
        %add3A_1405 = arith.addi %broadcast_in_dim3A_41, %add3A_1404 : vector<16xi32>
        %get3A_1406 = arith.index_cast %add3A_1399 : i32 to index
        %get3A_1407 = arith.constant 0 : index
        %get3A_1408 = tpu.vector_load %arg11[%get3A_1406, %get3A_1407] {strides = array<i32>} : memref<128x128xf32, #tpu.memory_space<vmem>>, vector<16xf32>,
        %get3A_1409 = arith.index_cast %add3A_1399 : i32 to index
        %get3A_1410 = arith.constant 64 : index
        %get3A_1411 = tpu.vector_load %arg11[%get3A_1409, %get3A_1410] {strides = array<i32>} : memref<128x128xf32, #tpu.memory_space<vmem>>, vector<16xf32>,
        %add3A_1412 = arith.constant 0 : i32
        %add3A_1413 = vector.broadcast %add3A_1412 : i32 to vector<16xi32>
        %add3A_1414 = arith.addi %iota3A, %add3A_1413 : vector<16xi32>
        %add3A_1415 = arith.addi %add3A_1414, %gather3A_1403 : vector<16xi32>
        %gather3A_1416 = tpu.vector_load_idx %arg12[%add3A_1405, %add3A_1415] : memref<128x128xf32, #tpu.memory_space<vmem>>[vector<16xi32>, vector<16xi32>], vector<16xf32>,
        %get3A_1417 = arith.index_cast %add3A_1399 : i32 to index
        %get3A_1418 = arith.constant 0 : index
        %get3A_1419 = tpu.vector_load %arg13[%get3A_1417, %get3A_1418] {strides = array<i32>} : memref<128x192xf32, #tpu.memory_space<vmem>>, vector<16xf32>,
        %get3A_1420 = arith.index_cast %add3A_1399 : i32 to index
        %get3A_1421 = arith.constant 64 : index
        %get3A_1422 = tpu.vector_load %arg13[%get3A_1420, %get3A_1421] {strides = array<i32>} : memref<128x192xf32, #tpu.memory_space<vmem>>, vector<16xf32>,
        %get3A_1423 = arith.index_cast %add3A_1399 : i32 to index
        %get3A_1424 = arith.constant 128 : index
        %get3A_1425 = tpu.vector_load %arg13[%get3A_1423, %get3A_1424] {strides = array<i32>} : memref<128x192xf32, #tpu.memory_space<vmem>>, vector<16xf32>,
        %get3A_1426 = arith.index_cast %add3A_1399 : i32 to index
        %get3A_1427 = arith.constant 0 : index
        %get3A_1428 = tpu.vector_load %arg14[%get3A_1426, %get3A_1427] {strides = array<i32>} : memref<128x192xf32, #tpu.memory_space<vmem>>, vector<16xf32>,
        %get3A_1429 = arith.index_cast %add3A_1399 : i32 to index
        %get3A_1430 = arith.constant 64 : index
        %get3A_1431 = tpu.vector_load %arg14[%get3A_1429, %get3A_1430] {strides = array<i32>} : memref<128x192xf32, #tpu.memory_space<vmem>>, vector<16xf32>,
        %get3A_1432 = arith.index_cast %add3A_1399 : i32 to index
        %get3A_1433 = arith.constant 128 : index
        %get3A_1434 = tpu.vector_load %arg14[%get3A_1432, %get3A_1433] {strides = array<i32>} : memref<128x192xf32, #tpu.memory_space<vmem>>, vector<16xf32>,
        %mul3A_1435 = arith.mulf %get3A_1408, %get3A_1419 : vector<16xf32>
        %mul3A_1436 = arith.mulf %get3A_1411, %get3A_1422 : vector<16xf32>
        %add3A_1437 = arith.addf %mul3A_1435, %mul3A_1436 : vector<16xf32>
        %mul3A_1438 = arith.mulf %gather3A_1416, %get3A_1425 : vector<16xf32>
        %add3A_1439 = arith.addf %add3A_1437, %mul3A_1438 : vector<16xf32>
        %abs3A_1440 = math.absf %add3A_1439 : vector<16xf32>
        %add3A_1441 = arith.addf %get3A_1428, %get3A_1431 : vector<16xf32>
        %add3A_1442 = arith.addf %add3A_1441, %get3A_1434 : vector<16xf32>
        %abs3A_1443 = math.absf %add3A_1442 : vector<16xf32>
        %get3A_1444 = arith.index_cast %add3A_1399 : i32 to index
        %get3A_1445 = arith.constant 16 : index
        %get3A_1446 = tpu.vector_load %arg11[%get3A_1444, %get3A_1445] {strides = array<i32>} : memref<128x128xf32, #tpu.memory_space<vmem>>, vector<16xf32>,
        %get3A_1447 = arith.index_cast %add3A_1399 : i32 to index
        %get3A_1448 = arith.constant 80 : index
        %get3A_1449 = tpu.vector_load %arg11[%get3A_1447, %get3A_1448] {strides = array<i32>} : memref<128x128xf32, #tpu.memory_space<vmem>>, vector<16xf32>,
        %add3A_1450 = arith.constant 16 : i32
        %add3A_1451 = vector.broadcast %add3A_1450 : i32 to vector<16xi32>
        %add3A_1452 = arith.addi %iota3A, %add3A_1451 : vector<16xi32>
        %add3A_1453 = arith.addi %add3A_1452, %gather3A_1403 : vector<16xi32>
        %gather3A_1454 = tpu.vector_load_idx %arg12[%add3A_1405, %add3A_1453] : memref<128x128xf32, #tpu.memory_space<vmem>>[vector<16xi32>, vector<16xi32>], vector<16xf32>,
        %get3A_1455 = arith.index_cast %add3A_1399 : i32 to index
        %get3A_1456 = arith.constant 16 : index
        %get3A_1457 = tpu.vector_load %arg13[%get3A_1455, %get3A_1456] {strides = array<i32>} : memref<128x192xf32, #tpu.memory_space<vmem>>, vector<16xf32>,
        %get3A_1458 = arith.index_cast %add3A_1399 : i32 to index
        %get3A_1459 = arith.constant 80 : index
        %get3A_1460 = tpu.vector_load %arg13[%get3A_1458, %get3A_1459] {strides = array<i32>} : memref<128x192xf32, #tpu.memory_space<vmem>>, vector<16xf32>,
        %get3A_1461 = arith.index_cast %add3A_1399 : i32 to index
        %get3A_1462 = arith.constant 144 : index
        %get3A_1463 = tpu.vector_load %arg13[%get3A_1461, %get3A_1462] {strides = array<i32>} : memref<128x192xf32, #tpu.memory_space<vmem>>, vector<16xf32>,
        %get3A_1464 = arith.index_cast %add3A_1399 : i32 to index
        %get3A_1465 = arith.constant 16 : index
        %get3A_1466 = tpu.vector_load %arg14[%get3A_1464, %get3A_1465] {strides = array<i32>} : memref<128x192xf32, #tpu.memory_space<vmem>>, vector<16xf32>,
        %get3A_1467 = arith.index_cast %add3A_1399 : i32 to index
        %get3A_1468 = arith.constant 80 : index
        %get3A_1469 = tpu.vector_load %arg14[%get3A_1467, %get3A_1468] {strides = array<i32>} : memref<128x192xf32, #tpu.memory_space<vmem>>, vector<16xf32>,
        %get3A_1470 = arith.index_cast %add3A_1399 : i32 to index
        %get3A_1471 = arith.constant 144 : index
        %get3A_1472 = tpu.vector_load %arg14[%get3A_1470, %get3A_1471] {strides = array<i32>} : memref<128x192xf32, #tpu.memory_space<vmem>>, vector<16xf32>,
        %mul3A_1473 = arith.mulf %get3A_1446, %get3A_1457 : vector<16xf32>
        %mul3A_1474 = arith.mulf %get3A_1449, %get3A_1460 : vector<16xf32>
        %add3A_1475 = arith.addf %mul3A_1473, %mul3A_1474 : vector<16xf32>
        %mul3A_1476 = arith.mulf %gather3A_1454, %get3A_1463 : vector<16xf32>
        %add3A_1477 = arith.addf %add3A_1475, %mul3A_1476 : vector<16xf32>
        %abs3A_1478 = math.absf %add3A_1477 : vector<16xf32>
        %add3A_1479 = arith.addf %get3A_1466, %get3A_1469 : vector<16xf32>
        %add3A_1480 = arith.addf %add3A_1479, %get3A_1472 : vector<16xf32>
        %abs3A_1481 = math.absf %add3A_1480 : vector<16xf32>
        %get3A_1482 = arith.index_cast %add3A_1399 : i32 to index
        %get3A_1483 = arith.constant 32 : index
        %get3A_1484 = tpu.vector_load %arg11[%get3A_1482, %get3A_1483] {strides = array<i32>} : memref<128x128xf32, #tpu.memory_space<vmem>>, vector<16xf32>,
        %get3A_1485 = arith.index_cast %add3A_1399 : i32 to index
        %get3A_1486 = arith.constant 96 : index
        %get3A_1487 = tpu.vector_load %arg11[%get3A_1485, %get3A_1486] {strides = array<i32>} : memref<128x128xf32, #tpu.memory_space<vmem>>, vector<16xf32>,
        %add3A_1488 = arith.constant 32 : i32
        %add3A_1489 = vector.broadcast %add3A_1488 : i32 to vector<16xi32>
        %add3A_1490 = arith.addi %iota3A, %add3A_1489 : vector<16xi32>
        %add3A_1491 = arith.addi %add3A_1490, %gather3A_1403 : vector<16xi32>
        %gather3A_1492 = tpu.vector_load_idx %arg12[%add3A_1405, %add3A_1491] : memref<128x128xf32, #tpu.memory_space<vmem>>[vector<16xi32>, vector<16xi32>], vector<16xf32>,
        %get3A_1493 = arith.index_cast %add3A_1399 : i32 to index
        %get3A_1494 = arith.constant 32 : index
        %get3A_1495 = tpu.vector_load %arg13[%get3A_1493, %get3A_1494] {strides = array<i32>} : memref<128x192xf32, #tpu.memory_space<vmem>>, vector<16xf32>,
        %get3A_1496 = arith.index_cast %add3A_1399 : i32 to index
        %get3A_1497 = arith.constant 96 : index
        %get3A_1498 = tpu.vector_load %arg13[%get3A_1496, %get3A_1497] {strides = array<i32>} : memref<128x192xf32, #tpu.memory_space<vmem>>, vector<16xf32>,
        %get3A_1499 = arith.index_cast %add3A_1399 : i32 to index
        %get3A_1500 = arith.constant 160 : index
        %get3A_1501 = tpu.vector_load %arg13[%get3A_1499, %get3A_1500] {strides = array<i32>} : memref<128x192xf32, #tpu.memory_space<vmem>>, vector<16xf32>,
        %get3A_1502 = arith.index_cast %add3A_1399 : i32 to index
        %get3A_1503 = arith.constant 32 : index
        %get3A_1504 = tpu.vector_load %arg14[%get3A_1502, %get3A_1503] {strides = array<i32>} : memref<128x192xf32, #tpu.memory_space<vmem>>, vector<16xf32>,
        %get3A_1505 = arith.index_cast %add3A_1399 : i32 to index
        %get3A_1506 = arith.constant 96 : index
        %get3A_1507 = tpu.vector_load %arg14[%get3A_1505, %get3A_1506] {strides = array<i32>} : memref<128x192xf32, #tpu.memory_space<vmem>>, vector<16xf32>,
        %get3A_1508 = arith.index_cast %add3A_1399 : i32 to index
        %get3A_1509 = arith.constant 160 : index
        %get3A_1510 = tpu.vector_load %arg14[%get3A_1508, %get3A_1509] {strides = array<i32>} : memref<128x192xf32, #tpu.memory_space<vmem>>, vector<16xf32>,
        %mul3A_1511 = arith.mulf %get3A_1484, %get3A_1495 : vector<16xf32>
        %mul3A_1512 = arith.mulf %get3A_1487, %get3A_1498 : vector<16xf32>
        %add3A_1513 = arith.addf %mul3A_1511, %mul3A_1512 : vector<16xf32>
        %mul3A_1514 = arith.mulf %gather3A_1492, %get3A_1501 : vector<16xf32>
        %add3A_1515 = arith.addf %add3A_1513, %mul3A_1514 : vector<16xf32>
        %abs3A_1516 = math.absf %add3A_1515 : vector<16xf32>
        %add3A_1517 = arith.addf %get3A_1504, %get3A_1507 : vector<16xf32>
        %add3A_1518 = arith.addf %add3A_1517, %get3A_1510 : vector<16xf32>
        %abs3A_1519 = math.absf %add3A_1518 : vector<16xf32>
        %get3A_1520 = arith.index_cast %add3A_1399 : i32 to index
        %get3A_1521 = arith.constant 48 : index
        %get3A_1522 = tpu.vector_load %arg11[%get3A_1520, %get3A_1521] {strides = array<i32>} : memref<128x128xf32, #tpu.memory_space<vmem>>, vector<16xf32>,
        %get3A_1523 = arith.index_cast %add3A_1399 : i32 to index
        %get3A_1524 = arith.constant 112 : index
        %get3A_1525 = tpu.vector_load %arg11[%get3A_1523, %get3A_1524] {strides = array<i32>} : memref<128x128xf32, #tpu.memory_space<vmem>>, vector<16xf32>,
        %add3A_1526 = arith.constant 48 : i32
        %add3A_1527 = vector.broadcast %add3A_1526 : i32 to vector<16xi32>
        %add3A_1528 = arith.addi %iota3A, %add3A_1527 : vector<16xi32>
        %add3A_1529 = arith.addi %add3A_1528, %gather3A_1403 : vector<16xi32>
        %gather3A_1530 = tpu.vector_load_idx %arg12[%add3A_1405, %add3A_1529] : memref<128x128xf32, #tpu.memory_space<vmem>>[vector<16xi32>, vector<16xi32>], vector<16xf32>,
        %get3A_1531 = arith.index_cast %add3A_1399 : i32 to index
        %get3A_1532 = arith.constant 48 : index
        %get3A_1533 = tpu.vector_load %arg13[%get3A_1531, %get3A_1532] {strides = array<i32>} : memref<128x192xf32, #tpu.memory_space<vmem>>, vector<16xf32>,
        %get3A_1534 = arith.index_cast %add3A_1399 : i32 to index
        %get3A_1535 = arith.constant 112 : index
        %get3A_1536 = tpu.vector_load %arg13[%get3A_1534, %get3A_1535] {strides = array<i32>} : memref<128x192xf32, #tpu.memory_space<vmem>>, vector<16xf32>,
        %get3A_1537 = arith.index_cast %add3A_1399 : i32 to index
        %get3A_1538 = arith.constant 176 : index
        %get3A_1539 = tpu.vector_load %arg13[%get3A_1537, %get3A_1538] {strides = array<i32>} : memref<128x192xf32, #tpu.memory_space<vmem>>, vector<16xf32>,
        %get3A_1540 = arith.index_cast %add3A_1399 : i32 to index
        %get3A_1541 = arith.constant 48 : index
        %get3A_1542 = tpu.vector_load %arg14[%get3A_1540, %get3A_1541] {strides = array<i32>} : memref<128x192xf32, #tpu.memory_space<vmem>>, vector<16xf32>,
        %get3A_1543 = arith.index_cast %add3A_1399 : i32 to index
        %get3A_1544 = arith.constant 112 : index
        %get3A_1545 = tpu.vector_load %arg14[%get3A_1543, %get3A_1544] {strides = array<i32>} : memref<128x192xf32, #tpu.memory_space<vmem>>, vector<16xf32>,
        %get3A_1546 = arith.index_cast %add3A_1399 : i32 to index
        %get3A_1547 = arith.constant 176 : index
        %get3A_1548 = tpu.vector_load %arg14[%get3A_1546, %get3A_1547] {strides = array<i32>} : memref<128x192xf32, #tpu.memory_space<vmem>>, vector<16xf32>,
        %mul3A_1549 = arith.mulf %get3A_1522, %get3A_1533 : vector<16xf32>
        %mul3A_1550 = arith.mulf %get3A_1525, %get3A_1536 : vector<16xf32>
        %add3A_1551 = arith.addf %mul3A_1549, %mul3A_1550 : vector<16xf32>
        %mul3A_1552 = arith.mulf %gather3A_1530, %get3A_1539 : vector<16xf32>
        %add3A_1553 = arith.addf %add3A_1551, %mul3A_1552 : vector<16xf32>
        %abs3A_1554 = math.absf %add3A_1553 : vector<16xf32>
        %add3A_1555 = arith.addf %get3A_1542, %get3A_1545 : vector<16xf32>
        %add3A_1556 = arith.addf %add3A_1555, %get3A_1548 : vector<16xf32>
        %abs3A_1557 = math.absf %add3A_1556 : vector<16xf32>
        %add3A_1558 = arith.addf %abs3A_1440, %abs3A_1478 : vector<16xf32>
        %add3A_1559 = arith.addf %abs3A_1516, %abs3A_1554 : vector<16xf32>
        %add3A_1560 = arith.addf %add3A_1558, %add3A_1559 : vector<16xf32>
        %swap3A_1561 = arith.constant 128 : index
        %swap3A_1562 = tpu.vector_load %arg16[%swap3A_1561] {strides = array<i32>} : memref<256xf32, #tpu.memory_space<vmem>>, vector<16xf32>,
        tpu.vector_store %arg16[%swap3A_1561], %add3A_1560 {strides = array<i32>} : memref<256xf32, #tpu.memory_space<vmem>>, vector<16xf32>,
        %add3A_1563 = arith.addf %abs3A_1443, %abs3A_1481 : vector<16xf32>
        %add3A_1564 = arith.addf %abs3A_1519, %abs3A_1557 : vector<16xf32>
        %add3A_1565 = arith.addf %add3A_1563, %add3A_1564 : vector<16xf32>
        %swap3A_1566 = arith.constant 128 : index
        %swap3A_1567 = tpu.vector_load %arg17[%swap3A_1566] {strides = array<i32>} : memref<256xf32, #tpu.memory_space<vmem>>, vector<16xf32>,
        tpu.vector_store %arg17[%swap3A_1566], %add3A_1565 {strides = array<i32>} : memref<256xf32, #tpu.memory_space<vmem>>, vector<16xf32>,
        %add3A_1568 = arith.constant 9 : i32
        %add3A_1569 = arith.addi %mul3A_40, %add3A_1568 : i32
        %add3A_1570 = arith.addi %mul3A_16, %add3A_1569 : i32
        %add3A_1571 = vector.broadcast %add3A_1570 : i32 to vector<16xi32>
        %add3A_1572 = arith.addi %broadcast_in_dim3A_41, %add3A_1571 : vector<16xi32>
        %gather3A_1573 = tpu.vector_load_idx %arg10[%add3A_1572] : memref<512xi32, #tpu.memory_space<vmem>>[vector<16xi32>], vector<16xi32>,
        %add3A_1574 = vector.broadcast %add3A_1569 : i32 to vector<16xi32>
        %add3A_1575 = arith.addi %broadcast_in_dim3A_41, %add3A_1574 : vector<16xi32>
        %get3A_1576 = arith.index_cast %add3A_1569 : i32 to index
        %get3A_1577 = arith.constant 0 : index
        %get3A_1578 = tpu.vector_load %arg11[%get3A_1576, %get3A_1577] {strides = array<i32>} : memref<128x128xf32, #tpu.memory_space<vmem>>, vector<16xf32>,
        %get3A_1579 = arith.index_cast %add3A_1569 : i32 to index
        %get3A_1580 = arith.constant 64 : index
        %get3A_1581 = tpu.vector_load %arg11[%get3A_1579, %get3A_1580] {strides = array<i32>} : memref<128x128xf32, #tpu.memory_space<vmem>>, vector<16xf32>,
        %add3A_1582 = arith.constant 0 : i32
        %add3A_1583 = vector.broadcast %add3A_1582 : i32 to vector<16xi32>
        %add3A_1584 = arith.addi %iota3A, %add3A_1583 : vector<16xi32>
        %add3A_1585 = arith.addi %add3A_1584, %gather3A_1573 : vector<16xi32>
        %gather3A_1586 = tpu.vector_load_idx %arg12[%add3A_1575, %add3A_1585] : memref<128x128xf32, #tpu.memory_space<vmem>>[vector<16xi32>, vector<16xi32>], vector<16xf32>,
        %get3A_1587 = arith.index_cast %add3A_1569 : i32 to index
        %get3A_1588 = arith.constant 0 : index
        %get3A_1589 = tpu.vector_load %arg13[%get3A_1587, %get3A_1588] {strides = array<i32>} : memref<128x192xf32, #tpu.memory_space<vmem>>, vector<16xf32>,
        %get3A_1590 = arith.index_cast %add3A_1569 : i32 to index
        %get3A_1591 = arith.constant 64 : index
        %get3A_1592 = tpu.vector_load %arg13[%get3A_1590, %get3A_1591] {strides = array<i32>} : memref<128x192xf32, #tpu.memory_space<vmem>>, vector<16xf32>,
        %get3A_1593 = arith.index_cast %add3A_1569 : i32 to index
        %get3A_1594 = arith.constant 128 : index
        %get3A_1595 = tpu.vector_load %arg13[%get3A_1593, %get3A_1594] {strides = array<i32>} : memref<128x192xf32, #tpu.memory_space<vmem>>, vector<16xf32>,
        %get3A_1596 = arith.index_cast %add3A_1569 : i32 to index
        %get3A_1597 = arith.constant 0 : index
        %get3A_1598 = tpu.vector_load %arg14[%get3A_1596, %get3A_1597] {strides = array<i32>} : memref<128x192xf32, #tpu.memory_space<vmem>>, vector<16xf32>,
        %get3A_1599 = arith.index_cast %add3A_1569 : i32 to index
        %get3A_1600 = arith.constant 64 : index
        %get3A_1601 = tpu.vector_load %arg14[%get3A_1599, %get3A_1600] {strides = array<i32>} : memref<128x192xf32, #tpu.memory_space<vmem>>, vector<16xf32>,
        %get3A_1602 = arith.index_cast %add3A_1569 : i32 to index
        %get3A_1603 = arith.constant 128 : index
        %get3A_1604 = tpu.vector_load %arg14[%get3A_1602, %get3A_1603] {strides = array<i32>} : memref<128x192xf32, #tpu.memory_space<vmem>>, vector<16xf32>,
        %mul3A_1605 = arith.mulf %get3A_1578, %get3A_1589 : vector<16xf32>
        %mul3A_1606 = arith.mulf %get3A_1581, %get3A_1592 : vector<16xf32>
        %add3A_1607 = arith.addf %mul3A_1605, %mul3A_1606 : vector<16xf32>
        %mul3A_1608 = arith.mulf %gather3A_1586, %get3A_1595 : vector<16xf32>
        %add3A_1609 = arith.addf %add3A_1607, %mul3A_1608 : vector<16xf32>
        %abs3A_1610 = math.absf %add3A_1609 : vector<16xf32>
        %add3A_1611 = arith.addf %get3A_1598, %get3A_1601 : vector<16xf32>
        %add3A_1612 = arith.addf %add3A_1611, %get3A_1604 : vector<16xf32>
        %abs3A_1613 = math.absf %add3A_1612 : vector<16xf32>
        %get3A_1614 = arith.index_cast %add3A_1569 : i32 to index
        %get3A_1615 = arith.constant 16 : index
        %get3A_1616 = tpu.vector_load %arg11[%get3A_1614, %get3A_1615] {strides = array<i32>} : memref<128x128xf32, #tpu.memory_space<vmem>>, vector<16xf32>,
        %get3A_1617 = arith.index_cast %add3A_1569 : i32 to index
        %get3A_1618 = arith.constant 80 : index
        %get3A_1619 = tpu.vector_load %arg11[%get3A_1617, %get3A_1618] {strides = array<i32>} : memref<128x128xf32, #tpu.memory_space<vmem>>, vector<16xf32>,
        %add3A_1620 = arith.constant 16 : i32
        %add3A_1621 = vector.broadcast %add3A_1620 : i32 to vector<16xi32>
        %add3A_1622 = arith.addi %iota3A, %add3A_1621 : vector<16xi32>
        %add3A_1623 = arith.addi %add3A_1622, %gather3A_1573 : vector<16xi32>
        %gather3A_1624 = tpu.vector_load_idx %arg12[%add3A_1575, %add3A_1623] : memref<128x128xf32, #tpu.memory_space<vmem>>[vector<16xi32>, vector<16xi32>], vector<16xf32>,
        %get3A_1625 = arith.index_cast %add3A_1569 : i32 to index
        %get3A_1626 = arith.constant 16 : index
        %get3A_1627 = tpu.vector_load %arg13[%get3A_1625, %get3A_1626] {strides = array<i32>} : memref<128x192xf32, #tpu.memory_space<vmem>>, vector<16xf32>,
        %get3A_1628 = arith.index_cast %add3A_1569 : i32 to index
        %get3A_1629 = arith.constant 80 : index
        %get3A_1630 = tpu.vector_load %arg13[%get3A_1628, %get3A_1629] {strides = array<i32>} : memref<128x192xf32, #tpu.memory_space<vmem>>, vector<16xf32>,
        %get3A_1631 = arith.index_cast %add3A_1569 : i32 to index
        %get3A_1632 = arith.constant 144 : index
        %get3A_1633 = tpu.vector_load %arg13[%get3A_1631, %get3A_1632] {strides = array<i32>} : memref<128x192xf32, #tpu.memory_space<vmem>>, vector<16xf32>,
        %get3A_1634 = arith.index_cast %add3A_1569 : i32 to index
        %get3A_1635 = arith.constant 16 : index
        %get3A_1636 = tpu.vector_load %arg14[%get3A_1634, %get3A_1635] {strides = array<i32>} : memref<128x192xf32, #tpu.memory_space<vmem>>, vector<16xf32>,
        %get3A_1637 = arith.index_cast %add3A_1569 : i32 to index
        %get3A_1638 = arith.constant 80 : index
        %get3A_1639 = tpu.vector_load %arg14[%get3A_1637, %get3A_1638] {strides = array<i32>} : memref<128x192xf32, #tpu.memory_space<vmem>>, vector<16xf32>,
        %get3A_1640 = arith.index_cast %add3A_1569 : i32 to index
        %get3A_1641 = arith.constant 144 : index
        %get3A_1642 = tpu.vector_load %arg14[%get3A_1640, %get3A_1641] {strides = array<i32>} : memref<128x192xf32, #tpu.memory_space<vmem>>, vector<16xf32>,
        %mul3A_1643 = arith.mulf %get3A_1616, %get3A_1627 : vector<16xf32>
        %mul3A_1644 = arith.mulf %get3A_1619, %get3A_1630 : vector<16xf32>
        %add3A_1645 = arith.addf %mul3A_1643, %mul3A_1644 : vector<16xf32>
        %mul3A_1646 = arith.mulf %gather3A_1624, %get3A_1633 : vector<16xf32>
        %add3A_1647 = arith.addf %add3A_1645, %mul3A_1646 : vector<16xf32>
        %abs3A_1648 = math.absf %add3A_1647 : vector<16xf32>
        %add3A_1649 = arith.addf %get3A_1636, %get3A_1639 : vector<16xf32>
        %add3A_1650 = arith.addf %add3A_1649, %get3A_1642 : vector<16xf32>
        %abs3A_1651 = math.absf %add3A_1650 : vector<16xf32>
        %get3A_1652 = arith.index_cast %add3A_1569 : i32 to index
        %get3A_1653 = arith.constant 32 : index
        %get3A_1654 = tpu.vector_load %arg11[%get3A_1652, %get3A_1653] {strides = array<i32>} : memref<128x128xf32, #tpu.memory_space<vmem>>, vector<16xf32>,
        %get3A_1655 = arith.index_cast %add3A_1569 : i32 to index
        %get3A_1656 = arith.constant 96 : index
        %get3A_1657 = tpu.vector_load %arg11[%get3A_1655, %get3A_1656] {strides = array<i32>} : memref<128x128xf32, #tpu.memory_space<vmem>>, vector<16xf32>,
        %add3A_1658 = arith.constant 32 : i32
        %add3A_1659 = vector.broadcast %add3A_1658 : i32 to vector<16xi32>
        %add3A_1660 = arith.addi %iota3A, %add3A_1659 : vector<16xi32>
        %add3A_1661 = arith.addi %add3A_1660, %gather3A_1573 : vector<16xi32>
        %gather3A_1662 = tpu.vector_load_idx %arg12[%add3A_1575, %add3A_1661] : memref<128x128xf32, #tpu.memory_space<vmem>>[vector<16xi32>, vector<16xi32>], vector<16xf32>,
        %get3A_1663 = arith.index_cast %add3A_1569 : i32 to index
        %get3A_1664 = arith.constant 32 : index
        %get3A_1665 = tpu.vector_load %arg13[%get3A_1663, %get3A_1664] {strides = array<i32>} : memref<128x192xf32, #tpu.memory_space<vmem>>, vector<16xf32>,
        %get3A_1666 = arith.index_cast %add3A_1569 : i32 to index
        %get3A_1667 = arith.constant 96 : index
        %get3A_1668 = tpu.vector_load %arg13[%get3A_1666, %get3A_1667] {strides = array<i32>} : memref<128x192xf32, #tpu.memory_space<vmem>>, vector<16xf32>,
        %get3A_1669 = arith.index_cast %add3A_1569 : i32 to index
        %get3A_1670 = arith.constant 160 : index
        %get3A_1671 = tpu.vector_load %arg13[%get3A_1669, %get3A_1670] {strides = array<i32>} : memref<128x192xf32, #tpu.memory_space<vmem>>, vector<16xf32>,
        %get3A_1672 = arith.index_cast %add3A_1569 : i32 to index
        %get3A_1673 = arith.constant 32 : index
        %get3A_1674 = tpu.vector_load %arg14[%get3A_1672, %get3A_1673] {strides = array<i32>} : memref<128x192xf32, #tpu.memory_space<vmem>>, vector<16xf32>,
        %get3A_1675 = arith.index_cast %add3A_1569 : i32 to index
        %get3A_1676 = arith.constant 96 : index
        %get3A_1677 = tpu.vector_load %arg14[%get3A_1675, %get3A_1676] {strides = array<i32>} : memref<128x192xf32, #tpu.memory_space<vmem>>, vector<16xf32>,
        %get3A_1678 = arith.index_cast %add3A_1569 : i32 to index
        %get3A_1679 = arith.constant 160 : index
        %get3A_1680 = tpu.vector_load %arg14[%get3A_1678, %get3A_1679] {strides = array<i32>} : memref<128x192xf32, #tpu.memory_space<vmem>>, vector<16xf32>,
        %mul3A_1681 = arith.mulf %get3A_1654, %get3A_1665 : vector<16xf32>
        %mul3A_1682 = arith.mulf %get3A_1657, %get3A_1668 : vector<16xf32>
        %add3A_1683 = arith.addf %mul3A_1681, %mul3A_1682 : vector<16xf32>
        %mul3A_1684 = arith.mulf %gather3A_1662, %get3A_1671 : vector<16xf32>
        %add3A_1685 = arith.addf %add3A_1683, %mul3A_1684 : vector<16xf32>
        %abs3A_1686 = math.absf %add3A_1685 : vector<16xf32>
        %add3A_1687 = arith.addf %get3A_1674, %get3A_1677 : vector<16xf32>
        %add3A_1688 = arith.addf %add3A_1687, %get3A_1680 : vector<16xf32>
        %abs3A_1689 = math.absf %add3A_1688 : vector<16xf32>
        %get3A_1690 = arith.index_cast %add3A_1569 : i32 to index
        %get3A_1691 = arith.constant 48 : index
        %get3A_1692 = tpu.vector_load %arg11[%get3A_1690, %get3A_1691] {strides = array<i32>} : memref<128x128xf32, #tpu.memory_space<vmem>>, vector<16xf32>,
        %get3A_1693 = arith.index_cast %add3A_1569 : i32 to index
        %get3A_1694 = arith.constant 112 : index
        %get3A_1695 = tpu.vector_load %arg11[%get3A_1693, %get3A_1694] {strides = array<i32>} : memref<128x128xf32, #tpu.memory_space<vmem>>, vector<16xf32>,
        %add3A_1696 = arith.constant 48 : i32
        %add3A_1697 = vector.broadcast %add3A_1696 : i32 to vector<16xi32>
        %add3A_1698 = arith.addi %iota3A, %add3A_1697 : vector<16xi32>
        %add3A_1699 = arith.addi %add3A_1698, %gather3A_1573 : vector<16xi32>
        %gather3A_1700 = tpu.vector_load_idx %arg12[%add3A_1575, %add3A_1699] : memref<128x128xf32, #tpu.memory_space<vmem>>[vector<16xi32>, vector<16xi32>], vector<16xf32>,
        %get3A_1701 = arith.index_cast %add3A_1569 : i32 to index
        %get3A_1702 = arith.constant 48 : index
        %get3A_1703 = tpu.vector_load %arg13[%get3A_1701, %get3A_1702] {strides = array<i32>} : memref<128x192xf32, #tpu.memory_space<vmem>>, vector<16xf32>,
        %get3A_1704 = arith.index_cast %add3A_1569 : i32 to index
        %get3A_1705 = arith.constant 112 : index
        %get3A_1706 = tpu.vector_load %arg13[%get3A_1704, %get3A_1705] {strides = array<i32>} : memref<128x192xf32, #tpu.memory_space<vmem>>, vector<16xf32>,
        %get3A_1707 = arith.index_cast %add3A_1569 : i32 to index
        %get3A_1708 = arith.constant 176 : index
        %get3A_1709 = tpu.vector_load %arg13[%get3A_1707, %get3A_1708] {strides = array<i32>} : memref<128x192xf32, #tpu.memory_space<vmem>>, vector<16xf32>,
        %get3A_1710 = arith.index_cast %add3A_1569 : i32 to index
        %get3A_1711 = arith.constant 48 : index
        %get3A_1712 = tpu.vector_load %arg14[%get3A_1710, %get3A_1711] {strides = array<i32>} : memref<128x192xf32, #tpu.memory_space<vmem>>, vector<16xf32>,
        %get3A_1713 = arith.index_cast %add3A_1569 : i32 to index
        %get3A_1714 = arith.constant 112 : index
        %get3A_1715 = tpu.vector_load %arg14[%get3A_1713, %get3A_1714] {strides = array<i32>} : memref<128x192xf32, #tpu.memory_space<vmem>>, vector<16xf32>,
        %get3A_1716 = arith.index_cast %add3A_1569 : i32 to index
        %get3A_1717 = arith.constant 176 : index
        %get3A_1718 = tpu.vector_load %arg14[%get3A_1716, %get3A_1717] {strides = array<i32>} : memref<128x192xf32, #tpu.memory_space<vmem>>, vector<16xf32>,
        %mul3A_1719 = arith.mulf %get3A_1692, %get3A_1703 : vector<16xf32>
        %mul3A_1720 = arith.mulf %get3A_1695, %get3A_1706 : vector<16xf32>
        %add3A_1721 = arith.addf %mul3A_1719, %mul3A_1720 : vector<16xf32>
        %mul3A_1722 = arith.mulf %gather3A_1700, %get3A_1709 : vector<16xf32>
        %add3A_1723 = arith.addf %add3A_1721, %mul3A_1722 : vector<16xf32>
        %abs3A_1724 = math.absf %add3A_1723 : vector<16xf32>
        %add3A_1725 = arith.addf %get3A_1712, %get3A_1715 : vector<16xf32>
        %add3A_1726 = arith.addf %add3A_1725, %get3A_1718 : vector<16xf32>
        %abs3A_1727 = math.absf %add3A_1726 : vector<16xf32>
        %add3A_1728 = arith.addf %abs3A_1610, %abs3A_1648 : vector<16xf32>
        %add3A_1729 = arith.addf %abs3A_1686, %abs3A_1724 : vector<16xf32>
        %add3A_1730 = arith.addf %add3A_1728, %add3A_1729 : vector<16xf32>
        %swap3A_1731 = arith.constant 144 : index
        %swap3A_1732 = tpu.vector_load %arg16[%swap3A_1731] {strides = array<i32>} : memref<256xf32, #tpu.memory_space<vmem>>, vector<16xf32>,
        tpu.vector_store %arg16[%swap3A_1731], %add3A_1730 {strides = array<i32>} : memref<256xf32, #tpu.memory_space<vmem>>, vector<16xf32>,
        %add3A_1733 = arith.addf %abs3A_1613, %abs3A_1651 : vector<16xf32>
        %add3A_1734 = arith.addf %abs3A_1689, %abs3A_1727 : vector<16xf32>
        %add3A_1735 = arith.addf %add3A_1733, %add3A_1734 : vector<16xf32>
        %swap3A_1736 = arith.constant 144 : index
        %swap3A_1737 = tpu.vector_load %arg17[%swap3A_1736] {strides = array<i32>} : memref<256xf32, #tpu.memory_space<vmem>>, vector<16xf32>,
        tpu.vector_store %arg17[%swap3A_1736], %add3A_1735 {strides = array<i32>} : memref<256xf32, #tpu.memory_space<vmem>>, vector<16xf32>,
        %add3A_1738 = arith.constant 10 : i32
        %add3A_1739 = arith.addi %mul3A_40, %add3A_1738 : i32
        %add3A_1740 = arith.addi %mul3A_16, %add3A_1739 : i32
        %add3A_1741 = vector.broadcast %add3A_1740 : i32 to vector<16xi32>
        %add3A_1742 = arith.addi %broadcast_in_dim3A_41, %add3A_1741 : vector<16xi32>
        %gather3A_1743 = tpu.vector_load_idx %arg10[%add3A_1742] : memref<512xi32, #tpu.memory_space<vmem>>[vector<16xi32>], vector<16xi32>,
        %add3A_1744 = vector.broadcast %add3A_1739 : i32 to vector<16xi32>
        %add3A_1745 = arith.addi %broadcast_in_dim3A_41, %add3A_1744 : vector<16xi32>
        %get3A_1746 = arith.index_cast %add3A_1739 : i32 to index
        %get3A_1747 = arith.constant 0 : index
        %get3A_1748 = tpu.vector_load %arg11[%get3A_1746, %get3A_1747] {strides = array<i32>} : memref<128x128xf32, #tpu.memory_space<vmem>>, vector<16xf32>,
        %get3A_1749 = arith.index_cast %add3A_1739 : i32 to index
        %get3A_1750 = arith.constant 64 : index
        %get3A_1751 = tpu.vector_load %arg11[%get3A_1749, %get3A_1750] {strides = array<i32>} : memref<128x128xf32, #tpu.memory_space<vmem>>, vector<16xf32>,
        %add3A_1752 = arith.constant 0 : i32
        %add3A_1753 = vector.broadcast %add3A_1752 : i32 to vector<16xi32>
        %add3A_1754 = arith.addi %iota3A, %add3A_1753 : vector<16xi32>
        %add3A_1755 = arith.addi %add3A_1754, %gather3A_1743 : vector<16xi32>
        %gather3A_1756 = tpu.vector_load_idx %arg12[%add3A_1745, %add3A_1755] : memref<128x128xf32, #tpu.memory_space<vmem>>[vector<16xi32>, vector<16xi32>], vector<16xf32>,
        %get3A_1757 = arith.index_cast %add3A_1739 : i32 to index
        %get3A_1758 = arith.constant 0 : index
        %get3A_1759 = tpu.vector_load %arg13[%get3A_1757, %get3A_1758] {strides = array<i32>} : memref<128x192xf32, #tpu.memory_space<vmem>>, vector<16xf32>,
        %get3A_1760 = arith.index_cast %add3A_1739 : i32 to index
        %get3A_1761 = arith.constant 64 : index
        %get3A_1762 = tpu.vector_load %arg13[%get3A_1760, %get3A_1761] {strides = array<i32>} : memref<128x192xf32, #tpu.memory_space<vmem>>, vector<16xf32>,
        %get3A_1763 = arith.index_cast %add3A_1739 : i32 to index
        %get3A_1764 = arith.constant 128 : index
        %get3A_1765 = tpu.vector_load %arg13[%get3A_1763, %get3A_1764] {strides = array<i32>} : memref<128x192xf32, #tpu.memory_space<vmem>>, vector<16xf32>,
        %get3A_1766 = arith.index_cast %add3A_1739 : i32 to index
        %get3A_1767 = arith.constant 0 : index
        %get3A_1768 = tpu.vector_load %arg14[%get3A_1766, %get3A_1767] {strides = array<i32>} : memref<128x192xf32, #tpu.memory_space<vmem>>, vector<16xf32>,
        %get3A_1769 = arith.index_cast %add3A_1739 : i32 to index
        %get3A_1770 = arith.constant 64 : index
        %get3A_1771 = tpu.vector_load %arg14[%get3A_1769, %get3A_1770] {strides = array<i32>} : memref<128x192xf32, #tpu.memory_space<vmem>>, vector<16xf32>,
        %get3A_1772 = arith.index_cast %add3A_1739 : i32 to index
        %get3A_1773 = arith.constant 128 : index
        %get3A_1774 = tpu.vector_load %arg14[%get3A_1772, %get3A_1773] {strides = array<i32>} : memref<128x192xf32, #tpu.memory_space<vmem>>, vector<16xf32>,
        %mul3A_1775 = arith.mulf %get3A_1748, %get3A_1759 : vector<16xf32>
        %mul3A_1776 = arith.mulf %get3A_1751, %get3A_1762 : vector<16xf32>
        %add3A_1777 = arith.addf %mul3A_1775, %mul3A_1776 : vector<16xf32>
        %mul3A_1778 = arith.mulf %gather3A_1756, %get3A_1765 : vector<16xf32>
        %add3A_1779 = arith.addf %add3A_1777, %mul3A_1778 : vector<16xf32>
        %abs3A_1780 = math.absf %add3A_1779 : vector<16xf32>
        %add3A_1781 = arith.addf %get3A_1768, %get3A_1771 : vector<16xf32>
        %add3A_1782 = arith.addf %add3A_1781, %get3A_1774 : vector<16xf32>
        %abs3A_1783 = math.absf %add3A_1782 : vector<16xf32>
        %get3A_1784 = arith.index_cast %add3A_1739 : i32 to index
        %get3A_1785 = arith.constant 16 : index
        %get3A_1786 = tpu.vector_load %arg11[%get3A_1784, %get3A_1785] {strides = array<i32>} : memref<128x128xf32, #tpu.memory_space<vmem>>, vector<16xf32>,
        %get3A_1787 = arith.index_cast %add3A_1739 : i32 to index
        %get3A_1788 = arith.constant 80 : index
        %get3A_1789 = tpu.vector_load %arg11[%get3A_1787, %get3A_1788] {strides = array<i32>} : memref<128x128xf32, #tpu.memory_space<vmem>>, vector<16xf32>,
        %add3A_1790 = arith.constant 16 : i32
        %add3A_1791 = vector.broadcast %add3A_1790 : i32 to vector<16xi32>
        %add3A_1792 = arith.addi %iota3A, %add3A_1791 : vector<16xi32>
        %add3A_1793 = arith.addi %add3A_1792, %gather3A_1743 : vector<16xi32>
        %gather3A_1794 = tpu.vector_load_idx %arg12[%add3A_1745, %add3A_1793] : memref<128x128xf32, #tpu.memory_space<vmem>>[vector<16xi32>, vector<16xi32>], vector<16xf32>,
        %get3A_1795 = arith.index_cast %add3A_1739 : i32 to index
        %get3A_1796 = arith.constant 16 : index
        %get3A_1797 = tpu.vector_load %arg13[%get3A_1795, %get3A_1796] {strides = array<i32>} : memref<128x192xf32, #tpu.memory_space<vmem>>, vector<16xf32>,
        %get3A_1798 = arith.index_cast %add3A_1739 : i32 to index
        %get3A_1799 = arith.constant 80 : index
        %get3A_1800 = tpu.vector_load %arg13[%get3A_1798, %get3A_1799] {strides = array<i32>} : memref<128x192xf32, #tpu.memory_space<vmem>>, vector<16xf32>,
        %get3A_1801 = arith.index_cast %add3A_1739 : i32 to index
        %get3A_1802 = arith.constant 144 : index
        %get3A_1803 = tpu.vector_load %arg13[%get3A_1801, %get3A_1802] {strides = array<i32>} : memref<128x192xf32, #tpu.memory_space<vmem>>, vector<16xf32>,
        %get3A_1804 = arith.index_cast %add3A_1739 : i32 to index
        %get3A_1805 = arith.constant 16 : index
        %get3A_1806 = tpu.vector_load %arg14[%get3A_1804, %get3A_1805] {strides = array<i32>} : memref<128x192xf32, #tpu.memory_space<vmem>>, vector<16xf32>,
        %get3A_1807 = arith.index_cast %add3A_1739 : i32 to index
        %get3A_1808 = arith.constant 80 : index
        %get3A_1809 = tpu.vector_load %arg14[%get3A_1807, %get3A_1808] {strides = array<i32>} : memref<128x192xf32, #tpu.memory_space<vmem>>, vector<16xf32>,
        %get3A_1810 = arith.index_cast %add3A_1739 : i32 to index
        %get3A_1811 = arith.constant 144 : index
        %get3A_1812 = tpu.vector_load %arg14[%get3A_1810, %get3A_1811] {strides = array<i32>} : memref<128x192xf32, #tpu.memory_space<vmem>>, vector<16xf32>,
        %mul3A_1813 = arith.mulf %get3A_1786, %get3A_1797 : vector<16xf32>
        %mul3A_1814 = arith.mulf %get3A_1789, %get3A_1800 : vector<16xf32>
        %add3A_1815 = arith.addf %mul3A_1813, %mul3A_1814 : vector<16xf32>
        %mul3A_1816 = arith.mulf %gather3A_1794, %get3A_1803 : vector<16xf32>
        %add3A_1817 = arith.addf %add3A_1815, %mul3A_1816 : vector<16xf32>
        %abs3A_1818 = math.absf %add3A_1817 : vector<16xf32>
        %add3A_1819 = arith.addf %get3A_1806, %get3A_1809 : vector<16xf32>
        %add3A_1820 = arith.addf %add3A_1819, %get3A_1812 : vector<16xf32>
        %abs3A_1821 = math.absf %add3A_1820 : vector<16xf32>
        %get3A_1822 = arith.index_cast %add3A_1739 : i32 to index
        %get3A_1823 = arith.constant 32 : index
        %get3A_1824 = tpu.vector_load %arg11[%get3A_1822, %get3A_1823] {strides = array<i32>} : memref<128x128xf32, #tpu.memory_space<vmem>>, vector<16xf32>,
        %get3A_1825 = arith.index_cast %add3A_1739 : i32 to index
        %get3A_1826 = arith.constant 96 : index
        %get3A_1827 = tpu.vector_load %arg11[%get3A_1825, %get3A_1826] {strides = array<i32>} : memref<128x128xf32, #tpu.memory_space<vmem>>, vector<16xf32>,
        %add3A_1828 = arith.constant 32 : i32
        %add3A_1829 = vector.broadcast %add3A_1828 : i32 to vector<16xi32>
        %add3A_1830 = arith.addi %iota3A, %add3A_1829 : vector<16xi32>
        %add3A_1831 = arith.addi %add3A_1830, %gather3A_1743 : vector<16xi32>
        %gather3A_1832 = tpu.vector_load_idx %arg12[%add3A_1745, %add3A_1831] : memref<128x128xf32, #tpu.memory_space<vmem>>[vector<16xi32>, vector<16xi32>], vector<16xf32>,
        %get3A_1833 = arith.index_cast %add3A_1739 : i32 to index
        %get3A_1834 = arith.constant 32 : index
        %get3A_1835 = tpu.vector_load %arg13[%get3A_1833, %get3A_1834] {strides = array<i32>} : memref<128x192xf32, #tpu.memory_space<vmem>>, vector<16xf32>,
        %get3A_1836 = arith.index_cast %add3A_1739 : i32 to index
        %get3A_1837 = arith.constant 96 : index
        %get3A_1838 = tpu.vector_load %arg13[%get3A_1836, %get3A_1837] {strides = array<i32>} : memref<128x192xf32, #tpu.memory_space<vmem>>, vector<16xf32>,
        %get3A_1839 = arith.index_cast %add3A_1739 : i32 to index
        %get3A_1840 = arith.constant 160 : index
        %get3A_1841 = tpu.vector_load %arg13[%get3A_1839, %get3A_1840] {strides = array<i32>} : memref<128x192xf32, #tpu.memory_space<vmem>>, vector<16xf32>,
        %get3A_1842 = arith.index_cast %add3A_1739 : i32 to index
        %get3A_1843 = arith.constant 32 : index
        %get3A_1844 = tpu.vector_load %arg14[%get3A_1842, %get3A_1843] {strides = array<i32>} : memref<128x192xf32, #tpu.memory_space<vmem>>, vector<16xf32>,
        %get3A_1845 = arith.index_cast %add3A_1739 : i32 to index
        %get3A_1846 = arith.constant 96 : index
        %get3A_1847 = tpu.vector_load %arg14[%get3A_1845, %get3A_1846] {strides = array<i32>} : memref<128x192xf32, #tpu.memory_space<vmem>>, vector<16xf32>,
        %get3A_1848 = arith.index_cast %add3A_1739 : i32 to index
        %get3A_1849 = arith.constant 160 : index
        %get3A_1850 = tpu.vector_load %arg14[%get3A_1848, %get3A_1849] {strides = array<i32>} : memref<128x192xf32, #tpu.memory_space<vmem>>, vector<16xf32>,
        %mul3A_1851 = arith.mulf %get3A_1824, %get3A_1835 : vector<16xf32>
        %mul3A_1852 = arith.mulf %get3A_1827, %get3A_1838 : vector<16xf32>
        %add3A_1853 = arith.addf %mul3A_1851, %mul3A_1852 : vector<16xf32>
        %mul3A_1854 = arith.mulf %gather3A_1832, %get3A_1841 : vector<16xf32>
        %add3A_1855 = arith.addf %add3A_1853, %mul3A_1854 : vector<16xf32>
        %abs3A_1856 = math.absf %add3A_1855 : vector<16xf32>
        %add3A_1857 = arith.addf %get3A_1844, %get3A_1847 : vector<16xf32>
        %add3A_1858 = arith.addf %add3A_1857, %get3A_1850 : vector<16xf32>
        %abs3A_1859 = math.absf %add3A_1858 : vector<16xf32>
        %get3A_1860 = arith.index_cast %add3A_1739 : i32 to index
        %get3A_1861 = arith.constant 48 : index
        %get3A_1862 = tpu.vector_load %arg11[%get3A_1860, %get3A_1861] {strides = array<i32>} : memref<128x128xf32, #tpu.memory_space<vmem>>, vector<16xf32>,
        %get3A_1863 = arith.index_cast %add3A_1739 : i32 to index
        %get3A_1864 = arith.constant 112 : index
        %get3A_1865 = tpu.vector_load %arg11[%get3A_1863, %get3A_1864] {strides = array<i32>} : memref<128x128xf32, #tpu.memory_space<vmem>>, vector<16xf32>,
        %add3A_1866 = arith.constant 48 : i32
        %add3A_1867 = vector.broadcast %add3A_1866 : i32 to vector<16xi32>
        %add3A_1868 = arith.addi %iota3A, %add3A_1867 : vector<16xi32>
        %add3A_1869 = arith.addi %add3A_1868, %gather3A_1743 : vector<16xi32>
        %gather3A_1870 = tpu.vector_load_idx %arg12[%add3A_1745, %add3A_1869] : memref<128x128xf32, #tpu.memory_space<vmem>>[vector<16xi32>, vector<16xi32>], vector<16xf32>,
        %get3A_1871 = arith.index_cast %add3A_1739 : i32 to index
        %get3A_1872 = arith.constant 48 : index
        %get3A_1873 = tpu.vector_load %arg13[%get3A_1871, %get3A_1872] {strides = array<i32>} : memref<128x192xf32, #tpu.memory_space<vmem>>, vector<16xf32>,
        %get3A_1874 = arith.index_cast %add3A_1739 : i32 to index
        %get3A_1875 = arith.constant 112 : index
        %get3A_1876 = tpu.vector_load %arg13[%get3A_1874, %get3A_1875] {strides = array<i32>} : memref<128x192xf32, #tpu.memory_space<vmem>>, vector<16xf32>,
        %get3A_1877 = arith.index_cast %add3A_1739 : i32 to index
        %get3A_1878 = arith.constant 176 : index
        %get3A_1879 = tpu.vector_load %arg13[%get3A_1877, %get3A_1878] {strides = array<i32>} : memref<128x192xf32, #tpu.memory_space<vmem>>, vector<16xf32>,
        %get3A_1880 = arith.index_cast %add3A_1739 : i32 to index
        %get3A_1881 = arith.constant 48 : index
        %get3A_1882 = tpu.vector_load %arg14[%get3A_1880, %get3A_1881] {strides = array<i32>} : memref<128x192xf32, #tpu.memory_space<vmem>>, vector<16xf32>,
        %get3A_1883 = arith.index_cast %add3A_1739 : i32 to index
        %get3A_1884 = arith.constant 112 : index
        %get3A_1885 = tpu.vector_load %arg14[%get3A_1883, %get3A_1884] {strides = array<i32>} : memref<128x192xf32, #tpu.memory_space<vmem>>, vector<16xf32>,
        %get3A_1886 = arith.index_cast %add3A_1739 : i32 to index
        %get3A_1887 = arith.constant 176 : index
        %get3A_1888 = tpu.vector_load %arg14[%get3A_1886, %get3A_1887] {strides = array<i32>} : memref<128x192xf32, #tpu.memory_space<vmem>>, vector<16xf32>,
        %mul3A_1889 = arith.mulf %get3A_1862, %get3A_1873 : vector<16xf32>
        %mul3A_1890 = arith.mulf %get3A_1865, %get3A_1876 : vector<16xf32>
        %add3A_1891 = arith.addf %mul3A_1889, %mul3A_1890 : vector<16xf32>
        %mul3A_1892 = arith.mulf %gather3A_1870, %get3A_1879 : vector<16xf32>
        %add3A_1893 = arith.addf %add3A_1891, %mul3A_1892 : vector<16xf32>
        %abs3A_1894 = math.absf %add3A_1893 : vector<16xf32>
        %add3A_1895 = arith.addf %get3A_1882, %get3A_1885 : vector<16xf32>
        %add3A_1896 = arith.addf %add3A_1895, %get3A_1888 : vector<16xf32>
        %abs3A_1897 = math.absf %add3A_1896 : vector<16xf32>
        %add3A_1898 = arith.addf %abs3A_1780, %abs3A_1818 : vector<16xf32>
        %add3A_1899 = arith.addf %abs3A_1856, %abs3A_1894 : vector<16xf32>
        %add3A_1900 = arith.addf %add3A_1898, %add3A_1899 : vector<16xf32>
        %swap3A_1901 = arith.constant 160 : index
        %swap3A_1902 = tpu.vector_load %arg16[%swap3A_1901] {strides = array<i32>} : memref<256xf32, #tpu.memory_space<vmem>>, vector<16xf32>,
        tpu.vector_store %arg16[%swap3A_1901], %add3A_1900 {strides = array<i32>} : memref<256xf32, #tpu.memory_space<vmem>>, vector<16xf32>,
        %add3A_1903 = arith.addf %abs3A_1783, %abs3A_1821 : vector<16xf32>
        %add3A_1904 = arith.addf %abs3A_1859, %abs3A_1897 : vector<16xf32>
        %add3A_1905 = arith.addf %add3A_1903, %add3A_1904 : vector<16xf32>
        %swap3A_1906 = arith.constant 160 : index
        %swap3A_1907 = tpu.vector_load %arg17[%swap3A_1906] {strides = array<i32>} : memref<256xf32, #tpu.memory_space<vmem>>, vector<16xf32>,
        tpu.vector_store %arg17[%swap3A_1906], %add3A_1905 {strides = array<i32>} : memref<256xf32, #tpu.memory_space<vmem>>, vector<16xf32>,
        %add3A_1908 = arith.constant 11 : i32
        %add3A_1909 = arith.addi %mul3A_40, %add3A_1908 : i32
        %add3A_1910 = arith.addi %mul3A_16, %add3A_1909 : i32
        %add3A_1911 = vector.broadcast %add3A_1910 : i32 to vector<16xi32>
        %add3A_1912 = arith.addi %broadcast_in_dim3A_41, %add3A_1911 : vector<16xi32>
        %gather3A_1913 = tpu.vector_load_idx %arg10[%add3A_1912] : memref<512xi32, #tpu.memory_space<vmem>>[vector<16xi32>], vector<16xi32>,
        %add3A_1914 = vector.broadcast %add3A_1909 : i32 to vector<16xi32>
        %add3A_1915 = arith.addi %broadcast_in_dim3A_41, %add3A_1914 : vector<16xi32>
        %get3A_1916 = arith.index_cast %add3A_1909 : i32 to index
        %get3A_1917 = arith.constant 0 : index
        %get3A_1918 = tpu.vector_load %arg11[%get3A_1916, %get3A_1917] {strides = array<i32>} : memref<128x128xf32, #tpu.memory_space<vmem>>, vector<16xf32>,
        %get3A_1919 = arith.index_cast %add3A_1909 : i32 to index
        %get3A_1920 = arith.constant 64 : index
        %get3A_1921 = tpu.vector_load %arg11[%get3A_1919, %get3A_1920] {strides = array<i32>} : memref<128x128xf32, #tpu.memory_space<vmem>>, vector<16xf32>,
        %add3A_1922 = arith.constant 0 : i32
        %add3A_1923 = vector.broadcast %add3A_1922 : i32 to vector<16xi32>
        %add3A_1924 = arith.addi %iota3A, %add3A_1923 : vector<16xi32>
        %add3A_1925 = arith.addi %add3A_1924, %gather3A_1913 : vector<16xi32>
        %gather3A_1926 = tpu.vector_load_idx %arg12[%add3A_1915, %add3A_1925] : memref<128x128xf32, #tpu.memory_space<vmem>>[vector<16xi32>, vector<16xi32>], vector<16xf32>,
        %get3A_1927 = arith.index_cast %add3A_1909 : i32 to index
        %get3A_1928 = arith.constant 0 : index
        %get3A_1929 = tpu.vector_load %arg13[%get3A_1927, %get3A_1928] {strides = array<i32>} : memref<128x192xf32, #tpu.memory_space<vmem>>, vector<16xf32>,
        %get3A_1930 = arith.index_cast %add3A_1909 : i32 to index
        %get3A_1931 = arith.constant 64 : index
        %get3A_1932 = tpu.vector_load %arg13[%get3A_1930, %get3A_1931] {strides = array<i32>} : memref<128x192xf32, #tpu.memory_space<vmem>>, vector<16xf32>,
        %get3A_1933 = arith.index_cast %add3A_1909 : i32 to index
        %get3A_1934 = arith.constant 128 : index
        %get3A_1935 = tpu.vector_load %arg13[%get3A_1933, %get3A_1934] {strides = array<i32>} : memref<128x192xf32, #tpu.memory_space<vmem>>, vector<16xf32>,
        %get3A_1936 = arith.index_cast %add3A_1909 : i32 to index
        %get3A_1937 = arith.constant 0 : index
        %get3A_1938 = tpu.vector_load %arg14[%get3A_1936, %get3A_1937] {strides = array<i32>} : memref<128x192xf32, #tpu.memory_space<vmem>>, vector<16xf32>,
        %get3A_1939 = arith.index_cast %add3A_1909 : i32 to index
        %get3A_1940 = arith.constant 64 : index
        %get3A_1941 = tpu.vector_load %arg14[%get3A_1939, %get3A_1940] {strides = array<i32>} : memref<128x192xf32, #tpu.memory_space<vmem>>, vector<16xf32>,
        %get3A_1942 = arith.index_cast %add3A_1909 : i32 to index
        %get3A_1943 = arith.constant 128 : index
        %get3A_1944 = tpu.vector_load %arg14[%get3A_1942, %get3A_1943] {strides = array<i32>} : memref<128x192xf32, #tpu.memory_space<vmem>>, vector<16xf32>,
        %mul3A_1945 = arith.mulf %get3A_1918, %get3A_1929 : vector<16xf32>
        %mul3A_1946 = arith.mulf %get3A_1921, %get3A_1932 : vector<16xf32>
        %add3A_1947 = arith.addf %mul3A_1945, %mul3A_1946 : vector<16xf32>
        %mul3A_1948 = arith.mulf %gather3A_1926, %get3A_1935 : vector<16xf32>
        %add3A_1949 = arith.addf %add3A_1947, %mul3A_1948 : vector<16xf32>
        %abs3A_1950 = math.absf %add3A_1949 : vector<16xf32>
        %add3A_1951 = arith.addf %get3A_1938, %get3A_1941 : vector<16xf32>
        %add3A_1952 = arith.addf %add3A_1951, %get3A_1944 : vector<16xf32>
        %abs3A_1953 = math.absf %add3A_1952 : vector<16xf32>
        %get3A_1954 = arith.index_cast %add3A_1909 : i32 to index
        %get3A_1955 = arith.constant 16 : index
        %get3A_1956 = tpu.vector_load %arg11[%get3A_1954, %get3A_1955] {strides = array<i32>} : memref<128x128xf32, #tpu.memory_space<vmem>>, vector<16xf32>,
        %get3A_1957 = arith.index_cast %add3A_1909 : i32 to index
        %get3A_1958 = arith.constant 80 : index
        %get3A_1959 = tpu.vector_load %arg11[%get3A_1957, %get3A_1958] {strides = array<i32>} : memref<128x128xf32, #tpu.memory_space<vmem>>, vector<16xf32>,
        %add3A_1960 = arith.constant 16 : i32
        %add3A_1961 = vector.broadcast %add3A_1960 : i32 to vector<16xi32>
        %add3A_1962 = arith.addi %iota3A, %add3A_1961 : vector<16xi32>
        %add3A_1963 = arith.addi %add3A_1962, %gather3A_1913 : vector<16xi32>
        %gather3A_1964 = tpu.vector_load_idx %arg12[%add3A_1915, %add3A_1963] : memref<128x128xf32, #tpu.memory_space<vmem>>[vector<16xi32>, vector<16xi32>], vector<16xf32>,
        %get3A_1965 = arith.index_cast %add3A_1909 : i32 to index
        %get3A_1966 = arith.constant 16 : index
        %get3A_1967 = tpu.vector_load %arg13[%get3A_1965, %get3A_1966] {strides = array<i32>} : memref<128x192xf32, #tpu.memory_space<vmem>>, vector<16xf32>,
        %get3A_1968 = arith.index_cast %add3A_1909 : i32 to index
        %get3A_1969 = arith.constant 80 : index
        %get3A_1970 = tpu.vector_load %arg13[%get3A_1968, %get3A_1969] {strides = array<i32>} : memref<128x192xf32, #tpu.memory_space<vmem>>, vector<16xf32>,
        %get3A_1971 = arith.index_cast %add3A_1909 : i32 to index
        %get3A_1972 = arith.constant 144 : index
        %get3A_1973 = tpu.vector_load %arg13[%get3A_1971, %get3A_1972] {strides = array<i32>} : memref<128x192xf32, #tpu.memory_space<vmem>>, vector<16xf32>,
        %get3A_1974 = arith.index_cast %add3A_1909 : i32 to index
        %get3A_1975 = arith.constant 16 : index
        %get3A_1976 = tpu.vector_load %arg14[%get3A_1974, %get3A_1975] {strides = array<i32>} : memref<128x192xf32, #tpu.memory_space<vmem>>, vector<16xf32>,
        %get3A_1977 = arith.index_cast %add3A_1909 : i32 to index
        %get3A_1978 = arith.constant 80 : index
        %get3A_1979 = tpu.vector_load %arg14[%get3A_1977, %get3A_1978] {strides = array<i32>} : memref<128x192xf32, #tpu.memory_space<vmem>>, vector<16xf32>,
        %get3A_1980 = arith.index_cast %add3A_1909 : i32 to index
        %get3A_1981 = arith.constant 144 : index
        %get3A_1982 = tpu.vector_load %arg14[%get3A_1980, %get3A_1981] {strides = array<i32>} : memref<128x192xf32, #tpu.memory_space<vmem>>, vector<16xf32>,
        %mul3A_1983 = arith.mulf %get3A_1956, %get3A_1967 : vector<16xf32>
        %mul3A_1984 = arith.mulf %get3A_1959, %get3A_1970 : vector<16xf32>
        %add3A_1985 = arith.addf %mul3A_1983, %mul3A_1984 : vector<16xf32>
        %mul3A_1986 = arith.mulf %gather3A_1964, %get3A_1973 : vector<16xf32>
        %add3A_1987 = arith.addf %add3A_1985, %mul3A_1986 : vector<16xf32>
        %abs3A_1988 = math.absf %add3A_1987 : vector<16xf32>
        %add3A_1989 = arith.addf %get3A_1976, %get3A_1979 : vector<16xf32>
        %add3A_1990 = arith.addf %add3A_1989, %get3A_1982 : vector<16xf32>
        %abs3A_1991 = math.absf %add3A_1990 : vector<16xf32>
        %get3A_1992 = arith.index_cast %add3A_1909 : i32 to index
        %get3A_1993 = arith.constant 32 : index
        %get3A_1994 = tpu.vector_load %arg11[%get3A_1992, %get3A_1993] {strides = array<i32>} : memref<128x128xf32, #tpu.memory_space<vmem>>, vector<16xf32>,
        %get3A_1995 = arith.index_cast %add3A_1909 : i32 to index
        %get3A_1996 = arith.constant 96 : index
        %get3A_1997 = tpu.vector_load %arg11[%get3A_1995, %get3A_1996] {strides = array<i32>} : memref<128x128xf32, #tpu.memory_space<vmem>>, vector<16xf32>,
        %add3A_1998 = arith.constant 32 : i32
        %add3A_1999 = vector.broadcast %add3A_1998 : i32 to vector<16xi32>
        %add3A_2000 = arith.addi %iota3A, %add3A_1999 : vector<16xi32>
        %add3A_2001 = arith.addi %add3A_2000, %gather3A_1913 : vector<16xi32>
        %gather3A_2002 = tpu.vector_load_idx %arg12[%add3A_1915, %add3A_2001] : memref<128x128xf32, #tpu.memory_space<vmem>>[vector<16xi32>, vector<16xi32>], vector<16xf32>,
        %get3A_2003 = arith.index_cast %add3A_1909 : i32 to index
        %get3A_2004 = arith.constant 32 : index
        %get3A_2005 = tpu.vector_load %arg13[%get3A_2003, %get3A_2004] {strides = array<i32>} : memref<128x192xf32, #tpu.memory_space<vmem>>, vector<16xf32>,
        %get3A_2006 = arith.index_cast %add3A_1909 : i32 to index
        %get3A_2007 = arith.constant 96 : index
        %get3A_2008 = tpu.vector_load %arg13[%get3A_2006, %get3A_2007] {strides = array<i32>} : memref<128x192xf32, #tpu.memory_space<vmem>>, vector<16xf32>,
        %get3A_2009 = arith.index_cast %add3A_1909 : i32 to index
        %get3A_2010 = arith.constant 160 : index
        %get3A_2011 = tpu.vector_load %arg13[%get3A_2009, %get3A_2010] {strides = array<i32>} : memref<128x192xf32, #tpu.memory_space<vmem>>, vector<16xf32>,
        %get3A_2012 = arith.index_cast %add3A_1909 : i32 to index
        %get3A_2013 = arith.constant 32 : index
        %get3A_2014 = tpu.vector_load %arg14[%get3A_2012, %get3A_2013] {strides = array<i32>} : memref<128x192xf32, #tpu.memory_space<vmem>>, vector<16xf32>,
        %get3A_2015 = arith.index_cast %add3A_1909 : i32 to index
        %get3A_2016 = arith.constant 96 : index
        %get3A_2017 = tpu.vector_load %arg14[%get3A_2015, %get3A_2016] {strides = array<i32>} : memref<128x192xf32, #tpu.memory_space<vmem>>, vector<16xf32>,
        %get3A_2018 = arith.index_cast %add3A_1909 : i32 to index
        %get3A_2019 = arith.constant 160 : index
        %get3A_2020 = tpu.vector_load %arg14[%get3A_2018, %get3A_2019] {strides = array<i32>} : memref<128x192xf32, #tpu.memory_space<vmem>>, vector<16xf32>,
        %mul3A_2021 = arith.mulf %get3A_1994, %get3A_2005 : vector<16xf32>
        %mul3A_2022 = arith.mulf %get3A_1997, %get3A_2008 : vector<16xf32>
        %add3A_2023 = arith.addf %mul3A_2021, %mul3A_2022 : vector<16xf32>
        %mul3A_2024 = arith.mulf %gather3A_2002, %get3A_2011 : vector<16xf32>
        %add3A_2025 = arith.addf %add3A_2023, %mul3A_2024 : vector<16xf32>
        %abs3A_2026 = math.absf %add3A_2025 : vector<16xf32>
        %add3A_2027 = arith.addf %get3A_2014, %get3A_2017 : vector<16xf32>
        %add3A_2028 = arith.addf %add3A_2027, %get3A_2020 : vector<16xf32>
        %abs3A_2029 = math.absf %add3A_2028 : vector<16xf32>
        %get3A_2030 = arith.index_cast %add3A_1909 : i32 to index
        %get3A_2031 = arith.constant 48 : index
        %get3A_2032 = tpu.vector_load %arg11[%get3A_2030, %get3A_2031] {strides = array<i32>} : memref<128x128xf32, #tpu.memory_space<vmem>>, vector<16xf32>,
        %get3A_2033 = arith.index_cast %add3A_1909 : i32 to index
        %get3A_2034 = arith.constant 112 : index
        %get3A_2035 = tpu.vector_load %arg11[%get3A_2033, %get3A_2034] {strides = array<i32>} : memref<128x128xf32, #tpu.memory_space<vmem>>, vector<16xf32>,
        %add3A_2036 = arith.constant 48 : i32
        %add3A_2037 = vector.broadcast %add3A_2036 : i32 to vector<16xi32>
        %add3A_2038 = arith.addi %iota3A, %add3A_2037 : vector<16xi32>
        %add3A_2039 = arith.addi %add3A_2038, %gather3A_1913 : vector<16xi32>
        %gather3A_2040 = tpu.vector_load_idx %arg12[%add3A_1915, %add3A_2039] : memref<128x128xf32, #tpu.memory_space<vmem>>[vector<16xi32>, vector<16xi32>], vector<16xf32>,
        %get3A_2041 = arith.index_cast %add3A_1909 : i32 to index
        %get3A_2042 = arith.constant 48 : index
        %get3A_2043 = tpu.vector_load %arg13[%get3A_2041, %get3A_2042] {strides = array<i32>} : memref<128x192xf32, #tpu.memory_space<vmem>>, vector<16xf32>,
        %get3A_2044 = arith.index_cast %add3A_1909 : i32 to index
        %get3A_2045 = arith.constant 112 : index
        %get3A_2046 = tpu.vector_load %arg13[%get3A_2044, %get3A_2045] {strides = array<i32>} : memref<128x192xf32, #tpu.memory_space<vmem>>, vector<16xf32>,
        %get3A_2047 = arith.index_cast %add3A_1909 : i32 to index
        %get3A_2048 = arith.constant 176 : index
        %get3A_2049 = tpu.vector_load %arg13[%get3A_2047, %get3A_2048] {strides = array<i32>} : memref<128x192xf32, #tpu.memory_space<vmem>>, vector<16xf32>,
        %get3A_2050 = arith.index_cast %add3A_1909 : i32 to index
        %get3A_2051 = arith.constant 48 : index
        %get3A_2052 = tpu.vector_load %arg14[%get3A_2050, %get3A_2051] {strides = array<i32>} : memref<128x192xf32, #tpu.memory_space<vmem>>, vector<16xf32>,
        %get3A_2053 = arith.index_cast %add3A_1909 : i32 to index
        %get3A_2054 = arith.constant 112 : index
        %get3A_2055 = tpu.vector_load %arg14[%get3A_2053, %get3A_2054] {strides = array<i32>} : memref<128x192xf32, #tpu.memory_space<vmem>>, vector<16xf32>,
        %get3A_2056 = arith.index_cast %add3A_1909 : i32 to index
        %get3A_2057 = arith.constant 176 : index
        %get3A_2058 = tpu.vector_load %arg14[%get3A_2056, %get3A_2057] {strides = array<i32>} : memref<128x192xf32, #tpu.memory_space<vmem>>, vector<16xf32>,
        %mul3A_2059 = arith.mulf %get3A_2032, %get3A_2043 : vector<16xf32>
        %mul3A_2060 = arith.mulf %get3A_2035, %get3A_2046 : vector<16xf32>
        %add3A_2061 = arith.addf %mul3A_2059, %mul3A_2060 : vector<16xf32>
        %mul3A_2062 = arith.mulf %gather3A_2040, %get3A_2049 : vector<16xf32>
        %add3A_2063 = arith.addf %add3A_2061, %mul3A_2062 : vector<16xf32>
        %abs3A_2064 = math.absf %add3A_2063 : vector<16xf32>
        %add3A_2065 = arith.addf %get3A_2052, %get3A_2055 : vector<16xf32>
        %add3A_2066 = arith.addf %add3A_2065, %get3A_2058 : vector<16xf32>
        %abs3A_2067 = math.absf %add3A_2066 : vector<16xf32>
        %add3A_2068 = arith.addf %abs3A_1950, %abs3A_1988 : vector<16xf32>
        %add3A_2069 = arith.addf %abs3A_2026, %abs3A_2064 : vector<16xf32>
        %add3A_2070 = arith.addf %add3A_2068, %add3A_2069 : vector<16xf32>
        %swap3A_2071 = arith.constant 176 : index
        %swap3A_2072 = tpu.vector_load %arg16[%swap3A_2071] {strides = array<i32>} : memref<256xf32, #tpu.memory_space<vmem>>, vector<16xf32>,
        tpu.vector_store %arg16[%swap3A_2071], %add3A_2070 {strides = array<i32>} : memref<256xf32, #tpu.memory_space<vmem>>, vector<16xf32>,
        %add3A_2073 = arith.addf %abs3A_1953, %abs3A_1991 : vector<16xf32>
        %add3A_2074 = arith.addf %abs3A_2029, %abs3A_2067 : vector<16xf32>
        %add3A_2075 = arith.addf %add3A_2073, %add3A_2074 : vector<16xf32>
        %swap3A_2076 = arith.constant 176 : index
        %swap3A_2077 = tpu.vector_load %arg17[%swap3A_2076] {strides = array<i32>} : memref<256xf32, #tpu.memory_space<vmem>>, vector<16xf32>,
        tpu.vector_store %arg17[%swap3A_2076], %add3A_2075 {strides = array<i32>} : memref<256xf32, #tpu.memory_space<vmem>>, vector<16xf32>,
        %add3A_2078 = arith.constant 12 : i32
        %add3A_2079 = arith.addi %mul3A_40, %add3A_2078 : i32
        %add3A_2080 = arith.addi %mul3A_16, %add3A_2079 : i32
        %add3A_2081 = vector.broadcast %add3A_2080 : i32 to vector<16xi32>
        %add3A_2082 = arith.addi %broadcast_in_dim3A_41, %add3A_2081 : vector<16xi32>
        %gather3A_2083 = tpu.vector_load_idx %arg10[%add3A_2082] : memref<512xi32, #tpu.memory_space<vmem>>[vector<16xi32>], vector<16xi32>,
        %add3A_2084 = vector.broadcast %add3A_2079 : i32 to vector<16xi32>
        %add3A_2085 = arith.addi %broadcast_in_dim3A_41, %add3A_2084 : vector<16xi32>
        %get3A_2086 = arith.index_cast %add3A_2079 : i32 to index
        %get3A_2087 = arith.constant 0 : index
        %get3A_2088 = tpu.vector_load %arg11[%get3A_2086, %get3A_2087] {strides = array<i32>} : memref<128x128xf32, #tpu.memory_space<vmem>>, vector<16xf32>,
        %get3A_2089 = arith.index_cast %add3A_2079 : i32 to index
        %get3A_2090 = arith.constant 64 : index
        %get3A_2091 = tpu.vector_load %arg11[%get3A_2089, %get3A_2090] {strides = array<i32>} : memref<128x128xf32, #tpu.memory_space<vmem>>, vector<16xf32>,
        %add3A_2092 = arith.constant 0 : i32
        %add3A_2093 = vector.broadcast %add3A_2092 : i32 to vector<16xi32>
        %add3A_2094 = arith.addi %iota3A, %add3A_2093 : vector<16xi32>
        %add3A_2095 = arith.addi %add3A_2094, %gather3A_2083 : vector<16xi32>
        %gather3A_2096 = tpu.vector_load_idx %arg12[%add3A_2085, %add3A_2095] : memref<128x128xf32, #tpu.memory_space<vmem>>[vector<16xi32>, vector<16xi32>], vector<16xf32>,
        %get3A_2097 = arith.index_cast %add3A_2079 : i32 to index
        %get3A_2098 = arith.constant 0 : index
        %get3A_2099 = tpu.vector_load %arg13[%get3A_2097, %get3A_2098] {strides = array<i32>} : memref<128x192xf32, #tpu.memory_space<vmem>>, vector<16xf32>,
        %get3A_2100 = arith.index_cast %add3A_2079 : i32 to index
        %get3A_2101 = arith.constant 64 : index
        %get3A_2102 = tpu.vector_load %arg13[%get3A_2100, %get3A_2101] {strides = array<i32>} : memref<128x192xf32, #tpu.memory_space<vmem>>, vector<16xf32>,
        %get3A_2103 = arith.index_cast %add3A_2079 : i32 to index
        %get3A_2104 = arith.constant 128 : index
        %get3A_2105 = tpu.vector_load %arg13[%get3A_2103, %get3A_2104] {strides = array<i32>} : memref<128x192xf32, #tpu.memory_space<vmem>>, vector<16xf32>,
        %get3A_2106 = arith.index_cast %add3A_2079 : i32 to index
        %get3A_2107 = arith.constant 0 : index
        %get3A_2108 = tpu.vector_load %arg14[%get3A_2106, %get3A_2107] {strides = array<i32>} : memref<128x192xf32, #tpu.memory_space<vmem>>, vector<16xf32>,
        %get3A_2109 = arith.index_cast %add3A_2079 : i32 to index
        %get3A_2110 = arith.constant 64 : index
        %get3A_2111 = tpu.vector_load %arg14[%get3A_2109, %get3A_2110] {strides = array<i32>} : memref<128x192xf32, #tpu.memory_space<vmem>>, vector<16xf32>,
        %get3A_2112 = arith.index_cast %add3A_2079 : i32 to index
        %get3A_2113 = arith.constant 128 : index
        %get3A_2114 = tpu.vector_load %arg14[%get3A_2112, %get3A_2113] {strides = array<i32>} : memref<128x192xf32, #tpu.memory_space<vmem>>, vector<16xf32>,
        %mul3A_2115 = arith.mulf %get3A_2088, %get3A_2099 : vector<16xf32>
        %mul3A_2116 = arith.mulf %get3A_2091, %get3A_2102 : vector<16xf32>
        %add3A_2117 = arith.addf %mul3A_2115, %mul3A_2116 : vector<16xf32>
        %mul3A_2118 = arith.mulf %gather3A_2096, %get3A_2105 : vector<16xf32>
        %add3A_2119 = arith.addf %add3A_2117, %mul3A_2118 : vector<16xf32>
        %abs3A_2120 = math.absf %add3A_2119 : vector<16xf32>
        %add3A_2121 = arith.addf %get3A_2108, %get3A_2111 : vector<16xf32>
        %add3A_2122 = arith.addf %add3A_2121, %get3A_2114 : vector<16xf32>
        %abs3A_2123 = math.absf %add3A_2122 : vector<16xf32>
        %get3A_2124 = arith.index_cast %add3A_2079 : i32 to index
        %get3A_2125 = arith.constant 16 : index
        %get3A_2126 = tpu.vector_load %arg11[%get3A_2124, %get3A_2125] {strides = array<i32>} : memref<128x128xf32, #tpu.memory_space<vmem>>, vector<16xf32>,
        %get3A_2127 = arith.index_cast %add3A_2079 : i32 to index
        %get3A_2128 = arith.constant 80 : index
        %get3A_2129 = tpu.vector_load %arg11[%get3A_2127, %get3A_2128] {strides = array<i32>} : memref<128x128xf32, #tpu.memory_space<vmem>>, vector<16xf32>,
        %add3A_2130 = arith.constant 16 : i32
        %add3A_2131 = vector.broadcast %add3A_2130 : i32 to vector<16xi32>
        %add3A_2132 = arith.addi %iota3A, %add3A_2131 : vector<16xi32>
        %add3A_2133 = arith.addi %add3A_2132, %gather3A_2083 : vector<16xi32>
        %gather3A_2134 = tpu.vector_load_idx %arg12[%add3A_2085, %add3A_2133] : memref<128x128xf32, #tpu.memory_space<vmem>>[vector<16xi32>, vector<16xi32>], vector<16xf32>,
        %get3A_2135 = arith.index_cast %add3A_2079 : i32 to index
        %get3A_2136 = arith.constant 16 : index
        %get3A_2137 = tpu.vector_load %arg13[%get3A_2135, %get3A_2136] {strides = array<i32>} : memref<128x192xf32, #tpu.memory_space<vmem>>, vector<16xf32>,
        %get3A_2138 = arith.index_cast %add3A_2079 : i32 to index
        %get3A_2139 = arith.constant 80 : index
        %get3A_2140 = tpu.vector_load %arg13[%get3A_2138, %get3A_2139] {strides = array<i32>} : memref<128x192xf32, #tpu.memory_space<vmem>>, vector<16xf32>,
        %get3A_2141 = arith.index_cast %add3A_2079 : i32 to index
        %get3A_2142 = arith.constant 144 : index
        %get3A_2143 = tpu.vector_load %arg13[%get3A_2141, %get3A_2142] {strides = array<i32>} : memref<128x192xf32, #tpu.memory_space<vmem>>, vector<16xf32>,
        %get3A_2144 = arith.index_cast %add3A_2079 : i32 to index
        %get3A_2145 = arith.constant 16 : index
        %get3A_2146 = tpu.vector_load %arg14[%get3A_2144, %get3A_2145] {strides = array<i32>} : memref<128x192xf32, #tpu.memory_space<vmem>>, vector<16xf32>,
        %get3A_2147 = arith.index_cast %add3A_2079 : i32 to index
        %get3A_2148 = arith.constant 80 : index
        %get3A_2149 = tpu.vector_load %arg14[%get3A_2147, %get3A_2148] {strides = array<i32>} : memref<128x192xf32, #tpu.memory_space<vmem>>, vector<16xf32>,
        %get3A_2150 = arith.index_cast %add3A_2079 : i32 to index
        %get3A_2151 = arith.constant 144 : index
        %get3A_2152 = tpu.vector_load %arg14[%get3A_2150, %get3A_2151] {strides = array<i32>} : memref<128x192xf32, #tpu.memory_space<vmem>>, vector<16xf32>,
        %mul3A_2153 = arith.mulf %get3A_2126, %get3A_2137 : vector<16xf32>
        %mul3A_2154 = arith.mulf %get3A_2129, %get3A_2140 : vector<16xf32>
        %add3A_2155 = arith.addf %mul3A_2153, %mul3A_2154 : vector<16xf32>
        %mul3A_2156 = arith.mulf %gather3A_2134, %get3A_2143 : vector<16xf32>
        %add3A_2157 = arith.addf %add3A_2155, %mul3A_2156 : vector<16xf32>
        %abs3A_2158 = math.absf %add3A_2157 : vector<16xf32>
        %add3A_2159 = arith.addf %get3A_2146, %get3A_2149 : vector<16xf32>
        %add3A_2160 = arith.addf %add3A_2159, %get3A_2152 : vector<16xf32>
        %abs3A_2161 = math.absf %add3A_2160 : vector<16xf32>
        %get3A_2162 = arith.index_cast %add3A_2079 : i32 to index
        %get3A_2163 = arith.constant 32 : index
        %get3A_2164 = tpu.vector_load %arg11[%get3A_2162, %get3A_2163] {strides = array<i32>} : memref<128x128xf32, #tpu.memory_space<vmem>>, vector<16xf32>,
        %get3A_2165 = arith.index_cast %add3A_2079 : i32 to index
        %get3A_2166 = arith.constant 96 : index
        %get3A_2167 = tpu.vector_load %arg11[%get3A_2165, %get3A_2166] {strides = array<i32>} : memref<128x128xf32, #tpu.memory_space<vmem>>, vector<16xf32>,
        %add3A_2168 = arith.constant 32 : i32
        %add3A_2169 = vector.broadcast %add3A_2168 : i32 to vector<16xi32>
        %add3A_2170 = arith.addi %iota3A, %add3A_2169 : vector<16xi32>
        %add3A_2171 = arith.addi %add3A_2170, %gather3A_2083 : vector<16xi32>
        %gather3A_2172 = tpu.vector_load_idx %arg12[%add3A_2085, %add3A_2171] : memref<128x128xf32, #tpu.memory_space<vmem>>[vector<16xi32>, vector<16xi32>], vector<16xf32>,
        %get3A_2173 = arith.index_cast %add3A_2079 : i32 to index
        %get3A_2174 = arith.constant 32 : index
        %get3A_2175 = tpu.vector_load %arg13[%get3A_2173, %get3A_2174] {strides = array<i32>} : memref<128x192xf32, #tpu.memory_space<vmem>>, vector<16xf32>,
        %get3A_2176 = arith.index_cast %add3A_2079 : i32 to index
        %get3A_2177 = arith.constant 96 : index
        %get3A_2178 = tpu.vector_load %arg13[%get3A_2176, %get3A_2177] {strides = array<i32>} : memref<128x192xf32, #tpu.memory_space<vmem>>, vector<16xf32>,
        %get3A_2179 = arith.index_cast %add3A_2079 : i32 to index
        %get3A_2180 = arith.constant 160 : index
        %get3A_2181 = tpu.vector_load %arg13[%get3A_2179, %get3A_2180] {strides = array<i32>} : memref<128x192xf32, #tpu.memory_space<vmem>>, vector<16xf32>,
        %get3A_2182 = arith.index_cast %add3A_2079 : i32 to index
        %get3A_2183 = arith.constant 32 : index
        %get3A_2184 = tpu.vector_load %arg14[%get3A_2182, %get3A_2183] {strides = array<i32>} : memref<128x192xf32, #tpu.memory_space<vmem>>, vector<16xf32>,
        %get3A_2185 = arith.index_cast %add3A_2079 : i32 to index
        %get3A_2186 = arith.constant 96 : index
        %get3A_2187 = tpu.vector_load %arg14[%get3A_2185, %get3A_2186] {strides = array<i32>} : memref<128x192xf32, #tpu.memory_space<vmem>>, vector<16xf32>,
        %get3A_2188 = arith.index_cast %add3A_2079 : i32 to index
        %get3A_2189 = arith.constant 160 : index
        %get3A_2190 = tpu.vector_load %arg14[%get3A_2188, %get3A_2189] {strides = array<i32>} : memref<128x192xf32, #tpu.memory_space<vmem>>, vector<16xf32>,
        %mul3A_2191 = arith.mulf %get3A_2164, %get3A_2175 : vector<16xf32>
        %mul3A_2192 = arith.mulf %get3A_2167, %get3A_2178 : vector<16xf32>
        %add3A_2193 = arith.addf %mul3A_2191, %mul3A_2192 : vector<16xf32>
        %mul3A_2194 = arith.mulf %gather3A_2172, %get3A_2181 : vector<16xf32>
        %add3A_2195 = arith.addf %add3A_2193, %mul3A_2194 : vector<16xf32>
        %abs3A_2196 = math.absf %add3A_2195 : vector<16xf32>
        %add3A_2197 = arith.addf %get3A_2184, %get3A_2187 : vector<16xf32>
        %add3A_2198 = arith.addf %add3A_2197, %get3A_2190 : vector<16xf32>
        %abs3A_2199 = math.absf %add3A_2198 : vector<16xf32>
        %get3A_2200 = arith.index_cast %add3A_2079 : i32 to index
        %get3A_2201 = arith.constant 48 : index
        %get3A_2202 = tpu.vector_load %arg11[%get3A_2200, %get3A_2201] {strides = array<i32>} : memref<128x128xf32, #tpu.memory_space<vmem>>, vector<16xf32>,
        %get3A_2203 = arith.index_cast %add3A_2079 : i32 to index
        %get3A_2204 = arith.constant 112 : index
        %get3A_2205 = tpu.vector_load %arg11[%get3A_2203, %get3A_2204] {strides = array<i32>} : memref<128x128xf32, #tpu.memory_space<vmem>>, vector<16xf32>,
        %add3A_2206 = arith.constant 48 : i32
        %add3A_2207 = vector.broadcast %add3A_2206 : i32 to vector<16xi32>
        %add3A_2208 = arith.addi %iota3A, %add3A_2207 : vector<16xi32>
        %add3A_2209 = arith.addi %add3A_2208, %gather3A_2083 : vector<16xi32>
        %gather3A_2210 = tpu.vector_load_idx %arg12[%add3A_2085, %add3A_2209] : memref<128x128xf32, #tpu.memory_space<vmem>>[vector<16xi32>, vector<16xi32>], vector<16xf32>,
        %get3A_2211 = arith.index_cast %add3A_2079 : i32 to index
        %get3A_2212 = arith.constant 48 : index
        %get3A_2213 = tpu.vector_load %arg13[%get3A_2211, %get3A_2212] {strides = array<i32>} : memref<128x192xf32, #tpu.memory_space<vmem>>, vector<16xf32>,
        %get3A_2214 = arith.index_cast %add3A_2079 : i32 to index
        %get3A_2215 = arith.constant 112 : index
        %get3A_2216 = tpu.vector_load %arg13[%get3A_2214, %get3A_2215] {strides = array<i32>} : memref<128x192xf32, #tpu.memory_space<vmem>>, vector<16xf32>,
        %get3A_2217 = arith.index_cast %add3A_2079 : i32 to index
        %get3A_2218 = arith.constant 176 : index
        %get3A_2219 = tpu.vector_load %arg13[%get3A_2217, %get3A_2218] {strides = array<i32>} : memref<128x192xf32, #tpu.memory_space<vmem>>, vector<16xf32>,
        %get3A_2220 = arith.index_cast %add3A_2079 : i32 to index
        %get3A_2221 = arith.constant 48 : index
        %get3A_2222 = tpu.vector_load %arg14[%get3A_2220, %get3A_2221] {strides = array<i32>} : memref<128x192xf32, #tpu.memory_space<vmem>>, vector<16xf32>,
        %get3A_2223 = arith.index_cast %add3A_2079 : i32 to index
        %get3A_2224 = arith.constant 112 : index
        %get3A_2225 = tpu.vector_load %arg14[%get3A_2223, %get3A_2224] {strides = array<i32>} : memref<128x192xf32, #tpu.memory_space<vmem>>, vector<16xf32>,
        %get3A_2226 = arith.index_cast %add3A_2079 : i32 to index
        %get3A_2227 = arith.constant 176 : index
        %get3A_2228 = tpu.vector_load %arg14[%get3A_2226, %get3A_2227] {strides = array<i32>} : memref<128x192xf32, #tpu.memory_space<vmem>>, vector<16xf32>,
        %mul3A_2229 = arith.mulf %get3A_2202, %get3A_2213 : vector<16xf32>
        %mul3A_2230 = arith.mulf %get3A_2205, %get3A_2216 : vector<16xf32>
        %add3A_2231 = arith.addf %mul3A_2229, %mul3A_2230 : vector<16xf32>
        %mul3A_2232 = arith.mulf %gather3A_2210, %get3A_2219 : vector<16xf32>
        %add3A_2233 = arith.addf %add3A_2231, %mul3A_2232 : vector<16xf32>
        %abs3A_2234 = math.absf %add3A_2233 : vector<16xf32>
        %add3A_2235 = arith.addf %get3A_2222, %get3A_2225 : vector<16xf32>
        %add3A_2236 = arith.addf %add3A_2235, %get3A_2228 : vector<16xf32>
        %abs3A_2237 = math.absf %add3A_2236 : vector<16xf32>
        %add3A_2238 = arith.addf %abs3A_2120, %abs3A_2158 : vector<16xf32>
        %add3A_2239 = arith.addf %abs3A_2196, %abs3A_2234 : vector<16xf32>
        %add3A_2240 = arith.addf %add3A_2238, %add3A_2239 : vector<16xf32>
        %swap3A_2241 = arith.constant 192 : index
        %swap3A_2242 = tpu.vector_load %arg16[%swap3A_2241] {strides = array<i32>} : memref<256xf32, #tpu.memory_space<vmem>>, vector<16xf32>,
        tpu.vector_store %arg16[%swap3A_2241], %add3A_2240 {strides = array<i32>} : memref<256xf32, #tpu.memory_space<vmem>>, vector<16xf32>,
        %add3A_2243 = arith.addf %abs3A_2123, %abs3A_2161 : vector<16xf32>
        %add3A_2244 = arith.addf %abs3A_2199, %abs3A_2237 : vector<16xf32>
        %add3A_2245 = arith.addf %add3A_2243, %add3A_2244 : vector<16xf32>
        %swap3A_2246 = arith.constant 192 : index
        %swap3A_2247 = tpu.vector_load %arg17[%swap3A_2246] {strides = array<i32>} : memref<256xf32, #tpu.memory_space<vmem>>, vector<16xf32>,
        tpu.vector_store %arg17[%swap3A_2246], %add3A_2245 {strides = array<i32>} : memref<256xf32, #tpu.memory_space<vmem>>, vector<16xf32>,
        %add3A_2248 = arith.constant 13 : i32
        %add3A_2249 = arith.addi %mul3A_40, %add3A_2248 : i32
        %add3A_2250 = arith.addi %mul3A_16, %add3A_2249 : i32
        %add3A_2251 = vector.broadcast %add3A_2250 : i32 to vector<16xi32>
        %add3A_2252 = arith.addi %broadcast_in_dim3A_41, %add3A_2251 : vector<16xi32>
        %gather3A_2253 = tpu.vector_load_idx %arg10[%add3A_2252] : memref<512xi32, #tpu.memory_space<vmem>>[vector<16xi32>], vector<16xi32>,
        %add3A_2254 = vector.broadcast %add3A_2249 : i32 to vector<16xi32>
        %add3A_2255 = arith.addi %broadcast_in_dim3A_41, %add3A_2254 : vector<16xi32>
        %get3A_2256 = arith.index_cast %add3A_2249 : i32 to index
        %get3A_2257 = arith.constant 0 : index
        %get3A_2258 = tpu.vector_load %arg11[%get3A_2256, %get3A_2257] {strides = array<i32>} : memref<128x128xf32, #tpu.memory_space<vmem>>, vector<16xf32>,
        %get3A_2259 = arith.index_cast %add3A_2249 : i32 to index
        %get3A_2260 = arith.constant 64 : index
        %get3A_2261 = tpu.vector_load %arg11[%get3A_2259, %get3A_2260] {strides = array<i32>} : memref<128x128xf32, #tpu.memory_space<vmem>>, vector<16xf32>,
        %add3A_2262 = arith.constant 0 : i32
        %add3A_2263 = vector.broadcast %add3A_2262 : i32 to vector<16xi32>
        %add3A_2264 = arith.addi %iota3A, %add3A_2263 : vector<16xi32>
        %add3A_2265 = arith.addi %add3A_2264, %gather3A_2253 : vector<16xi32>
        %gather3A_2266 = tpu.vector_load_idx %arg12[%add3A_2255, %add3A_2265] : memref<128x128xf32, #tpu.memory_space<vmem>>[vector<16xi32>, vector<16xi32>], vector<16xf32>,
        %get3A_2267 = arith.index_cast %add3A_2249 : i32 to index
        %get3A_2268 = arith.constant 0 : index
        %get3A_2269 = tpu.vector_load %arg13[%get3A_2267, %get3A_2268] {strides = array<i32>} : memref<128x192xf32, #tpu.memory_space<vmem>>, vector<16xf32>,
        %get3A_2270 = arith.index_cast %add3A_2249 : i32 to index
        %get3A_2271 = arith.constant 64 : index
        %get3A_2272 = tpu.vector_load %arg13[%get3A_2270, %get3A_2271] {strides = array<i32>} : memref<128x192xf32, #tpu.memory_space<vmem>>, vector<16xf32>,
        %get3A_2273 = arith.index_cast %add3A_2249 : i32 to index
        %get3A_2274 = arith.constant 128 : index
        %get3A_2275 = tpu.vector_load %arg13[%get3A_2273, %get3A_2274] {strides = array<i32>} : memref<128x192xf32, #tpu.memory_space<vmem>>, vector<16xf32>,
        %get3A_2276 = arith.index_cast %add3A_2249 : i32 to index
        %get3A_2277 = arith.constant 0 : index
        %get3A_2278 = tpu.vector_load %arg14[%get3A_2276, %get3A_2277] {strides = array<i32>} : memref<128x192xf32, #tpu.memory_space<vmem>>, vector<16xf32>,
        %get3A_2279 = arith.index_cast %add3A_2249 : i32 to index
        %get3A_2280 = arith.constant 64 : index
        %get3A_2281 = tpu.vector_load %arg14[%get3A_2279, %get3A_2280] {strides = array<i32>} : memref<128x192xf32, #tpu.memory_space<vmem>>, vector<16xf32>,
        %get3A_2282 = arith.index_cast %add3A_2249 : i32 to index
        %get3A_2283 = arith.constant 128 : index
        %get3A_2284 = tpu.vector_load %arg14[%get3A_2282, %get3A_2283] {strides = array<i32>} : memref<128x192xf32, #tpu.memory_space<vmem>>, vector<16xf32>,
        %mul3A_2285 = arith.mulf %get3A_2258, %get3A_2269 : vector<16xf32>
        %mul3A_2286 = arith.mulf %get3A_2261, %get3A_2272 : vector<16xf32>
        %add3A_2287 = arith.addf %mul3A_2285, %mul3A_2286 : vector<16xf32>
        %mul3A_2288 = arith.mulf %gather3A_2266, %get3A_2275 : vector<16xf32>
        %add3A_2289 = arith.addf %add3A_2287, %mul3A_2288 : vector<16xf32>
        %abs3A_2290 = math.absf %add3A_2289 : vector<16xf32>
        %add3A_2291 = arith.addf %get3A_2278, %get3A_2281 : vector<16xf32>
        %add3A_2292 = arith.addf %add3A_2291, %get3A_2284 : vector<16xf32>
        %abs3A_2293 = math.absf %add3A_2292 : vector<16xf32>
        %get3A_2294 = arith.index_cast %add3A_2249 : i32 to index
        %get3A_2295 = arith.constant 16 : index
        %get3A_2296 = tpu.vector_load %arg11[%get3A_2294, %get3A_2295] {strides = array<i32>} : memref<128x128xf32, #tpu.memory_space<vmem>>, vector<16xf32>,
        %get3A_2297 = arith.index_cast %add3A_2249 : i32 to index
        %get3A_2298 = arith.constant 80 : index
        %get3A_2299 = tpu.vector_load %arg11[%get3A_2297, %get3A_2298] {strides = array<i32>} : memref<128x128xf32, #tpu.memory_space<vmem>>, vector<16xf32>,
        %add3A_2300 = arith.constant 16 : i32
        %add3A_2301 = vector.broadcast %add3A_2300 : i32 to vector<16xi32>
        %add3A_2302 = arith.addi %iota3A, %add3A_2301 : vector<16xi32>
        %add3A_2303 = arith.addi %add3A_2302, %gather3A_2253 : vector<16xi32>
        %gather3A_2304 = tpu.vector_load_idx %arg12[%add3A_2255, %add3A_2303] : memref<128x128xf32, #tpu.memory_space<vmem>>[vector<16xi32>, vector<16xi32>], vector<16xf32>,
        %get3A_2305 = arith.index_cast %add3A_2249 : i32 to index
        %get3A_2306 = arith.constant 16 : index
        %get3A_2307 = tpu.vector_load %arg13[%get3A_2305, %get3A_2306] {strides = array<i32>} : memref<128x192xf32, #tpu.memory_space<vmem>>, vector<16xf32>,
        %get3A_2308 = arith.index_cast %add3A_2249 : i32 to index
        %get3A_2309 = arith.constant 80 : index
        %get3A_2310 = tpu.vector_load %arg13[%get3A_2308, %get3A_2309] {strides = array<i32>} : memref<128x192xf32, #tpu.memory_space<vmem>>, vector<16xf32>,
        %get3A_2311 = arith.index_cast %add3A_2249 : i32 to index
        %get3A_2312 = arith.constant 144 : index
        %get3A_2313 = tpu.vector_load %arg13[%get3A_2311, %get3A_2312] {strides = array<i32>} : memref<128x192xf32, #tpu.memory_space<vmem>>, vector<16xf32>,
        %get3A_2314 = arith.index_cast %add3A_2249 : i32 to index
        %get3A_2315 = arith.constant 16 : index
        %get3A_2316 = tpu.vector_load %arg14[%get3A_2314, %get3A_2315] {strides = array<i32>} : memref<128x192xf32, #tpu.memory_space<vmem>>, vector<16xf32>,
        %get3A_2317 = arith.index_cast %add3A_2249 : i32 to index
        %get3A_2318 = arith.constant 80 : index
        %get3A_2319 = tpu.vector_load %arg14[%get3A_2317, %get3A_2318] {strides = array<i32>} : memref<128x192xf32, #tpu.memory_space<vmem>>, vector<16xf32>,
        %get3A_2320 = arith.index_cast %add3A_2249 : i32 to index
        %get3A_2321 = arith.constant 144 : index
        %get3A_2322 = tpu.vector_load %arg14[%get3A_2320, %get3A_2321] {strides = array<i32>} : memref<128x192xf32, #tpu.memory_space<vmem>>, vector<16xf32>,
        %mul3A_2323 = arith.mulf %get3A_2296, %get3A_2307 : vector<16xf32>
        %mul3A_2324 = arith.mulf %get3A_2299, %get3A_2310 : vector<16xf32>
        %add3A_2325 = arith.addf %mul3A_2323, %mul3A_2324 : vector<16xf32>
        %mul3A_2326 = arith.mulf %gather3A_2304, %get3A_2313 : vector<16xf32>
        %add3A_2327 = arith.addf %add3A_2325, %mul3A_2326 : vector<16xf32>
        %abs3A_2328 = math.absf %add3A_2327 : vector<16xf32>
        %add3A_2329 = arith.addf %get3A_2316, %get3A_2319 : vector<16xf32>
        %add3A_2330 = arith.addf %add3A_2329, %get3A_2322 : vector<16xf32>
        %abs3A_2331 = math.absf %add3A_2330 : vector<16xf32>
        %get3A_2332 = arith.index_cast %add3A_2249 : i32 to index
        %get3A_2333 = arith.constant 32 : index
        %get3A_2334 = tpu.vector_load %arg11[%get3A_2332, %get3A_2333] {strides = array<i32>} : memref<128x128xf32, #tpu.memory_space<vmem>>, vector<16xf32>,
        %get3A_2335 = arith.index_cast %add3A_2249 : i32 to index
        %get3A_2336 = arith.constant 96 : index
        %get3A_2337 = tpu.vector_load %arg11[%get3A_2335, %get3A_2336] {strides = array<i32>} : memref<128x128xf32, #tpu.memory_space<vmem>>, vector<16xf32>,
        %add3A_2338 = arith.constant 32 : i32
        %add3A_2339 = vector.broadcast %add3A_2338 : i32 to vector<16xi32>
        %add3A_2340 = arith.addi %iota3A, %add3A_2339 : vector<16xi32>
        %add3A_2341 = arith.addi %add3A_2340, %gather3A_2253 : vector<16xi32>
        %gather3A_2342 = tpu.vector_load_idx %arg12[%add3A_2255, %add3A_2341] : memref<128x128xf32, #tpu.memory_space<vmem>>[vector<16xi32>, vector<16xi32>], vector<16xf32>,
        %get3A_2343 = arith.index_cast %add3A_2249 : i32 to index
        %get3A_2344 = arith.constant 32 : index
        %get3A_2345 = tpu.vector_load %arg13[%get3A_2343, %get3A_2344] {strides = array<i32>} : memref<128x192xf32, #tpu.memory_space<vmem>>, vector<16xf32>,
        %get3A_2346 = arith.index_cast %add3A_2249 : i32 to index
        %get3A_2347 = arith.constant 96 : index
        %get3A_2348 = tpu.vector_load %arg13[%get3A_2346, %get3A_2347] {strides = array<i32>} : memref<128x192xf32, #tpu.memory_space<vmem>>, vector<16xf32>,
        %get3A_2349 = arith.index_cast %add3A_2249 : i32 to index
        %get3A_2350 = arith.constant 160 : index
        %get3A_2351 = tpu.vector_load %arg13[%get3A_2349, %get3A_2350] {strides = array<i32>} : memref<128x192xf32, #tpu.memory_space<vmem>>, vector<16xf32>,
        %get3A_2352 = arith.index_cast %add3A_2249 : i32 to index
        %get3A_2353 = arith.constant 32 : index
        %get3A_2354 = tpu.vector_load %arg14[%get3A_2352, %get3A_2353] {strides = array<i32>} : memref<128x192xf32, #tpu.memory_space<vmem>>, vector<16xf32>,
        %get3A_2355 = arith.index_cast %add3A_2249 : i32 to index
        %get3A_2356 = arith.constant 96 : index
        %get3A_2357 = tpu.vector_load %arg14[%get3A_2355, %get3A_2356] {strides = array<i32>} : memref<128x192xf32, #tpu.memory_space<vmem>>, vector<16xf32>,
        %get3A_2358 = arith.index_cast %add3A_2249 : i32 to index
        %get3A_2359 = arith.constant 160 : index
        %get3A_2360 = tpu.vector_load %arg14[%get3A_2358, %get3A_2359] {strides = array<i32>} : memref<128x192xf32, #tpu.memory_space<vmem>>, vector<16xf32>,
        %mul3A_2361 = arith.mulf %get3A_2334, %get3A_2345 : vector<16xf32>
        %mul3A_2362 = arith.mulf %get3A_2337, %get3A_2348 : vector<16xf32>
        %add3A_2363 = arith.addf %mul3A_2361, %mul3A_2362 : vector<16xf32>
        %mul3A_2364 = arith.mulf %gather3A_2342, %get3A_2351 : vector<16xf32>
        %add3A_2365 = arith.addf %add3A_2363, %mul3A_2364 : vector<16xf32>
        %abs3A_2366 = math.absf %add3A_2365 : vector<16xf32>
        %add3A_2367 = arith.addf %get3A_2354, %get3A_2357 : vector<16xf32>
        %add3A_2368 = arith.addf %add3A_2367, %get3A_2360 : vector<16xf32>
        %abs3A_2369 = math.absf %add3A_2368 : vector<16xf32>
        %get3A_2370 = arith.index_cast %add3A_2249 : i32 to index
        %get3A_2371 = arith.constant 48 : index
        %get3A_2372 = tpu.vector_load %arg11[%get3A_2370, %get3A_2371] {strides = array<i32>} : memref<128x128xf32, #tpu.memory_space<vmem>>, vector<16xf32>,
        %get3A_2373 = arith.index_cast %add3A_2249 : i32 to index
        %get3A_2374 = arith.constant 112 : index
        %get3A_2375 = tpu.vector_load %arg11[%get3A_2373, %get3A_2374] {strides = array<i32>} : memref<128x128xf32, #tpu.memory_space<vmem>>, vector<16xf32>,
        %add3A_2376 = arith.constant 48 : i32
        %add3A_2377 = vector.broadcast %add3A_2376 : i32 to vector<16xi32>
        %add3A_2378 = arith.addi %iota3A, %add3A_2377 : vector<16xi32>
        %add3A_2379 = arith.addi %add3A_2378, %gather3A_2253 : vector<16xi32>
        %gather3A_2380 = tpu.vector_load_idx %arg12[%add3A_2255, %add3A_2379] : memref<128x128xf32, #tpu.memory_space<vmem>>[vector<16xi32>, vector<16xi32>], vector<16xf32>,
        %get3A_2381 = arith.index_cast %add3A_2249 : i32 to index
        %get3A_2382 = arith.constant 48 : index
        %get3A_2383 = tpu.vector_load %arg13[%get3A_2381, %get3A_2382] {strides = array<i32>} : memref<128x192xf32, #tpu.memory_space<vmem>>, vector<16xf32>,
        %get3A_2384 = arith.index_cast %add3A_2249 : i32 to index
        %get3A_2385 = arith.constant 112 : index
        %get3A_2386 = tpu.vector_load %arg13[%get3A_2384, %get3A_2385] {strides = array<i32>} : memref<128x192xf32, #tpu.memory_space<vmem>>, vector<16xf32>,
        %get3A_2387 = arith.index_cast %add3A_2249 : i32 to index
        %get3A_2388 = arith.constant 176 : index
        %get3A_2389 = tpu.vector_load %arg13[%get3A_2387, %get3A_2388] {strides = array<i32>} : memref<128x192xf32, #tpu.memory_space<vmem>>, vector<16xf32>,
        %get3A_2390 = arith.index_cast %add3A_2249 : i32 to index
        %get3A_2391 = arith.constant 48 : index
        %get3A_2392 = tpu.vector_load %arg14[%get3A_2390, %get3A_2391] {strides = array<i32>} : memref<128x192xf32, #tpu.memory_space<vmem>>, vector<16xf32>,
        %get3A_2393 = arith.index_cast %add3A_2249 : i32 to index
        %get3A_2394 = arith.constant 112 : index
        %get3A_2395 = tpu.vector_load %arg14[%get3A_2393, %get3A_2394] {strides = array<i32>} : memref<128x192xf32, #tpu.memory_space<vmem>>, vector<16xf32>,
        %get3A_2396 = arith.index_cast %add3A_2249 : i32 to index
        %get3A_2397 = arith.constant 176 : index
        %get3A_2398 = tpu.vector_load %arg14[%get3A_2396, %get3A_2397] {strides = array<i32>} : memref<128x192xf32, #tpu.memory_space<vmem>>, vector<16xf32>,
        %mul3A_2399 = arith.mulf %get3A_2372, %get3A_2383 : vector<16xf32>
        %mul3A_2400 = arith.mulf %get3A_2375, %get3A_2386 : vector<16xf32>
        %add3A_2401 = arith.addf %mul3A_2399, %mul3A_2400 : vector<16xf32>
        %mul3A_2402 = arith.mulf %gather3A_2380, %get3A_2389 : vector<16xf32>
        %add3A_2403 = arith.addf %add3A_2401, %mul3A_2402 : vector<16xf32>
        %abs3A_2404 = math.absf %add3A_2403 : vector<16xf32>
        %add3A_2405 = arith.addf %get3A_2392, %get3A_2395 : vector<16xf32>
        %add3A_2406 = arith.addf %add3A_2405, %get3A_2398 : vector<16xf32>
        %abs3A_2407 = math.absf %add3A_2406 : vector<16xf32>
        %add3A_2408 = arith.addf %abs3A_2290, %abs3A_2328 : vector<16xf32>
        %add3A_2409 = arith.addf %abs3A_2366, %abs3A_2404 : vector<16xf32>
        %add3A_2410 = arith.addf %add3A_2408, %add3A_2409 : vector<16xf32>
        %swap3A_2411 = arith.constant 208 : index
        %swap3A_2412 = tpu.vector_load %arg16[%swap3A_2411] {strides = array<i32>} : memref<256xf32, #tpu.memory_space<vmem>>, vector<16xf32>,
        tpu.vector_store %arg16[%swap3A_2411], %add3A_2410 {strides = array<i32>} : memref<256xf32, #tpu.memory_space<vmem>>, vector<16xf32>,
        %add3A_2413 = arith.addf %abs3A_2293, %abs3A_2331 : vector<16xf32>
        %add3A_2414 = arith.addf %abs3A_2369, %abs3A_2407 : vector<16xf32>
        %add3A_2415 = arith.addf %add3A_2413, %add3A_2414 : vector<16xf32>
        %swap3A_2416 = arith.constant 208 : index
        %swap3A_2417 = tpu.vector_load %arg17[%swap3A_2416] {strides = array<i32>} : memref<256xf32, #tpu.memory_space<vmem>>, vector<16xf32>,
        tpu.vector_store %arg17[%swap3A_2416], %add3A_2415 {strides = array<i32>} : memref<256xf32, #tpu.memory_space<vmem>>, vector<16xf32>,
        %add3A_2418 = arith.constant 14 : i32
        %add3A_2419 = arith.addi %mul3A_40, %add3A_2418 : i32
        %add3A_2420 = arith.addi %mul3A_16, %add3A_2419 : i32
        %add3A_2421 = vector.broadcast %add3A_2420 : i32 to vector<16xi32>
        %add3A_2422 = arith.addi %broadcast_in_dim3A_41, %add3A_2421 : vector<16xi32>
        %gather3A_2423 = tpu.vector_load_idx %arg10[%add3A_2422] : memref<512xi32, #tpu.memory_space<vmem>>[vector<16xi32>], vector<16xi32>,
        %add3A_2424 = vector.broadcast %add3A_2419 : i32 to vector<16xi32>
        %add3A_2425 = arith.addi %broadcast_in_dim3A_41, %add3A_2424 : vector<16xi32>
        %get3A_2426 = arith.index_cast %add3A_2419 : i32 to index
        %get3A_2427 = arith.constant 0 : index
        %get3A_2428 = tpu.vector_load %arg11[%get3A_2426, %get3A_2427] {strides = array<i32>} : memref<128x128xf32, #tpu.memory_space<vmem>>, vector<16xf32>,
        %get3A_2429 = arith.index_cast %add3A_2419 : i32 to index
        %get3A_2430 = arith.constant 64 : index
        %get3A_2431 = tpu.vector_load %arg11[%get3A_2429, %get3A_2430] {strides = array<i32>} : memref<128x128xf32, #tpu.memory_space<vmem>>, vector<16xf32>,
        %add3A_2432 = arith.constant 0 : i32
        %add3A_2433 = vector.broadcast %add3A_2432 : i32 to vector<16xi32>
        %add3A_2434 = arith.addi %iota3A, %add3A_2433 : vector<16xi32>
        %add3A_2435 = arith.addi %add3A_2434, %gather3A_2423 : vector<16xi32>
        %gather3A_2436 = tpu.vector_load_idx %arg12[%add3A_2425, %add3A_2435] : memref<128x128xf32, #tpu.memory_space<vmem>>[vector<16xi32>, vector<16xi32>], vector<16xf32>,
        %get3A_2437 = arith.index_cast %add3A_2419 : i32 to index
        %get3A_2438 = arith.constant 0 : index
        %get3A_2439 = tpu.vector_load %arg13[%get3A_2437, %get3A_2438] {strides = array<i32>} : memref<128x192xf32, #tpu.memory_space<vmem>>, vector<16xf32>,
        %get3A_2440 = arith.index_cast %add3A_2419 : i32 to index
        %get3A_2441 = arith.constant 64 : index
        %get3A_2442 = tpu.vector_load %arg13[%get3A_2440, %get3A_2441] {strides = array<i32>} : memref<128x192xf32, #tpu.memory_space<vmem>>, vector<16xf32>,
        %get3A_2443 = arith.index_cast %add3A_2419 : i32 to index
        %get3A_2444 = arith.constant 128 : index
        %get3A_2445 = tpu.vector_load %arg13[%get3A_2443, %get3A_2444] {strides = array<i32>} : memref<128x192xf32, #tpu.memory_space<vmem>>, vector<16xf32>,
        %get3A_2446 = arith.index_cast %add3A_2419 : i32 to index
        %get3A_2447 = arith.constant 0 : index
        %get3A_2448 = tpu.vector_load %arg14[%get3A_2446, %get3A_2447] {strides = array<i32>} : memref<128x192xf32, #tpu.memory_space<vmem>>, vector<16xf32>,
        %get3A_2449 = arith.index_cast %add3A_2419 : i32 to index
        %get3A_2450 = arith.constant 64 : index
        %get3A_2451 = tpu.vector_load %arg14[%get3A_2449, %get3A_2450] {strides = array<i32>} : memref<128x192xf32, #tpu.memory_space<vmem>>, vector<16xf32>,
        %get3A_2452 = arith.index_cast %add3A_2419 : i32 to index
        %get3A_2453 = arith.constant 128 : index
        %get3A_2454 = tpu.vector_load %arg14[%get3A_2452, %get3A_2453] {strides = array<i32>} : memref<128x192xf32, #tpu.memory_space<vmem>>, vector<16xf32>,
        %mul3A_2455 = arith.mulf %get3A_2428, %get3A_2439 : vector<16xf32>
        %mul3A_2456 = arith.mulf %get3A_2431, %get3A_2442 : vector<16xf32>
        %add3A_2457 = arith.addf %mul3A_2455, %mul3A_2456 : vector<16xf32>
        %mul3A_2458 = arith.mulf %gather3A_2436, %get3A_2445 : vector<16xf32>
        %add3A_2459 = arith.addf %add3A_2457, %mul3A_2458 : vector<16xf32>
        %abs3A_2460 = math.absf %add3A_2459 : vector<16xf32>
        %add3A_2461 = arith.addf %get3A_2448, %get3A_2451 : vector<16xf32>
        %add3A_2462 = arith.addf %add3A_2461, %get3A_2454 : vector<16xf32>
        %abs3A_2463 = math.absf %add3A_2462 : vector<16xf32>
        %get3A_2464 = arith.index_cast %add3A_2419 : i32 to index
        %get3A_2465 = arith.constant 16 : index
        %get3A_2466 = tpu.vector_load %arg11[%get3A_2464, %get3A_2465] {strides = array<i32>} : memref<128x128xf32, #tpu.memory_space<vmem>>, vector<16xf32>,
        %get3A_2467 = arith.index_cast %add3A_2419 : i32 to index
        %get3A_2468 = arith.constant 80 : index
        %get3A_2469 = tpu.vector_load %arg11[%get3A_2467, %get3A_2468] {strides = array<i32>} : memref<128x128xf32, #tpu.memory_space<vmem>>, vector<16xf32>,
        %add3A_2470 = arith.constant 16 : i32
        %add3A_2471 = vector.broadcast %add3A_2470 : i32 to vector<16xi32>
        %add3A_2472 = arith.addi %iota3A, %add3A_2471 : vector<16xi32>
        %add3A_2473 = arith.addi %add3A_2472, %gather3A_2423 : vector<16xi32>
        %gather3A_2474 = tpu.vector_load_idx %arg12[%add3A_2425, %add3A_2473] : memref<128x128xf32, #tpu.memory_space<vmem>>[vector<16xi32>, vector<16xi32>], vector<16xf32>,
        %get3A_2475 = arith.index_cast %add3A_2419 : i32 to index
        %get3A_2476 = arith.constant 16 : index
        %get3A_2477 = tpu.vector_load %arg13[%get3A_2475, %get3A_2476] {strides = array<i32>} : memref<128x192xf32, #tpu.memory_space<vmem>>, vector<16xf32>,
        %get3A_2478 = arith.index_cast %add3A_2419 : i32 to index
        %get3A_2479 = arith.constant 80 : index
        %get3A_2480 = tpu.vector_load %arg13[%get3A_2478, %get3A_2479] {strides = array<i32>} : memref<128x192xf32, #tpu.memory_space<vmem>>, vector<16xf32>,
        %get3A_2481 = arith.index_cast %add3A_2419 : i32 to index
        %get3A_2482 = arith.constant 144 : index
        %get3A_2483 = tpu.vector_load %arg13[%get3A_2481, %get3A_2482] {strides = array<i32>} : memref<128x192xf32, #tpu.memory_space<vmem>>, vector<16xf32>,
        %get3A_2484 = arith.index_cast %add3A_2419 : i32 to index
        %get3A_2485 = arith.constant 16 : index
        %get3A_2486 = tpu.vector_load %arg14[%get3A_2484, %get3A_2485] {strides = array<i32>} : memref<128x192xf32, #tpu.memory_space<vmem>>, vector<16xf32>,
        %get3A_2487 = arith.index_cast %add3A_2419 : i32 to index
        %get3A_2488 = arith.constant 80 : index
        %get3A_2489 = tpu.vector_load %arg14[%get3A_2487, %get3A_2488] {strides = array<i32>} : memref<128x192xf32, #tpu.memory_space<vmem>>, vector<16xf32>,
        %get3A_2490 = arith.index_cast %add3A_2419 : i32 to index
        %get3A_2491 = arith.constant 144 : index
        %get3A_2492 = tpu.vector_load %arg14[%get3A_2490, %get3A_2491] {strides = array<i32>} : memref<128x192xf32, #tpu.memory_space<vmem>>, vector<16xf32>,
        %mul3A_2493 = arith.mulf %get3A_2466, %get3A_2477 : vector<16xf32>
        %mul3A_2494 = arith.mulf %get3A_2469, %get3A_2480 : vector<16xf32>
        %add3A_2495 = arith.addf %mul3A_2493, %mul3A_2494 : vector<16xf32>
        %mul3A_2496 = arith.mulf %gather3A_2474, %get3A_2483 : vector<16xf32>
        %add3A_2497 = arith.addf %add3A_2495, %mul3A_2496 : vector<16xf32>
        %abs3A_2498 = math.absf %add3A_2497 : vector<16xf32>
        %add3A_2499 = arith.addf %get3A_2486, %get3A_2489 : vector<16xf32>
        %add3A_2500 = arith.addf %add3A_2499, %get3A_2492 : vector<16xf32>
        %abs3A_2501 = math.absf %add3A_2500 : vector<16xf32>
        %get3A_2502 = arith.index_cast %add3A_2419 : i32 to index
        %get3A_2503 = arith.constant 32 : index
        %get3A_2504 = tpu.vector_load %arg11[%get3A_2502, %get3A_2503] {strides = array<i32>} : memref<128x128xf32, #tpu.memory_space<vmem>>, vector<16xf32>,
        %get3A_2505 = arith.index_cast %add3A_2419 : i32 to index
        %get3A_2506 = arith.constant 96 : index
        %get3A_2507 = tpu.vector_load %arg11[%get3A_2505, %get3A_2506] {strides = array<i32>} : memref<128x128xf32, #tpu.memory_space<vmem>>, vector<16xf32>,
        %add3A_2508 = arith.constant 32 : i32
        %add3A_2509 = vector.broadcast %add3A_2508 : i32 to vector<16xi32>
        %add3A_2510 = arith.addi %iota3A, %add3A_2509 : vector<16xi32>
        %add3A_2511 = arith.addi %add3A_2510, %gather3A_2423 : vector<16xi32>
        %gather3A_2512 = tpu.vector_load_idx %arg12[%add3A_2425, %add3A_2511] : memref<128x128xf32, #tpu.memory_space<vmem>>[vector<16xi32>, vector<16xi32>], vector<16xf32>,
        %get3A_2513 = arith.index_cast %add3A_2419 : i32 to index
        %get3A_2514 = arith.constant 32 : index
        %get3A_2515 = tpu.vector_load %arg13[%get3A_2513, %get3A_2514] {strides = array<i32>} : memref<128x192xf32, #tpu.memory_space<vmem>>, vector<16xf32>,
        %get3A_2516 = arith.index_cast %add3A_2419 : i32 to index
        %get3A_2517 = arith.constant 96 : index
        %get3A_2518 = tpu.vector_load %arg13[%get3A_2516, %get3A_2517] {strides = array<i32>} : memref<128x192xf32, #tpu.memory_space<vmem>>, vector<16xf32>,
        %get3A_2519 = arith.index_cast %add3A_2419 : i32 to index
        %get3A_2520 = arith.constant 160 : index
        %get3A_2521 = tpu.vector_load %arg13[%get3A_2519, %get3A_2520] {strides = array<i32>} : memref<128x192xf32, #tpu.memory_space<vmem>>, vector<16xf32>,
        %get3A_2522 = arith.index_cast %add3A_2419 : i32 to index
        %get3A_2523 = arith.constant 32 : index
        %get3A_2524 = tpu.vector_load %arg14[%get3A_2522, %get3A_2523] {strides = array<i32>} : memref<128x192xf32, #tpu.memory_space<vmem>>, vector<16xf32>,
        %get3A_2525 = arith.index_cast %add3A_2419 : i32 to index
        %get3A_2526 = arith.constant 96 : index
        %get3A_2527 = tpu.vector_load %arg14[%get3A_2525, %get3A_2526] {strides = array<i32>} : memref<128x192xf32, #tpu.memory_space<vmem>>, vector<16xf32>,
        %get3A_2528 = arith.index_cast %add3A_2419 : i32 to index
        %get3A_2529 = arith.constant 160 : index
        %get3A_2530 = tpu.vector_load %arg14[%get3A_2528, %get3A_2529] {strides = array<i32>} : memref<128x192xf32, #tpu.memory_space<vmem>>, vector<16xf32>,
        %mul3A_2531 = arith.mulf %get3A_2504, %get3A_2515 : vector<16xf32>
        %mul3A_2532 = arith.mulf %get3A_2507, %get3A_2518 : vector<16xf32>
        %add3A_2533 = arith.addf %mul3A_2531, %mul3A_2532 : vector<16xf32>
        %mul3A_2534 = arith.mulf %gather3A_2512, %get3A_2521 : vector<16xf32>
        %add3A_2535 = arith.addf %add3A_2533, %mul3A_2534 : vector<16xf32>
        %abs3A_2536 = math.absf %add3A_2535 : vector<16xf32>
        %add3A_2537 = arith.addf %get3A_2524, %get3A_2527 : vector<16xf32>
        %add3A_2538 = arith.addf %add3A_2537, %get3A_2530 : vector<16xf32>
        %abs3A_2539 = math.absf %add3A_2538 : vector<16xf32>
        %get3A_2540 = arith.index_cast %add3A_2419 : i32 to index
        %get3A_2541 = arith.constant 48 : index
        %get3A_2542 = tpu.vector_load %arg11[%get3A_2540, %get3A_2541] {strides = array<i32>} : memref<128x128xf32, #tpu.memory_space<vmem>>, vector<16xf32>,
        %get3A_2543 = arith.index_cast %add3A_2419 : i32 to index
        %get3A_2544 = arith.constant 112 : index
        %get3A_2545 = tpu.vector_load %arg11[%get3A_2543, %get3A_2544] {strides = array<i32>} : memref<128x128xf32, #tpu.memory_space<vmem>>, vector<16xf32>,
        %add3A_2546 = arith.constant 48 : i32
        %add3A_2547 = vector.broadcast %add3A_2546 : i32 to vector<16xi32>
        %add3A_2548 = arith.addi %iota3A, %add3A_2547 : vector<16xi32>
        %add3A_2549 = arith.addi %add3A_2548, %gather3A_2423 : vector<16xi32>
        %gather3A_2550 = tpu.vector_load_idx %arg12[%add3A_2425, %add3A_2549] : memref<128x128xf32, #tpu.memory_space<vmem>>[vector<16xi32>, vector<16xi32>], vector<16xf32>,
        %get3A_2551 = arith.index_cast %add3A_2419 : i32 to index
        %get3A_2552 = arith.constant 48 : index
        %get3A_2553 = tpu.vector_load %arg13[%get3A_2551, %get3A_2552] {strides = array<i32>} : memref<128x192xf32, #tpu.memory_space<vmem>>, vector<16xf32>,
        %get3A_2554 = arith.index_cast %add3A_2419 : i32 to index
        %get3A_2555 = arith.constant 112 : index
        %get3A_2556 = tpu.vector_load %arg13[%get3A_2554, %get3A_2555] {strides = array<i32>} : memref<128x192xf32, #tpu.memory_space<vmem>>, vector<16xf32>,
        %get3A_2557 = arith.index_cast %add3A_2419 : i32 to index
        %get3A_2558 = arith.constant 176 : index
        %get3A_2559 = tpu.vector_load %arg13[%get3A_2557, %get3A_2558] {strides = array<i32>} : memref<128x192xf32, #tpu.memory_space<vmem>>, vector<16xf32>,
        %get3A_2560 = arith.index_cast %add3A_2419 : i32 to index
        %get3A_2561 = arith.constant 48 : index
        %get3A_2562 = tpu.vector_load %arg14[%get3A_2560, %get3A_2561] {strides = array<i32>} : memref<128x192xf32, #tpu.memory_space<vmem>>, vector<16xf32>,
        %get3A_2563 = arith.index_cast %add3A_2419 : i32 to index
        %get3A_2564 = arith.constant 112 : index
        %get3A_2565 = tpu.vector_load %arg14[%get3A_2563, %get3A_2564] {strides = array<i32>} : memref<128x192xf32, #tpu.memory_space<vmem>>, vector<16xf32>,
        %get3A_2566 = arith.index_cast %add3A_2419 : i32 to index
        %get3A_2567 = arith.constant 176 : index
        %get3A_2568 = tpu.vector_load %arg14[%get3A_2566, %get3A_2567] {strides = array<i32>} : memref<128x192xf32, #tpu.memory_space<vmem>>, vector<16xf32>,
        %mul3A_2569 = arith.mulf %get3A_2542, %get3A_2553 : vector<16xf32>
        %mul3A_2570 = arith.mulf %get3A_2545, %get3A_2556 : vector<16xf32>
        %add3A_2571 = arith.addf %mul3A_2569, %mul3A_2570 : vector<16xf32>
        %mul3A_2572 = arith.mulf %gather3A_2550, %get3A_2559 : vector<16xf32>
        %add3A_2573 = arith.addf %add3A_2571, %mul3A_2572 : vector<16xf32>
        %abs3A_2574 = math.absf %add3A_2573 : vector<16xf32>
        %add3A_2575 = arith.addf %get3A_2562, %get3A_2565 : vector<16xf32>
        %add3A_2576 = arith.addf %add3A_2575, %get3A_2568 : vector<16xf32>
        %abs3A_2577 = math.absf %add3A_2576 : vector<16xf32>
        %add3A_2578 = arith.addf %abs3A_2460, %abs3A_2498 : vector<16xf32>
        %add3A_2579 = arith.addf %abs3A_2536, %abs3A_2574 : vector<16xf32>
        %add3A_2580 = arith.addf %add3A_2578, %add3A_2579 : vector<16xf32>
        %swap3A_2581 = arith.constant 224 : index
        %swap3A_2582 = tpu.vector_load %arg16[%swap3A_2581] {strides = array<i32>} : memref<256xf32, #tpu.memory_space<vmem>>, vector<16xf32>,
        tpu.vector_store %arg16[%swap3A_2581], %add3A_2580 {strides = array<i32>} : memref<256xf32, #tpu.memory_space<vmem>>, vector<16xf32>,
        %add3A_2583 = arith.addf %abs3A_2463, %abs3A_2501 : vector<16xf32>
        %add3A_2584 = arith.addf %abs3A_2539, %abs3A_2577 : vector<16xf32>
        %add3A_2585 = arith.addf %add3A_2583, %add3A_2584 : vector<16xf32>
        %swap3A_2586 = arith.constant 224 : index
        %swap3A_2587 = tpu.vector_load %arg17[%swap3A_2586] {strides = array<i32>} : memref<256xf32, #tpu.memory_space<vmem>>, vector<16xf32>,
        tpu.vector_store %arg17[%swap3A_2586], %add3A_2585 {strides = array<i32>} : memref<256xf32, #tpu.memory_space<vmem>>, vector<16xf32>,
        %add3A_2588 = arith.constant 15 : i32
        %add3A_2589 = arith.addi %mul3A_40, %add3A_2588 : i32
        %add3A_2590 = arith.addi %mul3A_16, %add3A_2589 : i32
        %add3A_2591 = vector.broadcast %add3A_2590 : i32 to vector<16xi32>
        %add3A_2592 = arith.addi %broadcast_in_dim3A_41, %add3A_2591 : vector<16xi32>
        %gather3A_2593 = tpu.vector_load_idx %arg10[%add3A_2592] : memref<512xi32, #tpu.memory_space<vmem>>[vector<16xi32>], vector<16xi32>,
        %add3A_2594 = vector.broadcast %add3A_2589 : i32 to vector<16xi32>
        %add3A_2595 = arith.addi %broadcast_in_dim3A_41, %add3A_2594 : vector<16xi32>
        %get3A_2596 = arith.index_cast %add3A_2589 : i32 to index
        %get3A_2597 = arith.constant 0 : index
        %get3A_2598 = tpu.vector_load %arg11[%get3A_2596, %get3A_2597] {strides = array<i32>} : memref<128x128xf32, #tpu.memory_space<vmem>>, vector<16xf32>,
        %get3A_2599 = arith.index_cast %add3A_2589 : i32 to index
        %get3A_2600 = arith.constant 64 : index
        %get3A_2601 = tpu.vector_load %arg11[%get3A_2599, %get3A_2600] {strides = array<i32>} : memref<128x128xf32, #tpu.memory_space<vmem>>, vector<16xf32>,
        %add3A_2602 = arith.constant 0 : i32
        %add3A_2603 = vector.broadcast %add3A_2602 : i32 to vector<16xi32>
        %add3A_2604 = arith.addi %iota3A, %add3A_2603 : vector<16xi32>
        %add3A_2605 = arith.addi %add3A_2604, %gather3A_2593 : vector<16xi32>
        %gather3A_2606 = tpu.vector_load_idx %arg12[%add3A_2595, %add3A_2605] : memref<128x128xf32, #tpu.memory_space<vmem>>[vector<16xi32>, vector<16xi32>], vector<16xf32>,
        %get3A_2607 = arith.index_cast %add3A_2589 : i32 to index
        %get3A_2608 = arith.constant 0 : index
        %get3A_2609 = tpu.vector_load %arg13[%get3A_2607, %get3A_2608] {strides = array<i32>} : memref<128x192xf32, #tpu.memory_space<vmem>>, vector<16xf32>,
        %get3A_2610 = arith.index_cast %add3A_2589 : i32 to index
        %get3A_2611 = arith.constant 64 : index
        %get3A_2612 = tpu.vector_load %arg13[%get3A_2610, %get3A_2611] {strides = array<i32>} : memref<128x192xf32, #tpu.memory_space<vmem>>, vector<16xf32>,
        %get3A_2613 = arith.index_cast %add3A_2589 : i32 to index
        %get3A_2614 = arith.constant 128 : index
        %get3A_2615 = tpu.vector_load %arg13[%get3A_2613, %get3A_2614] {strides = array<i32>} : memref<128x192xf32, #tpu.memory_space<vmem>>, vector<16xf32>,
        %get3A_2616 = arith.index_cast %add3A_2589 : i32 to index
        %get3A_2617 = arith.constant 0 : index
        %get3A_2618 = tpu.vector_load %arg14[%get3A_2616, %get3A_2617] {strides = array<i32>} : memref<128x192xf32, #tpu.memory_space<vmem>>, vector<16xf32>,
        %get3A_2619 = arith.index_cast %add3A_2589 : i32 to index
        %get3A_2620 = arith.constant 64 : index
        %get3A_2621 = tpu.vector_load %arg14[%get3A_2619, %get3A_2620] {strides = array<i32>} : memref<128x192xf32, #tpu.memory_space<vmem>>, vector<16xf32>,
        %get3A_2622 = arith.index_cast %add3A_2589 : i32 to index
        %get3A_2623 = arith.constant 128 : index
        %get3A_2624 = tpu.vector_load %arg14[%get3A_2622, %get3A_2623] {strides = array<i32>} : memref<128x192xf32, #tpu.memory_space<vmem>>, vector<16xf32>,
        %mul3A_2625 = arith.mulf %get3A_2598, %get3A_2609 : vector<16xf32>
        %mul3A_2626 = arith.mulf %get3A_2601, %get3A_2612 : vector<16xf32>
        %add3A_2627 = arith.addf %mul3A_2625, %mul3A_2626 : vector<16xf32>
        %mul3A_2628 = arith.mulf %gather3A_2606, %get3A_2615 : vector<16xf32>
        %add3A_2629 = arith.addf %add3A_2627, %mul3A_2628 : vector<16xf32>
        %abs3A_2630 = math.absf %add3A_2629 : vector<16xf32>
        %add3A_2631 = arith.addf %get3A_2618, %get3A_2621 : vector<16xf32>
        %add3A_2632 = arith.addf %add3A_2631, %get3A_2624 : vector<16xf32>
        %abs3A_2633 = math.absf %add3A_2632 : vector<16xf32>
        %get3A_2634 = arith.index_cast %add3A_2589 : i32 to index
        %get3A_2635 = arith.constant 16 : index
        %get3A_2636 = tpu.vector_load %arg11[%get3A_2634, %get3A_2635] {strides = array<i32>} : memref<128x128xf32, #tpu.memory_space<vmem>>, vector<16xf32>,
        %get3A_2637 = arith.index_cast %add3A_2589 : i32 to index
        %get3A_2638 = arith.constant 80 : index
        %get3A_2639 = tpu.vector_load %arg11[%get3A_2637, %get3A_2638] {strides = array<i32>} : memref<128x128xf32, #tpu.memory_space<vmem>>, vector<16xf32>,
        %add3A_2640 = arith.constant 16 : i32
        %add3A_2641 = vector.broadcast %add3A_2640 : i32 to vector<16xi32>
        %add3A_2642 = arith.addi %iota3A, %add3A_2641 : vector<16xi32>
        %add3A_2643 = arith.addi %add3A_2642, %gather3A_2593 : vector<16xi32>
        %gather3A_2644 = tpu.vector_load_idx %arg12[%add3A_2595, %add3A_2643] : memref<128x128xf32, #tpu.memory_space<vmem>>[vector<16xi32>, vector<16xi32>], vector<16xf32>,
        %get3A_2645 = arith.index_cast %add3A_2589 : i32 to index
        %get3A_2646 = arith.constant 16 : index
        %get3A_2647 = tpu.vector_load %arg13[%get3A_2645, %get3A_2646] {strides = array<i32>} : memref<128x192xf32, #tpu.memory_space<vmem>>, vector<16xf32>,
        %get3A_2648 = arith.index_cast %add3A_2589 : i32 to index
        %get3A_2649 = arith.constant 80 : index
        %get3A_2650 = tpu.vector_load %arg13[%get3A_2648, %get3A_2649] {strides = array<i32>} : memref<128x192xf32, #tpu.memory_space<vmem>>, vector<16xf32>,
        %get3A_2651 = arith.index_cast %add3A_2589 : i32 to index
        %get3A_2652 = arith.constant 144 : index
        %get3A_2653 = tpu.vector_load %arg13[%get3A_2651, %get3A_2652] {strides = array<i32>} : memref<128x192xf32, #tpu.memory_space<vmem>>, vector<16xf32>,
        %get3A_2654 = arith.index_cast %add3A_2589 : i32 to index
        %get3A_2655 = arith.constant 16 : index
        %get3A_2656 = tpu.vector_load %arg14[%get3A_2654, %get3A_2655] {strides = array<i32>} : memref<128x192xf32, #tpu.memory_space<vmem>>, vector<16xf32>,
        %get3A_2657 = arith.index_cast %add3A_2589 : i32 to index
        %get3A_2658 = arith.constant 80 : index
        %get3A_2659 = tpu.vector_load %arg14[%get3A_2657, %get3A_2658] {strides = array<i32>} : memref<128x192xf32, #tpu.memory_space<vmem>>, vector<16xf32>,
        %get3A_2660 = arith.index_cast %add3A_2589 : i32 to index
        %get3A_2661 = arith.constant 144 : index
        %get3A_2662 = tpu.vector_load %arg14[%get3A_2660, %get3A_2661] {strides = array<i32>} : memref<128x192xf32, #tpu.memory_space<vmem>>, vector<16xf32>,
        %mul3A_2663 = arith.mulf %get3A_2636, %get3A_2647 : vector<16xf32>
        %mul3A_2664 = arith.mulf %get3A_2639, %get3A_2650 : vector<16xf32>
        %add3A_2665 = arith.addf %mul3A_2663, %mul3A_2664 : vector<16xf32>
        %mul3A_2666 = arith.mulf %gather3A_2644, %get3A_2653 : vector<16xf32>
        %add3A_2667 = arith.addf %add3A_2665, %mul3A_2666 : vector<16xf32>
        %abs3A_2668 = math.absf %add3A_2667 : vector<16xf32>
        %add3A_2669 = arith.addf %get3A_2656, %get3A_2659 : vector<16xf32>
        %add3A_2670 = arith.addf %add3A_2669, %get3A_2662 : vector<16xf32>
        %abs3A_2671 = math.absf %add3A_2670 : vector<16xf32>
        %get3A_2672 = arith.index_cast %add3A_2589 : i32 to index
        %get3A_2673 = arith.constant 32 : index
        %get3A_2674 = tpu.vector_load %arg11[%get3A_2672, %get3A_2673] {strides = array<i32>} : memref<128x128xf32, #tpu.memory_space<vmem>>, vector<16xf32>,
        %get3A_2675 = arith.index_cast %add3A_2589 : i32 to index
        %get3A_2676 = arith.constant 96 : index
        %get3A_2677 = tpu.vector_load %arg11[%get3A_2675, %get3A_2676] {strides = array<i32>} : memref<128x128xf32, #tpu.memory_space<vmem>>, vector<16xf32>,
        %add3A_2678 = arith.constant 32 : i32
        %add3A_2679 = vector.broadcast %add3A_2678 : i32 to vector<16xi32>
        %add3A_2680 = arith.addi %iota3A, %add3A_2679 : vector<16xi32>
        %add3A_2681 = arith.addi %add3A_2680, %gather3A_2593 : vector<16xi32>
        %gather3A_2682 = tpu.vector_load_idx %arg12[%add3A_2595, %add3A_2681] : memref<128x128xf32, #tpu.memory_space<vmem>>[vector<16xi32>, vector<16xi32>], vector<16xf32>,
        %get3A_2683 = arith.index_cast %add3A_2589 : i32 to index
        %get3A_2684 = arith.constant 32 : index
        %get3A_2685 = tpu.vector_load %arg13[%get3A_2683, %get3A_2684] {strides = array<i32>} : memref<128x192xf32, #tpu.memory_space<vmem>>, vector<16xf32>,
        %get3A_2686 = arith.index_cast %add3A_2589 : i32 to index
        %get3A_2687 = arith.constant 96 : index
        %get3A_2688 = tpu.vector_load %arg13[%get3A_2686, %get3A_2687] {strides = array<i32>} : memref<128x192xf32, #tpu.memory_space<vmem>>, vector<16xf32>,
        %get3A_2689 = arith.index_cast %add3A_2589 : i32 to index
        %get3A_2690 = arith.constant 160 : index
        %get3A_2691 = tpu.vector_load %arg13[%get3A_2689, %get3A_2690] {strides = array<i32>} : memref<128x192xf32, #tpu.memory_space<vmem>>, vector<16xf32>,
        %get3A_2692 = arith.index_cast %add3A_2589 : i32 to index
        %get3A_2693 = arith.constant 32 : index
        %get3A_2694 = tpu.vector_load %arg14[%get3A_2692, %get3A_2693] {strides = array<i32>} : memref<128x192xf32, #tpu.memory_space<vmem>>, vector<16xf32>,
        %get3A_2695 = arith.index_cast %add3A_2589 : i32 to index
        %get3A_2696 = arith.constant 96 : index
        %get3A_2697 = tpu.vector_load %arg14[%get3A_2695, %get3A_2696] {strides = array<i32>} : memref<128x192xf32, #tpu.memory_space<vmem>>, vector<16xf32>,
        %get3A_2698 = arith.index_cast %add3A_2589 : i32 to index
        %get3A_2699 = arith.constant 160 : index
        %get3A_2700 = tpu.vector_load %arg14[%get3A_2698, %get3A_2699] {strides = array<i32>} : memref<128x192xf32, #tpu.memory_space<vmem>>, vector<16xf32>,
        %mul3A_2701 = arith.mulf %get3A_2674, %get3A_2685 : vector<16xf32>
        %mul3A_2702 = arith.mulf %get3A_2677, %get3A_2688 : vector<16xf32>
        %add3A_2703 = arith.addf %mul3A_2701, %mul3A_2702 : vector<16xf32>
        %mul3A_2704 = arith.mulf %gather3A_2682, %get3A_2691 : vector<16xf32>
        %add3A_2705 = arith.addf %add3A_2703, %mul3A_2704 : vector<16xf32>
        %abs3A_2706 = math.absf %add3A_2705 : vector<16xf32>
        %add3A_2707 = arith.addf %get3A_2694, %get3A_2697 : vector<16xf32>
        %add3A_2708 = arith.addf %add3A_2707, %get3A_2700 : vector<16xf32>
        %abs3A_2709 = math.absf %add3A_2708 : vector<16xf32>
        %get3A_2710 = arith.index_cast %add3A_2589 : i32 to index
        %get3A_2711 = arith.constant 48 : index
        %get3A_2712 = tpu.vector_load %arg11[%get3A_2710, %get3A_2711] {strides = array<i32>} : memref<128x128xf32, #tpu.memory_space<vmem>>, vector<16xf32>,
        %get3A_2713 = arith.index_cast %add3A_2589 : i32 to index
        %get3A_2714 = arith.constant 112 : index
        %get3A_2715 = tpu.vector_load %arg11[%get3A_2713, %get3A_2714] {strides = array<i32>} : memref<128x128xf32, #tpu.memory_space<vmem>>, vector<16xf32>,
        %add3A_2716 = arith.constant 48 : i32
        %add3A_2717 = vector.broadcast %add3A_2716 : i32 to vector<16xi32>
        %add3A_2718 = arith.addi %iota3A, %add3A_2717 : vector<16xi32>
        %add3A_2719 = arith.addi %add3A_2718, %gather3A_2593 : vector<16xi32>
        %gather3A_2720 = tpu.vector_load_idx %arg12[%add3A_2595, %add3A_2719] : memref<128x128xf32, #tpu.memory_space<vmem>>[vector<16xi32>, vector<16xi32>], vector<16xf32>,
        %get3A_2721 = arith.index_cast %add3A_2589 : i32 to index
        %get3A_2722 = arith.constant 48 : index
        %get3A_2723 = tpu.vector_load %arg13[%get3A_2721, %get3A_2722] {strides = array<i32>} : memref<128x192xf32, #tpu.memory_space<vmem>>, vector<16xf32>,
        %get3A_2724 = arith.index_cast %add3A_2589 : i32 to index
        %get3A_2725 = arith.constant 112 : index
        %get3A_2726 = tpu.vector_load %arg13[%get3A_2724, %get3A_2725] {strides = array<i32>} : memref<128x192xf32, #tpu.memory_space<vmem>>, vector<16xf32>,
        %get3A_2727 = arith.index_cast %add3A_2589 : i32 to index
        %get3A_2728 = arith.constant 176 : index
        %get3A_2729 = tpu.vector_load %arg13[%get3A_2727, %get3A_2728] {strides = array<i32>} : memref<128x192xf32, #tpu.memory_space<vmem>>, vector<16xf32>,
        %get3A_2730 = arith.index_cast %add3A_2589 : i32 to index
        %get3A_2731 = arith.constant 48 : index
        %get3A_2732 = tpu.vector_load %arg14[%get3A_2730, %get3A_2731] {strides = array<i32>} : memref<128x192xf32, #tpu.memory_space<vmem>>, vector<16xf32>,
        %get3A_2733 = arith.index_cast %add3A_2589 : i32 to index
        %get3A_2734 = arith.constant 112 : index
        %get3A_2735 = tpu.vector_load %arg14[%get3A_2733, %get3A_2734] {strides = array<i32>} : memref<128x192xf32, #tpu.memory_space<vmem>>, vector<16xf32>,
        %get3A_2736 = arith.index_cast %add3A_2589 : i32 to index
        %get3A_2737 = arith.constant 176 : index
        %get3A_2738 = tpu.vector_load %arg14[%get3A_2736, %get3A_2737] {strides = array<i32>} : memref<128x192xf32, #tpu.memory_space<vmem>>, vector<16xf32>,
        %mul3A_2739 = arith.mulf %get3A_2712, %get3A_2723 : vector<16xf32>
        %mul3A_2740 = arith.mulf %get3A_2715, %get3A_2726 : vector<16xf32>
        %add3A_2741 = arith.addf %mul3A_2739, %mul3A_2740 : vector<16xf32>
        %mul3A_2742 = arith.mulf %gather3A_2720, %get3A_2729 : vector<16xf32>
        %add3A_2743 = arith.addf %add3A_2741, %mul3A_2742 : vector<16xf32>
        %abs3A_2744 = math.absf %add3A_2743 : vector<16xf32>
        %add3A_2745 = arith.addf %get3A_2732, %get3A_2735 : vector<16xf32>
        %add3A_2746 = arith.addf %add3A_2745, %get3A_2738 : vector<16xf32>
        %abs3A_2747 = math.absf %add3A_2746 : vector<16xf32>
        %add3A_2748 = arith.addf %abs3A_2630, %abs3A_2668 : vector<16xf32>
        %add3A_2749 = arith.addf %abs3A_2706, %abs3A_2744 : vector<16xf32>
        %add3A_2750 = arith.addf %add3A_2748, %add3A_2749 : vector<16xf32>
        %swap3A_2751 = arith.constant 240 : index
        %swap3A_2752 = tpu.vector_load %arg16[%swap3A_2751] {strides = array<i32>} : memref<256xf32, #tpu.memory_space<vmem>>, vector<16xf32>,
        tpu.vector_store %arg16[%swap3A_2751], %add3A_2750 {strides = array<i32>} : memref<256xf32, #tpu.memory_space<vmem>>, vector<16xf32>,
        %add3A_2753 = arith.addf %abs3A_2633, %abs3A_2671 : vector<16xf32>
        %add3A_2754 = arith.addf %abs3A_2709, %abs3A_2747 : vector<16xf32>
        %add3A_2755 = arith.addf %add3A_2753, %add3A_2754 : vector<16xf32>
        %swap3A_2756 = arith.constant 240 : index
        %swap3A_2757 = tpu.vector_load %arg17[%swap3A_2756] {strides = array<i32>} : memref<256xf32, #tpu.memory_space<vmem>>, vector<16xf32>,
        tpu.vector_store %arg17[%swap3A_2756], %add3A_2755 {strides = array<i32>} : memref<256xf32, #tpu.memory_space<vmem>>, vector<16xf32>,
        %broadcast_in_dim3A_2758 = arith.constant 0.000000e+00 : f32
        %broadcast_in_dim3A_2759 = vector.broadcast %broadcast_in_dim3A_2758 : f32 to vector<16xf32>
        %iota3A_2760 = tpu.iota {dimensions = array<i32: 0>} : vector<16xi32>
        %mul3A_2761 = arith.constant 16 : i32
        %mul3A_2762 = vector.broadcast %mul3A_2761 : i32 to vector<16xi32>
        %mul3A_2763 = arith.muli %iota3A_2760, %mul3A_2762 : vector<16xi32>
        %add3A_2764 = arith.constant 0 : i32
        %add3A_2765 = vector.broadcast %add3A_2764 : i32 to vector<16xi32>
        %add3A_2766 = arith.addi %mul3A_2763, %add3A_2765 : vector<16xi32>
        %gather3A_2767 = tpu.vector_load_idx %arg16[%add3A_2766] : memref<256xf32, #tpu.memory_space<vmem>>[vector<16xi32>], vector<16xf32>,
        %add3A_2768 = arith.addf %broadcast_in_dim3A_2759, %gather3A_2767 : vector<16xf32>
        %gather3A_2769 = tpu.vector_load_idx %arg17[%add3A_2766] : memref<256xf32, #tpu.memory_space<vmem>>[vector<16xi32>], vector<16xf32>,
        %add3A_2770 = arith.addf %broadcast_in_dim3A_2759, %gather3A_2769 : vector<16xf32>
        %add3A_2771 = arith.constant 1 : i32
        %add3A_2772 = vector.broadcast %add3A_2771 : i32 to vector<16xi32>
        %add3A_2773 = arith.addi %mul3A_2763, %add3A_2772 : vector<16xi32>
        %gather3A_2774 = tpu.vector_load_idx %arg16[%add3A_2773] : memref<256xf32, #tpu.memory_space<vmem>>[vector<16xi32>], vector<16xf32>,
        %add3A_2775 = arith.addf %add3A_2768, %gather3A_2774 : vector<16xf32>
        %gather3A_2776 = tpu.vector_load_idx %arg17[%add3A_2773] : memref<256xf32, #tpu.memory_space<vmem>>[vector<16xi32>], vector<16xf32>,
        %add3A_2777 = arith.addf %add3A_2770, %gather3A_2776 : vector<16xf32>
        %add3A_2778 = arith.constant 2 : i32
        %add3A_2779 = vector.broadcast %add3A_2778 : i32 to vector<16xi32>
        %add3A_2780 = arith.addi %mul3A_2763, %add3A_2779 : vector<16xi32>
        %gather3A_2781 = tpu.vector_load_idx %arg16[%add3A_2780] : memref<256xf32, #tpu.memory_space<vmem>>[vector<16xi32>], vector<16xf32>,
        %add3A_2782 = arith.addf %add3A_2775, %gather3A_2781 : vector<16xf32>
        %gather3A_2783 = tpu.vector_load_idx %arg17[%add3A_2780] : memref<256xf32, #tpu.memory_space<vmem>>[vector<16xi32>], vector<16xf32>,
        %add3A_2784 = arith.addf %add3A_2777, %gather3A_2783 : vector<16xf32>
        %add3A_2785 = arith.constant 3 : i32
        %add3A_2786 = vector.broadcast %add3A_2785 : i32 to vector<16xi32>
        %add3A_2787 = arith.addi %mul3A_2763, %add3A_2786 : vector<16xi32>
        %gather3A_2788 = tpu.vector_load_idx %arg16[%add3A_2787] : memref<256xf32, #tpu.memory_space<vmem>>[vector<16xi32>], vector<16xf32>,
        %add3A_2789 = arith.addf %add3A_2782, %gather3A_2788 : vector<16xf32>
        %gather3A_2790 = tpu.vector_load_idx %arg17[%add3A_2787] : memref<256xf32, #tpu.memory_space<vmem>>[vector<16xi32>], vector<16xf32>,
        %add3A_2791 = arith.addf %add3A_2784, %gather3A_2790 : vector<16xf32>
        %add3A_2792 = arith.constant 4 : i32
        %add3A_2793 = vector.broadcast %add3A_2792 : i32 to vector<16xi32>
        %add3A_2794 = arith.addi %mul3A_2763, %add3A_2793 : vector<16xi32>
        %gather3A_2795 = tpu.vector_load_idx %arg16[%add3A_2794] : memref<256xf32, #tpu.memory_space<vmem>>[vector<16xi32>], vector<16xf32>,
        %add3A_2796 = arith.addf %add3A_2789, %gather3A_2795 : vector<16xf32>
        %gather3A_2797 = tpu.vector_load_idx %arg17[%add3A_2794] : memref<256xf32, #tpu.memory_space<vmem>>[vector<16xi32>], vector<16xf32>,
        %add3A_2798 = arith.addf %add3A_2791, %gather3A_2797 : vector<16xf32>
        %add3A_2799 = arith.constant 5 : i32
        %add3A_2800 = vector.broadcast %add3A_2799 : i32 to vector<16xi32>
        %add3A_2801 = arith.addi %mul3A_2763, %add3A_2800 : vector<16xi32>
        %gather3A_2802 = tpu.vector_load_idx %arg16[%add3A_2801] : memref<256xf32, #tpu.memory_space<vmem>>[vector<16xi32>], vector<16xf32>,
        %add3A_2803 = arith.addf %add3A_2796, %gather3A_2802 : vector<16xf32>
        %gather3A_2804 = tpu.vector_load_idx %arg17[%add3A_2801] : memref<256xf32, #tpu.memory_space<vmem>>[vector<16xi32>], vector<16xf32>,
        %add3A_2805 = arith.addf %add3A_2798, %gather3A_2804 : vector<16xf32>
        %add3A_2806 = arith.constant 6 : i32
        %add3A_2807 = vector.broadcast %add3A_2806 : i32 to vector<16xi32>
        %add3A_2808 = arith.addi %mul3A_2763, %add3A_2807 : vector<16xi32>
        %gather3A_2809 = tpu.vector_load_idx %arg16[%add3A_2808] : memref<256xf32, #tpu.memory_space<vmem>>[vector<16xi32>], vector<16xf32>,
        %add3A_2810 = arith.addf %add3A_2803, %gather3A_2809 : vector<16xf32>
        %gather3A_2811 = tpu.vector_load_idx %arg17[%add3A_2808] : memref<256xf32, #tpu.memory_space<vmem>>[vector<16xi32>], vector<16xf32>,
        %add3A_2812 = arith.addf %add3A_2805, %gather3A_2811 : vector<16xf32>
        %add3A_2813 = arith.constant 7 : i32
        %add3A_2814 = vector.broadcast %add3A_2813 : i32 to vector<16xi32>
        %add3A_2815 = arith.addi %mul3A_2763, %add3A_2814 : vector<16xi32>
        %gather3A_2816 = tpu.vector_load_idx %arg16[%add3A_2815] : memref<256xf32, #tpu.memory_space<vmem>>[vector<16xi32>], vector<16xf32>,
        %add3A_2817 = arith.addf %add3A_2810, %gather3A_2816 : vector<16xf32>
        %gather3A_2818 = tpu.vector_load_idx %arg17[%add3A_2815] : memref<256xf32, #tpu.memory_space<vmem>>[vector<16xi32>], vector<16xf32>,
        %add3A_2819 = arith.addf %add3A_2812, %gather3A_2818 : vector<16xf32>
        %add3A_2820 = arith.constant 8 : i32
        %add3A_2821 = vector.broadcast %add3A_2820 : i32 to vector<16xi32>
        %add3A_2822 = arith.addi %mul3A_2763, %add3A_2821 : vector<16xi32>
        %gather3A_2823 = tpu.vector_load_idx %arg16[%add3A_2822] : memref<256xf32, #tpu.memory_space<vmem>>[vector<16xi32>], vector<16xf32>,
        %add3A_2824 = arith.addf %add3A_2817, %gather3A_2823 : vector<16xf32>
        %gather3A_2825 = tpu.vector_load_idx %arg17[%add3A_2822] : memref<256xf32, #tpu.memory_space<vmem>>[vector<16xi32>], vector<16xf32>,
        %add3A_2826 = arith.addf %add3A_2819, %gather3A_2825 : vector<16xf32>
        %add3A_2827 = arith.constant 9 : i32
        %add3A_2828 = vector.broadcast %add3A_2827 : i32 to vector<16xi32>
        %add3A_2829 = arith.addi %mul3A_2763, %add3A_2828 : vector<16xi32>
        %gather3A_2830 = tpu.vector_load_idx %arg16[%add3A_2829] : memref<256xf32, #tpu.memory_space<vmem>>[vector<16xi32>], vector<16xf32>,
        %add3A_2831 = arith.addf %add3A_2824, %gather3A_2830 : vector<16xf32>
        %gather3A_2832 = tpu.vector_load_idx %arg17[%add3A_2829] : memref<256xf32, #tpu.memory_space<vmem>>[vector<16xi32>], vector<16xf32>,
        %add3A_2833 = arith.addf %add3A_2826, %gather3A_2832 : vector<16xf32>
        %add3A_2834 = arith.constant 10 : i32
        %add3A_2835 = vector.broadcast %add3A_2834 : i32 to vector<16xi32>
        %add3A_2836 = arith.addi %mul3A_2763, %add3A_2835 : vector<16xi32>
        %gather3A_2837 = tpu.vector_load_idx %arg16[%add3A_2836] : memref<256xf32, #tpu.memory_space<vmem>>[vector<16xi32>], vector<16xf32>,
        %add3A_2838 = arith.addf %add3A_2831, %gather3A_2837 : vector<16xf32>
        %gather3A_2839 = tpu.vector_load_idx %arg17[%add3A_2836] : memref<256xf32, #tpu.memory_space<vmem>>[vector<16xi32>], vector<16xf32>,
        %add3A_2840 = arith.addf %add3A_2833, %gather3A_2839 : vector<16xf32>
        %add3A_2841 = arith.constant 11 : i32
        %add3A_2842 = vector.broadcast %add3A_2841 : i32 to vector<16xi32>
        %add3A_2843 = arith.addi %mul3A_2763, %add3A_2842 : vector<16xi32>
        %gather3A_2844 = tpu.vector_load_idx %arg16[%add3A_2843] : memref<256xf32, #tpu.memory_space<vmem>>[vector<16xi32>], vector<16xf32>,
        %add3A_2845 = arith.addf %add3A_2838, %gather3A_2844 : vector<16xf32>
        %gather3A_2846 = tpu.vector_load_idx %arg17[%add3A_2843] : memref<256xf32, #tpu.memory_space<vmem>>[vector<16xi32>], vector<16xf32>,
        %add3A_2847 = arith.addf %add3A_2840, %gather3A_2846 : vector<16xf32>
        %add3A_2848 = arith.constant 12 : i32
        %add3A_2849 = vector.broadcast %add3A_2848 : i32 to vector<16xi32>
        %add3A_2850 = arith.addi %mul3A_2763, %add3A_2849 : vector<16xi32>
        %gather3A_2851 = tpu.vector_load_idx %arg16[%add3A_2850] : memref<256xf32, #tpu.memory_space<vmem>>[vector<16xi32>], vector<16xf32>,
        %add3A_2852 = arith.addf %add3A_2845, %gather3A_2851 : vector<16xf32>
        %gather3A_2853 = tpu.vector_load_idx %arg17[%add3A_2850] : memref<256xf32, #tpu.memory_space<vmem>>[vector<16xi32>], vector<16xf32>,
        %add3A_2854 = arith.addf %add3A_2847, %gather3A_2853 : vector<16xf32>
        %add3A_2855 = arith.constant 13 : i32
        %add3A_2856 = vector.broadcast %add3A_2855 : i32 to vector<16xi32>
        %add3A_2857 = arith.addi %mul3A_2763, %add3A_2856 : vector<16xi32>
        %gather3A_2858 = tpu.vector_load_idx %arg16[%add3A_2857] : memref<256xf32, #tpu.memory_space<vmem>>[vector<16xi32>], vector<16xf32>,
        %add3A_2859 = arith.addf %add3A_2852, %gather3A_2858 : vector<16xf32>
        %gather3A_2860 = tpu.vector_load_idx %arg17[%add3A_2857] : memref<256xf32, #tpu.memory_space<vmem>>[vector<16xi32>], vector<16xf32>,
        %add3A_2861 = arith.addf %add3A_2854, %gather3A_2860 : vector<16xf32>
        %add3A_2862 = arith.constant 14 : i32
        %add3A_2863 = vector.broadcast %add3A_2862 : i32 to vector<16xi32>
        %add3A_2864 = arith.addi %mul3A_2763, %add3A_2863 : vector<16xi32>
        %gather3A_2865 = tpu.vector_load_idx %arg16[%add3A_2864] : memref<256xf32, #tpu.memory_space<vmem>>[vector<16xi32>], vector<16xf32>,
        %add3A_2866 = arith.addf %add3A_2859, %gather3A_2865 : vector<16xf32>
        %gather3A_2867 = tpu.vector_load_idx %arg17[%add3A_2864] : memref<256xf32, #tpu.memory_space<vmem>>[vector<16xi32>], vector<16xf32>,
        %add3A_2868 = arith.addf %add3A_2861, %gather3A_2867 : vector<16xf32>
        %add3A_2869 = arith.constant 15 : i32
        %add3A_2870 = vector.broadcast %add3A_2869 : i32 to vector<16xi32>
        %add3A_2871 = arith.addi %mul3A_2763, %add3A_2870 : vector<16xi32>
        %gather3A_2872 = tpu.vector_load_idx %arg16[%add3A_2871] : memref<256xf32, #tpu.memory_space<vmem>>[vector<16xi32>], vector<16xf32>,
        %add3A_2873 = arith.addf %add3A_2866, %gather3A_2872 : vector<16xf32>
        %gather3A_2874 = tpu.vector_load_idx %arg17[%add3A_2871] : memref<256xf32, #tpu.memory_space<vmem>>[vector<16xi32>], vector<16xf32>,
        %add3A_2875 = arith.addf %add3A_2868, %gather3A_2874 : vector<16xf32>
        %sub3A = arith.subf %add3A_2873, %add3A_2875 : vector<16xf32>
        %add3A_2876 = arith.constant 1.000000e+00 : f32
        %add3A_2877 = vector.broadcast %add3A_2876 : f32 to vector<16xf32>
        %add3A_2878 = arith.addf %sub3A, %add3A_2877 : vector<16xf32>
        %max3A = arith.constant 0.000000e+00 : f32
        %max3A_2879 = vector.broadcast %max3A : f32 to vector<16xf32>
        %max3A_2880 = arith.maximumf %add3A_2878, %max3A_2879 : vector<16xf32>
        %add3A_2881 = arith.addi %mul3A_16, %mul3A_40 : i32
        %swap3A_2882 = arith.index_cast %add3A_2881 : i32 to index
        %swap3A_2883 = tpu.vector_load %arg15[%swap3A_2882] {strides = array<i32>} : memref<512xf32, #tpu.memory_space<vmem>>, vector<16xf32>,
        tpu.vector_store %arg15[%swap3A_2882], %max3A_2880 {strides = array<i32>} : memref<512xf32, #tpu.memory_space<vmem>>, vector<16xf32>,
      }
      %scan3A_37 = arith.constant 8 : i32
    }
    %scan3A_13 = arith.constant 4 : i32
    "tpu.region"() ({
      %run_scoped3A = tpu.sem_alloc : memref<!tpu.dma_semaphore, #tpu.memory_space<semaphore_mem>>
      %dma_start3A = tpu.memref_slice %arg7[%mul3A_2] : memref<16384xf32, #tpu.memory_space<hbm>> -> memref<512xf32, #tpu.memory_space<hbm>>
      %dma_start3A_14 = tpu.memref_slice %arg7[%mul3A_2] : memref<16384xf32, #tpu.memory_space<hbm>> -> memref<512xf32, #tpu.memory_space<hbm>>
      tpu.enqueue_dma source(%arg15 : memref<512xf32, #tpu.memory_space<vmem>>) target(%dma_start3A_14 : memref<512xf32, #tpu.memory_space<hbm>>) target_semaphore(%run_scoped3A : memref<!tpu.dma_semaphore, #tpu.memory_space<semaphore_mem>>)
      %dma_wait3A = tpu.memref_slice %arg7[%mul3A_2] : memref<16384xf32, #tpu.memory_space<hbm>> -> memref<512xf32, #tpu.memory_space<hbm>>
      %dma_wait3A_15 = tpu.memref_slice %arg7[%mul3A_2] : memref<16384xf32, #tpu.memory_space<hbm>> -> memref<512xf32, #tpu.memory_space<hbm>>
      tpu.wait_dma2 semaphore(%run_scoped3A : memref<!tpu.dma_semaphore, #tpu.memory_space<semaphore_mem>>) src(%arg15 : memref<512xf32, #tpu.memory_space<vmem>>) dst(%dma_wait3A_15 : memref<512xf32, #tpu.memory_space<hbm>>)
      tpu.yield
    }) : () -> ()
    return
  }
}

module attributes {stable_mosaic.version = 14 : i64} {
  func.func @_tail_body(%arg0: i32, %arg1: memref<1000x128xf32, #tpu.memory_space<vmem>>, %arg2: memref<1000x128xf32, #tpu.memory_space<vmem>>, %arg3: memref<1000x128xf32, #tpu.memory_space<vmem>>) attributes {dimension_semantics = [#tpu.dimension_semantics<arbitrary>], iteration_bounds = array<i64: 50>, scalar_prefetch = 0 : i64, scratch_operands = 0 : i64, tpu.core_type = #tpu.core_type<tc>, window_params = [{transform_indices = @transform_0, window_bounds = array<i64: 1000, 128>}, {transform_indices = @transform_1, window_bounds = array<i64: 1000, 128>}, {transform_indices = @transform_2, window_bounds = array<i64: 1000, 128>}]} {
    %get3A = arith.constant 0 : index
    %get3A_0 = arith.constant 0 : index
    %get3A_1 = vector.load %arg1[%get3A, %get3A_0] : memref<1000x128xf32, #tpu.memory_space<vmem>>, vector<1000x64xf32>
    %swap3A = arith.constant 0 : index
    %swap3A_2 = arith.constant 0 : index
    %swap3A_3 = vector.load %arg3[%swap3A, %swap3A_2] : memref<1000x128xf32, #tpu.memory_space<vmem>>, vector<1000x64xf32>
    tpu.vector_store %arg3[%swap3A, %swap3A_2], %get3A_1 {strides = array<i32>} : memref<1000x128xf32, #tpu.memory_space<vmem>>, vector<1000x64xf32>,
    %get3A_4 = arith.constant 0 : index
    %get3A_5 = arith.constant 0 : index
    %get3A_6 = vector.load %arg2[%get3A_4, %get3A_5] : memref<1000x128xf32, #tpu.memory_space<vmem>>, vector<1000x64xf32>
    %swap3A_7 = arith.constant 0 : index
    %swap3A_8 = arith.constant 64 : index
    %swap3A_9 = vector.load %arg3[%swap3A_7, %swap3A_8] : memref<1000x128xf32, #tpu.memory_space<vmem>>, vector<1000x64xf32>
    tpu.vector_store %arg3[%swap3A_7, %swap3A_8], %get3A_6 {strides = array<i32>} : memref<1000x128xf32, #tpu.memory_space<vmem>>, vector<1000x64xf32>,
    return
  }
  func.func @transform_0(%arg0: i32) -> (i32, i32) {
    %c1_i32 = arith.constant 1 : i32
    %c0_i32 = arith.constant 0 : i32
    return %arg0, %c1_i32 : i32, i32
  }
  func.func @transform_1(%arg0: i32) -> (i32, i32) {
    %add3A = arith.constant 50 : i32
    %add3A_0 = arith.addi %arg0, %add3A : i32
    %c1_i32 = arith.constant 1 : i32
    %c0_i32 = arith.constant 0 : i32
    return %add3A_0, %c1_i32 : i32, i32
  }
  func.func @transform_2(%arg0: i32) -> (i32, i32) {
    %c0_i32 = arith.constant 0 : i32
    %c0_i32_0 = arith.constant 0 : i32
    return %arg0, %c0_i32 : i32, i32
  }
}

</mosaic_0001>

<sc_bundles>
// kernel: kernel.4.cloned.1.call-start
scs
__scs_entry_jumppad:
0x0: {  	(pc) =	sbr.rel $0x88, $3  }
0x1: {  	(tag) =	ssettag $0x0;
	lr =	simm.s32 $0x1  }
0x2: {  	[smem:$0x3F9D] =	sst lr;
	_ =	strace $0xD0000000  }
0x3: {  	_ = 	snop  }
0x4: {  	_ = 	snop  }
0x5: {  	_ = 	snop  }
0x6: {  	_ = 	snop  }
0x7: {  	_ = 	snop  }
__scs_overlays_trampoline_lowered:
0x8: {  	[smem:$0x3FAC] =	sst s0  }
0x9: {  	[smem:$0x3FAD] =	sst s1  }
0xa: {  	[smem:$0x3FAE] =	sst s2  }
0xb: {  	[smem:$0x3FAF] =	sst s3  }
0xc: {  	[smem:$0x3FB0] =	sst s4  }
0xd: {  	[smem:$0x3FB1] =	sst s5  }
0xe: {  	[smem:$0x3FB2] =	sst s6  }
0xf: {  	[smem:$0x3FB3] =	sst s7  }
0x10: {  	[smem:$0x3FB4] =	sst s8  }
0x11: {  	[smem:$0x3FB5] =	sst s9;
	s0 =	simm.s32 @!p0 $0x0  }
0x12: {  	s1 =	sld [smem:$0x3F9B];
	s0 =	simm.s32 @p0 $0x1  }
0x13: {  	[smem:$0x3FB6] =	sst s0;
	s0 =	simm.s32 @!p1 $0x0  }
0x14: {  	s2 =	sld [smem:$0x3F9A];
	s0 =	simm.s32 @p1 $0x1  }
0x15: {  	[smem:$0x3FB7] =	sst s0;
	s0 =	simm.s32 @!p2 $0x0  }
0x16: {  	s3 =	sld [smem:$0x3FDB];
	s0 =	simm.s32 @p2 $0x1  }
0x17: {  	s4 =	simm.s32 $0x1BF5;
	[smem:$0x3FB9] =	sst s0  }
0x18: {  	s0 =	sld [smem:$0x3F9C];
	_ =	swait.ge [sflag:s4], $0x0  }
0x19: {  	s7 =	sld [smem:$0x3F9D]  }
0x1a: {  	s8 =	sadd.s32 $0xFFFFE003, lr  }
0x1b: {  	s9 =	sadd.s32 $0xFFFFFEF7, lr;
	s5 =	simm.s32 $0xFFFFFFFF;
	p2 =	slt.u32 s8, $0xFFFFF086  }
0x1c: {  	p1 =	slt.u32 s9, $0xF7A;
	s5 =	simm.s32 @!p2 $0x0  }
0x1d: {  	s5 =	simm.s32 @p1 $0x1;
	p0 =	seq.s32 s7, s2  }
0x1e: {  	s7 =	smul.u32 @!p0 $0xF7A, s2;
	p2 =	seq.s32 @!p0 s5, $0x0  }
0x1f: {  	s9 =	smul.u32 $0xF7A, s1;
	s8 =	simm.s32 @!p0 $0x1BF5;
	p2 =	por !p2, p0  }
0x20: {  	[sflag:s8] =	ssyncset.s32 @!p0 $0xFFFFF086;
	s6 =	sadd.s32 @!p0 s3, s7;
	s7 =	simm.s32 @!p0 $0x108  }
0x21: {  	s3 =	sadd.s32 s3, s9;
	s6 =	sadd.s32 @!p0 $0x88, s6;
	s7 =	simm.s32 @p2 $0x1082  }
0x22: {  	[simem:s7], [sflag:s8] =	dma.local @!p0 [hbm:s6], $0xF7A  }
0x23: {  	s9 =	sor.u32 $0xD0000000, s2;
	s6 =	simm.s32 $0x108;
	_ =	swait.ge @!p0 [sflag:s8], $0x0  }
0x24: {  	s3 =	sadd.s32 $0x88, s3;
	s6 =	simm.s32 @!p1 $0x1082;
	[sflag:s4] =	ssyncset.s32 $0xFFFFF086  }
0x25: {  	[simem:s6], [sflag:s4] =	dma.local [hbm:s3], $0xF7A  }
0x26: {  	[smem:$0x3F9D] =	sst s1;
	(tag) =	ssettag s2;
	_ =	strace s9  }
0x27: {  	s1 =	sld [smem:$0x3FAD]  }
0x28: {  	s2 =	sld [smem:$0x3FAE]  }
0x29: {  	s4 =	sld [smem:$0x3FB0]  }
0x2a: {  	p0 =	seq.s32 s5, $0x0;
	s5 =	sld [smem:$0x3FB1]  }
0x2b: {  	s6 =	sld [smem:$0x3FB2]  }
0x2c: {  	s7 =	sld [smem:$0x3FB3]  }
0x2d: {  	s3 =	simm.s32 $0x108;
	s8 =	sld [smem:$0x3FB4]  }
0x2e: {  	s3 =	simm.s32 @!p0 $0x1082;
	s9 =	sld [smem:$0x3FB5]  }
0x2f: {  	lr =	sadd.s32 s0, s3;
	s0 =	sld [smem:$0x3FAC]  }
0x30: {  	s3 =	sld [smem:$0x3FAF]  }
0x31: {  	[smem:$0x3FB8] =	sst s10  }
0x32: {  	s10 =	sld [smem:$0x3FB6];
	_ =	sdelay $0x3  }
0x33: {  	p0 =	seq.s32 s10, $0x1;
	s10 =	sld [smem:$0x3FB8];
	_ =	sdelay $0x3  }
0x34: {  	[smem:$0x3FB8] =	sst s10  }
0x35: {  	s10 =	sld [smem:$0x3FB7];
	_ =	sdelay $0x3  }
0x36: {  	p1 =	seq.s32 s10, $0x1;
	s10 =	sld [smem:$0x3FB8];
	_ =	sdelay $0x3  }
0x37: {  	[smem:$0x3FB8] =	sst s10  }
0x38: {  	s10 =	sld [smem:$0x3FB9]  }
0x39: {  	_ = 	snop;
	(pc) =	sbr.ind lr, $3  }
0x3a: {  	_ = 	snop  }
0x3b: {  	_ = 	snop  }
0x3c: {  	p2 =	seq.s32 s10, $0x1;
	s10 =	sld [smem:$0x3FB8]  }
0x3d: {  	_ =	shalt  }
0x3e: {  	_ =	shalt  }
0x3f: {  	_ =	shalt  }
0x40: {  	_ =	shalt  }
0x41: {  	_ =	shalt  }
0x42: {  	_ =	shalt  }
0x43: {  	_ =	shalt  }
0x44: {  	_ =	shalt  }
0x45: {  	_ =	shalt  }
0x46: {  	_ =	shalt  }
0x47: {  	_ =	shalt  }
0x48: {  	_ =	shalt  }
0x49: {  	_ =	shalt  }
0x4a: {  	_ =	shalt  }
0x4b: {  	_ =	shalt  }
0x4c: {  	_ =	shalt  }
0x4d: {  	_ =	shalt  }
0x4e: {  	_ =	shalt  }
0x4f: {  	_ =	shalt  }
0x50: {  	_ =	shalt  }
0x51: {  	_ =	shalt  }
0x52: {  	_ =	shalt  }
0x53: {  	_ =	shalt  }
0x54: {  	_ =	shalt  }
0x55: {  	_ =	shalt  }
0x56: {  	_ =	shalt  }
0x57: {  	_ =	shalt  }
0x58: {  	_ =	shalt  }
0x59: {  	_ =	shalt  }
0x5a: {  	_ =	shalt  }
0x5b: {  	_ =	shalt  }
0x5c: {  	_ =	shalt  }
0x5d: {  	_ =	shalt  }
0x5e: {  	_ =	shalt  }
0x5f: {  	_ =	shalt  }
0x60: {  	_ =	shalt  }
0x61: {  	_ =	shalt  }
0x62: {  	_ =	shalt  }
0x63: {  	_ =	shalt  }
0x64: {  	_ =	shalt  }
0x65: {  	_ =	shalt  }
0x66: {  	_ =	shalt  }
0x67: {  	_ =	shalt  }
0x68: {  	_ =	shalt  }
0x69: {  	_ =	shalt  }
0x6a: {  	_ =	shalt  }
0x6b: {  	_ =	shalt  }
0x6c: {  	_ =	shalt  }
0x6d: {  	_ =	shalt  }
0x6e: {  	_ =	shalt  }
0x6f: {  	_ =	shalt  }
0x70: {  	_ =	shalt  }
0x71: {  	_ =	shalt  }
0x72: {  	_ =	shalt  }
0x73: {  	_ =	shalt  }
0x74: {  	_ =	shalt  }
0x75: {  	_ =	shalt  }
0x76: {  	_ =	shalt  }
0x77: {  	_ =	shalt  }
0x78: {  	_ =	shalt  }
0x79: {  	_ =	shalt  }
0x7a: {  	_ =	shalt  }
0x7b: {  	_ =	shalt  }
0x7c: {  	_ =	shalt  }
0x7d: {  	_ =	shalt  }
0x7e: {  	_ =	shalt  }
0x7f: {  	_ =	shalt  }
0x80: {  	_ =	shalt  }
0x81: {  	_ =	shalt  }
0x82: {  	_ =	shalt  }
0x83: {  	_ =	shalt  }
0x84: {  	_ =	shalt  }
0x85: {  	_ =	shalt  }
0x86: {  	_ =	shalt  }
0x87: {  	_ =	shalt  }
.Lfunc_end0:
.L_simem_size_0:
called_computation_lowered:
.L_overlay_start_0:
0x88: {  	s2 =	sld [smem:$0x3FD9]  }
0x89: {  	s3 =	sld [smem:$0x3FFE];
	_ =	sdelay $0x1  }
0x8a: {  	s1 =	srdreg.scid  }
0x8b: {  	s0 =	sand.u32 $0x1, s1  }
0x8c: {  	s17 =	sshll.u32 s0, $0xA;
	s2 =	sadd.s32 s3, s2  }
0x8d: {  	s2 =	sadd.s32 s2, s17  }
0x8e: {  	[smem:$0x3FC4] =	sst s2  }
0x8f: {  	_ = 	snop  }
0x90: {  	s2 =	sld [smem:$0x3FC7]  }
0x91: {  	s18 =	sld [smem:$0x3FD0];
	(tm) =	ssettm $0x1  }
0x92: {  	s4 =	sld [smem:$0x3FFB];
	_ =	sdelay $0x3  }
0x93: {  	_ =	strace s4  }
0x94: {  	s4 =	sld [smem:$0x3FFC];
	_ =	sdelay $0x3  }
0x95: {  	_ =	strace s4  }
0x96: {  	s4 =	sld [smem:$0x3FFD];
	_ =	sdelay $0x3  }
0x97: {  	_ =	strace s4  }
0x98: {  	_ =	strace $0x8FFFFFFF  }
0x99: {  	s19 =	sld [smem:$0x3FDB];
	_ =	sdelay $0x1  }
0x9a: {  	s5 =	simm.s32 $_scs_section_size  }
0x9b: {  	s6 =	simm.s32 $_size__tile_overlayer_lowered;
	s7 =	simm.s32 $_tile_overlayer_lowered  }
0x9c: {  	s22 =	simm.s32 $0x1BFF;
	s21 =	sshll.u32 s7, $0x1;
	s4 =	sadd.s32 s5, s19  }
0x9d: {  	s8 =	simm.s32 $0x0;
	s20 =	sshll.u32 s6, $0x1;
	s6 =	sadd.s32 s21, s4  }
0x9e: {  	[timem:s8], [sflag:s22] =	dma.local [hbm:s6], s20  }
0x9f: {  	_ =	swait.ge [sflag:s22], s20  }
0xa0: {  	s5 =	ssub.s32 $0x0, s20;
	[sflag:s22] =	ssyncset.done $0x0  }
0xa1: {  	[sflag:s22] =	ssyncadd.s32 s5;
	_ =	sdelay $0x1  }
0xa2: {  	s23 =	simm.s32 $0x1B8B  }
0xa3: {  	_ =	swait.ge [sflag:s23], $0x1  }
0xa4: {  	[sflag:s23] =	ssyncset.done $0x0  }
0xa5: {  	s25 =	simm.s32 $0x1B8E;
	s24 =	sld [smem:$0x3FFE];
	[sflag:s23] =	ssyncadd.s32 $0xFFFFFFFF  }
0xa6: {  	s26 =	simm.s32 $execute0_lowered;
	[smem:$0x3FD2] =	sst s25  }
0xa7: {  	s6 =	sshll.u32 s26, $0x1;
	_ =	strace $0x80000046;
	[dreg:$0x1] =	wrdreg $0xFFFFFFFF  }
0xa8: {  	s28 =	simm.s32 $_size_execute0_lowered;
	s4 =	sadd.s32 s4, s6;
	[dreg:$0x0] =	wrdreg $0x0  }
0xa9: {  	s6 =	sshll.u32 s28, $0x1;
	[dreg:$0x2] =	wrdreg s4  }
0xaa: {  	[dreg:$0x3] =	wrdreg s6  }
0xab: {  	[dreg:$0x4] =	wrdreg $0xC0  }
0xac: {  	_ =	task [dreg:s8], $0x5FFFF  }
0xad: {  	[dreg:$0x1] =	wrdreg $0xFFFFFFFF  }
0xae: {  	[dreg:$0x0] =	wrdreg $0x60  }
0xaf: {  	[dreg:$0x2] =	wrdreg s24  }
0xb0: {  	[dreg:$0x3] =	wrdreg s2  }
0xb1: {  	[dreg:$0x4] =	wrdreg s18  }
0xb2: {  	[dreg:$0x5] =	wrdreg $0x9  }
0xb3: {  	_ =	task.clear_ibuf [dreg:s8], $0x6FFFF;
	_ =	strace $0x90000046  }
0xb4: {  	s29 =	simm.s32 $0x9;
	_ =	strace $0x80000048  }
0xb5: {  	_ =	swait.ge [sflag:s29], $0x1  }
0xb6: {  	[sflag:s29] =	ssyncadd.s32 $0xFFFFFFFF  }
0xb7: {  	_ =	strace $0x90000048  }
0xb8: {  	_ =	sfence  }
0xb9: {  	s30 =	sld [smem:$0x0];
	_ =	sdelay $0x2  }
0xba: {  	s31 =	sshll.u32 s1, $0xD;
	s1 =	sshrl.u32 s1, $0x2  }
0xbb: {  	s3 =	sand.u32 $0x4000, s31;
	s1 =	sadd.s32 s1, s30  }
0xbc: {  	s0 =	sor.u32 s3, s0;
	s1 =	sshll.u32 s1, $0x11  }
0xbd: {  	s0 =	sor.u32 s1, s0  }
0xbe: {  	s0 =	sadd.s32 $0x8F2B, s0  }
0xbf: {  	[sflag:s0] =	ssyncadd.remote.s32 $0x1  }
0xc0: {  	_ =	sfence.sel $0xFFFF  }
0xc1: {  	[dreg:$0x0] =	wrdreg $0xFFFFFFFF;
	(pc) =	sbr.abs _section_cstart, $3  }
0xc2: {  	[dreg:$0x1] =	wrdreg $0xFFFFFFFF  }
0xc3: {  	_ =	task.clear_ibuf [dreg:s8], $0x2FFFF;
	_ =	strace $0x9FFFFFFF  }
0xc4: {  	(tm) =	ssettm $0x7FFFFFFF  }
0xc5: {  	_ =	shalt  }
tec
execute0_lowered:
.L_overlay_start_1:
0x0: {  	(tag) =	ssettag $0x1  }
0x1: {  	s0 =	rddreg [dreg:$0x0]  }
0x2: {  	s1 =	rddreg [dreg:$0x1]  }
0x3: {  	s2 =	rddreg [dreg:$0x2];
	s24 =	simm.s32 $0x0  }
0x4: {  	s4 =	srdreg.scid;
	s5 =	stileid.u32;
	s11 =	simm.s32 $0x3  }
0x5: {  	v0 =	vimm.s32 $0x0;
	v1 =	vlaneseq.u32;
	s10 =	simm.s32 $0x4400;
	s12 =	simm.s32 $0x4480;
	s13 =	simm.s32 $0x4500  }
0x6: {  	vm0 =	vmmov $0x1;
	v6 =	vimm.s32 $0x3;
	v7 =	vimm.s32 $0x4;
	s14 =	simm.s32 $0x4580;
	s15 =	simm.s32 $0x80;
	s16 =	simm.s32 $0x4600  }
0x7: {  	v8 =	vimm.s32 $0x5;
	v9 =	vimm.s32 $0x6;
	v10 =	vimm.s32 $0x8;
	s17 =	simm.s32 $0x8600;
	s18 =	simm.s32 $0x10600;
	s19 =	simm.s32 $0x1  }
0x8: {  	v11 =	vimm.s32 $0x9;
	v12 =	vimm.s32 $0xA;
	v13 =	vimm.s32 $0xB;
	s20 =	simm.s32 $0x2;
	s21 =	simm.s32 $0x400;
	s22 =	simm.s32 $0x18800  }
0x9: {  	v14 =	vimm.s32 $0xC;
	v15 =	vimm.s32 $0xD;
	v16 =	vimm.s32 $0xE;
	s23 =	simm.s32 $0x18900;
	[smem:$0x7FF] =	sst s24;
	s6 =	sand.u32 $0x1, s4  }
0xa: {  	v17 =	vimm.s32 $0xF;
	s3 =	sadd.s32 $0x1000, s0;
	s7 =	sshll.u32 s5, $0xA;
	v4 =	vmul.u32 $0x8, v1;
	v18 =	vmul.u32 $0x10, v1;
	s8 =	sshll.u32 s6, $0x9  }
0xb: {  	s4 =	sadd.s32 $0x81000, s0;
	v19 =	vor.u32 $0x10, v1;
	v20 =	vor.u32 $0x20, v1;
	v21 =	vor.u32 $0x30, v1;
	s9 =	ssub.s32 $0x2, s6;
	s6 =	sor.u32 s8, s7  }
0xc: {  	s5 =	sadd.s32 $0x101000, s0;
	_ =	strace $0x80000047;
	v22 =	vor.u32 $0x1, v18;
	v23 =	vor.u32 $0x2, v18;
	v24 =	vor.u32 $0x3, v18;
	s8 =	sshrl.u32 s6, $0x3  }
0xd: {  	s7 =	sadd.s32 $0x40E400, s0;
	s30 =	sshrl.u32 s9, $0x1;
	v25 =	vor.u32 $0x4, v18;
	v26 =	vor.u32 $0x5, v18;
	v27 =	vor.u32 $0x6, v18;
	s1 =	sadd.s32 s1, s8  }
0xe: {  	v28 =	vor.u32 $0x7, v18;
	v29 =	vor.u32 $0x8, v18;
	v30 =	vor.u32 $0x9, v18;
	s0 =	ssub.s32 s9, s30;
	s31 =	sadd.s32 s2, s8;
	[dreg:$0x4] =	wrdreg s1  }
0xf: {  	v31 =	vor.u32 $0xA, v18;
	v32 =	vor.u32 $0xB, v18;
	v33 =	vor.u32 $0xC, v18;
	s9 =	simm.s32 $0x4380;
	s0 =	smax.u32 s0, $0x1;
	[dreg:$0x5] =	wrdreg s31  }
0x10: {  	v34 =	vor.u32 $0xD, v18;
	v35 =	vor.u32 $0xE, v18;
	v36 =	vor.u32 $0xF, v18;
	s8 =	simm.s32 $0x4300;
	[dreg:$0x6] =	wrdreg s0;
	s1 =	simm.s32 $0x0  }
.LBB2_1:
0x11: {  	s0 =	rddreg [dreg:$0x4]  }
0x12: {  	[tilespmem:s24], [sflag:$0x3] =	stream.linear.gather [hbm4b:s0+s24], $0x200, $0x38;
	[tilespmem:$0x18A00] =	vst v63  }
0x13: {  	_ =	swait.ge [sflag:s11], $0x200  }
0x14: {  	[sflag:s11] =	ssyncset.done $0x0  }
0x15: {  	s25 =	simm.s32 $0x0;
	[sflag:s11] =	ssyncadd.s32 $0xFFFFFE00  }
0x16: {  	v37 =	vld [tilespmem:s25+$0x0]  }
0x17: {  	s24 =	simm.s32 $0x40  }
.LBB2_2:
0x18: {  	_ = 	snop  }
0x19: {  	p0 =	sne.s32 s24, $0x7C0  }
.Ltmp0:
0x1a: {  	_ = 	snop;
	(pc) =	sbr.rel @p0 .LBB2_2-.Ltmp0, $4  }
0x1b: {  	vm1 =	vgt.s32 v37, $0xC34F  }
0x1c: {  	s26 =	sshra.s32 s24, $0x2;
	v38 =	vadd.s32 $0xFFFF3CB0, v37;
	v39 =	vsel vm1, $0x40, v0  }
0x1d: {  	v38 =	vsel vm1, v38, v37;
	v37 =	vld [tilespmem:s26+$0x0];
	[tilespmem:s25+$0x400] =	vst v39  }
0x1e: {  	s24 =	sadd.s32 $0x40, s24;
	[tilespmem:s25+$0x200] =	vst v38;
	s25 =	smov.u32 s26  }
0x1f: {  	_ =	sdelay $0x2  }
0x20: {  	vm1 =	vgt.s32 v37, $0xC34F  }
0x21: {  	v38 =	vadd.s32 $0xFFFF3CB0, v37;
	v39 =	vsel vm1, $0x40, v0  }
0x22: {  	v37 =	vsel vm1, v38, v37;
	[tilespmem:s25+$0x400] =	vst v39  }
0x23: {  	[dreg:$0x7] =	wrdreg s1;
	s24 =	simm.s32 $0x0;
	[tilespmem:s25+$0x200] =	vst v37;
	s25 =	simm.s32 $0x0  }
.LBB2_4:
0x24: {  	s26 =	sshll.u32 s25, $0x7  }
0x25: {  	v37 =	vld [tilespmem:s26+$0x0];
	_ =	sdelay $0x4  }
0x26: {  	v38 =	vshll.u32 v37, $0x1  }
0x27: {  	v37 =	vand.u32 $0x7, v37;
	v38 =	vand.u32 $0xFFFFFFF0, v38  }
0x28: {  	v37 =	vor.u32 v37, v38  }
0x29: {  	v38 =	vperm.xlane v37, v0  }
0x2a: {  	v3 =	vimm.s32 $0x1  }
0x2b: {  	v39 =	vperm.xlane v37, v3;
	v38 =	vadd.s32 v4, v38  }
0x2c: {  	v5 =	vimm.s32 $0x2  }
0x2d: {  	v40 =	vperm.xlane v37, v5;
	v39 =	vadd.s32 v4, v39;
	_ =	sdelay $0x1  }
0x2e: {  	s0 =	simm.s32 $0x600;
	v41 =	vperm.xlane v37, v6;
	v40 =	vadd.s32 v4, v40  }
0x2f: {  	[tilespmem:s0], [sflag:$0x1] =	stream.indirect_vreg.gather [hbm4b:s5+s24], $0x80, v38, vm0, $0xb8;
	[tilespmem:$0x18A00] =	vst v63  }
0x30: {  	s31 =	simm.s32 $0x680;
	v55 =	vperm.xlane v37, v7;
	v54 =	vadd.s32 v4, v41  }
0x31: {  	[tilespmem:s31], [sflag:$0x1] =	stream.indirect_vreg.gather [hbm4b:s5+s24], $0x80, v39, vm0, $0xb8;
	[tilespmem:$0x18A00] =	vst v63  }
0x32: {  	s1 =	simm.s32 $0x700;
	v57 =	vperm.xlane v37, v8;
	v56 =	vadd.s32 v4, v55  }
0x33: {  	[tilespmem:s1], [sflag:$0x1] =	stream.indirect_vreg.gather [hbm4b:s5+s24], $0x80, v40, vm0, $0xb8;
	[tilespmem:$0x18A00] =	vst v63  }
0x34: {  	s2 =	simm.s32 $0x780;
	v59 =	vperm.xlane v37, v9;
	v58 =	vadd.s32 v4, v57  }
0x35: {  	v2 =	vimm.s32 $0x7;
	[tilespmem:s2], [sflag:$0x1] =	stream.indirect_vreg.gather [hbm4b:s5+s24], $0x80, v54, vm0, $0xb8;
	[tilespmem:$0x18A00] =	vst v63  }
0x36: {  	s29 =	simm.s32 $0x800;
	v61 =	vperm.xlane v37, v2;
	v60 =	vadd.s32 v4, v59  }
0x37: {  	[tilespmem:s29], [sflag:$0x1] =	stream.indirect_vreg.gather [hbm4b:s5+s24], $0x80, v56, vm0, $0xb8;
	[tilespmem:$0x18A00] =	vst v63  }
0x38: {  	s30 =	simm.s32 $0x880;
	v63 =	vperm.xlane v37, v10;
	v62 =	vadd.s32 v4, v61  }
0x39: {  	[tilespmem:s30], [sflag:$0x1] =	stream.indirect_vreg.gather [hbm4b:s5+s24], $0x80, v58, vm0, $0xb8;
	[tilespmem:$0x18A00] =	vst v63  }
0x3a: {  	v45 =	vperm.xlane v37, v11;
	v44 =	vadd.s32 v4, v63;
	s31 =	simm.s32 $0x900  }
0x3b: {  	[tilespmem:s31], [sflag:$0x1] =	stream.indirect_vreg.gather [hbm4b:s5+s24], $0x80, v60, vm0, $0xb8;
	[tilespmem:$0x18A00] =	vst v63  }
0x3c: {  	v47 =	vperm.xlane v37, v12;
	v46 =	vadd.s32 v4, v45;
	s1 =	simm.s32 $0x980  }
0x3d: {  	[tilespmem:s1], [sflag:$0x1] =	stream.indirect_vreg.gather [hbm4b:s5+s24], $0x80, v62, vm0, $0xb8;
	[tilespmem:$0x18A00] =	vst v63  }
0x3e: {  	v49 =	vperm.xlane v37, v13;
	v48 =	vadd.s32 v4, v47;
	s2 =	simm.s32 $0xA00  }
0x3f: {  	[tilespmem:s2], [sflag:$0x1] =	stream.indirect_vreg.gather [hbm4b:s5+s24], $0x80, v44, vm0, $0xb8;
	[tilespmem:$0x18A00] =	vst v63  }
0x40: {  	v51 =	vperm.xlane v37, v14;
	v50 =	vadd.s32 v4, v49;
	s29 =	simm.s32 $0xA80  }
0x41: {  	[tilespmem:s29], [sflag:$0x1] =	stream.indirect_vreg.gather [hbm4b:s5+s24], $0x80, v46, vm0, $0xb8;
	[tilespmem:$0x18A00] =	vst v63  }
0x42: {  	v53 =	vperm.xlane v37, v15;
	v52 =	vadd.s32 v4, v51;
	s30 =	simm.s32 $0xB00  }
0x43: {  	[tilespmem:s30], [sflag:$0x1] =	stream.indirect_vreg.gather [hbm4b:s5+s24], $0x80, v48, vm0, $0xb8;
	[tilespmem:$0x18A00] =	vst v63  }
0x44: {  	v55 =	vperm.xlane v37, v16;
	v54 =	vadd.s32 v4, v53;
	s31 =	simm.s32 $0xB80  }
0x45: {  	[tilespmem:s31], [sflag:$0x1] =	stream.indirect_vreg.gather [hbm4b:s5+s24], $0x80, v50, vm0, $0xb8;
	[tilespmem:$0x18A00] =	vst v63  }
0x46: {  	v37 =	vperm.xlane v37, v17;
	v56 =	vadd.s32 v4, v55;
	s1 =	simm.s32 $0xC00  }
0x47: {  	[tilespmem:s1], [sflag:$0x1] =	stream.indirect_vreg.gather [hbm4b:s5+s24], $0x80, v52, vm0, $0xb8;
	[tilespmem:$0x18A00] =	vst v63  }
0x48: {  	v37 =	vadd.s32 v4, v37;
	s2 =	simm.s32 $0xC80  }
0x49: {  	[tilespmem:s2], [sflag:$0x1] =	stream.indirect_vreg.gather [hbm4b:s5+s24], $0x80, v54, vm0, $0xb8;
	[tilespmem:$0x18A00] =	vst v63  }
0x4a: {  	s29 =	simm.s32 $0xD00  }
0x4b: {  	[tilespmem:s29], [sflag:$0x1] =	stream.indirect_vreg.gather [hbm4b:s5+s24], $0x80, v56, vm0, $0xb8;
	[tilespmem:$0x18A00] =	vst v63  }
0x4c: {  	s30 =	simm.s32 $0xD80  }
0x4d: {  	[tilespmem:s30], [sflag:$0x1] =	stream.indirect_vreg.gather [hbm4b:s5+s24], $0x80, v37, vm0, $0xb8;
	[tilespmem:$0x18A00] =	vst v63  }
0x4e: {  	v37 =	vld [tilespmem:s26+$0x10];
	_ =	sdelay $0x4  }
0x4f: {  	v57 =	vshll.u32 v37, $0x1  }
0x50: {  	v37 =	vand.u32 $0x7, v37;
	v38 =	vand.u32 $0xFFFFFFF0, v57  }
0x51: {  	v37 =	vor.u32 v37, v38  }
0x52: {  	v38 =	vperm.xlane v37, v0;
	_ =	sdelay $0x1  }
0x53: {  	v58 =	vperm.xlane v37, v3;
	v38 =	vadd.s32 v4, v38;
	_ =	sdelay $0x1  }
0x54: {  	v59 =	vperm.xlane v37, v5;
	v39 =	vadd.s32 v4, v58;
	_ =	sdelay $0x1  }
0x55: {  	s31 =	simm.s32 $0xE00;
	v60 =	vperm.xlane v37, v6;
	v40 =	vadd.s32 v4, v59  }
0x56: {  	[tilespmem:s31], [sflag:$0x1] =	stream.indirect_vreg.gather [hbm4b:s5+s24], $0x80, v38, vm0, $0xb8;
	[tilespmem:$0x18A00] =	vst v63  }
0x57: {  	s1 =	simm.s32 $0xE80;
	v62 =	vperm.xlane v37, v7;
	v61 =	vadd.s32 v4, v60  }
0x58: {  	[tilespmem:s1], [sflag:$0x1] =	stream.indirect_vreg.gather [hbm4b:s5+s24], $0x80, v39, vm0, $0xb8;
	[tilespmem:$0x18A00] =	vst v63  }
0x59: {  	s2 =	simm.s32 $0xF00;
	v44 =	vperm.xlane v37, v8;
	v63 =	vadd.s32 v4, v62  }
0x5a: {  	[tilespmem:s2], [sflag:$0x1] =	stream.indirect_vreg.gather [hbm4b:s5+s24], $0x80, v40, vm0, $0xb8;
	[tilespmem:$0x18A00] =	vst v63  }
0x5b: {  	s29 =	simm.s32 $0xF80;
	v46 =	vperm.xlane v37, v9;
	v45 =	vadd.s32 v4, v44  }
0x5c: {  	[tilespmem:s29], [sflag:$0x1] =	stream.indirect_vreg.gather [hbm4b:s5+s24], $0x80, v61, vm0, $0xb8;
	[tilespmem:$0x18A00] =	vst v63  }
0x5d: {  	s30 =	simm.s32 $0x1000;
	v48 =	vperm.xlane v37, v2;
	v47 =	vadd.s32 v4, v46  }
0x5e: {  	[tilespmem:s30], [sflag:$0x1] =	stream.indirect_vreg.gather [hbm4b:s5+s24], $0x80, v63, vm0, $0xb8;
	[tilespmem:$0x18A00] =	vst v63  }
0x5f: {  	v50 =	vperm.xlane v37, v10;
	v49 =	vadd.s32 v4, v48;
	s31 =	simm.s32 $0x1080  }
0x60: {  	[tilespmem:s31], [sflag:$0x1] =	stream.indirect_vreg.gather [hbm4b:s5+s24], $0x80, v45, vm0, $0xb8;
	[tilespmem:$0x18A00] =	vst v63  }
0x61: {  	v52 =	vperm.xlane v37, v11;
	v51 =	vadd.s32 v4, v50;
	s1 =	simm.s32 $0x1100  }
0x62: {  	[tilespmem:s1], [sflag:$0x1] =	stream.indirect_vreg.gather [hbm4b:s5+s24], $0x80, v47, vm0, $0xb8;
	[tilespmem:$0x18A00] =	vst v63  }
0x63: {  	v54 =	vperm.xlane v37, v12;
	v53 =	vadd.s32 v4, v52;
	s2 =	simm.s32 $0x1180  }
0x64: {  	[tilespmem:s2], [sflag:$0x1] =	stream.indirect_vreg.gather [hbm4b:s5+s24], $0x80, v49, vm0, $0xb8;
	[tilespmem:$0x18A00] =	vst v63  }
0x65: {  	v56 =	vperm.xlane v37, v13;
	v55 =	vadd.s32 v4, v54;
	s29 =	simm.s32 $0x1200  }
0x66: {  	[tilespmem:s29], [sflag:$0x1] =	stream.indirect_vreg.gather [hbm4b:s5+s24], $0x80, v51, vm0, $0xb8;
	[tilespmem:$0x18A00] =	vst v63  }
0x67: {  	v57 =	vadd.s32 v4, v56;
	v58 =	vperm.xlane v37, v14;
	s30 =	simm.s32 $0x1280  }
0x68: {  	[tilespmem:s30], [sflag:$0x1] =	stream.indirect_vreg.gather [hbm4b:s5+s24], $0x80, v53, vm0, $0xb8;
	[tilespmem:$0x18A00] =	vst v63  }
0x69: {  	v60 =	vperm.xlane v37, v15;
	v59 =	vadd.s32 v4, v58;
	s31 =	simm.s32 $0x1300  }
0x6a: {  	[tilespmem:s31], [sflag:$0x1] =	stream.indirect_vreg.gather [hbm4b:s5+s24], $0x80, v55, vm0, $0xb8;
	[tilespmem:$0x18A00] =	vst v63  }
0x6b: {  	v62 =	vperm.xlane v37, v16;
	v61 =	vadd.s32 v4, v60;
	s1 =	simm.s32 $0x1380  }
0x6c: {  	[tilespmem:s1], [sflag:$0x1] =	stream.indirect_vreg.gather [hbm4b:s5+s24], $0x80, v57, vm0, $0xb8;
	[tilespmem:$0x18A00] =	vst v63  }
0x6d: {  	v37 =	vperm.xlane v37, v17;
	v63 =	vadd.s32 v4, v62;
	s2 =	simm.s32 $0x1400  }
0x6e: {  	[tilespmem:s2], [sflag:$0x1] =	stream.indirect_vreg.gather [hbm4b:s5+s24], $0x80, v59, vm0, $0xb8;
	[tilespmem:$0x18A00] =	vst v63  }
0x6f: {  	v37 =	vadd.s32 v4, v37;
	s29 =	simm.s32 $0x1480  }
0x70: {  	[tilespmem:s29], [sflag:$0x1] =	stream.indirect_vreg.gather [hbm4b:s5+s24], $0x80, v61, vm0, $0xb8;
	[tilespmem:$0x18A00] =	vst v63  }
0x71: {  	s30 =	simm.s32 $0x1500  }
0x72: {  	[tilespmem:s30], [sflag:$0x1] =	stream.indirect_vreg.gather [hbm4b:s5+s24], $0x80, v63, vm0, $0xb8;
	[tilespmem:$0x18A00] =	vst v63  }
0x73: {  	s31 =	simm.s32 $0x1580  }
0x74: {  	[tilespmem:s31], [sflag:$0x1] =	stream.indirect_vreg.gather [hbm4b:s5+s24], $0x80, v37, vm0, $0xb8;
	[tilespmem:$0x18A00] =	vst v63  }
0x75: {  	v37 =	vld [tilespmem:s26+$0x20];
	_ =	sdelay $0x4  }
0x76: {  	v43 =	vshll.u32 v37, $0x1  }
0x77: {  	v37 =	vand.u32 $0x7, v37;
	v38 =	vand.u32 $0xFFFFFFF0, v43  }
0x78: {  	v37 =	vor.u32 v37, v38  }
0x79: {  	v38 =	vperm.xlane v37, v0;
	_ =	sdelay $0x1  }
0x7a: {  	v44 =	vperm.xlane v37, v3;
	v38 =	vadd.s32 v4, v38;
	_ =	sdelay $0x1  }
0x7b: {  	v45 =	vperm.xlane v37, v5;
	v39 =	vadd.s32 v4, v44;
	_ =	sdelay $0x1  }
0x7c: {  	s1 =	simm.s32 $0x1600;
	v46 =	vperm.xlane v37, v6;
	v40 =	vadd.s32 v4, v45  }
0x7d: {  	[tilespmem:s1], [sflag:$0x1] =	stream.indirect_vreg.gather [hbm4b:s5+s24], $0x80, v38, vm0, $0xb8;
	[tilespmem:$0x18A00] =	vst v63  }
0x7e: {  	s2 =	simm.s32 $0x1680;
	v48 =	vperm.xlane v37, v7;
	v47 =	vadd.s32 v4, v46  }
0x7f: {  	[tilespmem:s2], [sflag:$0x1] =	stream.indirect_vreg.gather [hbm4b:s5+s24], $0x80, v39, vm0, $0xb8;
	[tilespmem:$0x18A00] =	vst v63  }
0x80: {  	s29 =	simm.s32 $0x1700;
	v50 =	vperm.xlane v37, v8;
	v49 =	vadd.s32 v4, v48  }
0x81: {  	[tilespmem:s29], [sflag:$0x1] =	stream.indirect_vreg.gather [hbm4b:s5+s24], $0x80, v40, vm0, $0xb8;
	[tilespmem:$0x18A00] =	vst v63  }
0x82: {  	s30 =	simm.s32 $0x1780;
	v52 =	vperm.xlane v37, v9;
	v51 =	vadd.s32 v4, v50  }
0x83: {  	[tilespmem:s30], [sflag:$0x1] =	stream.indirect_vreg.gather [hbm4b:s5+s24], $0x80, v47, vm0, $0xb8;
	[tilespmem:$0x18A00] =	vst v63  }
0x84: {  	s31 =	simm.s32 $0x1800;
	v54 =	vperm.xlane v37, v2;
	v53 =	vadd.s32 v4, v52  }
0x85: {  	[tilespmem:s31], [sflag:$0x1] =	stream.indirect_vreg.gather [hbm4b:s5+s24], $0x80, v49, vm0, $0xb8;
	[tilespmem:$0x18A00] =	vst v63  }
0x86: {  	v56 =	vperm.xlane v37, v10;
	v55 =	vadd.s32 v4, v54;
	s1 =	simm.s32 $0x1880  }
0x87: {  	[tilespmem:s1], [sflag:$0x1] =	stream.indirect_vreg.gather [hbm4b:s5+s24], $0x80, v51, vm0, $0xb8;
	[tilespmem:$0x18A00] =	vst v63  }
0x88: {  	v58 =	vperm.xlane v37, v11;
	v57 =	vadd.s32 v4, v56;
	s2 =	simm.s32 $0x1900  }
0x89: {  	[tilespmem:s2], [sflag:$0x1] =	stream.indirect_vreg.gather [hbm4b:s5+s24], $0x80, v53, vm0, $0xb8;
	[tilespmem:$0x18A00] =	vst v63  }
0x8a: {  	v60 =	vperm.xlane v37, v12;
	v59 =	vadd.s32 v4, v58;
	s29 =	simm.s32 $0x1980  }
0x8b: {  	[tilespmem:s29], [sflag:$0x1] =	stream.indirect_vreg.gather [hbm4b:s5+s24], $0x80, v55, vm0, $0xb8;
	[tilespmem:$0x18A00] =	vst v63  }
0x8c: {  	v62 =	vperm.xlane v37, v13;
	v61 =	vadd.s32 v4, v60;
	s30 =	simm.s32 $0x1A00  }
0x8d: {  	[tilespmem:s30], [sflag:$0x1] =	stream.indirect_vreg.gather [hbm4b:s5+s24], $0x80, v57, vm0, $0xb8;
	[tilespmem:$0x18A00] =	vst v63  }
0x8e: {  	v63 =	vadd.s32 v4, v62;
	v44 =	vperm.xlane v37, v14;
	s31 =	simm.s32 $0x1A80  }
0x8f: {  	[tilespmem:s31], [sflag:$0x1] =	stream.indirect_vreg.gather [hbm4b:s5+s24], $0x80, v59, vm0, $0xb8;
	[tilespmem:$0x18A00] =	vst v63  }
0x90: {  	v46 =	vperm.xlane v37, v15;
	v45 =	vadd.s32 v4, v44;
	s1 =	simm.s32 $0x1B00  }
0x91: {  	[tilespmem:s1], [sflag:$0x1] =	stream.indirect_vreg.gather [hbm4b:s5+s24], $0x80, v61, vm0, $0xb8;
	[tilespmem:$0x18A00] =	vst v63  }
0x92: {  	v48 =	vperm.xlane v37, v16;
	v47 =	vadd.s32 v4, v46;
	s2 =	simm.s32 $0x1B80  }
0x93: {  	[tilespmem:s2], [sflag:$0x1] =	stream.indirect_vreg.gather [hbm4b:s5+s24], $0x80, v63, vm0, $0xb8;
	[tilespmem:$0x18A00] =	vst v63  }
0x94: {  	v37 =	vperm.xlane v37, v17;
	v49 =	vadd.s32 v4, v48;
	s29 =	simm.s32 $0x1C00  }
0x95: {  	[tilespmem:s29], [sflag:$0x1] =	stream.indirect_vreg.gather [hbm4b:s5+s24], $0x80, v45, vm0, $0xb8;
	[tilespmem:$0x18A00] =	vst v63  }
0x96: {  	v37 =	vadd.s32 v4, v37;
	s30 =	simm.s32 $0x1C80  }
0x97: {  	[tilespmem:s30], [sflag:$0x1] =	stream.indirect_vreg.gather [hbm4b:s5+s24], $0x80, v47, vm0, $0xb8;
	[tilespmem:$0x18A00] =	vst v63  }
0x98: {  	s31 =	simm.s32 $0x1D00  }
0x99: {  	[tilespmem:s31], [sflag:$0x1] =	stream.indirect_vreg.gather [hbm4b:s5+s24], $0x80, v49, vm0, $0xb8;
	[tilespmem:$0x18A00] =	vst v63  }
0x9a: {  	s1 =	simm.s32 $0x1D80  }
0x9b: {  	[tilespmem:s1], [sflag:$0x1] =	stream.indirect_vreg.gather [hbm4b:s5+s24], $0x80, v37, vm0, $0xb8;
	[tilespmem:$0x18A00] =	vst v63  }
0x9c: {  	v37 =	vld [tilespmem:s26+$0x30];
	_ =	sdelay $0x4  }
0x9d: {  	v50 =	vshll.u32 v37, $0x1  }
0x9e: {  	v37 =	vand.u32 $0x7, v37;
	v38 =	vand.u32 $0xFFFFFFF0, v50  }
0x9f: {  	v37 =	vor.u32 v37, v38  }
0xa0: {  	v38 =	vperm.xlane v37, v0;
	_ =	sdelay $0x1  }
0xa1: {  	v51 =	vperm.xlane v37, v3;
	v38 =	vadd.s32 v4, v38;
	_ =	sdelay $0x1  }
0xa2: {  	v52 =	vperm.xlane v37, v5;
	v39 =	vadd.s32 v4, v51;
	_ =	sdelay $0x1  }
0xa3: {  	s2 =	simm.s32 $0x1E00;
	v53 =	vperm.xlane v37, v6;
	v40 =	vadd.s32 v4, v52  }
0xa4: {  	[tilespmem:s2], [sflag:$0x1] =	stream.indirect_vreg.gather [hbm4b:s5+s24], $0x80, v38, vm0, $0xb8;
	[tilespmem:$0x18A00] =	vst v63  }
0xa5: {  	s29 =	simm.s32 $0x1E80;
	v55 =	vperm.xlane v37, v7;
	v54 =	vadd.s32 v4, v53  }
0xa6: {  	[tilespmem:s29], [sflag:$0x1] =	stream.indirect_vreg.gather [hbm4b:s5+s24], $0x80, v39, vm0, $0xb8;
	[tilespmem:$0x18A00] =	vst v63  }
0xa7: {  	s30 =	simm.s32 $0x1F00;
	v57 =	vperm.xlane v37, v8;
	v56 =	vadd.s32 v4, v55  }
0xa8: {  	[tilespmem:s30], [sflag:$0x1] =	stream.indirect_vreg.gather [hbm4b:s5+s24], $0x80, v40, vm0, $0xb8;
	[tilespmem:$0x18A00] =	vst v63  }
0xa9: {  	s31 =	simm.s32 $0x1F80;
	v59 =	vperm.xlane v37, v9;
	v58 =	vadd.s32 v4, v57  }
0xaa: {  	[tilespmem:s31], [sflag:$0x1] =	stream.indirect_vreg.gather [hbm4b:s5+s24], $0x80, v54, vm0, $0xb8;
	[tilespmem:$0x18A00] =	vst v63  }
0xab: {  	s1 =	simm.s32 $0x2000;
	v61 =	vperm.xlane v37, v2;
	v60 =	vadd.s32 v4, v59  }
0xac: {  	[tilespmem:s1], [sflag:$0x1] =	stream.indirect_vreg.gather [hbm4b:s5+s24], $0x80, v56, vm0, $0xb8;
	[tilespmem:$0x18A00] =	vst v63  }
0xad: {  	v63 =	vperm.xlane v37, v10;
	v62 =	vadd.s32 v4, v61;
	s2 =	simm.s32 $0x2080  }
0xae: {  	[tilespmem:s2], [sflag:$0x1] =	stream.indirect_vreg.gather [hbm4b:s5+s24], $0x80, v58, vm0, $0xb8;
	[tilespmem:$0x18A00] =	vst v63  }
0xaf: {  	v45 =	vperm.xlane v37, v11;
	v44 =	vadd.s32 v4, v63;
	s29 =	simm.s32 $0x2100  }
0xb0: {  	[tilespmem:s29], [sflag:$0x1] =	stream.indirect_vreg.gather [hbm4b:s5+s24], $0x80, v60, vm0, $0xb8;
	[tilespmem:$0x18A00] =	vst v63  }
0xb1: {  	v47 =	vperm.xlane v37, v12;
	v46 =	vadd.s32 v4, v45;
	s30 =	simm.s32 $0x2180  }
0xb2: {  	[tilespmem:s30], [sflag:$0x1] =	stream.indirect_vreg.gather [hbm4b:s5+s24], $0x80, v62, vm0, $0xb8;
	[tilespmem:$0x18A00] =	vst v63  }
0xb3: {  	v49 =	vperm.xlane v37, v13;
	v48 =	vadd.s32 v4, v47;
	s31 =	simm.s32 $0x2200  }
0xb4: {  	[tilespmem:s31], [sflag:$0x1] =	stream.indirect_vreg.gather [hbm4b:s5+s24], $0x80, v44, vm0, $0xb8;
	[tilespmem:$0x18A00] =	vst v63  }
0xb5: {  	v50 =	vadd.s32 v4, v49;
	v51 =	vperm.xlane v37, v14;
	s1 =	simm.s32 $0x2280  }
0xb6: {  	[tilespmem:s1], [sflag:$0x1] =	stream.indirect_vreg.gather [hbm4b:s5+s24], $0x80, v46, vm0, $0xb8;
	[tilespmem:$0x18A00] =	vst v63  }
0xb7: {  	v53 =	vperm.xlane v37, v15;
	v52 =	vadd.s32 v4, v51;
	s2 =	simm.s32 $0x2300  }
0xb8: {  	[tilespmem:s2], [sflag:$0x1] =	stream.indirect_vreg.gather [hbm4b:s5+s24], $0x80, v48, vm0, $0xb8;
	[tilespmem:$0x18A00] =	vst v63  }
0xb9: {  	v55 =	vperm.xlane v37, v16;
	v54 =	vadd.s32 v4, v53;
	s29 =	simm.s32 $0x2380  }
0xba: {  	[tilespmem:s29], [sflag:$0x1] =	stream.indirect_vreg.gather [hbm4b:s5+s24], $0x80, v50, vm0, $0xb8;
	[tilespmem:$0x18A00] =	vst v63  }
0xbb: {  	v37 =	vperm.xlane v37, v17;
	v56 =	vadd.s32 v4, v55;
	s30 =	simm.s32 $0x2400  }
0xbc: {  	[tilespmem:s30], [sflag:$0x1] =	stream.indirect_vreg.gather [hbm4b:s5+s24], $0x80, v52, vm0, $0xb8;
	[tilespmem:$0x18A00] =	vst v63  }
0xbd: {  	v37 =	vadd.s32 v4, v37;
	s31 =	simm.s32 $0x2480  }
0xbe: {  	[tilespmem:s31], [sflag:$0x1] =	stream.indirect_vreg.gather [hbm4b:s5+s24], $0x80, v54, vm0, $0xb8;
	[tilespmem:$0x18A00] =	vst v63  }
0xbf: {  	s1 =	simm.s32 $0x2500  }
0xc0: {  	[tilespmem:s1], [sflag:$0x1] =	stream.indirect_vreg.gather [hbm4b:s5+s24], $0x80, v56, vm0, $0xb8;
	[tilespmem:$0x18A00] =	vst v63  }
0xc1: {  	s2 =	simm.s32 $0x2580  }
0xc2: {  	[tilespmem:s2], [sflag:$0x1] =	stream.indirect_vreg.gather [hbm4b:s5+s24], $0x80, v37, vm0, $0xb8;
	[tilespmem:$0x18A00] =	vst v63  }
0xc3: {  	v37 =	vld [tilespmem:s26+$0x40];
	_ =	sdelay $0x4  }
0xc4: {  	v57 =	vshll.u32 v37, $0x1  }
0xc5: {  	v37 =	vand.u32 $0x7, v37;
	v38 =	vand.u32 $0xFFFFFFF0, v57  }
0xc6: {  	v37 =	vor.u32 v37, v38  }
0xc7: {  	v38 =	vperm.xlane v37, v0;
	_ =	sdelay $0x1  }
0xc8: {  	v58 =	vperm.xlane v37, v3;
	v38 =	vadd.s32 v4, v38;
	_ =	sdelay $0x1  }
0xc9: {  	v59 =	vperm.xlane v37, v5;
	v39 =	vadd.s32 v4, v58;
	_ =	sdelay $0x1  }
0xca: {  	s29 =	simm.s32 $0x2600;
	v60 =	vperm.xlane v37, v6;
	v40 =	vadd.s32 v4, v59  }
0xcb: {  	[tilespmem:s29], [sflag:$0x1] =	stream.indirect_vreg.gather [hbm4b:s5+s24], $0x80, v38, vm0, $0xb8;
	[tilespmem:$0x18A00] =	vst v63  }
0xcc: {  	s30 =	simm.s32 $0x2680;
	v62 =	vperm.xlane v37, v7;
	v61 =	vadd.s32 v4, v60  }
0xcd: {  	[tilespmem:s30], [sflag:$0x1] =	stream.indirect_vreg.gather [hbm4b:s5+s24], $0x80, v39, vm0, $0xb8;
	[tilespmem:$0x18A00] =	vst v63  }
0xce: {  	s31 =	simm.s32 $0x2700;
	v44 =	vperm.xlane v37, v8;
	v63 =	vadd.s32 v4, v62  }
0xcf: {  	[tilespmem:s31], [sflag:$0x1] =	stream.indirect_vreg.gather [hbm4b:s5+s24], $0x80, v40, vm0, $0xb8;
	[tilespmem:$0x18A00] =	vst v63  }
0xd0: {  	s1 =	simm.s32 $0x2780;
	v46 =	vperm.xlane v37, v9;
	v45 =	vadd.s32 v4, v44  }
0xd1: {  	[tilespmem:s1], [sflag:$0x1] =	stream.indirect_vreg.gather [hbm4b:s5+s24], $0x80, v61, vm0, $0xb8;
	[tilespmem:$0x18A00] =	vst v63  }
0xd2: {  	s2 =	simm.s32 $0x2800;
	v48 =	vperm.xlane v37, v2;
	v47 =	vadd.s32 v4, v46  }
0xd3: {  	[tilespmem:s2], [sflag:$0x1] =	stream.indirect_vreg.gather [hbm4b:s5+s24], $0x80, v63, vm0, $0xb8;
	[tilespmem:$0x18A00] =	vst v63  }
0xd4: {  	v50 =	vperm.xlane v37, v10;
	v49 =	vadd.s32 v4, v48;
	s29 =	simm.s32 $0x2880  }
0xd5: {  	[tilespmem:s29], [sflag:$0x1] =	stream.indirect_vreg.gather [hbm4b:s5+s24], $0x80, v45, vm0, $0xb8;
	[tilespmem:$0x18A00] =	vst v63  }
0xd6: {  	v52 =	vperm.xlane v37, v11;
	v51 =	vadd.s32 v4, v50;
	s30 =	simm.s32 $0x2900  }
0xd7: {  	[tilespmem:s30], [sflag:$0x1] =	stream.indirect_vreg.gather [hbm4b:s5+s24], $0x80, v47, vm0, $0xb8;
	[tilespmem:$0x18A00] =	vst v63  }
0xd8: {  	v54 =	vperm.xlane v37, v12;
	v53 =	vadd.s32 v4, v52;
	s31 =	simm.s32 $0x2980  }
0xd9: {  	[tilespmem:s31], [sflag:$0x1] =	stream.indirect_vreg.gather [hbm4b:s5+s24], $0x80, v49, vm0, $0xb8;
	[tilespmem:$0x18A00] =	vst v63  }
0xda: {  	v56 =	vperm.xlane v37, v13;
	v55 =	vadd.s32 v4, v54;
	s1 =	simm.s32 $0x2A00  }
0xdb: {  	[tilespmem:s1], [sflag:$0x1] =	stream.indirect_vreg.gather [hbm4b:s5+s24], $0x80, v51, vm0, $0xb8;
	[tilespmem:$0x18A00] =	vst v63  }
0xdc: {  	v57 =	vadd.s32 v4, v56;
	v58 =	vperm.xlane v37, v14;
	s2 =	simm.s32 $0x2A80  }
0xdd: {  	[tilespmem:s2], [sflag:$0x1] =	stream.indirect_vreg.gather [hbm4b:s5+s24], $0x80, v53, vm0, $0xb8;
	[tilespmem:$0x18A00] =	vst v63  }
0xde: {  	v60 =	vperm.xlane v37, v15;
	v59 =	vadd.s32 v4, v58;
	s29 =	simm.s32 $0x2B00  }
0xdf: {  	[tilespmem:s29], [sflag:$0x1] =	stream.indirect_vreg.gather [hbm4b:s5+s24], $0x80, v55, vm0, $0xb8;
	[tilespmem:$0x18A00] =	vst v63  }
0xe0: {  	v62 =	vperm.xlane v37, v16;
	v61 =	vadd.s32 v4, v60;
	s30 =	simm.s32 $0x2B80  }
0xe1: {  	[tilespmem:s30], [sflag:$0x1] =	stream.indirect_vreg.gather [hbm4b:s5+s24], $0x80, v57, vm0, $0xb8;
	[tilespmem:$0x18A00] =	vst v63  }
0xe2: {  	v37 =	vperm.xlane v37, v17;
	v63 =	vadd.s32 v4, v62;
	s31 =	simm.s32 $0x2C00  }
0xe3: {  	[tilespmem:s31], [sflag:$0x1] =	stream.indirect_vreg.gather [hbm4b:s5+s24], $0x80, v59, vm0, $0xb8;
	[tilespmem:$0x18A00] =	vst v63  }
0xe4: {  	v37 =	vadd.s32 v4, v37;
	s1 =	simm.s32 $0x2C80  }
0xe5: {  	[tilespmem:s1], [sflag:$0x1] =	stream.indirect_vreg.gather [hbm4b:s5+s24], $0x80, v61, vm0, $0xb8;
	[tilespmem:$0x18A00] =	vst v63  }
0xe6: {  	s2 =	simm.s32 $0x2D00  }
0xe7: {  	[tilespmem:s2], [sflag:$0x1] =	stream.indirect_vreg.gather [hbm4b:s5+s24], $0x80, v63, vm0, $0xb8;
	[tilespmem:$0x18A00] =	vst v63  }
0xe8: {  	s29 =	simm.s32 $0x2D80  }
0xe9: {  	[tilespmem:s29], [sflag:$0x1] =	stream.indirect_vreg.gather [hbm4b:s5+s24], $0x80, v37, vm0, $0xb8;
	[tilespmem:$0x18A00] =	vst v63  }
0xea: {  	v37 =	vld [tilespmem:s26+$0x50];
	_ =	sdelay $0x4  }
0xeb: {  	v43 =	vshll.u32 v37, $0x1  }
0xec: {  	v37 =	vand.u32 $0x7, v37;
	v38 =	vand.u32 $0xFFFFFFF0, v43  }
0xed: {  	v37 =	vor.u32 v37, v38  }
0xee: {  	v38 =	vperm.xlane v37, v0;
	_ =	sdelay $0x1  }
0xef: {  	v44 =	vperm.xlane v37, v3;
	v38 =	vadd.s32 v4, v38;
	_ =	sdelay $0x1  }
0xf0: {  	v45 =	vperm.xlane v37, v5;
	v39 =	vadd.s32 v4, v44;
	_ =	sdelay $0x1  }
0xf1: {  	s30 =	simm.s32 $0x2E00;
	v46 =	vperm.xlane v37, v6;
	v40 =	vadd.s32 v4, v45  }
0xf2: {  	[tilespmem:s30], [sflag:$0x1] =	stream.indirect_vreg.gather [hbm4b:s5+s24], $0x80, v38, vm0, $0xb8;
	[tilespmem:$0x18A00] =	vst v63  }
0xf3: {  	s31 =	simm.s32 $0x2E80;
	v48 =	vperm.xlane v37, v7;
	v47 =	vadd.s32 v4, v46  }
0xf4: {  	[tilespmem:s31], [sflag:$0x1] =	stream.indirect_vreg.gather [hbm4b:s5+s24], $0x80, v39, vm0, $0xb8;
	[tilespmem:$0x18A00] =	vst v63  }
0xf5: {  	s1 =	simm.s32 $0x2F00;
	v50 =	vperm.xlane v37, v8;
	v49 =	vadd.s32 v4, v48  }
0xf6: {  	[tilespmem:s1], [sflag:$0x1] =	stream.indirect_vreg.gather [hbm4b:s5+s24], $0x80, v40, vm0, $0xb8;
	[tilespmem:$0x18A00] =	vst v63  }
0xf7: {  	s2 =	simm.s32 $0x2F80;
	v52 =	vperm.xlane v37, v9;
	v51 =	vadd.s32 v4, v50  }
0xf8: {  	[tilespmem:s2], [sflag:$0x1] =	stream.indirect_vreg.gather [hbm4b:s5+s24], $0x80, v47, vm0, $0xb8;
	[tilespmem:$0x18A00] =	vst v63  }
0xf9: {  	s29 =	simm.s32 $0x3000;
	v54 =	vperm.xlane v37, v2;
	v53 =	vadd.s32 v4, v52  }
0xfa: {  	[tilespmem:s29], [sflag:$0x1] =	stream.indirect_vreg.gather [hbm4b:s5+s24], $0x80, v49, vm0, $0xb8;
	[tilespmem:$0x18A00] =	vst v63  }
0xfb: {  	v56 =	vperm.xlane v37, v10;
	v55 =	vadd.s32 v4, v54;
	s30 =	simm.s32 $0x3080  }
0xfc: {  	[tilespmem:s30], [sflag:$0x1] =	stream.indirect_vreg.gather [hbm4b:s5+s24], $0x80, v51, vm0, $0xb8;
	[tilespmem:$0x18A00] =	vst v63  }
0xfd: {  	v58 =	vperm.xlane v37, v11;
	v57 =	vadd.s32 v4, v56;
	s31 =	simm.s32 $0x3100  }
0xfe: {  	[tilespmem:s31], [sflag:$0x1] =	stream.indirect_vreg.gather [hbm4b:s5+s24], $0x80, v53, vm0, $0xb8;
	[tilespmem:$0x18A00] =	vst v63  }
0xff: {  	v60 =	vperm.xlane v37, v12;
	v59 =	vadd.s32 v4, v58;
	s1 =	simm.s32 $0x3180  }
0x100: {  	[tilespmem:s1], [sflag:$0x1] =	stream.indirect_vreg.gather [hbm4b:s5+s24], $0x80, v55, vm0, $0xb8;
	[tilespmem:$0x18A00] =	vst v63  }
0x101: {  	v62 =	vperm.xlane v37, v13;
	v61 =	vadd.s32 v4, v60;
	s2 =	simm.s32 $0x3200  }
0x102: {  	[tilespmem:s2], [sflag:$0x1] =	stream.indirect_vreg.gather [hbm4b:s5+s24], $0x80, v57, vm0, $0xb8;
	[tilespmem:$0x18A00] =	vst v63  }
0x103: {  	v63 =	vadd.s32 v4, v62;
	v44 =	vperm.xlane v37, v14;
	s29 =	simm.s32 $0x3280  }
0x104: {  	[tilespmem:s29], [sflag:$0x1] =	stream.indirect_vreg.gather [hbm4b:s5+s24], $0x80, v59, vm0, $0xb8;
	[tilespmem:$0x18A00] =	vst v63  }
0x105: {  	v46 =	vperm.xlane v37, v15;
	v45 =	vadd.s32 v4, v44;
	s30 =	simm.s32 $0x3300  }
0x106: {  	[tilespmem:s30], [sflag:$0x1] =	stream.indirect_vreg.gather [hbm4b:s5+s24], $0x80, v61, vm0, $0xb8;
	[tilespmem:$0x18A00] =	vst v63  }
0x107: {  	v48 =	vperm.xlane v37, v16;
	v47 =	vadd.s32 v4, v46;
	s31 =	simm.s32 $0x3380  }
0x108: {  	[tilespmem:s31], [sflag:$0x1] =	stream.indirect_vreg.gather [hbm4b:s5+s24], $0x80, v63, vm0, $0xb8;
	[tilespmem:$0x18A00] =	vst v63  }
0x109: {  	v37 =	vperm.xlane v37, v17;
	v49 =	vadd.s32 v4, v48;
	s1 =	simm.s32 $0x3400  }
0x10a: {  	[tilespmem:s1], [sflag:$0x1] =	stream.indirect_vreg.gather [hbm4b:s5+s24], $0x80, v45, vm0, $0xb8;
	[tilespmem:$0x18A00] =	vst v63  }
0x10b: {  	v37 =	vadd.s32 v4, v37;
	s2 =	simm.s32 $0x3480  }
0x10c: {  	[tilespmem:s2], [sflag:$0x1] =	stream.indirect_vreg.gather [hbm4b:s5+s24], $0x80, v47, vm0, $0xb8;
	[tilespmem:$0x18A00] =	vst v63  }
0x10d: {  	s29 =	simm.s32 $0x3500  }
0x10e: {  	[tilespmem:s29], [sflag:$0x1] =	stream.indirect_vreg.gather [hbm4b:s5+s24], $0x80, v49, vm0, $0xb8;
	[tilespmem:$0x18A00] =	vst v63  }
0x10f: {  	s30 =	simm.s32 $0x3580  }
0x110: {  	[tilespmem:s30], [sflag:$0x1] =	stream.indirect_vreg.gather [hbm4b:s5+s24], $0x80, v37, vm0, $0xb8;
	[tilespmem:$0x18A00] =	vst v63  }
0x111: {  	v37 =	vld [tilespmem:s26+$0x60];
	_ =	sdelay $0x4  }
0x112: {  	v50 =	vshll.u32 v37, $0x1  }
0x113: {  	v37 =	vand.u32 $0x7, v37;
	v38 =	vand.u32 $0xFFFFFFF0, v50  }
0x114: {  	v37 =	vor.u32 v37, v38  }
0x115: {  	v38 =	vperm.xlane v37, v0;
	_ =	sdelay $0x1  }
0x116: {  	v51 =	vperm.xlane v37, v3;
	v38 =	vadd.s32 v4, v38;
	_ =	sdelay $0x1  }
0x117: {  	v52 =	vperm.xlane v37, v5;
	v39 =	vadd.s32 v4, v51;
	_ =	sdelay $0x1  }
0x118: {  	s31 =	simm.s32 $0x3600;
	v53 =	vperm.xlane v37, v6;
	v40 =	vadd.s32 v4, v52  }
0x119: {  	[tilespmem:s31], [sflag:$0x1] =	stream.indirect_vreg.gather [hbm4b:s5+s24], $0x80, v38, vm0, $0xb8;
	[tilespmem:$0x18A00] =	vst v63  }
0x11a: {  	s1 =	simm.s32 $0x3680;
	v55 =	vperm.xlane v37, v7;
	v54 =	vadd.s32 v4, v53  }
0x11b: {  	[tilespmem:s1], [sflag:$0x1] =	stream.indirect_vreg.gather [hbm4b:s5+s24], $0x80, v39, vm0, $0xb8;
	[tilespmem:$0x18A00] =	vst v63  }
0x11c: {  	s2 =	simm.s32 $0x3700;
	v57 =	vperm.xlane v37, v8;
	v56 =	vadd.s32 v4, v55  }
0x11d: {  	[tilespmem:s2], [sflag:$0x1] =	stream.indirect_vreg.gather [hbm4b:s5+s24], $0x80, v40, vm0, $0xb8;
	[tilespmem:$0x18A00] =	vst v63  }
0x11e: {  	s29 =	simm.s32 $0x3780;
	v59 =	vperm.xlane v37, v9;
	v58 =	vadd.s32 v4, v57  }
0x11f: {  	[tilespmem:s29], [sflag:$0x1] =	stream.indirect_vreg.gather [hbm4b:s5+s24], $0x80, v54, vm0, $0xb8;
	[tilespmem:$0x18A00] =	vst v63  }
0x120: {  	s30 =	simm.s32 $0x3800;
	v61 =	vperm.xlane v37, v2;
	v60 =	vadd.s32 v4, v59  }
0x121: {  	[tilespmem:s30], [sflag:$0x1] =	stream.indirect_vreg.gather [hbm4b:s5+s24], $0x80, v56, vm0, $0xb8;
	[tilespmem:$0x18A00] =	vst v63  }
0x122: {  	v63 =	vperm.xlane v37, v10;
	v62 =	vadd.s32 v4, v61;
	s31 =	simm.s32 $0x3880  }
0x123: {  	[tilespmem:s31], [sflag:$0x1] =	stream.indirect_vreg.gather [hbm4b:s5+s24], $0x80, v58, vm0, $0xb8;
	[tilespmem:$0x18A00] =	vst v63  }
0x124: {  	v45 =	vperm.xlane v37, v11;
	v44 =	vadd.s32 v4, v63;
	s1 =	simm.s32 $0x3900  }
0x125: {  	[tilespmem:s1], [sflag:$0x1] =	stream.indirect_vreg.gather [hbm4b:s5+s24], $0x80, v60, vm0, $0xb8;
	[tilespmem:$0x18A00] =	vst v63  }
0x126: {  	v47 =	vperm.xlane v37, v12;
	v46 =	vadd.s32 v4, v45;
	s2 =	simm.s32 $0x3980  }
0x127: {  	[tilespmem:s2], [sflag:$0x1] =	stream.indirect_vreg.gather [hbm4b:s5+s24], $0x80, v62, vm0, $0xb8;
	[tilespmem:$0x18A00] =	vst v63  }
0x128: {  	v49 =	vperm.xlane v37, v13;
	v48 =	vadd.s32 v4, v47;
	s29 =	simm.s32 $0x3A00  }
0x129: {  	[tilespmem:s29], [sflag:$0x1] =	stream.indirect_vreg.gather [hbm4b:s5+s24], $0x80, v44, vm0, $0xb8;
	[tilespmem:$0x18A00] =	vst v63  }
0x12a: {  	v50 =	vadd.s32 v4, v49;
	v51 =	vperm.xlane v37, v14;
	s30 =	simm.s32 $0x3A80  }
0x12b: {  	[tilespmem:s30], [sflag:$0x1] =	stream.indirect_vreg.gather [hbm4b:s5+s24], $0x80, v46, vm0, $0xb8;
	[tilespmem:$0x18A00] =	vst v63  }
0x12c: {  	v53 =	vperm.xlane v37, v15;
	v52 =	vadd.s32 v4, v51;
	s31 =	simm.s32 $0x3B00  }
0x12d: {  	[tilespmem:s31], [sflag:$0x1] =	stream.indirect_vreg.gather [hbm4b:s5+s24], $0x80, v48, vm0, $0xb8;
	[tilespmem:$0x18A00] =	vst v63  }
0x12e: {  	v55 =	vperm.xlane v37, v16;
	v54 =	vadd.s32 v4, v53;
	s1 =	simm.s32 $0x3B80  }
0x12f: {  	[tilespmem:s1], [sflag:$0x1] =	stream.indirect_vreg.gather [hbm4b:s5+s24], $0x80, v50, vm0, $0xb8;
	[tilespmem:$0x18A00] =	vst v63  }
0x130: {  	v37 =	vperm.xlane v37, v17;
	v56 =	vadd.s32 v4, v55;
	s2 =	simm.s32 $0x3C00  }
0x131: {  	[tilespmem:s2], [sflag:$0x1] =	stream.indirect_vreg.gather [hbm4b:s5+s24], $0x80, v52, vm0, $0xb8;
	[tilespmem:$0x18A00] =	vst v63  }
0x132: {  	v37 =	vadd.s32 v4, v37;
	s29 =	simm.s32 $0x3C80  }
0x133: {  	[tilespmem:s29], [sflag:$0x1] =	stream.indirect_vreg.gather [hbm4b:s5+s24], $0x80, v54, vm0, $0xb8;
	[tilespmem:$0x18A00] =	vst v63  }
0x134: {  	s30 =	simm.s32 $0x3D00  }
0x135: {  	[tilespmem:s30], [sflag:$0x1] =	stream.indirect_vreg.gather [hbm4b:s5+s24], $0x80, v56, vm0, $0xb8;
	[tilespmem:$0x18A00] =	vst v63  }
0x136: {  	s31 =	simm.s32 $0x3D80  }
0x137: {  	[tilespmem:s31], [sflag:$0x1] =	stream.indirect_vreg.gather [hbm4b:s5+s24], $0x80, v37, vm0, $0xb8;
	[tilespmem:$0x18A00] =	vst v63  }
0x138: {  	v37 =	vld [tilespmem:s26+$0x70];
	_ =	sdelay $0x4  }
0x139: {  	v57 =	vshll.u32 v37, $0x1  }
0x13a: {  	v37 =	vand.u32 $0x7, v37;
	v38 =	vand.u32 $0xFFFFFFF0, v57  }
0x13b: {  	v37 =	vor.u32 v37, v38  }
0x13c: {  	v38 =	vperm.xlane v37, v0;
	_ =	sdelay $0x1  }
0x13d: {  	v58 =	vperm.xlane v37, v3;
	v38 =	vadd.s32 v4, v38;
	_ =	sdelay $0x1  }
0x13e: {  	v59 =	vperm.xlane v37, v5;
	v39 =	vadd.s32 v4, v58;
	_ =	sdelay $0x1  }
0x13f: {  	s1 =	simm.s32 $0x3E00;
	v60 =	vperm.xlane v37, v6;
	v40 =	vadd.s32 v4, v59  }
0x140: {  	[tilespmem:s1], [sflag:$0x1] =	stream.indirect_vreg.gather [hbm4b:s5+s24], $0x80, v38, vm0, $0xb8;
	[tilespmem:$0x18A00] =	vst v63  }
0x141: {  	s2 =	simm.s32 $0x3E80;
	v62 =	vperm.xlane v37, v7;
	v61 =	vadd.s32 v4, v60  }
0x142: {  	[tilespmem:s2], [sflag:$0x1] =	stream.indirect_vreg.gather [hbm4b:s5+s24], $0x80, v39, vm0, $0xb8;
	[tilespmem:$0x18A00] =	vst v63  }
0x143: {  	s29 =	simm.s32 $0x3F00;
	v44 =	vperm.xlane v37, v8;
	v63 =	vadd.s32 v4, v62  }
0x144: {  	[tilespmem:s29], [sflag:$0x1] =	stream.indirect_vreg.gather [hbm4b:s5+s24], $0x80, v40, vm0, $0xb8;
	[tilespmem:$0x18A00] =	vst v63  }
0x145: {  	s30 =	simm.s32 $0x3F80;
	v46 =	vperm.xlane v37, v9;
	v45 =	vadd.s32 v4, v44  }
0x146: {  	[tilespmem:s30], [sflag:$0x1] =	stream.indirect_vreg.gather [hbm4b:s5+s24], $0x80, v61, vm0, $0xb8;
	[tilespmem:$0x18A00] =	vst v63  }
0x147: {  	s31 =	simm.s32 $0x4000;
	v48 =	vperm.xlane v37, v2;
	v47 =	vadd.s32 v4, v46  }
0x148: {  	[tilespmem:s31], [sflag:$0x1] =	stream.indirect_vreg.gather [hbm4b:s5+s24], $0x80, v63, vm0, $0xb8;
	[tilespmem:$0x18A00] =	vst v63  }
0x149: {  	v50 =	vperm.xlane v37, v10;
	v49 =	vadd.s32 v4, v48;
	s1 =	simm.s32 $0x4080  }
0x14a: {  	[tilespmem:s1], [sflag:$0x1] =	stream.indirect_vreg.gather [hbm4b:s5+s24], $0x80, v45, vm0, $0xb8;
	[tilespmem:$0x18A00] =	vst v63  }
0x14b: {  	v52 =	vperm.xlane v37, v11;
	v51 =	vadd.s32 v4, v50;
	s2 =	simm.s32 $0x4100  }
0x14c: {  	[tilespmem:s2], [sflag:$0x1] =	stream.indirect_vreg.gather [hbm4b:s5+s24], $0x80, v47, vm0, $0xb8;
	[tilespmem:$0x18A00] =	vst v63  }
0x14d: {  	v54 =	vperm.xlane v37, v12;
	v53 =	vadd.s32 v4, v52;
	s29 =	simm.s32 $0x4180  }
0x14e: {  	[tilespmem:s29], [sflag:$0x1] =	stream.indirect_vreg.gather [hbm4b:s5+s24], $0x80, v49, vm0, $0xb8;
	[tilespmem:$0x18A00] =	vst v63  }
0x14f: {  	v56 =	vperm.xlane v37, v13;
	v55 =	vadd.s32 v4, v54;
	s30 =	simm.s32 $0x4200  }
0x150: {  	[tilespmem:s30], [sflag:$0x1] =	stream.indirect_vreg.gather [hbm4b:s5+s24], $0x80, v51, vm0, $0xb8;
	[tilespmem:$0x18A00] =	vst v63  }
0x151: {  	v57 =	vadd.s32 v4, v56;
	v58 =	vperm.xlane v37, v14;
	s31 =	simm.s32 $0x4280  }
0x152: {  	[tilespmem:s31], [sflag:$0x1] =	stream.indirect_vreg.gather [hbm4b:s5+s24], $0x80, v53, vm0, $0xb8;
	[tilespmem:$0x18A00] =	vst v63  }
0x153: {  	v60 =	vperm.xlane v37, v15;
	v59 =	vadd.s32 v4, v58  }
0x154: {  	[tilespmem:s8], [sflag:$0x1] =	stream.indirect_vreg.gather [hbm4b:s5+s24], $0x80, v55, vm0, $0xb8;
	[tilespmem:$0x18A00] =	vst v63  }
0x155: {  	v62 =	vperm.xlane v37, v16;
	v61 =	vadd.s32 v4, v60  }
0x156: {  	[tilespmem:s9], [sflag:$0x1] =	stream.indirect_vreg.gather [hbm4b:s5+s24], $0x80, v57, vm0, $0xb8;
	[tilespmem:$0x18A00] =	vst v63  }
0x157: {  	v37 =	vperm.xlane v37, v17;
	v63 =	vadd.s32 v4, v62  }
0x158: {  	[tilespmem:s10], [sflag:$0x1] =	stream.indirect_vreg.gather [hbm4b:s5+s24], $0x80, v59, vm0, $0xb8;
	[tilespmem:$0x18A00] =	vst v63  }
0x159: {  	v37 =	vadd.s32 v4, v37  }
0x15a: {  	[tilespmem:s12], [sflag:$0x1] =	stream.indirect_vreg.gather [hbm4b:s5+s24], $0x80, v61, vm0, $0xb8;
	[tilespmem:$0x18A00] =	vst v63  }
0x15b: {  	_ = 	snop  }
0x15c: {  	[tilespmem:s13], [sflag:$0x1] =	stream.indirect_vreg.gather [hbm4b:s5+s24], $0x80, v63, vm0, $0xb8;
	[tilespmem:$0x18A00] =	vst v63  }
0x15d: {  	_ = 	snop  }
0x15e: {  	[tilespmem:s14], [sflag:$0x1] =	stream.indirect_vreg.gather [hbm4b:s5+s24], $0x80, v37, vm0, $0xb8;
	[tilespmem:$0x18A00] =	vst v63  }
0x15f: {  	s28 =	sadd.s32 $0x200, s26  }
0x160: {  	[tilespmem:s16], [sflag:$0x2] =	stream.indirect.gather [hbm4b:s7+s15], $0x80, s28, s15, $0xb8;
	[tilespmem:$0x18A00] =	vst v63  }
0x161: {  	s28 =	sor.u32 s6, s26  }
0x162: {  	s28 =	sshll.u32 s28, $0x5  }
0x163: {  	s29 =	sadd.s32 s3, s28  }
0x164: {  	[tilespmem:s17], [sflag:$0x3] =	stream.linear.gather [hbm4b:s29+s24], $0x8000, $0x38;
	[tilespmem:$0x18A00] =	vst v63  }
0x165: {  	_ =	swait.ge [sflag:s11], $0x8000  }
0x166: {  	[sflag:s11] =	ssyncset.done $0x0  }
0x167: {  	s28 =	sadd.s32 s4, s28;
	[sflag:s11] =	ssyncadd.s32 $0xFFFF8000  }
0x168: {  	[tilespmem:s18], [sflag:$0x3] =	stream.linear.gather [hbm4b:s28+s24], $0x8000, $0x38;
	[tilespmem:$0x18A00] =	vst v63  }
0x169: {  	_ =	swait.ge [sflag:s11], $0x8000  }
0x16a: {  	[sflag:s11] =	ssyncset.done $0x0  }
0x16b: {  	[sflag:s11] =	ssyncadd.s32 $0xFFFF8000  }
0x16c: {  	_ =	swait.ge [sflag:s19], $0x4000  }
0x16d: {  	[sflag:s19] =	ssyncset.done $0x0  }
0x16e: {  	[sflag:s19] =	ssyncadd.s32 $0xFFFFC000  }
0x16f: {  	_ =	swait.ge [sflag:s20], $0x4000  }
0x170: {  	s28 =	sadd.s32 $0x18600, s26;
	[sflag:s20] =	ssyncset.done $0x0  }
0x171: {  	v37 =	vmov s28;
	s28 =	simm.s32 $0x0;
	[sflag:s20] =	ssyncadd.s32 $0xFFFFC000  }
.LBB2_5:
0x172: {  	s31 =	sshll.u32 s28, $0xB  }
0x173: {  	s0 =	sand.u32 $0x3FFFF800, s31  }
0x174: {  	v41 =	vld [tilespmem:s0+$0x640]  }
0x175: {  	v49 =	vld [tilespmem:s0+$0x610]  }
0x176: {  	v50 =	vld [tilespmem:s0+$0x650]  }
0x177: {  	v58 =	vld [tilespmem:s0+$0x620]  }
0x178: {  	s29 =	sshll.u32 s28, $0x4;
	v59 =	vld [tilespmem:s0+$0x660]  }
0x179: {  	s30 =	sor.u32 s26, s29;
	v3 =	vld [tilespmem:s0+$0x630]  }
0x17a: {  	v38 =	vmov s30;
	s30 =	sshll.u32 s28, $0xC;
	v5 =	vld [tilespmem:s0+$0x670]  }
0x17b: {  	v38 =	vand.u32 $0xFFFFFFF0, v38;
	v42 =	vld [tilespmem:s30+$0x8600]  }
0x17c: {  	v44 =	vld [tilespmem:s30+$0x8640];
	v38 =	vbroadcast v38, $0x0  }
0x17d: {  	v46 =	vld [tilespmem:s30+$0x8A00]  }
0x17e: {  	v47 =	vld [tilespmem:s30+$0x10600]  }
0x17f: {  	v48 =	vld [tilespmem:s30+$0x10A00]  }
0x180: {  	v51 =	vld [tilespmem:s30+$0x8610]  }
0x181: {  	v53 =	vld [tilespmem:s30+$0x8650]  }
0x182: {  	v38 =	vld.idx.msk [tilespmem:v38+s21+$0x0], $0xffff  }
0x183: {  	v55 =	vld [tilespmem:s30+$0x8A10]  }
0x184: {  	v56 =	vld [tilespmem:s30+$0x10610]  }
0x185: {  	v57 =	vld [tilespmem:s30+$0x10A10]  }
0x186: {  	v60 =	vld [tilespmem:s30+$0x8620];
	v41 =	vmul.f32 v44, v41  }
0x187: {  	v62 =	vld [tilespmem:s30+$0x8660];
	v39 =	vadd.s32 v1, v38;
	v43 =	vadd.s32 v19, v38;
	v52 =	vadd.s32 v20, v38  }
0x188: {  	v63 =	vld [tilespmem:s30+$0x8A20];
	v38 =	vadd.s32 v21, v38;
	v40 =	vand.u32 $0xFFFFFF80, v39;
	v39 =	vand.u32 $0x7F, v39  }
0x189: {  	v2 =	vld [tilespmem:s30+$0x10660];
	v45 =	vand.u32 $0xFFFFFF80, v43;
	v43 =	vand.u32 $0x7F, v43;
	v40 =	vadd.s32 s31, v40  }
0x18a: {  	v44 =	vld [tilespmem:s30+$0x8670];
	v54 =	vand.u32 $0xFFFFFF80, v52;
	v45 =	vadd.s32 s31, v45;
	v39 =	vor.u32 v39, v40  }
0x18b: {  	v52 =	vand.u32 $0x7F, v52;
	v54 =	vadd.s32 s31, v54;
	v40 =	vld [tilespmem:s0+$0x600];
	v43 =	vor.u32 v43, v45  }
0x18c: {  	v61 =	vand.u32 $0xFFFFFF80, v38;
	v45 =	vld [tilespmem:s30+$0x10640];
	v52 =	vor.u32 v52, v54  }
0x18d: {  	v38 =	vand.u32 $0x7F, v38;
	v61 =	vadd.s32 s31, v61;
	v54 =	vld [tilespmem:s30+$0x10650]  }
0x18e: {  	v38 =	vor.u32 v38, v61;
	v61 =	vld [tilespmem:s30+$0x10620]  }
0x18f: {  	v39 =	vld.idx.msk [tilespmem:v39+s16+$0x0], $0xffff  }
0x190: {  	v43 =	vld.idx.msk [tilespmem:v43+s16+$0x0], $0xffff  }
0x191: {  	v52 =	vld.idx.msk [tilespmem:v52+s16+$0x0], $0xffff;
	v40 =	vmul.f32 v42, v40  }
0x192: {  	v58 =	vmul.f32 v60, v58;
	v42 =	vld [tilespmem:s30+$0x8630]  }
0x193: {  	v60 =	vmul.f32 v62, v59;
	v38 =	vld.idx.msk [tilespmem:v38+s16+$0x0], $0xffff;
	v40 =	vadd.f32 v41, v40;
	v41 =	vadd.f32 v45, v47  }
0x194: {  	v49 =	vmul.f32 v51, v49;
	v51 =	vmul.f32 v53, v50;
	v47 =	vld [tilespmem:s30+$0x8A30]  }
0x195: {  	v50 =	vadd.f32 v60, v58;
	v5 =	vmul.f32 v44, v5;
	v53 =	vadd.f32 v48, v41;
	v41 =	vld [tilespmem:s30+$0x10630]  }
0x196: {  	v45 =	vadd.f32 v51, v49;
	v39 =	vmul.f32 v46, v39;
	v43 =	vmul.f32 v55, v43;
	v46 =	vld [tilespmem:s30+$0x10670]  }
0x197: {  	v2 =	vadd.f32 v2, v61;
	v55 =	vadd.f32 v54, v56;
	v56 =	vld [tilespmem:s30+$0x10A20];
	v3 =	vmul.f32 v42, v3  }
0x198: {  	s2 =	sor.u32 $0x1, s29;
	v62 =	vld [tilespmem:s30+$0x10A30];
	v52 =	vmul.f32 v63, v52;
	v39 =	vadd.f32 v39, v40;
	v43 =	vadd.f32 v43, v45  }
0x199: {  	s1 =	sor.u32 s26, s2;
	v40 =	vand.u32 $0x7FFFFFFF, v53;
	v48 =	vadd.f32 v57, v55;
	v3 =	vadd.f32 v5, v3  }
0x19a: {  	v5 =	vmul.f32 v47, v38;
	v42 =	vadd.f32 v52, v50;
	v57 =	vmov s1  }
0x19b: {  	v39 =	vand.u32 $0x7FFFFFFF, v39;
	v54 =	vand.u32 $0x7FFFFFFF, v43;
	v53 =	vadd.f32 v46, v41  }
0x19c: {  	v55 =	vand.u32 $0x7FFFFFFF, v48;
	v3 =	vadd.f32 v5, v3;
	v2 =	vadd.f32 v56, v2  }
0x19d: {  	v56 =	vand.u32 $0x7FFFFFFF, v42;
	v42 =	vand.u32 $0xFFFFFFF1, v57;
	v5 =	vadd.f32 v62, v53  }
0x19e: {  	v39 =	vadd.f32 v54, v39;
	v3 =	vand.u32 $0x7FFFFFFF, v3;
	v58 =	vbroadcast v42, $0x0  }
0x19f: {  	v2 =	vand.u32 $0x7FFFFFFF, v2;
	v3 =	vadd.f32 v3, v56;
	v5 =	vand.u32 $0x7FFFFFFF, v5  }
0x1a0: {  	v40 =	vadd.f32 v55, v40;
	v2 =	vadd.f32 v5, v2  }
0x1a1: {  	v3 =	vadd.f32 v3, v39  }
0x1a2: {  	v2 =	vadd.f32 v2, v40  }
0x1a3: {  	[tilespmem:$0x18800] =	vst v3  }
0x1a4: {  	s0 =	sshll.u32 s2, $0x7;
	[tilespmem:$0x18900] =	vst v2  }
0x1a5: {  	s2 =	sand.u32 $0x3FFFF880, s0;
	v2 =	vld.idx.msk [tilespmem:v58+s21+$0x0], $0xffff  }
0x1a6: {  	v38 =	vld [tilespmem:s2+$0x640]  }
0x1a7: {  	v39 =	vld [tilespmem:s30+$0x8680]  }
0x1a8: {  	v41 =	vld [tilespmem:s30+$0x86C0]  }
0x1a9: {  	v43 =	vld [tilespmem:s30+$0x8A80]  }
0x1aa: {  	v44 =	vld [tilespmem:s30+$0x10680]  }
0x1ab: {  	v45 =	vld [tilespmem:s30+$0x10A80]  }
0x1ac: {  	v46 =	vld [tilespmem:s2+$0x610]  }
0x1ad: {  	v47 =	vld [tilespmem:s2+$0x650]  }
0x1ae: {  	v48 =	vld [tilespmem:s30+$0x8690]  }
0x1af: {  	v50 =	vld [tilespmem:s30+$0x86D0]  }
0x1b0: {  	v52 =	vld [tilespmem:s30+$0x8A90]  }
0x1b1: {  	v53 =	vld [tilespmem:s30+$0x10690]  }
0x1b2: {  	v54 =	vld [tilespmem:s30+$0x10A90]  }
0x1b3: {  	v55 =	vld [tilespmem:s2+$0x620]  }
0x1b4: {  	v56 =	vld [tilespmem:s2+$0x660]  }
0x1b5: {  	v57 =	vld [tilespmem:s30+$0x86A0]  }
0x1b6: {  	v3 =	vadd.s32 v1, v2;
	v59 =	vadd.s32 v19, v2;
	v38 =	vmul.f32 v41, v38;
	v41 =	vld [tilespmem:s30+$0x86F0]  }
0x1b7: {  	v61 =	vadd.s32 v20, v2;
	v60 =	vand.u32 $0xFFFFFF80, v59;
	v40 =	vand.u32 $0x7F, v59;
	v59 =	vld [tilespmem:s30+$0x86E0]  }
0x1b8: {  	v2 =	vadd.s32 v21, v2;
	v62 =	vand.u32 $0xFFFFFF80, v61;
	v49 =	vand.u32 $0x7F, v61;
	v61 =	vld [tilespmem:s30+$0x106E0]  }
0x1b9: {  	v5 =	vand.u32 $0xFFFFFF80, v3;
	v3 =	vand.u32 $0x7F, v3;
	v42 =	vadd.s32 s0, v60;
	v60 =	vld [tilespmem:s30+$0x8AA0]  }
0x1ba: {  	v63 =	vand.u32 $0xFFFFFF80, v2;
	v5 =	vadd.s32 s0, v5;
	v51 =	vadd.s32 s0, v62;
	v62 =	vld [tilespmem:s2+$0x630]  }
0x1bb: {  	v58 =	vadd.s32 s0, v63;
	v63 =	vld [tilespmem:s2+$0x670];
	v3 =	vor.u32 v3, v5  }
0x1bc: {  	v5 =	vld [tilespmem:s2+$0x600];
	v40 =	vor.u32 v40, v42  }
0x1bd: {  	v42 =	vld [tilespmem:s30+$0x106C0];
	v49 =	vor.u32 v49, v51  }
0x1be: {  	v2 =	vand.u32 $0x7F, v2;
	v51 =	vld [tilespmem:s30+$0x106D0]  }
0x1bf: {  	v2 =	vor.u32 v2, v58;
	v58 =	vld [tilespmem:s30+$0x106A0]  }
0x1c0: {  	v3 =	vld.idx.msk [tilespmem:v3+s16+$0x0], $0xffff  }
0x1c1: {  	v40 =	vld.idx.msk [tilespmem:v40+s16+$0x0], $0xffff  }
0x1c2: {  	v49 =	vld.idx.msk [tilespmem:v49+s16+$0x0], $0xffff  }
0x1c3: {  	v48 =	vmul.f32 v48, v46;
	v5 =	vmul.f32 v39, v5;
	v39 =	vld [tilespmem:s30+$0x86B0]  }
0x1c4: {  	v50 =	vmul.f32 v50, v47;
	v55 =	vmul.f32 v57, v55;
	v2 =	vld.idx.msk [tilespmem:v2+s16+$0x0], $0xffff  }
0x1c5: {  	v5 =	vadd.f32 v38, v5;
	v38 =	vadd.f32 v42, v44;
	v44 =	vld [tilespmem:s30+$0x8AB0];
	v3 =	vmul.f32 v43, v3  }
0x1c6: {  	v42 =	vadd.f32 v50, v48;
	v40 =	vmul.f32 v52, v40;
	v43 =	vld [tilespmem:s30+$0x106F0];
	v52 =	vadd.f32 v51, v53  }
0x1c7: {  	v57 =	vmul.f32 v59, v56;
	v3 =	vadd.f32 v3, v5;
	v5 =	vadd.f32 v45, v38;
	v38 =	vld [tilespmem:s30+$0x106B0]  }
0x1c8: {  	v41 =	vmul.f32 v41, v63;
	v63 =	vadd.f32 v61, v58;
	v53 =	vld [tilespmem:s30+$0x10AA0];
	v39 =	vmul.f32 v39, v62  }
0x1c9: {  	s1 =	sor.u32 $0x2, s29;
	v59 =	vld [tilespmem:s30+$0x10AB0];
	v62 =	vmul.f32 v60, v49;
	v40 =	vadd.f32 v40, v42;
	v45 =	vadd.f32 v54, v52  }
0x1ca: {  	s2 =	sor.u32 s26, s1;
	v42 =	vadd.f32 v57, v55;
	v39 =	vadd.f32 v41, v39;
	v2 =	vmul.f32 v44, v2  }
0x1cb: {  	v57 =	vmov s2;
	v3 =	vand.u32 $0x7FFFFFFF, v3;
	v5 =	vand.u32 $0x7FFFFFFF, v5  }
0x1cc: {  	v40 =	vand.u32 $0x7FFFFFFF, v40;
	v52 =	vadd.f32 v62, v42;
	v38 =	vadd.f32 v43, v38  }
0x1cd: {  	v54 =	vand.u32 $0x7FFFFFFF, v45;
	v2 =	vadd.f32 v2, v39;
	v53 =	vadd.f32 v53, v63  }
0x1ce: {  	v42 =	vand.u32 $0xFFFFFFF2, v57;
	v3 =	vadd.f32 v40, v3;
	v38 =	vadd.f32 v59, v38  }
0x1cf: {  	v58 =	vbroadcast v42, $0x0;
	v55 =	vand.u32 $0x7FFFFFFF, v52;
	v2 =	vand.u32 $0x7FFFFFFF, v2  }
0x1d0: {  	v56 =	vand.u32 $0x7FFFFFFF, v53;
	v2 =	vadd.f32 v2, v55;
	v38 =	vand.u32 $0x7FFFFFFF, v38  }
0x1d1: {  	v5 =	vadd.f32 v54, v5;
	v38 =	vadd.f32 v38, v56  }
0x1d2: {  	v2 =	vadd.f32 v2, v3  }
0x1d3: {  	v3 =	vadd.f32 v38, v5  }
0x1d4: {  	[tilespmem:$0x18810] =	vst v2  }
0x1d5: {  	s0 =	sshll.u32 s1, $0x7;
	[tilespmem:$0x18910] =	vst v3  }
0x1d6: {  	s1 =	sand.u32 $0x3FFFF900, s0;
	v2 =	vld.idx.msk [tilespmem:v58+s21+$0x0], $0xffff  }
0x1d7: {  	v38 =	vld [tilespmem:s1+$0x640]  }
0x1d8: {  	v39 =	vld [tilespmem:s30+$0x8700]  }
0x1d9: {  	v41 =	vld [tilespmem:s30+$0x8740]  }
0x1da: {  	v43 =	vld [tilespmem:s30+$0x8B00]  }
0x1db: {  	v44 =	vld [tilespmem:s30+$0x10700]  }
0x1dc: {  	v45 =	vld [tilespmem:s30+$0x10B00]  }
0x1dd: {  	v46 =	vld [tilespmem:s1+$0x610]  }
0x1de: {  	v47 =	vld [tilespmem:s1+$0x650]  }
0x1df: {  	v48 =	vld [tilespmem:s30+$0x8710]  }
0x1e0: {  	v50 =	vld [tilespmem:s30+$0x8750]  }
0x1e1: {  	v52 =	vld [tilespmem:s30+$0x8B10]  }
0x1e2: {  	v53 =	vld [tilespmem:s30+$0x10710]  }
0x1e3: {  	v54 =	vld [tilespmem:s30+$0x10B10]  }
0x1e4: {  	v55 =	vld [tilespmem:s1+$0x620]  }
0x1e5: {  	v56 =	vld [tilespmem:s1+$0x660]  }
0x1e6: {  	v57 =	vld [tilespmem:s30+$0x8720]  }
0x1e7: {  	v3 =	vadd.s32 v1, v2;
	v59 =	vadd.s32 v19, v2;
	v38 =	vmul.f32 v41, v38;
	v41 =	vld [tilespmem:s30+$0x8770]  }
0x1e8: {  	v61 =	vadd.s32 v20, v2;
	v60 =	vand.u32 $0xFFFFFF80, v59;
	v40 =	vand.u32 $0x7F, v59;
	v59 =	vld [tilespmem:s30+$0x8760]  }
0x1e9: {  	v2 =	vadd.s32 v21, v2;
	v62 =	vand.u32 $0xFFFFFF80, v61;
	v49 =	vand.u32 $0x7F, v61;
	v61 =	vld [tilespmem:s30+$0x10760]  }
0x1ea: {  	v5 =	vand.u32 $0xFFFFFF80, v3;
	v3 =	vand.u32 $0x7F, v3;
	v42 =	vadd.s32 s0, v60;
	v60 =	vld [tilespmem:s30+$0x8B20]  }
0x1eb: {  	v63 =	vand.u32 $0xFFFFFF80, v2;
	v5 =	vadd.s32 s0, v5;
	v51 =	vadd.s32 s0, v62;
	v62 =	vld [tilespmem:s1+$0x630]  }
0x1ec: {  	v58 =	vadd.s32 s0, v63;
	v63 =	vld [tilespmem:s1+$0x670];
	v3 =	vor.u32 v3, v5  }
0x1ed: {  	v5 =	vld [tilespmem:s1+$0x600];
	v40 =	vor.u32 v40, v42  }
0x1ee: {  	v42 =	vld [tilespmem:s30+$0x10740];
	v49 =	vor.u32 v49, v51  }
0x1ef: {  	v2 =	vand.u32 $0x7F, v2;
	v51 =	vld [tilespmem:s30+$0x10750]  }
0x1f0: {  	v2 =	vor.u32 v2, v58;
	v58 =	vld [tilespmem:s30+$0x10720]  }
0x1f1: {  	v3 =	vld.idx.msk [tilespmem:v3+s16+$0x0], $0xffff  }
0x1f2: {  	v40 =	vld.idx.msk [tilespmem:v40+s16+$0x0], $0xffff  }
0x1f3: {  	v49 =	vld.idx.msk [tilespmem:v49+s16+$0x0], $0xffff  }
0x1f4: {  	v48 =	vmul.f32 v48, v46;
	v5 =	vmul.f32 v39, v5;
	v39 =	vld [tilespmem:s30+$0x8730]  }
0x1f5: {  	v50 =	vmul.f32 v50, v47;
	v55 =	vmul.f32 v57, v55;
	v2 =	vld.idx.msk [tilespmem:v2+s16+$0x0], $0xffff  }
0x1f6: {  	v5 =	vadd.f32 v38, v5;
	v38 =	vadd.f32 v42, v44;
	v44 =	vld [tilespmem:s30+$0x8B30];
	v3 =	vmul.f32 v43, v3  }
0x1f7: {  	v42 =	vadd.f32 v50, v48;
	v40 =	vmul.f32 v52, v40;
	v43 =	vld [tilespmem:s30+$0x10770];
	v52 =	vadd.f32 v51, v53  }
0x1f8: {  	v57 =	vmul.f32 v59, v56;
	v3 =	vadd.f32 v3, v5;
	v5 =	vadd.f32 v45, v38;
	v38 =	vld [tilespmem:s30+$0x10730]  }
0x1f9: {  	v41 =	vmul.f32 v41, v63;
	v63 =	vadd.f32 v61, v58;
	v53 =	vld [tilespmem:s30+$0x10B20];
	v39 =	vmul.f32 v39, v62  }
0x1fa: {  	s2 =	sor.u32 $0x3, s29;
	v59 =	vld [tilespmem:s30+$0x10B30];
	v62 =	vmul.f32 v60, v49;
	v40 =	vadd.f32 v40, v42;
	v45 =	vadd.f32 v54, v52  }
0x1fb: {  	s1 =	sor.u32 s26, s2;
	v42 =	vadd.f32 v57, v55;
	v39 =	vadd.f32 v41, v39;
	v2 =	vmul.f32 v44, v2  }
0x1fc: {  	v57 =	vmov s1;
	v3 =	vand.u32 $0x7FFFFFFF, v3;
	v5 =	vand.u32 $0x7FFFFFFF, v5  }
0x1fd: {  	v40 =	vand.u32 $0x7FFFFFFF, v40;
	v52 =	vadd.f32 v62, v42;
	v38 =	vadd.f32 v43, v38  }
0x1fe: {  	v54 =	vand.u32 $0x7FFFFFFF, v45;
	v2 =	vadd.f32 v2, v39;
	v53 =	vadd.f32 v53, v63  }
0x1ff: {  	v42 =	vand.u32 $0xFFFFFFF3, v57;
	v3 =	vadd.f32 v40, v3;
	v38 =	vadd.f32 v59, v38  }
0x200: {  	v58 =	vbroadcast v42, $0x0;
	v55 =	vand.u32 $0x7FFFFFFF, v52;
	v2 =	vand.u32 $0x7FFFFFFF, v2  }
0x201: {  	v56 =	vand.u32 $0x7FFFFFFF, v53;
	v2 =	vadd.f32 v2, v55;
	v38 =	vand.u32 $0x7FFFFFFF, v38  }
0x202: {  	v5 =	vadd.f32 v54, v5;
	v38 =	vadd.f32 v38, v56  }
0x203: {  	v2 =	vadd.f32 v2, v3  }
0x204: {  	v3 =	vadd.f32 v38, v5  }
0x205: {  	[tilespmem:$0x18820] =	vst v2  }
0x206: {  	s0 =	sshll.u32 s2, $0x7;
	[tilespmem:$0x18920] =	vst v3  }
0x207: {  	s2 =	sand.u32 $0x3FFFF980, s0;
	v2 =	vld.idx.msk [tilespmem:v58+s21+$0x0], $0xffff  }
0x208: {  	v38 =	vld [tilespmem:s2+$0x640]  }
0x209: {  	v39 =	vld [tilespmem:s30+$0x8780]  }
0x20a: {  	v41 =	vld [tilespmem:s30+$0x87C0]  }
0x20b: {  	v43 =	vld [tilespmem:s30+$0x8B80]  }
0x20c: {  	v44 =	vld [tilespmem:s30+$0x10780]  }
0x20d: {  	v45 =	vld [tilespmem:s30+$0x10B80]  }
0x20e: {  	v46 =	vld [tilespmem:s2+$0x610]  }
0x20f: {  	v47 =	vld [tilespmem:s2+$0x650]  }
0x210: {  	v48 =	vld [tilespmem:s30+$0x8790]  }
0x211: {  	v50 =	vld [tilespmem:s30+$0x87D0]  }
0x212: {  	v52 =	vld [tilespmem:s30+$0x8B90]  }
0x213: {  	v53 =	vld [tilespmem:s30+$0x10790]  }
0x214: {  	v54 =	vld [tilespmem:s30+$0x10B90]  }
0x215: {  	v55 =	vld [tilespmem:s2+$0x620]  }
0x216: {  	v56 =	vld [tilespmem:s2+$0x660]  }
0x217: {  	v57 =	vld [tilespmem:s30+$0x87A0]  }
0x218: {  	v3 =	vadd.s32 v1, v2;
	v59 =	vadd.s32 v19, v2;
	v38 =	vmul.f32 v41, v38;
	v41 =	vld [tilespmem:s30+$0x87F0]  }
0x219: {  	v61 =	vadd.s32 v20, v2;
	v60 =	vand.u32 $0xFFFFFF80, v59;
	v40 =	vand.u32 $0x7F, v59;
	v59 =	vld [tilespmem:s30+$0x87E0]  }
0x21a: {  	v2 =	vadd.s32 v21, v2;
	v62 =	vand.u32 $0xFFFFFF80, v61;
	v49 =	vand.u32 $0x7F, v61;
	v61 =	vld [tilespmem:s30+$0x107E0]  }
0x21b: {  	v5 =	vand.u32 $0xFFFFFF80, v3;
	v3 =	vand.u32 $0x7F, v3;
	v42 =	vadd.s32 s0, v60;
	v60 =	vld [tilespmem:s30+$0x8BA0]  }
0x21c: {  	v63 =	vand.u32 $0xFFFFFF80, v2;
	v5 =	vadd.s32 s0, v5;
	v51 =	vadd.s32 s0, v62;
	v62 =	vld [tilespmem:s2+$0x630]  }
0x21d: {  	v58 =	vadd.s32 s0, v63;
	v63 =	vld [tilespmem:s2+$0x670];
	v3 =	vor.u32 v3, v5  }
0x21e: {  	v5 =	vld [tilespmem:s2+$0x600];
	v40 =	vor.u32 v40, v42  }
0x21f: {  	v42 =	vld [tilespmem:s30+$0x107C0];
	v49 =	vor.u32 v49, v51  }
0x220: {  	v2 =	vand.u32 $0x7F, v2;
	v51 =	vld [tilespmem:s30+$0x107D0]  }
0x221: {  	v2 =	vor.u32 v2, v58;
	v58 =	vld [tilespmem:s30+$0x107A0]  }
0x222: {  	v3 =	vld.idx.msk [tilespmem:v3+s16+$0x0], $0xffff  }
0x223: {  	v40 =	vld.idx.msk [tilespmem:v40+s16+$0x0], $0xffff  }
0x224: {  	v49 =	vld.idx.msk [tilespmem:v49+s16+$0x0], $0xffff  }
0x225: {  	v48 =	vmul.f32 v48, v46;
	v5 =	vmul.f32 v39, v5;
	v39 =	vld [tilespmem:s30+$0x87B0]  }
0x226: {  	v50 =	vmul.f32 v50, v47;
	v55 =	vmul.f32 v57, v55;
	v2 =	vld.idx.msk [tilespmem:v2+s16+$0x0], $0xffff  }
0x227: {  	v5 =	vadd.f32 v38, v5;
	v38 =	vadd.f32 v42, v44;
	v44 =	vld [tilespmem:s30+$0x8BB0];
	v3 =	vmul.f32 v43, v3  }
0x228: {  	v42 =	vadd.f32 v50, v48;
	v40 =	vmul.f32 v52, v40;
	v43 =	vld [tilespmem:s30+$0x107F0];
	v52 =	vadd.f32 v51, v53  }
0x229: {  	v57 =	vmul.f32 v59, v56;
	v3 =	vadd.f32 v3, v5;
	v5 =	vadd.f32 v45, v38;
	v38 =	vld [tilespmem:s30+$0x107B0]  }
0x22a: {  	v41 =	vmul.f32 v41, v63;
	v63 =	vadd.f32 v61, v58;
	v53 =	vld [tilespmem:s30+$0x10BA0];
	v39 =	vmul.f32 v39, v62  }
0x22b: {  	s1 =	sor.u32 $0x4, s29;
	v59 =	vld [tilespmem:s30+$0x10BB0];
	v62 =	vmul.f32 v60, v49;
	v40 =	vadd.f32 v40, v42;
	v45 =	vadd.f32 v54, v52  }
0x22c: {  	s2 =	sor.u32 s26, s1;
	v42 =	vadd.f32 v57, v55;
	v39 =	vadd.f32 v41, v39;
	v2 =	vmul.f32 v44, v2  }
0x22d: {  	v57 =	vmov s2;
	v3 =	vand.u32 $0x7FFFFFFF, v3;
	v5 =	vand.u32 $0x7FFFFFFF, v5  }
0x22e: {  	v40 =	vand.u32 $0x7FFFFFFF, v40;
	v52 =	vadd.f32 v62, v42;
	v38 =	vadd.f32 v43, v38  }
0x22f: {  	v54 =	vand.u32 $0x7FFFFFFF, v45;
	v2 =	vadd.f32 v2, v39;
	v53 =	vadd.f32 v53, v63  }
0x230: {  	v42 =	vand.u32 $0xFFFFFFF4, v57;
	v3 =	vadd.f32 v40, v3;
	v38 =	vadd.f32 v59, v38  }
0x231: {  	v58 =	vbroadcast v42, $0x0;
	v55 =	vand.u32 $0x7FFFFFFF, v52;
	v2 =	vand.u32 $0x7FFFFFFF, v2  }
0x232: {  	v56 =	vand.u32 $0x7FFFFFFF, v53;
	v2 =	vadd.f32 v2, v55;
	v38 =	vand.u32 $0x7FFFFFFF, v38  }
0x233: {  	v5 =	vadd.f32 v54, v5;
	v38 =	vadd.f32 v38, v56  }
0x234: {  	v2 =	vadd.f32 v2, v3  }
0x235: {  	v3 =	vadd.f32 v38, v5  }
0x236: {  	[tilespmem:$0x18830] =	vst v2  }
0x237: {  	[tilespmem:$0x18930] =	vst v3  }
0x238: {  	v2 =	vld.idx.msk [tilespmem:v58+s21+$0x0], $0xffff;
	_ =	sdelay $0x4  }
0x239: {  	v3 =	vadd.s32 v1, v2  }
0x23a: {  	s0 =	sshll.u32 s1, $0x7;
	v5 =	vand.u32 $0xFFFFFF80, v3  }
0x23b: {  	s1 =	sand.u32 $0x3FFFFA00, s0;
	v3 =	vand.u32 $0x7F, v3;
	v5 =	vadd.s32 s0, v5  }
0x23c: {  	v3 =	vor.u32 v3, v5;
	v5 =	vld [tilespmem:s1+$0x600]  }
0x23d: {  	v38 =	vld [tilespmem:s1+$0x640]  }
0x23e: {  	v39 =	vld [tilespmem:s30+$0x8800]  }
0x23f: {  	v59 =	vadd.s32 v19, v2;
	v41 =	vld [tilespmem:s30+$0x8840]  }
0x240: {  	v60 =	vand.u32 $0xFFFFFF80, v59;
	v43 =	vld [tilespmem:s30+$0x8C00]  }
0x241: {  	v40 =	vand.u32 $0x7F, v59;
	v42 =	vadd.s32 s0, v60;
	v44 =	vld [tilespmem:s30+$0x10800]  }
0x242: {  	v40 =	vor.u32 v40, v42;
	v42 =	vld [tilespmem:s30+$0x10840]  }
0x243: {  	v45 =	vld [tilespmem:s30+$0x10C00]  }
0x244: {  	v46 =	vld [tilespmem:s1+$0x610]  }
0x245: {  	v47 =	vld [tilespmem:s1+$0x650]  }
0x246: {  	v48 =	vld [tilespmem:s30+$0x8810]  }
0x247: {  	v61 =	vadd.s32 v20, v2;
	v50 =	vld [tilespmem:s30+$0x8850]  }
0x248: {  	v62 =	vand.u32 $0xFFFFFF80, v61;
	v52 =	vld [tilespmem:s30+$0x8C10]  }
0x249: {  	v49 =	vand.u32 $0x7F, v61;
	v51 =	vadd.s32 s0, v62;
	v53 =	vld [tilespmem:s30+$0x10810]  }
0x24a: {  	v49 =	vor.u32 v49, v51;
	v51 =	vld [tilespmem:s30+$0x10850]  }
0x24b: {  	v54 =	vld [tilespmem:s30+$0x10C10]  }
0x24c: {  	v55 =	vld [tilespmem:s1+$0x620]  }
0x24d: {  	v56 =	vld [tilespmem:s1+$0x660]  }
0x24e: {  	v2 =	vadd.s32 v21, v2;
	v57 =	vld [tilespmem:s30+$0x8820]  }
0x24f: {  	v63 =	vand.u32 $0xFFFFFF80, v2;
	v59 =	vld [tilespmem:s30+$0x8860]  }
0x250: {  	v2 =	vand.u32 $0x7F, v2;
	v58 =	vadd.s32 s0, v63;
	v60 =	vld [tilespmem:s30+$0x8C20]  }
0x251: {  	v2 =	vor.u32 v2, v58;
	v58 =	vld [tilespmem:s30+$0x10820]  }
0x252: {  	v61 =	vld [tilespmem:s30+$0x10860]  }
0x253: {  	v62 =	vld [tilespmem:s1+$0x630]  }
0x254: {  	v63 =	vld [tilespmem:s1+$0x670]  }
0x255: {  	v3 =	vld.idx.msk [tilespmem:v3+s16+$0x0], $0xffff  }
0x256: {  	v40 =	vld.idx.msk [tilespmem:v40+s16+$0x0], $0xffff  }
0x257: {  	v49 =	vld.idx.msk [tilespmem:v49+s16+$0x0], $0xffff  }
0x258: {  	v5 =	vmul.f32 v39, v5;
	v39 =	vld [tilespmem:s30+$0x8830]  }
0x259: {  	v38 =	vmul.f32 v41, v38;
	v41 =	vld [tilespmem:s30+$0x8870];
	v48 =	vmul.f32 v48, v46  }
0x25a: {  	v2 =	vld.idx.msk [tilespmem:v2+s16+$0x0], $0xffff;
	v50 =	vmul.f32 v50, v47;
	v55 =	vmul.f32 v57, v55  }
0x25b: {  	v5 =	vadd.f32 v38, v5;
	v38 =	vadd.f32 v42, v44;
	v44 =	vld [tilespmem:s30+$0x8C30];
	v3 =	vmul.f32 v43, v3  }
0x25c: {  	v42 =	vadd.f32 v50, v48;
	v40 =	vmul.f32 v52, v40;
	v43 =	vld [tilespmem:s30+$0x10870];
	v52 =	vadd.f32 v51, v53  }
0x25d: {  	v57 =	vmul.f32 v59, v56;
	v3 =	vadd.f32 v3, v5;
	v5 =	vadd.f32 v45, v38;
	v38 =	vld [tilespmem:s30+$0x10830]  }
0x25e: {  	v53 =	vld [tilespmem:s30+$0x10C20];
	v39 =	vmul.f32 v39, v62;
	v41 =	vmul.f32 v41, v63;
	v63 =	vadd.f32 v61, v58  }
0x25f: {  	s2 =	sor.u32 $0x5, s29;
	v59 =	vld [tilespmem:s30+$0x10C30];
	v62 =	vmul.f32 v60, v49;
	v40 =	vadd.f32 v40, v42;
	v45 =	vadd.f32 v54, v52  }
0x260: {  	s1 =	sor.u32 s26, s2;
	v42 =	vadd.f32 v57, v55;
	v39 =	vadd.f32 v41, v39;
	v2 =	vmul.f32 v44, v2  }
0x261: {  	v57 =	vmov s1;
	v3 =	vand.u32 $0x7FFFFFFF, v3;
	v5 =	vand.u32 $0x7FFFFFFF, v5  }
0x262: {  	v40 =	vand.u32 $0x7FFFFFFF, v40;
	v52 =	vadd.f32 v62, v42;
	v38 =	vadd.f32 v43, v38  }
0x263: {  	v54 =	vand.u32 $0x7FFFFFFF, v45;
	v2 =	vadd.f32 v2, v39;
	v53 =	vadd.f32 v53, v63  }
0x264: {  	v42 =	vand.u32 $0xFFFFFFF5, v57;
	v3 =	vadd.f32 v40, v3;
	v38 =	vadd.f32 v59, v38  }
0x265: {  	v58 =	vbroadcast v42, $0x0;
	v55 =	vand.u32 $0x7FFFFFFF, v52;
	v2 =	vand.u32 $0x7FFFFFFF, v2  }
0x266: {  	v56 =	vand.u32 $0x7FFFFFFF, v53;
	v2 =	vadd.f32 v2, v55;
	v38 =	vand.u32 $0x7FFFFFFF, v38  }
0x267: {  	v5 =	vadd.f32 v54, v5;
	v38 =	vadd.f32 v38, v56  }
0x268: {  	v2 =	vadd.f32 v2, v3  }
0x269: {  	v3 =	vadd.f32 v38, v5  }
0x26a: {  	[tilespmem:$0x18840] =	vst v2  }
0x26b: {  	s0 =	sshll.u32 s2, $0x7;
	[tilespmem:$0x18940] =	vst v3  }
0x26c: {  	s2 =	sand.u32 $0x3FFFFA80, s0;
	v2 =	vld.idx.msk [tilespmem:v58+s21+$0x0], $0xffff  }
0x26d: {  	v38 =	vld [tilespmem:s2+$0x640]  }
0x26e: {  	v39 =	vld [tilespmem:s30+$0x8880]  }
0x26f: {  	v41 =	vld [tilespmem:s30+$0x88C0]  }
0x270: {  	v43 =	vld [tilespmem:s30+$0x8C80]  }
0x271: {  	v44 =	vld [tilespmem:s30+$0x10880]  }
0x272: {  	v45 =	vld [tilespmem:s30+$0x10C80]  }
0x273: {  	v46 =	vld [tilespmem:s2+$0x610]  }
0x274: {  	v47 =	vld [tilespmem:s2+$0x650]  }
0x275: {  	v48 =	vld [tilespmem:s30+$0x8890]  }
0x276: {  	v50 =	vld [tilespmem:s30+$0x88D0]  }
0x277: {  	v52 =	vld [tilespmem:s30+$0x8C90]  }
0x278: {  	v53 =	vld [tilespmem:s30+$0x10890]  }
0x279: {  	v54 =	vld [tilespmem:s30+$0x10C90]  }
0x27a: {  	v55 =	vld [tilespmem:s2+$0x620]  }
0x27b: {  	v56 =	vld [tilespmem:s2+$0x660]  }
0x27c: {  	v57 =	vld [tilespmem:s30+$0x88A0]  }
0x27d: {  	v3 =	vadd.s32 v1, v2;
	v59 =	vadd.s32 v19, v2;
	v38 =	vmul.f32 v41, v38;
	v41 =	vld [tilespmem:s30+$0x88F0]  }
0x27e: {  	v61 =	vadd.s32 v20, v2;
	v60 =	vand.u32 $0xFFFFFF80, v59;
	v40 =	vand.u32 $0x7F, v59;
	v59 =	vld [tilespmem:s30+$0x88E0]  }
0x27f: {  	v2 =	vadd.s32 v21, v2;
	v62 =	vand.u32 $0xFFFFFF80, v61;
	v49 =	vand.u32 $0x7F, v61;
	v61 =	vld [tilespmem:s30+$0x108E0]  }
0x280: {  	v5 =	vand.u32 $0xFFFFFF80, v3;
	v3 =	vand.u32 $0x7F, v3;
	v42 =	vadd.s32 s0, v60;
	v60 =	vld [tilespmem:s30+$0x8CA0]  }
0x281: {  	v63 =	vand.u32 $0xFFFFFF80, v2;
	v5 =	vadd.s32 s0, v5;
	v51 =	vadd.s32 s0, v62;
	v62 =	vld [tilespmem:s2+$0x630]  }
0x282: {  	v58 =	vadd.s32 s0, v63;
	v63 =	vld [tilespmem:s2+$0x670];
	v3 =	vor.u32 v3, v5  }
0x283: {  	v5 =	vld [tilespmem:s2+$0x600];
	v40 =	vor.u32 v40, v42  }
0x284: {  	v42 =	vld [tilespmem:s30+$0x108C0];
	v49 =	vor.u32 v49, v51  }
0x285: {  	v2 =	vand.u32 $0x7F, v2;
	v51 =	vld [tilespmem:s30+$0x108D0]  }
0x286: {  	v2 =	vor.u32 v2, v58;
	v58 =	vld [tilespmem:s30+$0x108A0]  }
0x287: {  	v3 =	vld.idx.msk [tilespmem:v3+s16+$0x0], $0xffff  }
0x288: {  	v40 =	vld.idx.msk [tilespmem:v40+s16+$0x0], $0xffff  }
0x289: {  	v49 =	vld.idx.msk [tilespmem:v49+s16+$0x0], $0xffff  }
0x28a: {  	v48 =	vmul.f32 v48, v46;
	v5 =	vmul.f32 v39, v5;
	v39 =	vld [tilespmem:s30+$0x88B0]  }
0x28b: {  	v50 =	vmul.f32 v50, v47;
	v55 =	vmul.f32 v57, v55;
	v2 =	vld.idx.msk [tilespmem:v2+s16+$0x0], $0xffff  }
0x28c: {  	v5 =	vadd.f32 v38, v5;
	v38 =	vadd.f32 v42, v44;
	v44 =	vld [tilespmem:s30+$0x8CB0];
	v3 =	vmul.f32 v43, v3  }
0x28d: {  	v42 =	vadd.f32 v50, v48;
	v40 =	vmul.f32 v52, v40;
	v43 =	vld [tilespmem:s30+$0x108F0];
	v52 =	vadd.f32 v51, v53  }
0x28e: {  	v57 =	vmul.f32 v59, v56;
	v3 =	vadd.f32 v3, v5;
	v5 =	vadd.f32 v45, v38;
	v38 =	vld [tilespmem:s30+$0x108B0]  }
0x28f: {  	v41 =	vmul.f32 v41, v63;
	v63 =	vadd.f32 v61, v58;
	v53 =	vld [tilespmem:s30+$0x10CA0];
	v39 =	vmul.f32 v39, v62  }
0x290: {  	s1 =	sor.u32 $0x6, s29;
	v59 =	vld [tilespmem:s30+$0x10CB0];
	v62 =	vmul.f32 v60, v49;
	v40 =	vadd.f32 v40, v42;
	v45 =	vadd.f32 v54, v52  }
0x291: {  	s2 =	sor.u32 s26, s1;
	v42 =	vadd.f32 v57, v55;
	v39 =	vadd.f32 v41, v39;
	v2 =	vmul.f32 v44, v2  }
0x292: {  	v57 =	vmov s2;
	v3 =	vand.u32 $0x7FFFFFFF, v3;
	v5 =	vand.u32 $0x7FFFFFFF, v5  }
0x293: {  	v40 =	vand.u32 $0x7FFFFFFF, v40;
	v52 =	vadd.f32 v62, v42;
	v38 =	vadd.f32 v43, v38  }
0x294: {  	v54 =	vand.u32 $0x7FFFFFFF, v45;
	v2 =	vadd.f32 v2, v39;
	v53 =	vadd.f32 v53, v63  }
0x295: {  	v42 =	vand.u32 $0xFFFFFFF6, v57;
	v3 =	vadd.f32 v40, v3;
	v38 =	vadd.f32 v59, v38  }
0x296: {  	v58 =	vbroadcast v42, $0x0;
	v55 =	vand.u32 $0x7FFFFFFF, v52;
	v2 =	vand.u32 $0x7FFFFFFF, v2  }
0x297: {  	v56 =	vand.u32 $0x7FFFFFFF, v53;
	v2 =	vadd.f32 v2, v55;
	v38 =	vand.u32 $0x7FFFFFFF, v38  }
0x298: {  	v5 =	vadd.f32 v54, v5;
	v38 =	vadd.f32 v38, v56  }
0x299: {  	v2 =	vadd.f32 v2, v3  }
0x29a: {  	v3 =	vadd.f32 v38, v5  }
0x29b: {  	[tilespmem:$0x18850] =	vst v2  }
0x29c: {  	s0 =	sshll.u32 s1, $0x7;
	[tilespmem:$0x18950] =	vst v3  }
0x29d: {  	s1 =	sand.u32 $0x3FFFFB00, s0;
	v2 =	vld.idx.msk [tilespmem:v58+s21+$0x0], $0xffff  }
0x29e: {  	v38 =	vld [tilespmem:s1+$0x640]  }
0x29f: {  	v39 =	vld [tilespmem:s30+$0x8900]  }
0x2a0: {  	v41 =	vld [tilespmem:s30+$0x8940]  }
0x2a1: {  	v43 =	vld [tilespmem:s30+$0x8D00]  }
0x2a2: {  	v44 =	vld [tilespmem:s30+$0x10900]  }
0x2a3: {  	v45 =	vld [tilespmem:s30+$0x10D00]  }
0x2a4: {  	v46 =	vld [tilespmem:s1+$0x610]  }
0x2a5: {  	v47 =	vld [tilespmem:s1+$0x650]  }
0x2a6: {  	v48 =	vld [tilespmem:s30+$0x8910]  }
0x2a7: {  	v50 =	vld [tilespmem:s30+$0x8950]  }
0x2a8: {  	v52 =	vld [tilespmem:s30+$0x8D10]  }
0x2a9: {  	v53 =	vld [tilespmem:s30+$0x10910]  }
0x2aa: {  	v54 =	vld [tilespmem:s30+$0x10D10]  }
0x2ab: {  	v55 =	vld [tilespmem:s1+$0x620]  }
0x2ac: {  	v56 =	vld [tilespmem:s1+$0x660]  }
0x2ad: {  	v57 =	vld [tilespmem:s30+$0x8920]  }
0x2ae: {  	v3 =	vadd.s32 v1, v2;
	v59 =	vadd.s32 v19, v2;
	v38 =	vmul.f32 v41, v38;
	v41 =	vld [tilespmem:s30+$0x8970]  }
0x2af: {  	v61 =	vadd.s32 v20, v2;
	v60 =	vand.u32 $0xFFFFFF80, v59;
	v40 =	vand.u32 $0x7F, v59;
	v59 =	vld [tilespmem:s30+$0x8960]  }
0x2b0: {  	v2 =	vadd.s32 v21, v2;
	v62 =	vand.u32 $0xFFFFFF80, v61;
	v49 =	vand.u32 $0x7F, v61;
	v61 =	vld [tilespmem:s30+$0x10960]  }
0x2b1: {  	v5 =	vand.u32 $0xFFFFFF80, v3;
	v3 =	vand.u32 $0x7F, v3;
	v42 =	vadd.s32 s0, v60;
	v60 =	vld [tilespmem:s30+$0x8D20]  }
0x2b2: {  	v63 =	vand.u32 $0xFFFFFF80, v2;
	v5 =	vadd.s32 s0, v5;
	v51 =	vadd.s32 s0, v62;
	v62 =	vld [tilespmem:s1+$0x630]  }
0x2b3: {  	v58 =	vadd.s32 s0, v63;
	v63 =	vld [tilespmem:s1+$0x670];
	v3 =	vor.u32 v3, v5  }
0x2b4: {  	v5 =	vld [tilespmem:s1+$0x600];
	v40 =	vor.u32 v40, v42  }
0x2b5: {  	v42 =	vld [tilespmem:s30+$0x10940];
	v49 =	vor.u32 v49, v51  }
0x2b6: {  	v2 =	vand.u32 $0x7F, v2;
	v51 =	vld [tilespmem:s30+$0x10950]  }
0x2b7: {  	v2 =	vor.u32 v2, v58;
	v58 =	vld [tilespmem:s30+$0x10920]  }
0x2b8: {  	v3 =	vld.idx.msk [tilespmem:v3+s16+$0x0], $0xffff  }
0x2b9: {  	v40 =	vld.idx.msk [tilespmem:v40+s16+$0x0], $0xffff  }
0x2ba: {  	v49 =	vld.idx.msk [tilespmem:v49+s16+$0x0], $0xffff  }
0x2bb: {  	v48 =	vmul.f32 v48, v46;
	v5 =	vmul.f32 v39, v5;
	v39 =	vld [tilespmem:s30+$0x8930]  }
0x2bc: {  	v50 =	vmul.f32 v50, v47;
	v55 =	vmul.f32 v57, v55;
	v2 =	vld.idx.msk [tilespmem:v2+s16+$0x0], $0xffff  }
0x2bd: {  	v5 =	vadd.f32 v38, v5;
	v38 =	vadd.f32 v42, v44;
	v44 =	vld [tilespmem:s30+$0x8D30];
	v3 =	vmul.f32 v43, v3  }
0x2be: {  	v42 =	vadd.f32 v50, v48;
	v40 =	vmul.f32 v52, v40;
	v43 =	vld [tilespmem:s30+$0x10970];
	v52 =	vadd.f32 v51, v53  }
0x2bf: {  	v57 =	vmul.f32 v59, v56;
	v3 =	vadd.f32 v3, v5;
	v5 =	vadd.f32 v45, v38;
	v38 =	vld [tilespmem:s30+$0x10930]  }
0x2c0: {  	v41 =	vmul.f32 v41, v63;
	v63 =	vadd.f32 v61, v58;
	v53 =	vld [tilespmem:s30+$0x10D20];
	v39 =	vmul.f32 v39, v62  }
0x2c1: {  	s2 =	sor.u32 $0x7, s29;
	v59 =	vld [tilespmem:s30+$0x10D30];
	v62 =	vmul.f32 v60, v49;
	v40 =	vadd.f32 v40, v42;
	v45 =	vadd.f32 v54, v52  }
0x2c2: {  	s1 =	sor.u32 s26, s2;
	v42 =	vadd.f32 v57, v55;
	v39 =	vadd.f32 v41, v39;
	v2 =	vmul.f32 v44, v2  }
0x2c3: {  	v57 =	vmov s1;
	v3 =	vand.u32 $0x7FFFFFFF, v3;
	v5 =	vand.u32 $0x7FFFFFFF, v5  }
0x2c4: {  	v40 =	vand.u32 $0x7FFFFFFF, v40;
	v52 =	vadd.f32 v62, v42;
	v38 =	vadd.f32 v43, v38  }
0x2c5: {  	v54 =	vand.u32 $0x7FFFFFFF, v45;
	v2 =	vadd.f32 v2, v39;
	v53 =	vadd.f32 v53, v63  }
0x2c6: {  	v42 =	vand.u32 $0xFFFFFFF7, v57;
	v3 =	vadd.f32 v40, v3;
	v38 =	vadd.f32 v59, v38  }
0x2c7: {  	v58 =	vbroadcast v42, $0x0;
	v55 =	vand.u32 $0x7FFFFFFF, v52;
	v2 =	vand.u32 $0x7FFFFFFF, v2  }
0x2c8: {  	v56 =	vand.u32 $0x7FFFFFFF, v53;
	v2 =	vadd.f32 v2, v55;
	v38 =	vand.u32 $0x7FFFFFFF, v38  }
0x2c9: {  	v5 =	vadd.f32 v54, v5;
	v38 =	vadd.f32 v38, v56  }
0x2ca: {  	v2 =	vadd.f32 v2, v3  }
0x2cb: {  	v3 =	vadd.f32 v38, v5  }
0x2cc: {  	[tilespmem:$0x18860] =	vst v2  }
0x2cd: {  	s0 =	sshll.u32 s2, $0x7;
	[tilespmem:$0x18960] =	vst v3  }
0x2ce: {  	s2 =	sand.u32 $0x3FFFFB80, s0;
	v2 =	vld.idx.msk [tilespmem:v58+s21+$0x0], $0xffff  }
0x2cf: {  	v38 =	vld [tilespmem:s2+$0x640]  }
0x2d0: {  	v39 =	vld [tilespmem:s30+$0x8980]  }
0x2d1: {  	v41 =	vld [tilespmem:s30+$0x89C0]  }
0x2d2: {  	v43 =	vld [tilespmem:s30+$0x8D80]  }
0x2d3: {  	v44 =	vld [tilespmem:s30+$0x10980]  }
0x2d4: {  	v45 =	vld [tilespmem:s30+$0x10D80]  }
0x2d5: {  	v46 =	vld [tilespmem:s2+$0x610]  }
0x2d6: {  	v47 =	vld [tilespmem:s2+$0x650]  }
0x2d7: {  	v48 =	vld [tilespmem:s30+$0x8990]  }
0x2d8: {  	v50 =	vld [tilespmem:s30+$0x89D0]  }
0x2d9: {  	v52 =	vld [tilespmem:s30+$0x8D90]  }
0x2da: {  	v53 =	vld [tilespmem:s30+$0x10990]  }
0x2db: {  	v54 =	vld [tilespmem:s30+$0x10D90]  }
0x2dc: {  	v55 =	vld [tilespmem:s2+$0x620]  }
0x2dd: {  	v56 =	vld [tilespmem:s2+$0x660]  }
0x2de: {  	v57 =	vld [tilespmem:s30+$0x89A0]  }
0x2df: {  	v3 =	vadd.s32 v1, v2;
	v59 =	vadd.s32 v19, v2;
	v38 =	vmul.f32 v41, v38;
	v41 =	vld [tilespmem:s30+$0x89F0]  }
0x2e0: {  	v61 =	vadd.s32 v20, v2;
	v60 =	vand.u32 $0xFFFFFF80, v59;
	v40 =	vand.u32 $0x7F, v59;
	v59 =	vld [tilespmem:s30+$0x89E0]  }
0x2e1: {  	v2 =	vadd.s32 v21, v2;
	v62 =	vand.u32 $0xFFFFFF80, v61;
	v49 =	vand.u32 $0x7F, v61;
	v61 =	vld [tilespmem:s30+$0x109E0]  }
0x2e2: {  	v5 =	vand.u32 $0xFFFFFF80, v3;
	v3 =	vand.u32 $0x7F, v3;
	v42 =	vadd.s32 s0, v60;
	v60 =	vld [tilespmem:s30+$0x8DA0]  }
0x2e3: {  	v63 =	vand.u32 $0xFFFFFF80, v2;
	v5 =	vadd.s32 s0, v5;
	v51 =	vadd.s32 s0, v62;
	v62 =	vld [tilespmem:s2+$0x630]  }
0x2e4: {  	v58 =	vadd.s32 s0, v63;
	v63 =	vld [tilespmem:s2+$0x670];
	v3 =	vor.u32 v3, v5  }
0x2e5: {  	v5 =	vld [tilespmem:s2+$0x600];
	v40 =	vor.u32 v40, v42  }
0x2e6: {  	v42 =	vld [tilespmem:s30+$0x109C0];
	v49 =	vor.u32 v49, v51  }
0x2e7: {  	v2 =	vand.u32 $0x7F, v2;
	v51 =	vld [tilespmem:s30+$0x109D0]  }
0x2e8: {  	v2 =	vor.u32 v2, v58;
	v58 =	vld [tilespmem:s30+$0x109A0]  }
0x2e9: {  	v3 =	vld.idx.msk [tilespmem:v3+s16+$0x0], $0xffff  }
0x2ea: {  	v40 =	vld.idx.msk [tilespmem:v40+s16+$0x0], $0xffff  }
0x2eb: {  	v49 =	vld.idx.msk [tilespmem:v49+s16+$0x0], $0xffff  }
0x2ec: {  	v48 =	vmul.f32 v48, v46;
	v5 =	vmul.f32 v39, v5;
	v39 =	vld [tilespmem:s30+$0x89B0]  }
0x2ed: {  	v50 =	vmul.f32 v50, v47;
	v55 =	vmul.f32 v57, v55;
	v2 =	vld.idx.msk [tilespmem:v2+s16+$0x0], $0xffff  }
0x2ee: {  	v5 =	vadd.f32 v38, v5;
	v38 =	vadd.f32 v42, v44;
	v44 =	vld [tilespmem:s30+$0x8DB0];
	v3 =	vmul.f32 v43, v3  }
0x2ef: {  	v42 =	vadd.f32 v50, v48;
	v40 =	vmul.f32 v52, v40;
	v43 =	vld [tilespmem:s30+$0x109F0];
	v52 =	vadd.f32 v51, v53  }
0x2f0: {  	v57 =	vmul.f32 v59, v56;
	v3 =	vadd.f32 v3, v5;
	v5 =	vadd.f32 v45, v38;
	v38 =	vld [tilespmem:s30+$0x109B0]  }
0x2f1: {  	v41 =	vmul.f32 v41, v63;
	v63 =	vadd.f32 v61, v58;
	v53 =	vld [tilespmem:s30+$0x10DA0];
	v39 =	vmul.f32 v39, v62  }
0x2f2: {  	s1 =	sor.u32 $0x8, s29;
	v59 =	vld [tilespmem:s30+$0x10DB0];
	v62 =	vmul.f32 v60, v49;
	v40 =	vadd.f32 v40, v42;
	v45 =	vadd.f32 v54, v52  }
0x2f3: {  	s31 =	sor.u32 s26, s1;
	v42 =	vadd.f32 v57, v55;
	v39 =	vadd.f32 v41, v39;
	v2 =	vmul.f32 v44, v2  }
0x2f4: {  	v57 =	vmov s31;
	v3 =	vand.u32 $0x7FFFFFFF, v3;
	v5 =	vand.u32 $0x7FFFFFFF, v5  }
0x2f5: {  	v40 =	vand.u32 $0x7FFFFFFF, v40;
	v52 =	vadd.f32 v62, v42;
	v38 =	vadd.f32 v43, v38  }
0x2f6: {  	v54 =	vand.u32 $0x7FFFFFFF, v45;
	v2 =	vadd.f32 v2, v39;
	v53 =	vadd.f32 v53, v63  }
0x2f7: {  	v42 =	vand.u32 $0xFFFFFFF8, v57;
	v3 =	vadd.f32 v40, v3;
	v38 =	vadd.f32 v59, v38  }
0x2f8: {  	v58 =	vbroadcast v42, $0x0;
	v55 =	vand.u32 $0x7FFFFFFF, v52;
	v2 =	vand.u32 $0x7FFFFFFF, v2  }
0x2f9: {  	v56 =	vand.u32 $0x7FFFFFFF, v53;
	v2 =	vadd.f32 v2, v55;
	v38 =	vand.u32 $0x7FFFFFFF, v38  }
0x2fa: {  	v5 =	vadd.f32 v54, v5;
	v38 =	vadd.f32 v38, v56  }
0x2fb: {  	v2 =	vadd.f32 v2, v3  }
0x2fc: {  	v3 =	vadd.f32 v38, v5  }
0x2fd: {  	[tilespmem:$0x18870] =	vst v2  }
0x2fe: {  	s31 =	sshll.u32 s1, $0x7;
	[tilespmem:$0x18970] =	vst v3  }
0x2ff: {  	s2 =	sand.u32 $0x3FFFFC00, s31;
	v2 =	vld.idx.msk [tilespmem:v58+s21+$0x0], $0xffff  }
0x300: {  	s1 =	sshll.u32 s1, $0x8;
	v38 =	vld [tilespmem:s2+$0x640]  }
0x301: {  	v39 =	vld [tilespmem:s1+$0x8600]  }
0x302: {  	v41 =	vld [tilespmem:s1+$0x8640]  }
0x303: {  	v43 =	vld [tilespmem:s1+$0x8A00]  }
0x304: {  	v44 =	vld [tilespmem:s1+$0x10600]  }
0x305: {  	v45 =	vld [tilespmem:s1+$0x10A00]  }
0x306: {  	v46 =	vld [tilespmem:s2+$0x610]  }
0x307: {  	v47 =	vld [tilespmem:s2+$0x650]  }
0x308: {  	v48 =	vld [tilespmem:s1+$0x8610]  }
0x309: {  	v50 =	vld [tilespmem:s1+$0x8650]  }
0x30a: {  	v52 =	vld [tilespmem:s1+$0x8A10]  }
0x30b: {  	v53 =	vld [tilespmem:s1+$0x10610]  }
0x30c: {  	v54 =	vld [tilespmem:s1+$0x10A10]  }
0x30d: {  	v55 =	vld [tilespmem:s2+$0x620]  }
0x30e: {  	v56 =	vld [tilespmem:s2+$0x660]  }
0x30f: {  	v57 =	vld [tilespmem:s1+$0x8620]  }
0x310: {  	v3 =	vadd.s32 v1, v2;
	v59 =	vadd.s32 v19, v2;
	v38 =	vmul.f32 v41, v38;
	v41 =	vld [tilespmem:s1+$0x8670]  }
0x311: {  	v61 =	vadd.s32 v20, v2;
	v60 =	vand.u32 $0xFFFFFF80, v59;
	v40 =	vand.u32 $0x7F, v59;
	v59 =	vld [tilespmem:s1+$0x8660]  }
0x312: {  	v2 =	vadd.s32 v21, v2;
	v62 =	vand.u32 $0xFFFFFF80, v61;
	v49 =	vand.u32 $0x7F, v61;
	v61 =	vld [tilespmem:s1+$0x10660]  }
0x313: {  	v5 =	vand.u32 $0xFFFFFF80, v3;
	v3 =	vand.u32 $0x7F, v3;
	v42 =	vadd.s32 s31, v60;
	v60 =	vld [tilespmem:s1+$0x8A20]  }
0x314: {  	v63 =	vand.u32 $0xFFFFFF80, v2;
	v5 =	vadd.s32 s31, v5;
	v51 =	vadd.s32 s31, v62;
	v62 =	vld [tilespmem:s2+$0x630]  }
0x315: {  	v58 =	vadd.s32 s31, v63;
	v63 =	vld [tilespmem:s2+$0x670];
	v3 =	vor.u32 v3, v5  }
0x316: {  	v5 =	vld [tilespmem:s2+$0x600];
	v40 =	vor.u32 v40, v42  }
0x317: {  	v42 =	vld [tilespmem:s1+$0x10640];
	v49 =	vor.u32 v49, v51  }
0x318: {  	v2 =	vand.u32 $0x7F, v2;
	v51 =	vld [tilespmem:s1+$0x10650]  }
0x319: {  	v2 =	vor.u32 v2, v58;
	v58 =	vld [tilespmem:s1+$0x10620]  }
0x31a: {  	v3 =	vld.idx.msk [tilespmem:v3+s16+$0x0], $0xffff  }
0x31b: {  	v40 =	vld.idx.msk [tilespmem:v40+s16+$0x0], $0xffff  }
0x31c: {  	v49 =	vld.idx.msk [tilespmem:v49+s16+$0x0], $0xffff  }
0x31d: {  	v48 =	vmul.f32 v48, v46;
	v5 =	vmul.f32 v39, v5;
	v39 =	vld [tilespmem:s1+$0x8630]  }
0x31e: {  	v50 =	vmul.f32 v50, v47;
	v55 =	vmul.f32 v57, v55;
	v2 =	vld.idx.msk [tilespmem:v2+s16+$0x0], $0xffff  }
0x31f: {  	v5 =	vadd.f32 v38, v5;
	v38 =	vadd.f32 v42, v44;
	v44 =	vld [tilespmem:s1+$0x8A30];
	v3 =	vmul.f32 v43, v3  }
0x320: {  	v42 =	vadd.f32 v50, v48;
	v40 =	vmul.f32 v52, v40;
	v43 =	vld [tilespmem:s1+$0x10670];
	v52 =	vadd.f32 v51, v53  }
0x321: {  	v57 =	vmul.f32 v59, v56;
	v3 =	vadd.f32 v3, v5;
	v5 =	vadd.f32 v45, v38;
	v38 =	vld [tilespmem:s1+$0x10630]  }
0x322: {  	v41 =	vmul.f32 v41, v63;
	v63 =	vadd.f32 v61, v58;
	v53 =	vld [tilespmem:s1+$0x10A20];
	v39 =	vmul.f32 v39, v62  }
0x323: {  	s30 =	sor.u32 $0x9, s29;
	v59 =	vld [tilespmem:s1+$0x10A30];
	v62 =	vmul.f32 v60, v49;
	v40 =	vadd.f32 v40, v42;
	v45 =	vadd.f32 v54, v52  }
0x324: {  	s31 =	sor.u32 s26, s30;
	v42 =	vadd.f32 v57, v55;
	v39 =	vadd.f32 v41, v39;
	v2 =	vmul.f32 v44, v2  }
0x325: {  	v57 =	vmov s31;
	v3 =	vand.u32 $0x7FFFFFFF, v3;
	v5 =	vand.u32 $0x7FFFFFFF, v5  }
0x326: {  	v40 =	vand.u32 $0x7FFFFFFF, v40;
	v52 =	vadd.f32 v62, v42;
	v38 =	vadd.f32 v43, v38  }
0x327: {  	v54 =	vand.u32 $0x7FFFFFFF, v45;
	v2 =	vadd.f32 v2, v39;
	v53 =	vadd.f32 v53, v63  }
0x328: {  	v42 =	vand.u32 $0xFFFFFFF9, v57;
	v3 =	vadd.f32 v40, v3;
	v38 =	vadd.f32 v59, v38  }
0x329: {  	v58 =	vbroadcast v42, $0x0;
	v55 =	vand.u32 $0x7FFFFFFF, v52;
	v2 =	vand.u32 $0x7FFFFFFF, v2  }
0x32a: {  	v56 =	vand.u32 $0x7FFFFFFF, v53;
	v2 =	vadd.f32 v2, v55;
	v38 =	vand.u32 $0x7FFFFFFF, v38  }
0x32b: {  	v5 =	vadd.f32 v54, v5;
	v38 =	vadd.f32 v38, v56  }
0x32c: {  	v2 =	vadd.f32 v2, v3  }
0x32d: {  	v3 =	vadd.f32 v38, v5  }
0x32e: {  	[tilespmem:$0x18880] =	vst v2  }
0x32f: {  	s2 =	sshll.u32 s30, $0x7;
	[tilespmem:$0x18980] =	vst v3  }
0x330: {  	s0 =	sshll.u32 s30, $0x8;
	s31 =	sand.u32 $0x3FFFFC80, s2;
	v2 =	vld.idx.msk [tilespmem:v58+s21+$0x0], $0xffff  }
0x331: {  	s1 =	sand.u32 $0x7800, s0;
	v38 =	vld [tilespmem:s31+$0x640]  }
0x332: {  	v39 =	vld [tilespmem:s1+$0x8680]  }
0x333: {  	v41 =	vld [tilespmem:s1+$0x86C0]  }
0x334: {  	v43 =	vld [tilespmem:s1+$0x8A80]  }
0x335: {  	v44 =	vld [tilespmem:s1+$0x10680]  }
0x336: {  	v45 =	vld [tilespmem:s1+$0x10A80]  }
0x337: {  	v46 =	vld [tilespmem:s31+$0x610]  }
0x338: {  	v47 =	vld [tilespmem:s31+$0x650]  }
0x339: {  	v48 =	vld [tilespmem:s1+$0x8690]  }
0x33a: {  	v50 =	vld [tilespmem:s1+$0x86D0]  }
0x33b: {  	v52 =	vld [tilespmem:s1+$0x8A90]  }
0x33c: {  	v53 =	vld [tilespmem:s1+$0x10690]  }
0x33d: {  	v54 =	vld [tilespmem:s1+$0x10A90]  }
0x33e: {  	v55 =	vld [tilespmem:s31+$0x620]  }
0x33f: {  	v56 =	vld [tilespmem:s31+$0x660]  }
0x340: {  	v57 =	vld [tilespmem:s1+$0x86A0]  }
0x341: {  	v3 =	vadd.s32 v1, v2;
	v59 =	vadd.s32 v19, v2;
	v38 =	vmul.f32 v41, v38;
	v41 =	vld [tilespmem:s1+$0x86F0]  }
0x342: {  	v61 =	vadd.s32 v20, v2;
	v60 =	vand.u32 $0xFFFFFF80, v59;
	v40 =	vand.u32 $0x7F, v59;
	v59 =	vld [tilespmem:s1+$0x86E0]  }
0x343: {  	v2 =	vadd.s32 v21, v2;
	v62 =	vand.u32 $0xFFFFFF80, v61;
	v49 =	vand.u32 $0x7F, v61;
	v61 =	vld [tilespmem:s1+$0x106E0]  }
0x344: {  	v5 =	vand.u32 $0xFFFFFF80, v3;
	v3 =	vand.u32 $0x7F, v3;
	v42 =	vadd.s32 s2, v60;
	v60 =	vld [tilespmem:s1+$0x8AA0]  }
0x345: {  	v63 =	vand.u32 $0xFFFFFF80, v2;
	v5 =	vadd.s32 s2, v5;
	v51 =	vadd.s32 s2, v62;
	v62 =	vld [tilespmem:s31+$0x630]  }
0x346: {  	v58 =	vadd.s32 s2, v63;
	v63 =	vld [tilespmem:s31+$0x670];
	v3 =	vor.u32 v3, v5  }
0x347: {  	v5 =	vld [tilespmem:s31+$0x600];
	v40 =	vor.u32 v40, v42  }
0x348: {  	v42 =	vld [tilespmem:s1+$0x106C0];
	v49 =	vor.u32 v49, v51  }
0x349: {  	v2 =	vand.u32 $0x7F, v2;
	v51 =	vld [tilespmem:s1+$0x106D0]  }
0x34a: {  	v2 =	vor.u32 v2, v58;
	v58 =	vld [tilespmem:s1+$0x106A0]  }
0x34b: {  	v3 =	vld.idx.msk [tilespmem:v3+s16+$0x0], $0xffff  }
0x34c: {  	v40 =	vld.idx.msk [tilespmem:v40+s16+$0x0], $0xffff  }
0x34d: {  	v49 =	vld.idx.msk [tilespmem:v49+s16+$0x0], $0xffff  }
0x34e: {  	v48 =	vmul.f32 v48, v46;
	v5 =	vmul.f32 v39, v5;
	v39 =	vld [tilespmem:s1+$0x86B0]  }
0x34f: {  	v50 =	vmul.f32 v50, v47;
	v55 =	vmul.f32 v57, v55;
	v2 =	vld.idx.msk [tilespmem:v2+s16+$0x0], $0xffff  }
0x350: {  	v5 =	vadd.f32 v38, v5;
	v38 =	vadd.f32 v42, v44;
	v44 =	vld [tilespmem:s1+$0x8AB0];
	v3 =	vmul.f32 v43, v3  }
0x351: {  	v42 =	vadd.f32 v50, v48;
	v40 =	vmul.f32 v52, v40;
	v43 =	vld [tilespmem:s1+$0x106F0];
	v52 =	vadd.f32 v51, v53  }
0x352: {  	v57 =	vmul.f32 v59, v56;
	v3 =	vadd.f32 v3, v5;
	v5 =	vadd.f32 v45, v38;
	v38 =	vld [tilespmem:s1+$0x106B0]  }
0x353: {  	v41 =	vmul.f32 v41, v63;
	v63 =	vadd.f32 v61, v58;
	v53 =	vld [tilespmem:s1+$0x10AA0];
	v39 =	vmul.f32 v39, v62  }
0x354: {  	s30 =	sor.u32 $0xA, s29;
	v59 =	vld [tilespmem:s1+$0x10AB0];
	v62 =	vmul.f32 v60, v49;
	v40 =	vadd.f32 v40, v42;
	v45 =	vadd.f32 v54, v52  }
0x355: {  	s31 =	sor.u32 s26, s30;
	v42 =	vadd.f32 v57, v55;
	v39 =	vadd.f32 v41, v39;
	v2 =	vmul.f32 v44, v2  }
0x356: {  	v57 =	vmov s31;
	v3 =	vand.u32 $0x7FFFFFFF, v3;
	v5 =	vand.u32 $0x7FFFFFFF, v5  }
0x357: {  	v40 =	vand.u32 $0x7FFFFFFF, v40;
	v52 =	vadd.f32 v62, v42;
	v38 =	vadd.f32 v43, v38  }
0x358: {  	v54 =	vand.u32 $0x7FFFFFFF, v45;
	v2 =	vadd.f32 v2, v39;
	v53 =	vadd.f32 v53, v63  }
0x359: {  	v42 =	vand.u32 $0xFFFFFFFA, v57;
	v3 =	vadd.f32 v40, v3;
	v38 =	vadd.f32 v59, v38  }
0x35a: {  	v58 =	vbroadcast v42, $0x0;
	v55 =	vand.u32 $0x7FFFFFFF, v52;
	v2 =	vand.u32 $0x7FFFFFFF, v2  }
0x35b: {  	v56 =	vand.u32 $0x7FFFFFFF, v53;
	v2 =	vadd.f32 v2, v55;
	v38 =	vand.u32 $0x7FFFFFFF, v38  }
0x35c: {  	v5 =	vadd.f32 v54, v5;
	v38 =	vadd.f32 v38, v56  }
0x35d: {  	v2 =	vadd.f32 v2, v3  }
0x35e: {  	v3 =	vadd.f32 v38, v5  }
0x35f: {  	[tilespmem:$0x18890] =	vst v2  }
0x360: {  	s2 =	sshll.u32 s30, $0x7;
	[tilespmem:$0x18990] =	vst v3  }
0x361: {  	s0 =	sshll.u32 s30, $0x8;
	s31 =	sand.u32 $0x3FFFFD00, s2;
	v2 =	vld.idx.msk [tilespmem:v58+s21+$0x0], $0xffff  }
0x362: {  	s1 =	sand.u32 $0x7800, s0;
	v38 =	vld [tilespmem:s31+$0x640]  }
0x363: {  	v39 =	vld [tilespmem:s1+$0x8700]  }
0x364: {  	v41 =	vld [tilespmem:s1+$0x8740]  }
0x365: {  	v43 =	vld [tilespmem:s1+$0x8B00]  }
0x366: {  	v44 =	vld [tilespmem:s1+$0x10700]  }
0x367: {  	v45 =	vld [tilespmem:s1+$0x10B00]  }
0x368: {  	v46 =	vld [tilespmem:s31+$0x610]  }
0x369: {  	v47 =	vld [tilespmem:s31+$0x650]  }
0x36a: {  	v48 =	vld [tilespmem:s1+$0x8710]  }
0x36b: {  	v50 =	vld [tilespmem:s1+$0x8750]  }
0x36c: {  	v52 =	vld [tilespmem:s1+$0x8B10]  }
0x36d: {  	v53 =	vld [tilespmem:s1+$0x10710]  }
0x36e: {  	v54 =	vld [tilespmem:s1+$0x10B10]  }
0x36f: {  	v55 =	vld [tilespmem:s31+$0x620]  }
0x370: {  	v56 =	vld [tilespmem:s31+$0x660]  }
0x371: {  	v57 =	vld [tilespmem:s1+$0x8720]  }
0x372: {  	v3 =	vadd.s32 v1, v2;
	v59 =	vadd.s32 v19, v2;
	v38 =	vmul.f32 v41, v38;
	v41 =	vld [tilespmem:s1+$0x8770]  }
0x373: {  	v61 =	vadd.s32 v20, v2;
	v60 =	vand.u32 $0xFFFFFF80, v59;
	v40 =	vand.u32 $0x7F, v59;
	v59 =	vld [tilespmem:s1+$0x8760]  }
0x374: {  	v2 =	vadd.s32 v21, v2;
	v62 =	vand.u32 $0xFFFFFF80, v61;
	v49 =	vand.u32 $0x7F, v61;
	v61 =	vld [tilespmem:s1+$0x10760]  }
0x375: {  	v5 =	vand.u32 $0xFFFFFF80, v3;
	v3 =	vand.u32 $0x7F, v3;
	v42 =	vadd.s32 s2, v60;
	v60 =	vld [tilespmem:s1+$0x8B20]  }
0x376: {  	v63 =	vand.u32 $0xFFFFFF80, v2;
	v5 =	vadd.s32 s2, v5;
	v51 =	vadd.s32 s2, v62;
	v62 =	vld [tilespmem:s31+$0x630]  }
0x377: {  	v58 =	vadd.s32 s2, v63;
	v63 =	vld [tilespmem:s31+$0x670];
	v3 =	vor.u32 v3, v5  }
0x378: {  	v5 =	vld [tilespmem:s31+$0x600];
	v40 =	vor.u32 v40, v42  }
0x379: {  	v42 =	vld [tilespmem:s1+$0x10740];
	v49 =	vor.u32 v49, v51  }
0x37a: {  	v2 =	vand.u32 $0x7F, v2;
	v51 =	vld [tilespmem:s1+$0x10750]  }
0x37b: {  	v2 =	vor.u32 v2, v58;
	v58 =	vld [tilespmem:s1+$0x10720]  }
0x37c: {  	v3 =	vld.idx.msk [tilespmem:v3+s16+$0x0], $0xffff  }
0x37d: {  	v40 =	vld.idx.msk [tilespmem:v40+s16+$0x0], $0xffff  }
0x37e: {  	v49 =	vld.idx.msk [tilespmem:v49+s16+$0x0], $0xffff  }
0x37f: {  	v48 =	vmul.f32 v48, v46;
	v5 =	vmul.f32 v39, v5;
	v39 =	vld [tilespmem:s1+$0x8730]  }
0x380: {  	v50 =	vmul.f32 v50, v47;
	v55 =	vmul.f32 v57, v55;
	v2 =	vld.idx.msk [tilespmem:v2+s16+$0x0], $0xffff  }
0x381: {  	v5 =	vadd.f32 v38, v5;
	v38 =	vadd.f32 v42, v44;
	v44 =	vld [tilespmem:s1+$0x8B30];
	v3 =	vmul.f32 v43, v3  }
0x382: {  	v42 =	vadd.f32 v50, v48;
	v40 =	vmul.f32 v52, v40;
	v43 =	vld [tilespmem:s1+$0x10770];
	v52 =	vadd.f32 v51, v53  }
0x383: {  	v57 =	vmul.f32 v59, v56;
	v3 =	vadd.f32 v3, v5;
	v5 =	vadd.f32 v45, v38;
	v38 =	vld [tilespmem:s1+$0x10730]  }
0x384: {  	v41 =	vmul.f32 v41, v63;
	v63 =	vadd.f32 v61, v58;
	v53 =	vld [tilespmem:s1+$0x10B20];
	v39 =	vmul.f32 v39, v62  }
0x385: {  	s30 =	sor.u32 $0xB, s29;
	v59 =	vld [tilespmem:s1+$0x10B30];
	v62 =	vmul.f32 v60, v49;
	v40 =	vadd.f32 v40, v42;
	v45 =	vadd.f32 v54, v52  }
0x386: {  	s31 =	sor.u32 s26, s30;
	v42 =	vadd.f32 v57, v55;
	v39 =	vadd.f32 v41, v39;
	v2 =	vmul.f32 v44, v2  }
0x387: {  	v57 =	vmov s31;
	v3 =	vand.u32 $0x7FFFFFFF, v3;
	v5 =	vand.u32 $0x7FFFFFFF, v5  }
0x388: {  	v40 =	vand.u32 $0x7FFFFFFF, v40;
	v52 =	vadd.f32 v62, v42;
	v38 =	vadd.f32 v43, v38  }
0x389: {  	v54 =	vand.u32 $0x7FFFFFFF, v45;
	v2 =	vadd.f32 v2, v39;
	v53 =	vadd.f32 v53, v63  }
0x38a: {  	v42 =	vand.u32 $0xFFFFFFFB, v57;
	v3 =	vadd.f32 v40, v3;
	v38 =	vadd.f32 v59, v38  }
0x38b: {  	v58 =	vbroadcast v42, $0x0;
	v55 =	vand.u32 $0x7FFFFFFF, v52;
	v2 =	vand.u32 $0x7FFFFFFF, v2  }
0x38c: {  	v56 =	vand.u32 $0x7FFFFFFF, v53;
	v2 =	vadd.f32 v2, v55;
	v38 =	vand.u32 $0x7FFFFFFF, v38  }
0x38d: {  	v5 =	vadd.f32 v54, v5;
	v38 =	vadd.f32 v38, v56  }
0x38e: {  	v2 =	vadd.f32 v2, v3  }
0x38f: {  	v3 =	vadd.f32 v38, v5  }
0x390: {  	[tilespmem:$0x188A0] =	vst v2  }
0x391: {  	s2 =	sshll.u32 s30, $0x7;
	[tilespmem:$0x189A0] =	vst v3  }
0x392: {  	s0 =	sshll.u32 s30, $0x8;
	s31 =	sand.u32 $0x3FFFFD80, s2;
	v2 =	vld.idx.msk [tilespmem:v58+s21+$0x0], $0xffff  }
0x393: {  	s1 =	sand.u32 $0x7800, s0;
	v38 =	vld [tilespmem:s31+$0x640]  }
0x394: {  	v39 =	vld [tilespmem:s1+$0x8780]  }
0x395: {  	v41 =	vld [tilespmem:s1+$0x87C0]  }
0x396: {  	v43 =	vld [tilespmem:s1+$0x8B80]  }
0x397: {  	v44 =	vld [tilespmem:s1+$0x10780]  }
0x398: {  	v45 =	vld [tilespmem:s1+$0x10B80]  }
0x399: {  	v46 =	vld [tilespmem:s31+$0x610]  }
0x39a: {  	v47 =	vld [tilespmem:s31+$0x650]  }
0x39b: {  	v48 =	vld [tilespmem:s1+$0x8790]  }
0x39c: {  	v50 =	vld [tilespmem:s1+$0x87D0]  }
0x39d: {  	v52 =	vld [tilespmem:s1+$0x8B90]  }
0x39e: {  	v53 =	vld [tilespmem:s1+$0x10790]  }
0x39f: {  	v54 =	vld [tilespmem:s1+$0x10B90]  }
0x3a0: {  	v55 =	vld [tilespmem:s31+$0x620]  }
0x3a1: {  	v56 =	vld [tilespmem:s31+$0x660]  }
0x3a2: {  	v57 =	vld [tilespmem:s1+$0x87A0]  }
0x3a3: {  	v3 =	vadd.s32 v1, v2;
	v59 =	vadd.s32 v19, v2;
	v38 =	vmul.f32 v41, v38;
	v41 =	vld [tilespmem:s1+$0x87F0]  }
0x3a4: {  	v61 =	vadd.s32 v20, v2;
	v60 =	vand.u32 $0xFFFFFF80, v59;
	v40 =	vand.u32 $0x7F, v59;
	v59 =	vld [tilespmem:s1+$0x87E0]  }
0x3a5: {  	v2 =	vadd.s32 v21, v2;
	v62 =	vand.u32 $0xFFFFFF80, v61;
	v49 =	vand.u32 $0x7F, v61;
	v61 =	vld [tilespmem:s1+$0x107E0]  }
0x3a6: {  	v5 =	vand.u32 $0xFFFFFF80, v3;
	v3 =	vand.u32 $0x7F, v3;
	v42 =	vadd.s32 s2, v60;
	v60 =	vld [tilespmem:s1+$0x8BA0]  }
0x3a7: {  	v63 =	vand.u32 $0xFFFFFF80, v2;
	v5 =	vadd.s32 s2, v5;
	v51 =	vadd.s32 s2, v62;
	v62 =	vld [tilespmem:s31+$0x630]  }
0x3a8: {  	v58 =	vadd.s32 s2, v63;
	v63 =	vld [tilespmem:s31+$0x670];
	v3 =	vor.u32 v3, v5  }
0x3a9: {  	v5 =	vld [tilespmem:s31+$0x600];
	v40 =	vor.u32 v40, v42  }
0x3aa: {  	v42 =	vld [tilespmem:s1+$0x107C0];
	v49 =	vor.u32 v49, v51  }
0x3ab: {  	v2 =	vand.u32 $0x7F, v2;
	v51 =	vld [tilespmem:s1+$0x107D0]  }
0x3ac: {  	v2 =	vor.u32 v2, v58;
	v58 =	vld [tilespmem:s1+$0x107A0]  }
0x3ad: {  	v3 =	vld.idx.msk [tilespmem:v3+s16+$0x0], $0xffff  }
0x3ae: {  	v40 =	vld.idx.msk [tilespmem:v40+s16+$0x0], $0xffff  }
0x3af: {  	v49 =	vld.idx.msk [tilespmem:v49+s16+$0x0], $0xffff  }
0x3b0: {  	v48 =	vmul.f32 v48, v46;
	v5 =	vmul.f32 v39, v5;
	v39 =	vld [tilespmem:s1+$0x87B0]  }
0x3b1: {  	v50 =	vmul.f32 v50, v47;
	v55 =	vmul.f32 v57, v55;
	v2 =	vld.idx.msk [tilespmem:v2+s16+$0x0], $0xffff  }
0x3b2: {  	v5 =	vadd.f32 v38, v5;
	v38 =	vadd.f32 v42, v44;
	v44 =	vld [tilespmem:s1+$0x8BB0];
	v3 =	vmul.f32 v43, v3  }
0x3b3: {  	v42 =	vadd.f32 v50, v48;
	v40 =	vmul.f32 v52, v40;
	v43 =	vld [tilespmem:s1+$0x107F0];
	v52 =	vadd.f32 v51, v53  }
0x3b4: {  	v57 =	vmul.f32 v59, v56;
	v3 =	vadd.f32 v3, v5;
	v5 =	vadd.f32 v45, v38;
	v38 =	vld [tilespmem:s1+$0x107B0]  }
0x3b5: {  	v41 =	vmul.f32 v41, v63;
	v63 =	vadd.f32 v61, v58;
	v53 =	vld [tilespmem:s1+$0x10BA0];
	v39 =	vmul.f32 v39, v62  }
0x3b6: {  	s30 =	sor.u32 $0xC, s29;
	v59 =	vld [tilespmem:s1+$0x10BB0];
	v62 =	vmul.f32 v60, v49;
	v40 =	vadd.f32 v40, v42;
	v45 =	vadd.f32 v54, v52  }
0x3b7: {  	s31 =	sor.u32 s26, s30;
	v42 =	vadd.f32 v57, v55;
	v39 =	vadd.f32 v41, v39;
	v2 =	vmul.f32 v44, v2  }
0x3b8: {  	v57 =	vmov s31;
	v3 =	vand.u32 $0x7FFFFFFF, v3;
	v5 =	vand.u32 $0x7FFFFFFF, v5  }
0x3b9: {  	v40 =	vand.u32 $0x7FFFFFFF, v40;
	v52 =	vadd.f32 v62, v42;
	v38 =	vadd.f32 v43, v38  }
0x3ba: {  	v54 =	vand.u32 $0x7FFFFFFF, v45;
	v2 =	vadd.f32 v2, v39;
	v53 =	vadd.f32 v53, v63  }
0x3bb: {  	v42 =	vand.u32 $0xFFFFFFFC, v57;
	v3 =	vadd.f32 v40, v3;
	v38 =	vadd.f32 v59, v38  }
0x3bc: {  	v58 =	vbroadcast v42, $0x0;
	v55 =	vand.u32 $0x7FFFFFFF, v52;
	v2 =	vand.u32 $0x7FFFFFFF, v2  }
0x3bd: {  	v56 =	vand.u32 $0x7FFFFFFF, v53;
	v2 =	vadd.f32 v2, v55;
	v38 =	vand.u32 $0x7FFFFFFF, v38  }
0x3be: {  	v5 =	vadd.f32 v54, v5;
	v38 =	vadd.f32 v38, v56  }
0x3bf: {  	v2 =	vadd.f32 v2, v3  }
0x3c0: {  	v3 =	vadd.f32 v38, v5  }
0x3c1: {  	[tilespmem:$0x188B0] =	vst v2  }
0x3c2: {  	s2 =	sshll.u32 s30, $0x7;
	[tilespmem:$0x189B0] =	vst v3  }
0x3c3: {  	s31 =	sand.u32 $0x3FFFFE00, s2;
	s1 =	sshll.u32 s30, $0x8;
	v2 =	vld.idx.msk [tilespmem:v58+s21+$0x0], $0xffff  }
0x3c4: {  	s0 =	sand.u32 $0x7800, s1;
	v38 =	vld [tilespmem:s31+$0x640]  }
0x3c5: {  	v39 =	vld [tilespmem:s0+$0x8800]  }
0x3c6: {  	v41 =	vld [tilespmem:s0+$0x8840]  }
0x3c7: {  	v43 =	vld [tilespmem:s1+$0x8800]  }
0x3c8: {  	v44 =	vld [tilespmem:s0+$0x10800]  }
0x3c9: {  	v45 =	vld [tilespmem:s1+$0x10800]  }
0x3ca: {  	v46 =	vld [tilespmem:s31+$0x610]  }
0x3cb: {  	v47 =	vld [tilespmem:s31+$0x650]  }
0x3cc: {  	v48 =	vld [tilespmem:s0+$0x8810]  }
0x3cd: {  	v50 =	vld [tilespmem:s0+$0x8850]  }
0x3ce: {  	v52 =	vld [tilespmem:s1+$0x8810]  }
0x3cf: {  	v53 =	vld [tilespmem:s0+$0x10810]  }
0x3d0: {  	v54 =	vld [tilespmem:s1+$0x10810]  }
0x3d1: {  	v55 =	vld [tilespmem:s31+$0x620]  }
0x3d2: {  	v56 =	vld [tilespmem:s31+$0x660]  }
0x3d3: {  	v57 =	vld [tilespmem:s0+$0x8820]  }
0x3d4: {  	v3 =	vadd.s32 v1, v2;
	v59 =	vadd.s32 v19, v2;
	v38 =	vmul.f32 v41, v38;
	v41 =	vld [tilespmem:s0+$0x8870]  }
0x3d5: {  	v61 =	vadd.s32 v20, v2;
	v60 =	vand.u32 $0xFFFFFF80, v59;
	v40 =	vand.u32 $0x7F, v59;
	v59 =	vld [tilespmem:s0+$0x8860]  }
0x3d6: {  	v2 =	vadd.s32 v21, v2;
	v62 =	vand.u32 $0xFFFFFF80, v61;
	v49 =	vand.u32 $0x7F, v61;
	v61 =	vld [tilespmem:s0+$0x10860]  }
0x3d7: {  	v5 =	vand.u32 $0xFFFFFF80, v3;
	v3 =	vand.u32 $0x7F, v3;
	v42 =	vadd.s32 s2, v60;
	v60 =	vld [tilespmem:s1+$0x8820]  }
0x3d8: {  	v63 =	vand.u32 $0xFFFFFF80, v2;
	v5 =	vadd.s32 s2, v5;
	v51 =	vadd.s32 s2, v62;
	v62 =	vld [tilespmem:s31+$0x630]  }
0x3d9: {  	v58 =	vadd.s32 s2, v63;
	v63 =	vld [tilespmem:s31+$0x670];
	v3 =	vor.u32 v3, v5  }
0x3da: {  	v5 =	vld [tilespmem:s31+$0x600];
	v40 =	vor.u32 v40, v42  }
0x3db: {  	v42 =	vld [tilespmem:s0+$0x10840];
	v49 =	vor.u32 v49, v51  }
0x3dc: {  	v2 =	vand.u32 $0x7F, v2;
	v51 =	vld [tilespmem:s0+$0x10850]  }
0x3dd: {  	v2 =	vor.u32 v2, v58;
	v58 =	vld [tilespmem:s0+$0x10820]  }
0x3de: {  	v3 =	vld.idx.msk [tilespmem:v3+s16+$0x0], $0xffff  }
0x3df: {  	v40 =	vld.idx.msk [tilespmem:v40+s16+$0x0], $0xffff  }
0x3e0: {  	v49 =	vld.idx.msk [tilespmem:v49+s16+$0x0], $0xffff  }
0x3e1: {  	v48 =	vmul.f32 v48, v46;
	v5 =	vmul.f32 v39, v5;
	v39 =	vld [tilespmem:s0+$0x8830]  }
0x3e2: {  	v50 =	vmul.f32 v50, v47;
	v55 =	vmul.f32 v57, v55;
	v2 =	vld.idx.msk [tilespmem:v2+s16+$0x0], $0xffff  }
0x3e3: {  	v5 =	vadd.f32 v38, v5;
	v38 =	vadd.f32 v42, v44;
	v44 =	vld [tilespmem:s1+$0x8830];
	v3 =	vmul.f32 v43, v3  }
0x3e4: {  	v42 =	vadd.f32 v50, v48;
	v40 =	vmul.f32 v52, v40;
	v43 =	vld [tilespmem:s0+$0x10870];
	v52 =	vadd.f32 v51, v53  }
0x3e5: {  	v57 =	vmul.f32 v59, v56;
	v3 =	vadd.f32 v3, v5;
	v5 =	vadd.f32 v45, v38;
	v38 =	vld [tilespmem:s0+$0x10830]  }
0x3e6: {  	v41 =	vmul.f32 v41, v63;
	v63 =	vadd.f32 v61, v58;
	v53 =	vld [tilespmem:s1+$0x10820];
	v39 =	vmul.f32 v39, v62  }
0x3e7: {  	s30 =	sor.u32 $0xD, s29;
	v59 =	vld [tilespmem:s1+$0x10830];
	v62 =	vmul.f32 v60, v49;
	v40 =	vadd.f32 v40, v42;
	v45 =	vadd.f32 v54, v52  }
0x3e8: {  	s31 =	sor.u32 s26, s30;
	v42 =	vadd.f32 v57, v55;
	v39 =	vadd.f32 v41, v39;
	v2 =	vmul.f32 v44, v2  }
0x3e9: {  	v57 =	vmov s31;
	v3 =	vand.u32 $0x7FFFFFFF, v3;
	v5 =	vand.u32 $0x7FFFFFFF, v5  }
0x3ea: {  	v40 =	vand.u32 $0x7FFFFFFF, v40;
	v52 =	vadd.f32 v62, v42;
	v38 =	vadd.f32 v43, v38  }
0x3eb: {  	v54 =	vand.u32 $0x7FFFFFFF, v45;
	v2 =	vadd.f32 v2, v39;
	v53 =	vadd.f32 v53, v63  }
0x3ec: {  	v42 =	vand.u32 $0xFFFFFFFD, v57;
	v3 =	vadd.f32 v40, v3;
	v38 =	vadd.f32 v59, v38  }
0x3ed: {  	v58 =	vbroadcast v42, $0x0;
	v55 =	vand.u32 $0x7FFFFFFF, v52;
	v2 =	vand.u32 $0x7FFFFFFF, v2  }
0x3ee: {  	v56 =	vand.u32 $0x7FFFFFFF, v53;
	v2 =	vadd.f32 v2, v55;
	v38 =	vand.u32 $0x7FFFFFFF, v38  }
0x3ef: {  	v5 =	vadd.f32 v54, v5;
	v38 =	vadd.f32 v38, v56  }
0x3f0: {  	v2 =	vadd.f32 v2, v3  }
0x3f1: {  	v3 =	vadd.f32 v38, v5  }
0x3f2: {  	[tilespmem:$0x188C0] =	vst v2  }
0x3f3: {  	s2 =	sshll.u32 s30, $0x7;
	[tilespmem:$0x189C0] =	vst v3  }
0x3f4: {  	s31 =	sand.u32 $0x3FFFFE80, s2;
	s0 =	sshll.u32 s30, $0x8;
	v2 =	vld.idx.msk [tilespmem:v58+s21+$0x0], $0xffff  }
0x3f5: {  	s1 =	sand.u32 $0x7800, s0;
	v38 =	vld [tilespmem:s31+$0x640]  }
0x3f6: {  	v39 =	vld [tilespmem:s1+$0x8880]  }
0x3f7: {  	v41 =	vld [tilespmem:s1+$0x88C0]  }
0x3f8: {  	v43 =	vld [tilespmem:s1+$0x8C80]  }
0x3f9: {  	v44 =	vld [tilespmem:s1+$0x10880]  }
0x3fa: {  	v45 =	vld [tilespmem:s1+$0x10C80]  }
0x3fb: {  	v46 =	vld [tilespmem:s31+$0x610]  }
0x3fc: {  	v47 =	vld [tilespmem:s31+$0x650]  }
0x3fd: {  	v48 =	vld [tilespmem:s1+$0x8890]  }
0x3fe: {  	v50 =	vld [tilespmem:s1+$0x88D0]  }
0x3ff: {  	v52 =	vld [tilespmem:s1+$0x8C90]  }
0x400: {  	v53 =	vld [tilespmem:s1+$0x10890]  }
0x401: {  	v54 =	vld [tilespmem:s1+$0x10C90]  }
0x402: {  	v55 =	vld [tilespmem:s31+$0x620]  }
0x403: {  	v56 =	vld [tilespmem:s31+$0x660]  }
0x404: {  	v57 =	vld [tilespmem:s1+$0x88A0]  }
0x405: {  	v3 =	vadd.s32 v1, v2;
	v59 =	vadd.s32 v19, v2;
	v38 =	vmul.f32 v41, v38;
	v41 =	vld [tilespmem:s1+$0x88F0]  }
0x406: {  	v61 =	vadd.s32 v20, v2;
	v60 =	vand.u32 $0xFFFFFF80, v59;
	v40 =	vand.u32 $0x7F, v59;
	v59 =	vld [tilespmem:s1+$0x88E0]  }
0x407: {  	v2 =	vadd.s32 v21, v2;
	v62 =	vand.u32 $0xFFFFFF80, v61;
	v49 =	vand.u32 $0x7F, v61;
	v61 =	vld [tilespmem:s1+$0x108E0]  }
0x408: {  	v5 =	vand.u32 $0xFFFFFF80, v3;
	v3 =	vand.u32 $0x7F, v3;
	v42 =	vadd.s32 s2, v60;
	v60 =	vld [tilespmem:s1+$0x8CA0]  }
0x409: {  	v63 =	vand.u32 $0xFFFFFF80, v2;
	v5 =	vadd.s32 s2, v5;
	v51 =	vadd.s32 s2, v62;
	v62 =	vld [tilespmem:s31+$0x630]  }
0x40a: {  	v58 =	vadd.s32 s2, v63;
	v63 =	vld [tilespmem:s31+$0x670];
	v3 =	vor.u32 v3, v5  }
0x40b: {  	v5 =	vld [tilespmem:s31+$0x600];
	v40 =	vor.u32 v40, v42  }
0x40c: {  	v42 =	vld [tilespmem:s1+$0x108C0];
	v49 =	vor.u32 v49, v51  }
0x40d: {  	v2 =	vand.u32 $0x7F, v2;
	v51 =	vld [tilespmem:s1+$0x108D0]  }
0x40e: {  	v2 =	vor.u32 v2, v58;
	v58 =	vld [tilespmem:s1+$0x108A0]  }
0x40f: {  	v3 =	vld.idx.msk [tilespmem:v3+s16+$0x0], $0xffff  }
0x410: {  	v40 =	vld.idx.msk [tilespmem:v40+s16+$0x0], $0xffff  }
0x411: {  	v49 =	vld.idx.msk [tilespmem:v49+s16+$0x0], $0xffff  }
0x412: {  	v48 =	vmul.f32 v48, v46;
	v5 =	vmul.f32 v39, v5;
	v39 =	vld [tilespmem:s1+$0x88B0]  }
0x413: {  	v50 =	vmul.f32 v50, v47;
	v55 =	vmul.f32 v57, v55;
	v2 =	vld.idx.msk [tilespmem:v2+s16+$0x0], $0xffff  }
0x414: {  	v5 =	vadd.f32 v38, v5;
	v38 =	vadd.f32 v42, v44;
	v44 =	vld [tilespmem:s1+$0x8CB0];
	v3 =	vmul.f32 v43, v3  }
0x415: {  	v42 =	vadd.f32 v50, v48;
	v40 =	vmul.f32 v52, v40;
	v43 =	vld [tilespmem:s1+$0x108F0];
	v52 =	vadd.f32 v51, v53  }
0x416: {  	v57 =	vmul.f32 v59, v56;
	v3 =	vadd.f32 v3, v5;
	v5 =	vadd.f32 v45, v38;
	v38 =	vld [tilespmem:s1+$0x108B0]  }
0x417: {  	v41 =	vmul.f32 v41, v63;
	v63 =	vadd.f32 v61, v58;
	v53 =	vld [tilespmem:s1+$0x10CA0];
	v39 =	vmul.f32 v39, v62  }
0x418: {  	s31 =	sor.u32 $0xE, s29;
	v59 =	vld [tilespmem:s1+$0x10CB0];
	v62 =	vmul.f32 v60, v49;
	v40 =	vadd.f32 v40, v42;
	v45 =	vadd.f32 v54, v52  }
0x419: {  	v42 =	vadd.f32 v57, v55;
	v39 =	vadd.f32 v41, v39;
	v2 =	vmul.f32 v44, v2;
	s1 =	sor.u32 s26, s31  }
0x41a: {  	v57 =	vmov s1;
	v3 =	vand.u32 $0x7FFFFFFF, v3;
	v5 =	vand.u32 $0x7FFFFFFF, v5  }
0x41b: {  	v40 =	vand.u32 $0x7FFFFFFF, v40;
	v52 =	vadd.f32 v62, v42;
	v38 =	vadd.f32 v43, v38  }
0x41c: {  	v54 =	vand.u32 $0x7FFFFFFF, v45;
	v2 =	vadd.f32 v2, v39;
	v53 =	vadd.f32 v53, v63  }
0x41d: {  	v42 =	vand.u32 $0xFFFFFFFE, v57;
	v3 =	vadd.f32 v40, v3;
	v38 =	vadd.f32 v59, v38  }
0x41e: {  	v58 =	vbroadcast v42, $0x0;
	v55 =	vand.u32 $0x7FFFFFFF, v52;
	v2 =	vand.u32 $0x7FFFFFFF, v2  }
0x41f: {  	v56 =	vand.u32 $0x7FFFFFFF, v53;
	v2 =	vadd.f32 v2, v55;
	v38 =	vand.u32 $0x7FFFFFFF, v38  }
0x420: {  	v5 =	vadd.f32 v54, v5;
	v38 =	vadd.f32 v38, v56  }
0x421: {  	v2 =	vadd.f32 v2, v3  }
0x422: {  	v3 =	vadd.f32 v38, v5  }
0x423: {  	[tilespmem:$0x188D0] =	vst v2  }
0x424: {  	s2 =	sshll.u32 s31, $0x7;
	[tilespmem:$0x189D0] =	vst v3  }
0x425: {  	s0 =	sshll.u32 s31, $0x8;
	s30 =	sand.u32 $0x3FFFFF00, s2;
	v2 =	vld.idx.msk [tilespmem:v58+s21+$0x0], $0xffff  }
0x426: {  	s31 =	sand.u32 $0x7800, s0;
	v38 =	vld [tilespmem:s30+$0x640]  }
0x427: {  	v39 =	vld [tilespmem:s31+$0x8900]  }
0x428: {  	s1 =	sor.u32 $0x700, s0;
	v41 =	vld [tilespmem:s31+$0x8940]  }
0x429: {  	v43 =	vld [tilespmem:s1+$0x8600]  }
0x42a: {  	v44 =	vld [tilespmem:s31+$0x10900]  }
0x42b: {  	v45 =	vld [tilespmem:s1+$0x10600]  }
0x42c: {  	v46 =	vld [tilespmem:s30+$0x610]  }
0x42d: {  	v47 =	vld [tilespmem:s30+$0x650]  }
0x42e: {  	v48 =	vld [tilespmem:s31+$0x8910]  }
0x42f: {  	v50 =	vld [tilespmem:s31+$0x8950]  }
0x430: {  	v53 =	vld [tilespmem:s31+$0x10910]  }
0x431: {  	v55 =	vld [tilespmem:s30+$0x620]  }
0x432: {  	v56 =	vld [tilespmem:s30+$0x660]  }
0x433: {  	s1 =	sor.u32 $0x710, s0;
	v57 =	vld [tilespmem:s31+$0x8920]  }
0x434: {  	v52 =	vld [tilespmem:s1+$0x8600]  }
0x435: {  	v54 =	vld [tilespmem:s1+$0x10600];
	v3 =	vadd.s32 v1, v2;
	v59 =	vadd.s32 v19, v2  }
0x436: {  	v61 =	vadd.s32 v20, v2;
	v60 =	vand.u32 $0xFFFFFF80, v59;
	v40 =	vand.u32 $0x7F, v59;
	v59 =	vld [tilespmem:s31+$0x8960]  }
0x437: {  	s1 =	sor.u32 $0x720, s0;
	v2 =	vadd.s32 v21, v2;
	v62 =	vand.u32 $0xFFFFFF80, v61;
	v49 =	vand.u32 $0x7F, v61;
	v61 =	vld [tilespmem:s31+$0x10960]  }
0x438: {  	v5 =	vand.u32 $0xFFFFFF80, v3;
	v3 =	vand.u32 $0x7F, v3;
	v42 =	vadd.s32 s2, v60;
	v60 =	vld [tilespmem:s1+$0x8600]  }
0x439: {  	v63 =	vand.u32 $0xFFFFFF80, v2;
	v5 =	vadd.s32 s2, v5;
	v51 =	vadd.s32 s2, v62;
	v62 =	vld [tilespmem:s30+$0x630]  }
0x43a: {  	v58 =	vadd.s32 s2, v63;
	v63 =	vld [tilespmem:s30+$0x670];
	v3 =	vor.u32 v3, v5  }
0x43b: {  	v5 =	vld [tilespmem:s30+$0x600];
	v40 =	vor.u32 v40, v42  }
0x43c: {  	v2 =	vand.u32 $0x7F, v2;
	v42 =	vld [tilespmem:s31+$0x10940];
	v49 =	vor.u32 v49, v51  }
0x43d: {  	v51 =	vld [tilespmem:s31+$0x10950];
	v2 =	vor.u32 v2, v58  }
0x43e: {  	v58 =	vld [tilespmem:s31+$0x10920]  }
0x43f: {  	v3 =	vld.idx.msk [tilespmem:v3+s16+$0x0], $0xffff  }
0x440: {  	v40 =	vld.idx.msk [tilespmem:v40+s16+$0x0], $0xffff  }
0x441: {  	v49 =	vld.idx.msk [tilespmem:v49+s16+$0x0], $0xffff  }
0x442: {  	v38 =	vmul.f32 v41, v38;
	v5 =	vmul.f32 v39, v5;
	v2 =	vld.idx.msk [tilespmem:v2+s16+$0x0], $0xffff  }
0x443: {  	v39 =	vld [tilespmem:s31+$0x8930]  }
0x444: {  	s0 =	sor.u32 $0x730, s0;
	v48 =	vmul.f32 v48, v46;
	v5 =	vadd.f32 v38, v5;
	v38 =	vld [tilespmem:s31+$0x8970]  }
0x445: {  	v50 =	vmul.f32 v50, v47;
	v41 =	vadd.f32 v42, v44;
	v44 =	vld [tilespmem:s0+$0x8600];
	v3 =	vmul.f32 v43, v3  }
0x446: {  	v55 =	vmul.f32 v57, v55;
	v57 =	vmul.f32 v59, v56;
	v43 =	vld [tilespmem:s31+$0x10970]  }
0x447: {  	v42 =	vadd.f32 v50, v48;
	v3 =	vadd.f32 v3, v5;
	v5 =	vld [tilespmem:s31+$0x10930]  }
0x448: {  	v59 =	vld [tilespmem:s0+$0x10600];
	v47 =	vadd.f32 v57, v55;
	v40 =	vmul.f32 v52, v40;
	v52 =	vadd.f32 v51, v53  }
0x449: {  	v41 =	vadd.f32 v45, v41;
	v53 =	vld [tilespmem:s1+$0x10600];
	v39 =	vmul.f32 v39, v62;
	v38 =	vmul.f32 v38, v63  }
0x44a: {  	v62 =	vmul.f32 v60, v49;
	v40 =	vadd.f32 v40, v42;
	v45 =	vadd.f32 v54, v52  }
0x44b: {  	v2 =	vmul.f32 v44, v2;
	v63 =	vadd.f32 v61, v58;
	v38 =	vadd.f32 v38, v39  }
0x44c: {  	v41 =	vand.u32 $0x7FFFFFFF, v41;
	v52 =	vadd.f32 v62, v47;
	v5 =	vadd.f32 v43, v5  }
0x44d: {  	v3 =	vand.u32 $0x7FFFFFFF, v3;
	v54 =	vand.u32 $0x7FFFFFFF, v40;
	v2 =	vadd.f32 v2, v38  }
0x44e: {  	v55 =	vand.u32 $0x7FFFFFFF, v45;
	v53 =	vadd.f32 v53, v63;
	v5 =	vadd.f32 v59, v5  }
0x44f: {  	s30 =	sshllo.u32 s28, $0x4;
	v39 =	vand.u32 $0x7FFFFFFF, v52;
	v3 =	vadd.f32 v54, v3;
	v2 =	vand.u32 $0x7FFFFFFF, v2  }
0x450: {  	s31 =	sor.u32 s26, s30;
	v56 =	vand.u32 $0x7FFFFFFF, v53;
	v2 =	vadd.f32 v2, v39;
	v5 =	vand.u32 $0x7FFFFFFF, v5  }
0x451: {  	v58 =	vmov s31;
	v57 =	vadd.f32 v55, v41;
	v5 =	vadd.f32 v5, v56  }
0x452: {  	v2 =	vadd.f32 v2, v3  }
0x453: {  	v3 =	vadd.f32 v5, v57  }
0x454: {  	[tilespmem:$0x188E0] =	vst v2  }
0x455: {  	s1 =	sshll.u32 s30, $0x7;
	[tilespmem:$0x189E0] =	vst v3  }
0x456: {  	s0 =	sshll.u32 s30, $0x8;
	s2 =	sand.u32 $0x3FFFFF80, s1;
	v2 =	vld.idx.msk [tilespmem:v58+s21+$0x0], $0xffff  }
0x457: {  	s30 =	sand.u32 $0x7800, s0;
	v38 =	vld [tilespmem:s2+$0x640]  }
0x458: {  	v39 =	vld [tilespmem:s30+$0x8980]  }
0x459: {  	s31 =	sor.u32 $0x780, s0;
	v41 =	vld [tilespmem:s30+$0x89C0]  }
0x45a: {  	v43 =	vld [tilespmem:s31+$0x8600]  }
0x45b: {  	v44 =	vld [tilespmem:s30+$0x10980]  }
0x45c: {  	v45 =	vld [tilespmem:s31+$0x10600]  }
0x45d: {  	v46 =	vld [tilespmem:s2+$0x610]  }
0x45e: {  	v47 =	vld [tilespmem:s2+$0x650]  }
0x45f: {  	v48 =	vld [tilespmem:s30+$0x8990]  }
0x460: {  	v50 =	vld [tilespmem:s30+$0x89D0]  }
0x461: {  	v53 =	vld [tilespmem:s30+$0x10990]  }
0x462: {  	v55 =	vld [tilespmem:s2+$0x620]  }
0x463: {  	v56 =	vld [tilespmem:s2+$0x660]  }
0x464: {  	s31 =	sor.u32 $0x790, s0;
	v57 =	vld [tilespmem:s30+$0x89A0]  }
0x465: {  	v52 =	vld [tilespmem:s31+$0x8600]  }
0x466: {  	v54 =	vld [tilespmem:s31+$0x10600];
	v3 =	vadd.s32 v1, v2;
	v59 =	vadd.s32 v19, v2  }
0x467: {  	v61 =	vadd.s32 v20, v2;
	v60 =	vand.u32 $0xFFFFFF80, v59;
	v40 =	vand.u32 $0x7F, v59;
	v59 =	vld [tilespmem:s30+$0x89E0]  }
0x468: {  	s31 =	sor.u32 $0x7A0, s0;
	v2 =	vadd.s32 v21, v2;
	v62 =	vand.u32 $0xFFFFFF80, v61;
	v49 =	vand.u32 $0x7F, v61;
	v61 =	vld [tilespmem:s30+$0x109E0]  }
0x469: {  	v5 =	vand.u32 $0xFFFFFF80, v3;
	v3 =	vand.u32 $0x7F, v3;
	v42 =	vadd.s32 s1, v60;
	v60 =	vld [tilespmem:s31+$0x8600]  }
0x46a: {  	v63 =	vand.u32 $0xFFFFFF80, v2;
	v5 =	vadd.s32 s1, v5;
	v51 =	vadd.s32 s1, v62;
	v62 =	vld [tilespmem:s2+$0x630]  }
0x46b: {  	v58 =	vadd.s32 s1, v63;
	v63 =	vld [tilespmem:s2+$0x670];
	v3 =	vor.u32 v3, v5  }
0x46c: {  	v5 =	vld [tilespmem:s2+$0x600];
	v40 =	vor.u32 v40, v42  }
0x46d: {  	v2 =	vand.u32 $0x7F, v2;
	v42 =	vld [tilespmem:s30+$0x109C0];
	v49 =	vor.u32 v49, v51  }
0x46e: {  	v51 =	vld [tilespmem:s30+$0x109D0];
	v2 =	vor.u32 v2, v58  }
0x46f: {  	v58 =	vld [tilespmem:s30+$0x109A0]  }
0x470: {  	v3 =	vld.idx.msk [tilespmem:v3+s16+$0x0], $0xffff  }
0x471: {  	v40 =	vld.idx.msk [tilespmem:v40+s16+$0x0], $0xffff  }
0x472: {  	v49 =	vld.idx.msk [tilespmem:v49+s16+$0x0], $0xffff  }
0x473: {  	v38 =	vmul.f32 v41, v38;
	v5 =	vmul.f32 v39, v5;
	v2 =	vld.idx.msk [tilespmem:v2+s16+$0x0], $0xffff  }
0x474: {  	v39 =	vld [tilespmem:s30+$0x89B0]  }
0x475: {  	s0 =	sor.u32 $0x7B0, s0;
	v48 =	vmul.f32 v48, v46;
	v5 =	vadd.f32 v38, v5;
	v38 =	vld [tilespmem:s30+$0x89F0]  }
0x476: {  	v50 =	vmul.f32 v50, v47;
	v41 =	vadd.f32 v42, v44;
	v44 =	vld [tilespmem:s0+$0x8600];
	v3 =	vmul.f32 v43, v3  }
0x477: {  	v55 =	vmul.f32 v57, v55;
	v43 =	vld [tilespmem:s30+$0x109F0]  }
0x478: {  	v56 =	vmul.f32 v59, v56;
	v42 =	vadd.f32 v50, v48;
	v3 =	vadd.f32 v3, v5;
	v5 =	vld [tilespmem:s30+$0x109B0]  }
0x479: {  	v57 =	vld [tilespmem:s31+$0x10600];
	v53 =	vadd.f32 v51, v53;
	v41 =	vadd.f32 v45, v41;
	v40 =	vmul.f32 v52, v40  }
0x47a: {  	v59 =	vld [tilespmem:s0+$0x10600];
	v46 =	vadd.f32 v56, v55;
	v39 =	vmul.f32 v39, v62;
	v38 =	vmul.f32 v38, v63  }
0x47b: {  	v45 =	vadd.f32 v54, v53;
	v41 =	vand.u32 $0x7FFFFFFF, v41;
	v62 =	vmul.f32 v60, v49  }
0x47c: {  	v2 =	vmul.f32 v44, v2;
	v40 =	vadd.f32 v40, v42;
	v38 =	vadd.f32 v38, v39  }
0x47d: {  	v55 =	vand.u32 $0x7FFFFFFF, v45;
	v63 =	vadd.f32 v61, v58;
	v5 =	vadd.f32 v43, v5  }
0x47e: {  	v52 =	vadd.f32 v62, v46;
	v3 =	vand.u32 $0x7FFFFFFF, v3;
	v2 =	vadd.f32 v2, v38  }
0x47f: {  	v53 =	vadd.f32 v57, v63;
	v54 =	vand.u32 $0x7FFFFFFF, v40;
	v5 =	vadd.f32 v59, v5  }
0x480: {  	v39 =	vand.u32 $0x7FFFFFFF, v52;
	v3 =	vadd.f32 v54, v3;
	v2 =	vand.u32 $0x7FFFFFFF, v2  }
0x481: {  	v56 =	vand.u32 $0x7FFFFFFF, v53;
	v2 =	vadd.f32 v2, v39;
	v5 =	vand.u32 $0x7FFFFFFF, v5  }
0x482: {  	v57 =	vadd.f32 v55, v41;
	v5 =	vadd.f32 v5, v56  }
0x483: {  	v2 =	vadd.f32 v2, v3  }
0x484: {  	v3 =	vadd.f32 v5, v57  }
0x485: {  	[tilespmem:$0x188F0] =	vst v2  }
0x486: {  	[tilespmem:$0x189F0] =	vst v3  }
0x487: {  	v2 =	vld.idx.msk [tilespmem:v18+s22+$0x0], $0xffff  }
0x488: {  	v3 =	vld.idx.msk [tilespmem:v18+s23+$0x0], $0xffff  }
0x489: {  	v5 =	vld.idx.msk [tilespmem:v22+s22+$0x0], $0xffff  }
0x48a: {  	v58 =	vld.idx.msk [tilespmem:v22+s23+$0x0], $0xffff  }
0x48b: {  	v59 =	vld.idx.msk [tilespmem:v23+s22+$0x0], $0xffff  }
0x48c: {  	v60 =	vld.idx.msk [tilespmem:v23+s23+$0x0], $0xffff  }
0x48d: {  	v61 =	vld.idx.msk [tilespmem:v24+s22+$0x0], $0xffff;
	v2 =	vadd.f32 $0.0e+00, v2;
	v3 =	vadd.f32 $0.0e+00, v3  }
0x48e: {  	v62 =	vld.idx.msk [tilespmem:v24+s23+$0x0], $0xffff  }
0x48f: {  	v63 =	vld.idx.msk [tilespmem:v25+s23+$0x0], $0xffff;
	v2 =	vadd.f32 v5, v2;
	v3 =	vadd.f32 v58, v3  }
0x490: {  	v5 =	vld.idx.msk [tilespmem:v25+s22+$0x0], $0xffff  }
0x491: {  	v45 =	vld.idx.msk [tilespmem:v26+s22+$0x0], $0xffff;
	v2 =	vadd.f32 v59, v2;
	v3 =	vadd.f32 v60, v3  }
0x492: {  	v46 =	vld.idx.msk [tilespmem:v26+s23+$0x0], $0xffff  }
0x493: {  	v47 =	vld.idx.msk [tilespmem:v27+s22+$0x0], $0xffff;
	v2 =	vadd.f32 v61, v2;
	v3 =	vadd.f32 v62, v3  }
0x494: {  	v48 =	vld.idx.msk [tilespmem:v27+s23+$0x0], $0xffff  }
0x495: {  	v49 =	vld.idx.msk [tilespmem:v28+s23+$0x0], $0xffff;
	v2 =	vadd.f32 v5, v2;
	v3 =	vadd.f32 v63, v3  }
0x496: {  	v5 =	vld.idx.msk [tilespmem:v28+s22+$0x0], $0xffff  }
0x497: {  	v50 =	vld.idx.msk [tilespmem:v29+s22+$0x0], $0xffff;
	v2 =	vadd.f32 v45, v2;
	v3 =	vadd.f32 v46, v3  }
0x498: {  	v51 =	vld.idx.msk [tilespmem:v29+s23+$0x0], $0xffff  }
0x499: {  	v52 =	vld.idx.msk [tilespmem:v30+s22+$0x0], $0xffff;
	v2 =	vadd.f32 v47, v2;
	v3 =	vadd.f32 v48, v3  }
0x49a: {  	v53 =	vld.idx.msk [tilespmem:v30+s23+$0x0], $0xffff  }
0x49b: {  	v54 =	vld.idx.msk [tilespmem:v31+s23+$0x0], $0xffff;
	v2 =	vadd.f32 v5, v2;
	v3 =	vadd.f32 v49, v3  }
0x49c: {  	v5 =	vld.idx.msk [tilespmem:v31+s22+$0x0], $0xffff  }
0x49d: {  	v55 =	vld.idx.msk [tilespmem:v32+s22+$0x0], $0xffff;
	v2 =	vadd.f32 v50, v2;
	v3 =	vadd.f32 v51, v3  }
0x49e: {  	v56 =	vld.idx.msk [tilespmem:v32+s23+$0x0], $0xffff  }
0x49f: {  	v57 =	vld.idx.msk [tilespmem:v33+s22+$0x0], $0xffff;
	v2 =	vadd.f32 v52, v2;
	v3 =	vadd.f32 v53, v3  }
0x4a0: {  	v58 =	vld.idx.msk [tilespmem:v33+s23+$0x0], $0xffff  }
0x4a1: {  	v59 =	vld.idx.msk [tilespmem:v34+s23+$0x0], $0xffff;
	v2 =	vadd.f32 v5, v2;
	v3 =	vadd.f32 v54, v3  }
0x4a2: {  	v5 =	vld.idx.msk [tilespmem:v34+s22+$0x0], $0xffff  }
0x4a3: {  	v60 =	vld.idx.msk [tilespmem:v35+s22+$0x0], $0xffff;
	v2 =	vadd.f32 v55, v2;
	v3 =	vadd.f32 v56, v3  }
0x4a4: {  	v61 =	vld.idx.msk [tilespmem:v35+s23+$0x0], $0xffff  }
0x4a5: {  	v62 =	vld.idx.msk [tilespmem:v36+s22+$0x0], $0xffff;
	v2 =	vadd.f32 v57, v2;
	v3 =	vadd.f32 v58, v3  }
0x4a6: {  	v63 =	vld.idx.msk [tilespmem:v36+s23+$0x0], $0xffff  }
0x4a7: {  	v2 =	vadd.f32 v5, v2;
	v3 =	vadd.f32 v59, v3;
	_ =	sdelay $0x1  }
0x4a8: {  	v2 =	vadd.f32 v60, v2;
	v3 =	vadd.f32 v61, v3;
	_ =	sdelay $0x1  }
0x4a9: {  	v2 =	vadd.f32 v62, v2;
	v3 =	vadd.f32 v63, v3;
	_ =	sdelay $0x1  }
0x4aa: {  	p0 =	sne.s32 s28, $0x7;
	v2 =	vsub.f32 v2, v3  }
.Ltmp1:
0x4ab: {  	_ = 	snop;
	(pc) =	sbr.rel @p0 .LBB2_5-.Ltmp1, $3  }
0x4ac: {  	v2 =	vadd.f32 $1.000000000e+00, v2;
	_ =	sdelay $0x1  }
0x4ad: {  	v2 =	vmax.f32 v2, $0.0e+00  }
0x4ae: {  	s28 =	sadd.s32 $0x1, s28;
	[tilespmem:v37+s29+$0x0 ss:$0x1] =	vst.idx.msk $0xffff, v2  }
0x4af: {  	s25 =	sadd.s32 $0x1, s25  }
0x4b0: {  	p0 =	sne.s32 s25, $0x4  }
.Ltmp2:
0x4b1: {  	_ = 	snop;
	(pc) =	sbr.rel @p0 .LBB2_4-.Ltmp2, $1  }
0x4b2: {  	_ =	sdelay $0x3  }
0x4b3: {  	s24 =	simm.s32 $0x0;
	s0 =	rddreg [dreg:$0x5];
	s1 =	simm.s32 $0x18600  }
0x4b4: {  	[hbm4b:s0+s24] =	stream.linear.scatter [tilespmem:s1], [sflag:$0x3], $0x200, $0x38;
	[tilespmem:$0x18A00] =	vst v63  }
0x4b5: {  	_ =	swait.ge [sflag:s11], $0x200  }
0x4b6: {  	s30 =	rddreg [dreg:$0x7]  }
0x4b7: {  	s31 =	rddreg [dreg:$0x6];
	s1 =	sadd.s32 $0x1, s30  }
0x4b8: {  	p0 =	sne.s32 s1, s31  }
.Ltmp3:
0x4b9: {  	_ = 	snop;
	(pc) =	sbr.rel @p0 .LBB2_1-.Ltmp3, $3  }
0x4ba: {  	_ =	sdelay $0x1  }
0x4bb: {  	[sflag:s11] =	ssyncset.done $0x0  }
0x4bc: {  	[sflag:s11] =	ssyncadd.s32 $0xFFFFFE00  }
0x4bd: {  	_ =	sfence.sel $0x180000  }
0x4be: {  	[bflag:$0x0] =	sbarrier.arrive $0xFFFF  }
0x4bf: {  	_ =	strace $0x90000047  }
0x4c0: {  	s0 =	stileid.u32;
	[bflag:$0x2] =	sbarrier.arrive $0xFFFF  }
0x4c1: {  	p0 =	sne.s32 s0, $0x0;
	s0 =	rddreg [dreg:$0x3]  }
0x4c2: {  	s0 =	sadd.s32 @!p0 $0x100000, s0  }
0x4c3: {  	[sflag:s0] =	ssyncadd.tile.s32 @!p0 $0x1;
	_ =	shalt  }
.Lfunc_end2:
_tile_overlayer_lowered:
.L_overlay_start_2:
0x4c4: {  	(tag) =	ssettag $0x2  }
0x4c5: {  	s0 =	rddreg [dreg:$0x0];
	s2 =	stileid.u32  }
0x4c6: {  	s1 =	rddreg [dreg:$0x1];
	p0 =	sne.s32 s2, $0x0  }
0x4c7: {  	s3 =	rddreg [dreg:$0x2];
	[bflag:$0x3] =	sbarrier.arrive $0xFFFF;
	s2 =	simm.s32 @!p0 $0x1C03  }
0x4c8: {  	[timem:s3], [sflag:s2] =	dma.local @!p0 [hbm:s0], s1  }
0x4c9: {  	s0 =	simm.s32 @!p0 $0x3  }
0x4ca: {  	_ =	swait.ge @!p0 [sflag:s0], s1  }
0x4cb: {  	s1 =	ssub.s32 @!p0 $0x0, s1;
	[sflag:s0] =	ssyncset.done @!p0 $0x0  }
0x4cc: {  	[sflag:s0] =	ssyncadd.s32 @!p0 s1  }
0x4cd: {  	[bflag:$0x3] =	sbarrier.arrive $0xFFFF  }
0x4ce: {  	_ =	shalt  }

</sc_bundles>
